<compile_context>
chip_gen: v7x
topology: tpu7x:2x2x1
jax: 0.10.2.dev20260603
libtpu: 0.0.44.dev20260713+nightly
codegen_flags: <defaults>
</compile_context>

<pallas_src>
import functools

import jax
import jax.numpy as jnp
from jax import lax
from jax.experimental import pallas as pl
from jax.experimental.pallas import tpu as pltpu
from jax.experimental.pallas import tpu_sc as plsc

N = 10000
E = 320000
DF = 128
DE = 16
NHID = 128
NOUT = 128
NLAYER = 4
NGRAPH = 64
BN_EPS = 1e-5

NC = 2
NS = 16
CHUNK = 128
CPT = 80
IDXH = CPT // 2
PW = CPT * CHUNK
E_PAD = NC * NS * PW
SENT = float(-1e9)

f32 = jnp.float32



def _dot16(a, w):
    return jnp.dot(a.astype(jnp.bfloat16), w.astype(jnp.bfloat16),
                   preferred_element_type=f32)


def _bn_cols(y, g, b):
    mu = jnp.mean(y, axis=0, keepdims=True)
    var = jnp.mean((y - mu) ** 2, axis=0, keepdims=True)
    return (y - mu) / jnp.sqrt(var + BN_EPS) * g + b


def _ea_stats_body(ea_ref, w_ref, s1_ref, s2_ref, acc1, acc2):
    j = pl.program_id(0)

    @pl.when(j == 0)
    def _():
        acc1[...] = jnp.zeros_like(acc1)
        acc2[...] = jnp.zeros_like(acc2)

    a = ea_ref[...]
    for l in range(NLAYER):
        d = _dot16(a, w_ref[l])
        acc1[l, ...] += jnp.sum(d, axis=0, keepdims=True)
        acc2[l, ...] += jnp.sum(d * d, axis=0, keepdims=True)

    @pl.when(j == pl.num_programs(0) - 1)
    def _():
        s1_ref[...] = acc1[...]
        s2_ref[...] = acc2[...]


_EA_BLK = 2048


def _ea_stats(ea_p, we):
    grid = E_PAD // _EA_BLK
    return pl.pallas_call(
        _ea_stats_body,
        grid=(grid,),
        in_specs=[pl.BlockSpec((_EA_BLK, DE), lambda j: (j, 0)),
                  pl.BlockSpec((NLAYER, DE, NHID), lambda j: (0, 0, 0))],
        out_specs=[pl.BlockSpec((NLAYER, 1, NHID), lambda j: (0, 0, 0)),
                   pl.BlockSpec((NLAYER, 1, NHID), lambda j: (0, 0, 0))],
        out_shape=[jax.ShapeDtypeStruct((NLAYER, 1, NHID), f32),
                   jax.ShapeDtypeStruct((NLAYER, 1, NHID), f32)],
        scratch_shapes=[pltpu.VMEM((NLAYER, 1, NHID), f32),
                        pltpu.VMEM((NLAYER, 1, NHID), f32)],
    )(ea_p, we)


def _ea_body(ea_ref, w_ref, off_ref, sig_ref, g_ref, t_ref, *out_refs):
    a = ea_ref[...]
    for l in range(NLAYER):
        y = (_dot16(a, w_ref[l]) + off_ref[l]) / sig_ref[l] * g_ref[l] + t_ref[l]
        out_refs[l][...] = jnp.maximum(y, 0.0)


_EA_BLK = 2048


def _edge_embeddings(ea_p, we, off, sig, g, t):
    grid = E_PAD // _EA_BLK
    return pl.pallas_call(
        _ea_body,
        grid=(grid,),
        in_specs=[pl.BlockSpec((_EA_BLK, DE), lambda j: (j, 0)),
                  pl.BlockSpec((NLAYER, DE, NHID), lambda j: (0, 0, 0)),
                  pl.BlockSpec((NLAYER, 1, NHID), lambda j: (0, 0, 0)),
                  pl.BlockSpec((NLAYER, 1, NHID), lambda j: (0, 0, 0)),
                  pl.BlockSpec((NLAYER, 1, NHID), lambda j: (0, 0, 0)),
                  pl.BlockSpec((NLAYER, 1, NHID), lambda j: (0, 0, 0))],
        out_specs=[pl.BlockSpec((_EA_BLK, NHID), lambda j: (j, 0))
                   for _ in range(NLAYER)],
        out_shape=[jax.ShapeDtypeStruct((E_PAD, NHID), f32)
                   for _ in range(NLAYER)],
    )(ea_p, we, off, sig, g, t)


def _enc_body(x_ref, w_ref, b_ref, g_ref, bb_ref, out_ref):
    y = _dot16(x_ref[...], w_ref[...]) + b_ref[...]
    out_ref[0:N, :] = jnp.maximum(_bn_cols(y, g_ref[...], bb_ref[...]), 0.0)
    out_ref[N:N + 8, :] = jnp.full((8, NHID), SENT, f32)


def _input_encoder(x, w, b, g, bb):
    return pl.pallas_call(
        _enc_body,
        out_shape=jax.ShapeDtypeStruct((N + 8, NHID), f32),
    )(x, w, b, g, bb)


def _node_body(h_ref, parts_ref, w_ref, g_ref, bb_ref, out_ref):
    h = h_ref[0:N, :]
    a = h + (parts_ref[0] + parts_ref[1])
    y = _dot16(a, w_ref[...])
    out_ref[0:N, :] = jnp.maximum(_bn_cols(y, g_ref[...], bb_ref[...]), 0.0) + h
    out_ref[N:N + 8, :] = jnp.full((8, NHID), SENT, f32)


def _node_update(h_s, parts, w, g, bb):
    return pl.pallas_call(
        _node_body,
        out_shape=jax.ShapeDtypeStruct((N + 8, NHID), f32),
    )(h_s, parts, w, g, bb)


def _pool_body(h_ref, bt_ref, w1, b1, g1, bb1, w2, b2, g2, bb2, out_ref):
    gid = lax.broadcasted_iota(jnp.int32, (NGRAPH, N), 0)
    onehot = (gid == bt_ref[...]).astype(f32)
    pooled = jnp.dot(onehot, h_ref[0:N, :], preferred_element_type=f32, precision=lax.Precision.HIGHEST)
    o = _dot16(pooled, w1[...]) + b1[...]
    o = jnp.maximum(_bn_cols(o, g1[...], bb1[...]), 0.0)
    o = _dot16(o, w2[...]) + b2[...]
    out_ref[...] = _bn_cols(o, g2[...], bb2[...])


def _pool_readout(h_s, batch_t, w1, b1, g1, bb1, w2, b2, g2, bb2):
    return pl.pallas_call(
        _pool_body,
        out_shape=jax.ShapeDtypeStruct((NGRAPH, NOUT), f32),
    )(h_s, batch_t, w1, b1, g1, bb1, w2, b2, g2, bb2)



def _sc_body(ea_hbm, src_hbm, dst_hbm, h_hbm, out_hbm,
             ea_v, g_v, src_v, dst_v, agg_sh, gsem):
    c = lax.axis_index("c")
    s = lax.axis_index("s")

    zero16 = jnp.zeros((16,), f32)

    def _zrow(i, carry):
        for cc in range(NHID // 16):
            g_v[i, pl.ds(cc * 16, 16)] = zero16
        return carry

    lax.fori_loop(0, CHUNK, _zrow, 0)

    base = s * 624

    @pl.when(s < NS - 1)
    def _():
        for k in range(4):
            pltpu.sync_copy(g_v, agg_sh.at[pl.ds(base + k * CHUNK, CHUNK)])
        pltpu.sync_copy(g_v.at[pl.ds(0, 112)],
                        agg_sh.at[pl.ds(base + 4 * CHUNK, 112)])

    @pl.when(s == NS - 1)
    def _():
        for k in range(5):
            pltpu.sync_copy(g_v, agg_sh.at[pl.ds(base + k * CHUNK, CHUNK)])

    plsc.subcore_barrier()

    for half in range(2):
        pltpu.sync_copy(src_hbm.at[c, s, pl.ds(half * IDXH, IDXH)], src_v)
        pltpu.sync_copy(dst_hbm.at[c, s, pl.ds(half * IDXH, IDXH)], dst_v)

        def _chunk(j, carry):
            jj = half * IDXH + j
            pltpu.sync_copy(ea_hbm.at[c, s, pl.ds(jj * CHUNK, CHUNK)], ea_v)
            pltpu.async_copy(h_hbm.at[src_v.at[j]], g_v, gsem).wait()

            def _crow(i, cc2):
                for cc in range(NHID // 16):
                    sl = pl.ds(cc * 16, 16)
                    g_v[i, sl] = jnp.maximum(g_v[i, sl] + ea_v[i, sl], 0.0)
                return cc2

            lax.fori_loop(0, CHUNK, _crow, 0)
            pltpu.sync_copy(g_v, agg_sh.at[dst_v.at[j]], add=True)
            return carry

        lax.fori_loop(0, IDXH, _chunk, 0)
    plsc.subcore_barrier()

    @pl.when(s < NS - 1)
    def _():
        pltpu.sync_copy(agg_sh.at[pl.ds(base, 624)],
                        out_hbm.at[c, pl.ds(base, 624)])

    @pl.when(s == NS - 1)
    def _():
        pltpu.sync_copy(agg_sh.at[pl.ds(base, 640)],
                        out_hbm.at[c, pl.ds(base, 640)])


@functools.lru_cache(maxsize=1)
def _sc_scatter_kernel():
    return pl.kernel(
        _sc_body,
        out_type=jax.ShapeDtypeStruct((NC, N, NHID), f32),
        mesh=plsc.VectorSubcoreMesh(core_axis_name="c", subcore_axis_name="s",
                                    num_cores=NC, num_subcores=NS),
        scratch_types=[
            pltpu.VMEM((CHUNK, NHID), f32),
            pltpu.VMEM((CHUNK, NHID), f32),
            pltpu.VMEM((IDXH, CHUNK), jnp.int32),
            pltpu.VMEM((IDXH, CHUNK), jnp.int32),
            pltpu.VMEM_SHARED((N, NHID), f32),
            pltpu.SemaphoreType.DMA,
        ],
    )


def _sc_scatter(ea_l, src3, dst3, h_s):
    return _sc_scatter_kernel()(ea_l, src3, dst3, h_s)



def kernel(x, edge_index, edge_attr, batch, params):
    p = params
    src = edge_index[0]
    dst = edge_index[1]

    ea_p = jnp.pad(edge_attr, ((0, E_PAD - E), (0, 0)))
    src3 = jnp.pad(src, (0, E_PAD - E), constant_values=N).reshape(
        NC, NS, CPT, CHUNK)
    dst3 = jnp.pad(dst, (0, E_PAD - E), constant_values=0).reshape(
        NC, NS, CPT, CHUNK)
    batch_t = batch.reshape(1, N)

    we, be = p["We"], p["be"]
    be3 = be[:, None, :]
    s1, s2 = _ea_stats(ea_p, we)
    mean_y = s1 / E + be3
    ey2 = s2 / E + 2.0 * be3 * (s1 / E) + be3 * be3
    var_y = ey2 - mean_y * mean_y
    sig_aff = jnp.sqrt(var_y + BN_EPS)
    g_aff = jnp.broadcast_to(p["ge"][:, None, :], sig_aff.shape)
    off_aff = be3 - mean_y
    t_aff = jnp.broadcast_to(p["bbe"][:, None, :], off_aff.shape)

    eas = _edge_embeddings(ea_p, we, off_aff, sig_aff, g_aff, t_aff)
    eas = [e.reshape(NC, NS, PW, NHID) for e in eas]

    h_s = _input_encoder(x, p["Win"], p["bin"].reshape(1, NHID),
                         p["gin"].reshape(1, NHID), p["bbin"].reshape(1, NHID))

    for l in range(NLAYER):
        parts = _sc_scatter(eas[l], src3, dst3, h_s)
        h_s = _node_update(h_s, parts, p["Wc"][l],
                           p["gn"][l].reshape(1, NHID),
                           p["bbn"][l].reshape(1, NHID))

    return _pool_readout(
        h_s, batch_t,
        p["W1"], p["b1"].reshape(1, NHID), p["g1"].reshape(1, NHID),
        p["bb1"].reshape(1, NHID),
        p["W2"], p["b2"].reshape(1, NOUT), p["g2"].reshape(1, NOUT),
        p["bb2"].reshape(1, NOUT))

# --- scband reference (transcript-rebuilt; emitter-appended) ---
"""Pipeline reference for scband-gnn-16793322128022 (READ-ONLY COPY).

The authoritative reference and input builder live on the scoring server;
editing this copy changes nothing except your own understanding.
"""

import jax, jax.numpy as jnp
import numpy as np

NHID = 128
NOUT = 128
NLAYER = 4
NGRAPH = 64
BN_EPS = 1e-5

def _bn(x, gamma, beta):
    mu = jnp.mean(x, axis=0, keepdims=True)
    var = jnp.var(x, axis=0, keepdims=True)
    return (x - mu) / jnp.sqrt(var + BN_EPS) * gamma + beta

def setup_inputs(seed: int = 0) -> dict:
    key = jax.random.key(seed)
    N, E, DF, DE = 10000, 320000, 128, 16
    ks = jax.random.split(key, 8)
    x = jax.random.normal(ks[0], (N, DF), jnp.float32)
    edge_index = jax.random.randint(ks[1], (2, E), 0, N, jnp.int32)
    edge_attr = jax.random.normal(ks[2], (E, DE), jnp.float32)
    batch = jnp.sort(jax.random.randint(ks[3], (N,), 0, NGRAPH, jnp.int32))
    pk = jax.random.split(ks[4], 8)
    s = lambda k, shape, fan: jax.random.normal(k, shape, jnp.float32) * (1.0 / np.sqrt(fan))
    params = {
        "Win": s(pk[0], (DF, NHID), DF), "bin": jnp.zeros((NHID,), jnp.float32),
        "gin": jnp.ones((NHID,), jnp.float32), "bbin": jnp.zeros((NHID,), jnp.float32),
        "We": s(pk[1], (NLAYER, DE, NHID), DE), "be": jnp.zeros((NLAYER, NHID), jnp.float32),
        "ge": jnp.ones((NLAYER, NHID), jnp.float32), "bbe": jnp.zeros((NLAYER, NHID), jnp.float32),
        "Wc": s(pk[2], (NLAYER, NHID, NHID), NHID),
        "gn": jnp.ones((NLAYER, NHID), jnp.float32), "bbn": jnp.zeros((NLAYER, NHID), jnp.float32),
        "W1": s(pk[3], (NHID, NHID), NHID), "b1": jnp.zeros((NHID,), jnp.float32),
        "g1": jnp.ones((NHID,), jnp.float32), "bb1": jnp.zeros((NHID,), jnp.float32),
        "W2": s(pk[4], (NHID, NOUT), NHID), "b2": jnp.zeros((NOUT,), jnp.float32),
        "g2": jnp.ones((NOUT,), jnp.float32), "bb2": jnp.zeros((NOUT,), jnp.float32),
    }
    return {"x": x, "edge_index": edge_index, "edge_attr": edge_attr, "batch": batch, "params": params}

def reference(x, edge_index, edge_attr, batch, params):
    N = x.shape[0]
    p = params
    # input encoder: MLP(nfeat_node, nhid, nlayer=1) = Linear + BN + ReLU
    h = jax.nn.relu(_bn(x @ p["Win"] + p["bin"], p["gin"], p["bbin"]))
    prev = h
    src = edge_index[0]
    dst = edge_index[1]
    for l in range(NLAYER):
        # per-layer edge encoder
        ea = jax.nn.relu(_bn(edge_attr @ p["We"][l] + p["be"][l], p["ge"][l], p["bbe"][l]))
        # GINEConv-style message passing: gather src features, add edge emb, relu, scatter-add to dst
        m = jax.nn.relu(h[src] + ea)
        agg = jax.ops.segment_sum(m, dst, num_segments=N)
        h2 = (h + agg) @ p["Wc"][l]  # bias=not bn -> no bias
        h2 = jax.nn.relu(_bn(h2, p["gn"][l], p["bbn"][l]))
        # res=True
        h = h2 + prev
        prev = h
    # pooling='add': scatter-add by graph id
    pooled = jax.ops.segment_sum(h, batch, num_segments=NGRAPH)
    # output encoder: MLP(nhid, nout, nlayer=2, with_final_activation=False, with_norm=True)
    o = jax.nn.relu(_bn(pooled @ p["W1"] + p["b1"], p["g1"], p["bb1"]))
    o = _bn(o @ p["W2"] + p["b2"], p["g2"], p["bb2"])
    return o

if __name__ == "__main__":
    import jax
    _d = setup_inputs()
    print(jax.jit(kernel)(*tuple(_d.values())))

</pallas_src>

<mosaic_0001>
#map = affine_map<(d0, d1) -> (0, 0, 0, 0)>
#map1 = affine_map<(d0, d1) -> (0, 0)>
#map2 = affine_map<(d0, d1) -> (0, 0, 0)>
module attributes {stable_mosaic.version = 14 : i64} {
  func.func @_sc_body(%arg0: i32, %arg1: i32, %arg2: memref<2x16x10240x128xf32, #tpu.memory_space<hbm>>, %arg3: memref<2x16x80x128xi32, #tpu.memory_space<hbm>>, %arg4: memref<2x16x80x128xi32, #tpu.memory_space<hbm>>, %arg5: memref<10008x128xf32, #tpu.memory_space<hbm>>, %arg6: memref<2x10000x128xf32, #tpu.memory_space<hbm>>, %arg7: memref<128x128xf32, #tpu.memory_space<vmem>>, %arg8: memref<128x128xf32, #tpu.memory_space<vmem>>, %arg9: memref<40x128xi32, #tpu.memory_space<vmem>>, %arg10: memref<40x128xi32, #tpu.memory_space<vmem>>, %arg11: memref<10000x128xf32, #tpu.memory_space<vmem_shared>>, %arg12: memref<!tpu.dma_semaphore, #tpu.memory_space<semaphore_mem>>) attributes {dimension_semantics = [#tpu.dimension_semantics<core_parallel>, #tpu.dimension_semantics<subcore_parallel>], iteration_bounds = array<i64: 2, 16>, scalar_prefetch = 0 : i64, scratch_operands = 6 : i64, tpu.core_type = #tpu.core_type<sc_vector_subcore>, window_params = [{transform_indices = #map}, {transform_indices = #map}, {transform_indices = #map}, {transform_indices = #map1}, {transform_indices = #map2}]} {
    %broadcast_in_dim3A = arith.constant 0.000000e+00 : f32
    %broadcast_in_dim3A_0 = vector.broadcast %broadcast_in_dim3A : f32 to vector<16xf32>
    %scan3A = arith.constant 0 : i32
    %scan3A_1 = arith.constant 0 : i32
    %scan3A_2 = arith.constant 128 : i32
    %scan3A_3 = arith.addi %scan3A_1, %scan3A_2 : i32
    %scan3A_4 = arith.constant 1 : i32
    scf.for %scan3A_36 = %scan3A_1 to %scan3A_3 step %scan3A_4  : i32 {
      %swap3A = arith.index_cast %scan3A_36 : i32 to index
      %swap3A_37 = arith.constant 0 : index
      %swap3A_38 = tpu.vector_load %arg8[%swap3A, %swap3A_37] {strides = array<i32>} : memref<128x128xf32, #tpu.memory_space<vmem>>, vector<1x16xf32>,
      %swap3A_39 = vector.shape_cast %swap3A_38 : vector<1x16xf32> to vector<16xf32>
      %swap3A_40 = vector.shape_cast %broadcast_in_dim3A_0 : vector<16xf32> to vector<1x16xf32>
      tpu.vector_store %arg8[%swap3A, %swap3A_37], %swap3A_40 {strides = array<i32>} : memref<128x128xf32, #tpu.memory_space<vmem>>, vector<1x16xf32>,
      %swap3A_41 = arith.index_cast %scan3A_36 : i32 to index
      %swap3A_42 = arith.constant 16 : index
      %swap3A_43 = tpu.vector_load %arg8[%swap3A_41, %swap3A_42] {strides = array<i32>} : memref<128x128xf32, #tpu.memory_space<vmem>>, vector<1x16xf32>,
      %swap3A_44 = vector.shape_cast %swap3A_43 : vector<1x16xf32> to vector<16xf32>
      %swap3A_45 = vector.shape_cast %broadcast_in_dim3A_0 : vector<16xf32> to vector<1x16xf32>
      tpu.vector_store %arg8[%swap3A_41, %swap3A_42], %swap3A_45 {strides = array<i32>} : memref<128x128xf32, #tpu.memory_space<vmem>>, vector<1x16xf32>,
      %swap3A_46 = arith.index_cast %scan3A_36 : i32 to index
      %swap3A_47 = arith.constant 32 : index
      %swap3A_48 = tpu.vector_load %arg8[%swap3A_46, %swap3A_47] {strides = array<i32>} : memref<128x128xf32, #tpu.memory_space<vmem>>, vector<1x16xf32>,
      %swap3A_49 = vector.shape_cast %swap3A_48 : vector<1x16xf32> to vector<16xf32>
      %swap3A_50 = vector.shape_cast %broadcast_in_dim3A_0 : vector<16xf32> to vector<1x16xf32>
      tpu.vector_store %arg8[%swap3A_46, %swap3A_47], %swap3A_50 {strides = array<i32>} : memref<128x128xf32, #tpu.memory_space<vmem>>, vector<1x16xf32>,
      %swap3A_51 = arith.index_cast %scan3A_36 : i32 to index
      %swap3A_52 = arith.constant 48 : index
      %swap3A_53 = tpu.vector_load %arg8[%swap3A_51, %swap3A_52] {strides = array<i32>} : memref<128x128xf32, #tpu.memory_space<vmem>>, vector<1x16xf32>,
      %swap3A_54 = vector.shape_cast %swap3A_53 : vector<1x16xf32> to vector<16xf32>
      %swap3A_55 = vector.shape_cast %broadcast_in_dim3A_0 : vector<16xf32> to vector<1x16xf32>
      tpu.vector_store %arg8[%swap3A_51, %swap3A_52], %swap3A_55 {strides = array<i32>} : memref<128x128xf32, #tpu.memory_space<vmem>>, vector<1x16xf32>,
      %swap3A_56 = arith.index_cast %scan3A_36 : i32 to index
      %swap3A_57 = arith.constant 64 : index
      %swap3A_58 = tpu.vector_load %arg8[%swap3A_56, %swap3A_57] {strides = array<i32>} : memref<128x128xf32, #tpu.memory_space<vmem>>, vector<1x16xf32>,
      %swap3A_59 = vector.shape_cast %swap3A_58 : vector<1x16xf32> to vector<16xf32>
      %swap3A_60 = vector.shape_cast %broadcast_in_dim3A_0 : vector<16xf32> to vector<1x16xf32>
      tpu.vector_store %arg8[%swap3A_56, %swap3A_57], %swap3A_60 {strides = array<i32>} : memref<128x128xf32, #tpu.memory_space<vmem>>, vector<1x16xf32>,
      %swap3A_61 = arith.index_cast %scan3A_36 : i32 to index
      %swap3A_62 = arith.constant 80 : index
      %swap3A_63 = tpu.vector_load %arg8[%swap3A_61, %swap3A_62] {strides = array<i32>} : memref<128x128xf32, #tpu.memory_space<vmem>>, vector<1x16xf32>,
      %swap3A_64 = vector.shape_cast %swap3A_63 : vector<1x16xf32> to vector<16xf32>
      %swap3A_65 = vector.shape_cast %broadcast_in_dim3A_0 : vector<16xf32> to vector<1x16xf32>
      tpu.vector_store %arg8[%swap3A_61, %swap3A_62], %swap3A_65 {strides = array<i32>} : memref<128x128xf32, #tpu.memory_space<vmem>>, vector<1x16xf32>,
      %swap3A_66 = arith.index_cast %scan3A_36 : i32 to index
      %swap3A_67 = arith.constant 96 : index
      %swap3A_68 = tpu.vector_load %arg8[%swap3A_66, %swap3A_67] {strides = array<i32>} : memref<128x128xf32, #tpu.memory_space<vmem>>, vector<1x16xf32>,
      %swap3A_69 = vector.shape_cast %swap3A_68 : vector<1x16xf32> to vector<16xf32>
      %swap3A_70 = vector.shape_cast %broadcast_in_dim3A_0 : vector<16xf32> to vector<1x16xf32>
      tpu.vector_store %arg8[%swap3A_66, %swap3A_67], %swap3A_70 {strides = array<i32>} : memref<128x128xf32, #tpu.memory_space<vmem>>, vector<1x16xf32>,
      %swap3A_71 = arith.index_cast %scan3A_36 : i32 to index
      %swap3A_72 = arith.constant 112 : index
      %swap3A_73 = tpu.vector_load %arg8[%swap3A_71, %swap3A_72] {strides = array<i32>} : memref<128x128xf32, #tpu.memory_space<vmem>>, vector<1x16xf32>,
      %swap3A_74 = vector.shape_cast %swap3A_73 : vector<1x16xf32> to vector<16xf32>
      %swap3A_75 = vector.shape_cast %broadcast_in_dim3A_0 : vector<16xf32> to vector<1x16xf32>
      tpu.vector_store %arg8[%swap3A_71, %swap3A_72], %swap3A_75 {strides = array<i32>} : memref<128x128xf32, #tpu.memory_space<vmem>>, vector<1x16xf32>,
    }
    %scan3A_5 = arith.constant 128 : i32
    %mul3A = arith.constant 624 : i32
    %mul3A_6 = arith.muli %arg1, %mul3A : i32
    %lt3A = arith.constant 15 : i32
    %lt3A_7 = arith.cmpi slt, %arg1, %lt3A : i32
    %convert_element_type3A = arith.extui %lt3A_7 : i1 to i32
    %cond3A = arith.constant 0 : i32
    %cond3A_8 = arith.cmpi ne, %convert_element_type3A, %cond3A : i32
    scf.if %cond3A_8 {
      %add3A = arith.constant 0 : i32
      %add3A_36 = arith.addi %mul3A_6, %add3A : i32
      "tpu.region"() ({
        %run_scoped3A = tpu.sem_alloc : memref<!tpu.dma_semaphore, #tpu.memory_space<semaphore_mem>>
        %dma_start3A = arith.constant 0 : i32
        %dma_start3A_45 = tpu.memref_slice %arg11[%add3A_36, %dma_start3A] : memref<10000x128xf32, #tpu.memory_space<vmem_shared>> -> memref<128x128xf32, #tpu.memory_space<vmem_shared>>
        %dma_start3A_46 = arith.constant 0 : i32
        %dma_start3A_47 = tpu.memref_slice %arg11[%add3A_36, %dma_start3A_46] : memref<10000x128xf32, #tpu.memory_space<vmem_shared>> -> memref<128x128xf32, #tpu.memory_space<vmem_shared>>
        tpu.enqueue_dma source(%arg8 : memref<128x128xf32, #tpu.memory_space<vmem>>) target(%dma_start3A_47 : memref<128x128xf32, #tpu.memory_space<vmem_shared>>) target_semaphore(%run_scoped3A : memref<!tpu.dma_semaphore, #tpu.memory_space<semaphore_mem>>)
        %dma_wait3A = arith.constant 0 : i32
        %dma_wait3A_48 = tpu.memref_slice %arg11[%add3A_36, %dma_wait3A] : memref<10000x128xf32, #tpu.memory_space<vmem_shared>> -> memref<128x128xf32, #tpu.memory_space<vmem_shared>>
        %dma_wait3A_49 = arith.constant 0 : i32
        %dma_wait3A_50 = tpu.memref_slice %arg11[%add3A_36, %dma_wait3A_49] : memref<10000x128xf32, #tpu.memory_space<vmem_shared>> -> memref<128x128xf32, #tpu.memory_space<vmem_shared>>
        tpu.wait_dma2 semaphore(%run_scoped3A : memref<!tpu.dma_semaphore, #tpu.memory_space<semaphore_mem>>) src(%arg8 : memref<128x128xf32, #tpu.memory_space<vmem>>) dst(%dma_wait3A_50 : memref<128x128xf32, #tpu.memory_space<vmem_shared>>)
        tpu.yield
      }) : () -> ()
      %add3A_37 = arith.constant 128 : i32
      %add3A_38 = arith.addi %mul3A_6, %add3A_37 : i32
      "tpu.region"() ({
        %run_scoped3A = tpu.sem_alloc : memref<!tpu.dma_semaphore, #tpu.memory_space<semaphore_mem>>
        %dma_start3A = arith.constant 0 : i32
        %dma_start3A_45 = tpu.memref_slice %arg11[%add3A_38, %dma_start3A] : memref<10000x128xf32, #tpu.memory_space<vmem_shared>> -> memref<128x128xf32, #tpu.memory_space<vmem_shared>>
        %dma_start3A_46 = arith.constant 0 : i32
        %dma_start3A_47 = tpu.memref_slice %arg11[%add3A_38, %dma_start3A_46] : memref<10000x128xf32, #tpu.memory_space<vmem_shared>> -> memref<128x128xf32, #tpu.memory_space<vmem_shared>>
        tpu.enqueue_dma source(%arg8 : memref<128x128xf32, #tpu.memory_space<vmem>>) target(%dma_start3A_47 : memref<128x128xf32, #tpu.memory_space<vmem_shared>>) target_semaphore(%run_scoped3A : memref<!tpu.dma_semaphore, #tpu.memory_space<semaphore_mem>>)
        %dma_wait3A = arith.constant 0 : i32
        %dma_wait3A_48 = tpu.memref_slice %arg11[%add3A_38, %dma_wait3A] : memref<10000x128xf32, #tpu.memory_space<vmem_shared>> -> memref<128x128xf32, #tpu.memory_space<vmem_shared>>
        %dma_wait3A_49 = arith.constant 0 : i32
        %dma_wait3A_50 = tpu.memref_slice %arg11[%add3A_38, %dma_wait3A_49] : memref<10000x128xf32, #tpu.memory_space<vmem_shared>> -> memref<128x128xf32, #tpu.memory_space<vmem_shared>>
        tpu.wait_dma2 semaphore(%run_scoped3A : memref<!tpu.dma_semaphore, #tpu.memory_space<semaphore_mem>>) src(%arg8 : memref<128x128xf32, #tpu.memory_space<vmem>>) dst(%dma_wait3A_50 : memref<128x128xf32, #tpu.memory_space<vmem_shared>>)
        tpu.yield
      }) : () -> ()
      %add3A_39 = arith.constant 256 : i32
      %add3A_40 = arith.addi %mul3A_6, %add3A_39 : i32
      "tpu.region"() ({
        %run_scoped3A = tpu.sem_alloc : memref<!tpu.dma_semaphore, #tpu.memory_space<semaphore_mem>>
        %dma_start3A = arith.constant 0 : i32
        %dma_start3A_45 = tpu.memref_slice %arg11[%add3A_40, %dma_start3A] : memref<10000x128xf32, #tpu.memory_space<vmem_shared>> -> memref<128x128xf32, #tpu.memory_space<vmem_shared>>
        %dma_start3A_46 = arith.constant 0 : i32
        %dma_start3A_47 = tpu.memref_slice %arg11[%add3A_40, %dma_start3A_46] : memref<10000x128xf32, #tpu.memory_space<vmem_shared>> -> memref<128x128xf32, #tpu.memory_space<vmem_shared>>
        tpu.enqueue_dma source(%arg8 : memref<128x128xf32, #tpu.memory_space<vmem>>) target(%dma_start3A_47 : memref<128x128xf32, #tpu.memory_space<vmem_shared>>) target_semaphore(%run_scoped3A : memref<!tpu.dma_semaphore, #tpu.memory_space<semaphore_mem>>)
        %dma_wait3A = arith.constant 0 : i32
        %dma_wait3A_48 = tpu.memref_slice %arg11[%add3A_40, %dma_wait3A] : memref<10000x128xf32, #tpu.memory_space<vmem_shared>> -> memref<128x128xf32, #tpu.memory_space<vmem_shared>>
        %dma_wait3A_49 = arith.constant 0 : i32
        %dma_wait3A_50 = tpu.memref_slice %arg11[%add3A_40, %dma_wait3A_49] : memref<10000x128xf32, #tpu.memory_space<vmem_shared>> -> memref<128x128xf32, #tpu.memory_space<vmem_shared>>
        tpu.wait_dma2 semaphore(%run_scoped3A : memref<!tpu.dma_semaphore, #tpu.memory_space<semaphore_mem>>) src(%arg8 : memref<128x128xf32, #tpu.memory_space<vmem>>) dst(%dma_wait3A_50 : memref<128x128xf32, #tpu.memory_space<vmem_shared>>)
        tpu.yield
      }) : () -> ()
      %add3A_41 = arith.constant 384 : i32
      %add3A_42 = arith.addi %mul3A_6, %add3A_41 : i32
      "tpu.region"() ({
        %run_scoped3A = tpu.sem_alloc : memref<!tpu.dma_semaphore, #tpu.memory_space<semaphore_mem>>
        %dma_start3A = arith.constant 0 : i32
        %dma_start3A_45 = tpu.memref_slice %arg11[%add3A_42, %dma_start3A] : memref<10000x128xf32, #tpu.memory_space<vmem_shared>> -> memref<128x128xf32, #tpu.memory_space<vmem_shared>>
        %dma_start3A_46 = arith.constant 0 : i32
        %dma_start3A_47 = tpu.memref_slice %arg11[%add3A_42, %dma_start3A_46] : memref<10000x128xf32, #tpu.memory_space<vmem_shared>> -> memref<128x128xf32, #tpu.memory_space<vmem_shared>>
        tpu.enqueue_dma source(%arg8 : memref<128x128xf32, #tpu.memory_space<vmem>>) target(%dma_start3A_47 : memref<128x128xf32, #tpu.memory_space<vmem_shared>>) target_semaphore(%run_scoped3A : memref<!tpu.dma_semaphore, #tpu.memory_space<semaphore_mem>>)
        %dma_wait3A = arith.constant 0 : i32
        %dma_wait3A_48 = tpu.memref_slice %arg11[%add3A_42, %dma_wait3A] : memref<10000x128xf32, #tpu.memory_space<vmem_shared>> -> memref<128x128xf32, #tpu.memory_space<vmem_shared>>
        %dma_wait3A_49 = arith.constant 0 : i32
        %dma_wait3A_50 = tpu.memref_slice %arg11[%add3A_42, %dma_wait3A_49] : memref<10000x128xf32, #tpu.memory_space<vmem_shared>> -> memref<128x128xf32, #tpu.memory_space<vmem_shared>>
        tpu.wait_dma2 semaphore(%run_scoped3A : memref<!tpu.dma_semaphore, #tpu.memory_space<semaphore_mem>>) src(%arg8 : memref<128x128xf32, #tpu.memory_space<vmem>>) dst(%dma_wait3A_50 : memref<128x128xf32, #tpu.memory_space<vmem_shared>>)
        tpu.yield
      }) : () -> ()
      %add3A_43 = arith.constant 512 : i32
      %add3A_44 = arith.addi %mul3A_6, %add3A_43 : i32
      "tpu.region"() ({
        %run_scoped3A = tpu.sem_alloc : memref<!tpu.dma_semaphore, #tpu.memory_space<semaphore_mem>>
        %dma_start3A = arith.constant 0 : i32
        %dma_start3A_45 = arith.constant 0 : i32
        %dma_start3A_46 = tpu.memref_slice %arg8[%dma_start3A, %dma_start3A_45] : memref<128x128xf32, #tpu.memory_space<vmem>> -> memref<112x128xf32, #tpu.memory_space<vmem>>
        %dma_start3A_47 = arith.constant 0 : i32
        %dma_start3A_48 = tpu.memref_slice %arg11[%add3A_44, %dma_start3A_47] : memref<10000x128xf32, #tpu.memory_space<vmem_shared>> -> memref<112x128xf32, #tpu.memory_space<vmem_shared>>
        %dma_start3A_49 = arith.constant 0 : i32
        %dma_start3A_50 = tpu.memref_slice %arg11[%add3A_44, %dma_start3A_49] : memref<10000x128xf32, #tpu.memory_space<vmem_shared>> -> memref<112x128xf32, #tpu.memory_space<vmem_shared>>
        %dma_start3A_51 = arith.constant 0 : i32
        %dma_start3A_52 = arith.constant 0 : i32
        %dma_start3A_53 = tpu.memref_slice %arg8[%dma_start3A_51, %dma_start3A_52] : memref<128x128xf32, #tpu.memory_space<vmem>> -> memref<112x128xf32, #tpu.memory_space<vmem>>
        tpu.enqueue_dma source(%dma_start3A_53 : memref<112x128xf32, #tpu.memory_space<vmem>>) target(%dma_start3A_50 : memref<112x128xf32, #tpu.memory_space<vmem_shared>>) target_semaphore(%run_scoped3A : memref<!tpu.dma_semaphore, #tpu.memory_space<semaphore_mem>>)
        %dma_wait3A = arith.constant 0 : i32
        %dma_wait3A_54 = arith.constant 0 : i32
        %dma_wait3A_55 = tpu.memref_slice %arg8[%dma_wait3A, %dma_wait3A_54] : memref<128x128xf32, #tpu.memory_space<vmem>> -> memref<112x128xf32, #tpu.memory_space<vmem>>
        %dma_wait3A_56 = arith.constant 0 : i32
        %dma_wait3A_57 = tpu.memref_slice %arg11[%add3A_44, %dma_wait3A_56] : memref<10000x128xf32, #tpu.memory_space<vmem_shared>> -> memref<112x128xf32, #tpu.memory_space<vmem_shared>>
        %dma_wait3A_58 = arith.constant 0 : i32
        %dma_wait3A_59 = tpu.memref_slice %arg11[%add3A_44, %dma_wait3A_58] : memref<10000x128xf32, #tpu.memory_space<vmem_shared>> -> memref<112x128xf32, #tpu.memory_space<vmem_shared>>
        %dma_wait3A_60 = arith.constant 0 : i32
        %dma_wait3A_61 = arith.constant 0 : i32
        %dma_wait3A_62 = tpu.memref_slice %arg8[%dma_wait3A_60, %dma_wait3A_61] : memref<128x128xf32, #tpu.memory_space<vmem>> -> memref<112x128xf32, #tpu.memory_space<vmem>>
        tpu.wait_dma2 semaphore(%run_scoped3A : memref<!tpu.dma_semaphore, #tpu.memory_space<semaphore_mem>>) src(%dma_wait3A_62 : memref<112x128xf32, #tpu.memory_space<vmem>>) dst(%dma_wait3A_59 : memref<112x128xf32, #tpu.memory_space<vmem_shared>>)
        tpu.yield
      }) : () -> ()
    } else {
    }
    %eq3A = arith.constant 15 : i32
    %eq3A_9 = arith.cmpi eq, %arg1, %eq3A : i32
    %convert_element_type3A_10 = arith.extui %eq3A_9 : i1 to i32
    %cond3A_11 = arith.constant 0 : i32
    %cond3A_12 = arith.cmpi ne, %convert_element_type3A_10, %cond3A_11 : i32
    scf.if %cond3A_12 {
      %add3A = arith.constant 0 : i32
      %add3A_36 = arith.addi %mul3A_6, %add3A : i32
      "tpu.region"() ({
        %run_scoped3A = tpu.sem_alloc : memref<!tpu.dma_semaphore, #tpu.memory_space<semaphore_mem>>
        %dma_start3A = arith.constant 0 : i32
        %dma_start3A_45 = tpu.memref_slice %arg11[%add3A_36, %dma_start3A] : memref<10000x128xf32, #tpu.memory_space<vmem_shared>> -> memref<128x128xf32, #tpu.memory_space<vmem_shared>>
        %dma_start3A_46 = arith.constant 0 : i32
        %dma_start3A_47 = tpu.memref_slice %arg11[%add3A_36, %dma_start3A_46] : memref<10000x128xf32, #tpu.memory_space<vmem_shared>> -> memref<128x128xf32, #tpu.memory_space<vmem_shared>>
        tpu.enqueue_dma source(%arg8 : memref<128x128xf32, #tpu.memory_space<vmem>>) target(%dma_start3A_47 : memref<128x128xf32, #tpu.memory_space<vmem_shared>>) target_semaphore(%run_scoped3A : memref<!tpu.dma_semaphore, #tpu.memory_space<semaphore_mem>>)
        %dma_wait3A = arith.constant 0 : i32
        %dma_wait3A_48 = tpu.memref_slice %arg11[%add3A_36, %dma_wait3A] : memref<10000x128xf32, #tpu.memory_space<vmem_shared>> -> memref<128x128xf32, #tpu.memory_space<vmem_shared>>
        %dma_wait3A_49 = arith.constant 0 : i32
        %dma_wait3A_50 = tpu.memref_slice %arg11[%add3A_36, %dma_wait3A_49] : memref<10000x128xf32, #tpu.memory_space<vmem_shared>> -> memref<128x128xf32, #tpu.memory_space<vmem_shared>>
        tpu.wait_dma2 semaphore(%run_scoped3A : memref<!tpu.dma_semaphore, #tpu.memory_space<semaphore_mem>>) src(%arg8 : memref<128x128xf32, #tpu.memory_space<vmem>>) dst(%dma_wait3A_50 : memref<128x128xf32, #tpu.memory_space<vmem_shared>>)
        tpu.yield
      }) : () -> ()
      %add3A_37 = arith.constant 128 : i32
      %add3A_38 = arith.addi %mul3A_6, %add3A_37 : i32
      "tpu.region"() ({
        %run_scoped3A = tpu.sem_alloc : memref<!tpu.dma_semaphore, #tpu.memory_space<semaphore_mem>>
        %dma_start3A = arith.constant 0 : i32
        %dma_start3A_45 = tpu.memref_slice %arg11[%add3A_38, %dma_start3A] : memref<10000x128xf32, #tpu.memory_space<vmem_shared>> -> memref<128x128xf32, #tpu.memory_space<vmem_shared>>
        %dma_start3A_46 = arith.constant 0 : i32
        %dma_start3A_47 = tpu.memref_slice %arg11[%add3A_38, %dma_start3A_46] : memref<10000x128xf32, #tpu.memory_space<vmem_shared>> -> memref<128x128xf32, #tpu.memory_space<vmem_shared>>
        tpu.enqueue_dma source(%arg8 : memref<128x128xf32, #tpu.memory_space<vmem>>) target(%dma_start3A_47 : memref<128x128xf32, #tpu.memory_space<vmem_shared>>) target_semaphore(%run_scoped3A : memref<!tpu.dma_semaphore, #tpu.memory_space<semaphore_mem>>)
        %dma_wait3A = arith.constant 0 : i32
        %dma_wait3A_48 = tpu.memref_slice %arg11[%add3A_38, %dma_wait3A] : memref<10000x128xf32, #tpu.memory_space<vmem_shared>> -> memref<128x128xf32, #tpu.memory_space<vmem_shared>>
        %dma_wait3A_49 = arith.constant 0 : i32
        %dma_wait3A_50 = tpu.memref_slice %arg11[%add3A_38, %dma_wait3A_49] : memref<10000x128xf32, #tpu.memory_space<vmem_shared>> -> memref<128x128xf32, #tpu.memory_space<vmem_shared>>
        tpu.wait_dma2 semaphore(%run_scoped3A : memref<!tpu.dma_semaphore, #tpu.memory_space<semaphore_mem>>) src(%arg8 : memref<128x128xf32, #tpu.memory_space<vmem>>) dst(%dma_wait3A_50 : memref<128x128xf32, #tpu.memory_space<vmem_shared>>)
        tpu.yield
      }) : () -> ()
      %add3A_39 = arith.constant 256 : i32
      %add3A_40 = arith.addi %mul3A_6, %add3A_39 : i32
      "tpu.region"() ({
        %run_scoped3A = tpu.sem_alloc : memref<!tpu.dma_semaphore, #tpu.memory_space<semaphore_mem>>
        %dma_start3A = arith.constant 0 : i32
        %dma_start3A_45 = tpu.memref_slice %arg11[%add3A_40, %dma_start3A] : memref<10000x128xf32, #tpu.memory_space<vmem_shared>> -> memref<128x128xf32, #tpu.memory_space<vmem_shared>>
        %dma_start3A_46 = arith.constant 0 : i32
        %dma_start3A_47 = tpu.memref_slice %arg11[%add3A_40, %dma_start3A_46] : memref<10000x128xf32, #tpu.memory_space<vmem_shared>> -> memref<128x128xf32, #tpu.memory_space<vmem_shared>>
        tpu.enqueue_dma source(%arg8 : memref<128x128xf32, #tpu.memory_space<vmem>>) target(%dma_start3A_47 : memref<128x128xf32, #tpu.memory_space<vmem_shared>>) target_semaphore(%run_scoped3A : memref<!tpu.dma_semaphore, #tpu.memory_space<semaphore_mem>>)
        %dma_wait3A = arith.constant 0 : i32
        %dma_wait3A_48 = tpu.memref_slice %arg11[%add3A_40, %dma_wait3A] : memref<10000x128xf32, #tpu.memory_space<vmem_shared>> -> memref<128x128xf32, #tpu.memory_space<vmem_shared>>
        %dma_wait3A_49 = arith.constant 0 : i32
        %dma_wait3A_50 = tpu.memref_slice %arg11[%add3A_40, %dma_wait3A_49] : memref<10000x128xf32, #tpu.memory_space<vmem_shared>> -> memref<128x128xf32, #tpu.memory_space<vmem_shared>>
        tpu.wait_dma2 semaphore(%run_scoped3A : memref<!tpu.dma_semaphore, #tpu.memory_space<semaphore_mem>>) src(%arg8 : memref<128x128xf32, #tpu.memory_space<vmem>>) dst(%dma_wait3A_50 : memref<128x128xf32, #tpu.memory_space<vmem_shared>>)
        tpu.yield
      }) : () -> ()
      %add3A_41 = arith.constant 384 : i32
      %add3A_42 = arith.addi %mul3A_6, %add3A_41 : i32
      "tpu.region"() ({
        %run_scoped3A = tpu.sem_alloc : memref<!tpu.dma_semaphore, #tpu.memory_space<semaphore_mem>>
        %dma_start3A = arith.constant 0 : i32
        %dma_start3A_45 = tpu.memref_slice %arg11[%add3A_42, %dma_start3A] : memref<10000x128xf32, #tpu.memory_space<vmem_shared>> -> memref<128x128xf32, #tpu.memory_space<vmem_shared>>
        %dma_start3A_46 = arith.constant 0 : i32
        %dma_start3A_47 = tpu.memref_slice %arg11[%add3A_42, %dma_start3A_46] : memref<10000x128xf32, #tpu.memory_space<vmem_shared>> -> memref<128x128xf32, #tpu.memory_space<vmem_shared>>
        tpu.enqueue_dma source(%arg8 : memref<128x128xf32, #tpu.memory_space<vmem>>) target(%dma_start3A_47 : memref<128x128xf32, #tpu.memory_space<vmem_shared>>) target_semaphore(%run_scoped3A : memref<!tpu.dma_semaphore, #tpu.memory_space<semaphore_mem>>)
        %dma_wait3A = arith.constant 0 : i32
        %dma_wait3A_48 = tpu.memref_slice %arg11[%add3A_42, %dma_wait3A] : memref<10000x128xf32, #tpu.memory_space<vmem_shared>> -> memref<128x128xf32, #tpu.memory_space<vmem_shared>>
        %dma_wait3A_49 = arith.constant 0 : i32
        %dma_wait3A_50 = tpu.memref_slice %arg11[%add3A_42, %dma_wait3A_49] : memref<10000x128xf32, #tpu.memory_space<vmem_shared>> -> memref<128x128xf32, #tpu.memory_space<vmem_shared>>
        tpu.wait_dma2 semaphore(%run_scoped3A : memref<!tpu.dma_semaphore, #tpu.memory_space<semaphore_mem>>) src(%arg8 : memref<128x128xf32, #tpu.memory_space<vmem>>) dst(%dma_wait3A_50 : memref<128x128xf32, #tpu.memory_space<vmem_shared>>)
        tpu.yield
      }) : () -> ()
      %add3A_43 = arith.constant 512 : i32
      %add3A_44 = arith.addi %mul3A_6, %add3A_43 : i32
      "tpu.region"() ({
        %run_scoped3A = tpu.sem_alloc : memref<!tpu.dma_semaphore, #tpu.memory_space<semaphore_mem>>
        %dma_start3A = arith.constant 0 : i32
        %dma_start3A_45 = tpu.memref_slice %arg11[%add3A_44, %dma_start3A] : memref<10000x128xf32, #tpu.memory_space<vmem_shared>> -> memref<128x128xf32, #tpu.memory_space<vmem_shared>>
        %dma_start3A_46 = arith.constant 0 : i32
        %dma_start3A_47 = tpu.memref_slice %arg11[%add3A_44, %dma_start3A_46] : memref<10000x128xf32, #tpu.memory_space<vmem_shared>> -> memref<128x128xf32, #tpu.memory_space<vmem_shared>>
        tpu.enqueue_dma source(%arg8 : memref<128x128xf32, #tpu.memory_space<vmem>>) target(%dma_start3A_47 : memref<128x128xf32, #tpu.memory_space<vmem_shared>>) target_semaphore(%run_scoped3A : memref<!tpu.dma_semaphore, #tpu.memory_space<semaphore_mem>>)
        %dma_wait3A = arith.constant 0 : i32
        %dma_wait3A_48 = tpu.memref_slice %arg11[%add3A_44, %dma_wait3A] : memref<10000x128xf32, #tpu.memory_space<vmem_shared>> -> memref<128x128xf32, #tpu.memory_space<vmem_shared>>
        %dma_wait3A_49 = arith.constant 0 : i32
        %dma_wait3A_50 = tpu.memref_slice %arg11[%add3A_44, %dma_wait3A_49] : memref<10000x128xf32, #tpu.memory_space<vmem_shared>> -> memref<128x128xf32, #tpu.memory_space<vmem_shared>>
        tpu.wait_dma2 semaphore(%run_scoped3A : memref<!tpu.dma_semaphore, #tpu.memory_space<semaphore_mem>>) src(%arg8 : memref<128x128xf32, #tpu.memory_space<vmem>>) dst(%dma_wait3A_50 : memref<128x128xf32, #tpu.memory_space<vmem_shared>>)
        tpu.yield
      }) : () -> ()
    } else {
    }
    %barrier3A = arith.constant 0 : index
    tpu.barrier barrier_id(%barrier3A)
    "tpu.region"() ({
      %run_scoped3A = tpu.sem_alloc : memref<!tpu.dma_semaphore, #tpu.memory_space<semaphore_mem>>
      %dma_start3A = arith.constant 0 : i32
      %dma_start3A_36 = arith.constant 0 : i32
      %dma_start3A_37 = tpu.memref_slice %arg3[%arg0, %arg1, %dma_start3A, %dma_start3A_36] : memref<2x16x80x128xi32, #tpu.memory_space<hbm>> -> memref<1x1x40x128xi32, #tpu.memory_space<hbm>>
      %dma_start3A_38 = tpu.memref_squeeze %dma_start3A_37 : memref<1x1x40x128xi32, #tpu.memory_space<hbm>> -> memref<40x128xi32, #tpu.memory_space<hbm>>
      %dma_start3A_39 = arith.constant 0 : i32
      %dma_start3A_40 = arith.constant 0 : i32
      %dma_start3A_41 = tpu.memref_slice %arg3[%arg0, %arg1, %dma_start3A_39, %dma_start3A_40] : memref<2x16x80x128xi32, #tpu.memory_space<hbm>> -> memref<1x1x40x128xi32, #tpu.memory_space<hbm>>
      %dma_start3A_42 = tpu.memref_squeeze %dma_start3A_41 : memref<1x1x40x128xi32, #tpu.memory_space<hbm>> -> memref<40x128xi32, #tpu.memory_space<hbm>>
      tpu.enqueue_dma source(%dma_start3A_42 : memref<40x128xi32, #tpu.memory_space<hbm>>) target(%arg9 : memref<40x128xi32, #tpu.memory_space<vmem>>) target_semaphore(%run_scoped3A : memref<!tpu.dma_semaphore, #tpu.memory_space<semaphore_mem>>)
      %dma_wait3A = arith.constant 0 : i32
      %dma_wait3A_43 = arith.constant 0 : i32
      %dma_wait3A_44 = tpu.memref_slice %arg3[%arg0, %arg1, %dma_wait3A, %dma_wait3A_43] : memref<2x16x80x128xi32, #tpu.memory_space<hbm>> -> memref<1x1x40x128xi32, #tpu.memory_space<hbm>>
      %dma_wait3A_45 = tpu.memref_squeeze %dma_wait3A_44 : memref<1x1x40x128xi32, #tpu.memory_space<hbm>> -> memref<40x128xi32, #tpu.memory_space<hbm>>
      %dma_wait3A_46 = arith.constant 0 : i32
      %dma_wait3A_47 = arith.constant 0 : i32
      %dma_wait3A_48 = tpu.memref_slice %arg3[%arg0, %arg1, %dma_wait3A_46, %dma_wait3A_47] : memref<2x16x80x128xi32, #tpu.memory_space<hbm>> -> memref<1x1x40x128xi32, #tpu.memory_space<hbm>>
      %dma_wait3A_49 = tpu.memref_squeeze %dma_wait3A_48 : memref<1x1x40x128xi32, #tpu.memory_space<hbm>> -> memref<40x128xi32, #tpu.memory_space<hbm>>
      tpu.wait_dma2 semaphore(%run_scoped3A : memref<!tpu.dma_semaphore, #tpu.memory_space<semaphore_mem>>) src(%dma_wait3A_49 : memref<40x128xi32, #tpu.memory_space<hbm>>) dst(%arg9 : memref<40x128xi32, #tpu.memory_space<vmem>>)
      tpu.yield
    }) : () -> ()
    "tpu.region"() ({
      %run_scoped3A = tpu.sem_alloc : memref<!tpu.dma_semaphore, #tpu.memory_space<semaphore_mem>>
      %dma_start3A = arith.constant 0 : i32
      %dma_start3A_36 = arith.constant 0 : i32
      %dma_start3A_37 = tpu.memref_slice %arg4[%arg0, %arg1, %dma_start3A, %dma_start3A_36] : memref<2x16x80x128xi32, #tpu.memory_space<hbm>> -> memref<1x1x40x128xi32, #tpu.memory_space<hbm>>
      %dma_start3A_38 = tpu.memref_squeeze %dma_start3A_37 : memref<1x1x40x128xi32, #tpu.memory_space<hbm>> -> memref<40x128xi32, #tpu.memory_space<hbm>>
      %dma_start3A_39 = arith.constant 0 : i32
      %dma_start3A_40 = arith.constant 0 : i32
      %dma_start3A_41 = tpu.memref_slice %arg4[%arg0, %arg1, %dma_start3A_39, %dma_start3A_40] : memref<2x16x80x128xi32, #tpu.memory_space<hbm>> -> memref<1x1x40x128xi32, #tpu.memory_space<hbm>>
      %dma_start3A_42 = tpu.memref_squeeze %dma_start3A_41 : memref<1x1x40x128xi32, #tpu.memory_space<hbm>> -> memref<40x128xi32, #tpu.memory_space<hbm>>
      tpu.enqueue_dma source(%dma_start3A_42 : memref<40x128xi32, #tpu.memory_space<hbm>>) target(%arg10 : memref<40x128xi32, #tpu.memory_space<vmem>>) target_semaphore(%run_scoped3A : memref<!tpu.dma_semaphore, #tpu.memory_space<semaphore_mem>>)
      %dma_wait3A = arith.constant 0 : i32
      %dma_wait3A_43 = arith.constant 0 : i32
      %dma_wait3A_44 = tpu.memref_slice %arg4[%arg0, %arg1, %dma_wait3A, %dma_wait3A_43] : memref<2x16x80x128xi32, #tpu.memory_space<hbm>> -> memref<1x1x40x128xi32, #tpu.memory_space<hbm>>
      %dma_wait3A_45 = tpu.memref_squeeze %dma_wait3A_44 : memref<1x1x40x128xi32, #tpu.memory_space<hbm>> -> memref<40x128xi32, #tpu.memory_space<hbm>>
      %dma_wait3A_46 = arith.constant 0 : i32
      %dma_wait3A_47 = arith.constant 0 : i32
      %dma_wait3A_48 = tpu.memref_slice %arg4[%arg0, %arg1, %dma_wait3A_46, %dma_wait3A_47] : memref<2x16x80x128xi32, #tpu.memory_space<hbm>> -> memref<1x1x40x128xi32, #tpu.memory_space<hbm>>
      %dma_wait3A_49 = tpu.memref_squeeze %dma_wait3A_48 : memref<1x1x40x128xi32, #tpu.memory_space<hbm>> -> memref<40x128xi32, #tpu.memory_space<hbm>>
      tpu.wait_dma2 semaphore(%run_scoped3A : memref<!tpu.dma_semaphore, #tpu.memory_space<semaphore_mem>>) src(%dma_wait3A_49 : memref<40x128xi32, #tpu.memory_space<hbm>>) dst(%arg10 : memref<40x128xi32, #tpu.memory_space<vmem>>)
      tpu.yield
    }) : () -> ()
    %scan3A_13 = arith.constant 0 : i32
    %scan3A_14 = arith.constant 0 : i32
    %scan3A_15 = arith.constant 40 : i32
    %scan3A_16 = arith.addi %scan3A_14, %scan3A_15 : i32
    %scan3A_17 = arith.constant 1 : i32
    scf.for %scan3A_36 = %scan3A_14 to %scan3A_16 step %scan3A_17  : i32 {
      %add3A = arith.constant 0 : i32
      %add3A_37 = arith.addi %add3A, %scan3A_36 : i32
      %mul3A_38 = arith.constant 128 : i32
      %mul3A_39 = arith.muli %add3A_37, %mul3A_38 : i32
      "tpu.region"() ({
        %run_scoped3A = tpu.sem_alloc : memref<!tpu.dma_semaphore, #tpu.memory_space<semaphore_mem>>
        %dma_start3A_56 = arith.constant 0 : i32
        %dma_start3A_57 = tpu.memref_slice %arg2[%arg0, %arg1, %mul3A_39, %dma_start3A_56] : memref<2x16x10240x128xf32, #tpu.memory_space<hbm>> -> memref<1x1x128x128xf32, #tpu.memory_space<hbm>>
        %dma_start3A_58 = tpu.memref_squeeze %dma_start3A_57 : memref<1x1x128x128xf32, #tpu.memory_space<hbm>> -> memref<128x128xf32, #tpu.memory_space<hbm>>
        %dma_start3A_59 = arith.constant 0 : i32
        %dma_start3A_60 = tpu.memref_slice %arg2[%arg0, %arg1, %mul3A_39, %dma_start3A_59] : memref<2x16x10240x128xf32, #tpu.memory_space<hbm>> -> memref<1x1x128x128xf32, #tpu.memory_space<hbm>>
        %dma_start3A_61 = tpu.memref_squeeze %dma_start3A_60 : memref<1x1x128x128xf32, #tpu.memory_space<hbm>> -> memref<128x128xf32, #tpu.memory_space<hbm>>
        tpu.enqueue_dma source(%dma_start3A_61 : memref<128x128xf32, #tpu.memory_space<hbm>>) target(%arg7 : memref<128x128xf32, #tpu.memory_space<vmem>>) target_semaphore(%run_scoped3A : memref<!tpu.dma_semaphore, #tpu.memory_space<semaphore_mem>>)
        %dma_wait3A_62 = arith.constant 0 : i32
        %dma_wait3A_63 = tpu.memref_slice %arg2[%arg0, %arg1, %mul3A_39, %dma_wait3A_62] : memref<2x16x10240x128xf32, #tpu.memory_space<hbm>> -> memref<1x1x128x128xf32, #tpu.memory_space<hbm>>
        %dma_wait3A_64 = tpu.memref_squeeze %dma_wait3A_63 : memref<1x1x128x128xf32, #tpu.memory_space<hbm>> -> memref<128x128xf32, #tpu.memory_space<hbm>>
        %dma_wait3A_65 = arith.constant 0 : i32
        %dma_wait3A_66 = tpu.memref_slice %arg2[%arg0, %arg1, %mul3A_39, %dma_wait3A_65] : memref<2x16x10240x128xf32, #tpu.memory_space<hbm>> -> memref<1x1x128x128xf32, #tpu.memory_space<hbm>>
        %dma_wait3A_67 = tpu.memref_squeeze %dma_wait3A_66 : memref<1x1x128x128xf32, #tpu.memory_space<hbm>> -> memref<128x128xf32, #tpu.memory_space<hbm>>
        tpu.wait_dma2 semaphore(%run_scoped3A : memref<!tpu.dma_semaphore, #tpu.memory_space<semaphore_mem>>) src(%dma_wait3A_67 : memref<128x128xf32, #tpu.memory_space<hbm>>) dst(%arg7 : memref<128x128xf32, #tpu.memory_space<vmem>>)
        tpu.yield
      }) : () -> ()
      %dma_start3A = arith.constant 0 : i32
      %dma_start3A_40 = tpu.memref_slice %arg9[%scan3A_36, %dma_start3A] : memref<40x128xi32, #tpu.memory_space<vmem>> -> memref<1x128xi32, #tpu.memory_space<vmem>>
      %dma_start3A_41 = tpu.memref_squeeze %dma_start3A_40 : memref<1x128xi32, #tpu.memory_space<vmem>> -> memref<128xi32, #tpu.memory_space<vmem>>
      %dma_start3A_42 = arith.constant 0 : i32
      %dma_start3A_43 = arith.constant 0 : i32
      %dma_start3A_44 = tpu.memref_slice %arg5[%dma_start3A_42, %dma_start3A_43] : memref<10008x128xf32, #tpu.memory_space<hbm>> -> memref<10008x128xf32, #tpu.memory_space<hbm>>
      tpu.enqueue_indirect_dma source(%dma_start3A_44 : memref<10008x128xf32, #tpu.memory_space<hbm>>) target(%arg8 : memref<128x128xf32, #tpu.memory_space<vmem>>) offsets(%dma_start3A_41 : memref<128xi32, #tpu.memory_space<vmem>>) semaphore(%arg12 : memref<!tpu.dma_semaphore, #tpu.memory_space<semaphore_mem>>)
      %dma_wait3A = arith.constant 0 : i32
      %dma_wait3A_45 = tpu.memref_slice %arg9[%scan3A_36, %dma_wait3A] : memref<40x128xi32, #tpu.memory_space<vmem>> -> memref<1x128xi32, #tpu.memory_space<vmem>>
      %dma_wait3A_46 = tpu.memref_squeeze %dma_wait3A_45 : memref<1x128xi32, #tpu.memory_space<vmem>> -> memref<128xi32, #tpu.memory_space<vmem>>
      %dma_wait3A_47 = arith.constant 0 : i32
      %dma_wait3A_48 = arith.constant 0 : i32
      %dma_wait3A_49 = tpu.memref_slice %arg5[%dma_wait3A_47, %dma_wait3A_48] : memref<10008x128xf32, #tpu.memory_space<hbm>> -> memref<10008x128xf32, #tpu.memory_space<hbm>>
      tpu.wait_indirect_dma semaphore(%arg12 : memref<!tpu.dma_semaphore, #tpu.memory_space<semaphore_mem>>) src(%dma_wait3A_49 : memref<10008x128xf32, #tpu.memory_space<hbm>>) dst(%arg8 : memref<128x128xf32, #tpu.memory_space<vmem>>)
      %scan3A_50 = arith.constant 0 : i32
      %scan3A_51 = arith.constant 0 : i32
      %scan3A_52 = arith.constant 128 : i32
      %scan3A_53 = arith.addi %scan3A_51, %scan3A_52 : i32
      %scan3A_54 = arith.constant 1 : i32
      scf.for %scan3A_56 = %scan3A_51 to %scan3A_53 step %scan3A_54  : i32 {
        %get3A = arith.index_cast %scan3A_56 : i32 to index
        %get3A_57 = arith.constant 0 : index
        %get3A_58 = tpu.vector_load %arg8[%get3A, %get3A_57] {strides = array<i32>} : memref<128x128xf32, #tpu.memory_space<vmem>>, vector<1x16xf32>,
        %get3A_59 = vector.shape_cast %get3A_58 : vector<1x16xf32> to vector<16xf32>
        %get3A_60 = arith.index_cast %scan3A_56 : i32 to index
        %get3A_61 = arith.constant 0 : index
        %get3A_62 = tpu.vector_load %arg7[%get3A_60, %get3A_61] {strides = array<i32>} : memref<128x128xf32, #tpu.memory_space<vmem>>, vector<1x16xf32>,
        %get3A_63 = vector.shape_cast %get3A_62 : vector<1x16xf32> to vector<16xf32>
        %add3A_64 = arith.addf %get3A_59, %get3A_63 : vector<16xf32>
        %max3A = arith.constant 0.000000e+00 : f32
        %max3A_65 = vector.broadcast %max3A : f32 to vector<16xf32>
        %max3A_66 = arith.maximumf %add3A_64, %max3A_65 : vector<16xf32>
        %swap3A = arith.index_cast %scan3A_56 : i32 to index
        %swap3A_67 = arith.constant 0 : index
        %swap3A_68 = tpu.vector_load %arg8[%swap3A, %swap3A_67] {strides = array<i32>} : memref<128x128xf32, #tpu.memory_space<vmem>>, vector<1x16xf32>,
        %swap3A_69 = vector.shape_cast %swap3A_68 : vector<1x16xf32> to vector<16xf32>
        %swap3A_70 = vector.shape_cast %max3A_66 : vector<16xf32> to vector<1x16xf32>
        tpu.vector_store %arg8[%swap3A, %swap3A_67], %swap3A_70 {strides = array<i32>} : memref<128x128xf32, #tpu.memory_space<vmem>>, vector<1x16xf32>,
        %get3A_71 = arith.index_cast %scan3A_56 : i32 to index
        %get3A_72 = arith.constant 16 : index
        %get3A_73 = tpu.vector_load %arg8[%get3A_71, %get3A_72] {strides = array<i32>} : memref<128x128xf32, #tpu.memory_space<vmem>>, vector<1x16xf32>,
        %get3A_74 = vector.shape_cast %get3A_73 : vector<1x16xf32> to vector<16xf32>
        %get3A_75 = arith.index_cast %scan3A_56 : i32 to index
        %get3A_76 = arith.constant 16 : index
        %get3A_77 = tpu.vector_load %arg7[%get3A_75, %get3A_76] {strides = array<i32>} : memref<128x128xf32, #tpu.memory_space<vmem>>, vector<1x16xf32>,
        %get3A_78 = vector.shape_cast %get3A_77 : vector<1x16xf32> to vector<16xf32>
        %add3A_79 = arith.addf %get3A_74, %get3A_78 : vector<16xf32>
        %max3A_80 = arith.constant 0.000000e+00 : f32
        %max3A_81 = vector.broadcast %max3A_80 : f32 to vector<16xf32>
        %max3A_82 = arith.maximumf %add3A_79, %max3A_81 : vector<16xf32>
        %swap3A_83 = arith.index_cast %scan3A_56 : i32 to index
        %swap3A_84 = arith.constant 16 : index
        %swap3A_85 = tpu.vector_load %arg8[%swap3A_83, %swap3A_84] {strides = array<i32>} : memref<128x128xf32, #tpu.memory_space<vmem>>, vector<1x16xf32>,
        %swap3A_86 = vector.shape_cast %swap3A_85 : vector<1x16xf32> to vector<16xf32>
        %swap3A_87 = vector.shape_cast %max3A_82 : vector<16xf32> to vector<1x16xf32>
        tpu.vector_store %arg8[%swap3A_83, %swap3A_84], %swap3A_87 {strides = array<i32>} : memref<128x128xf32, #tpu.memory_space<vmem>>, vector<1x16xf32>,
        %get3A_88 = arith.index_cast %scan3A_56 : i32 to index
        %get3A_89 = arith.constant 32 : index
        %get3A_90 = tpu.vector_load %arg8[%get3A_88, %get3A_89] {strides = array<i32>} : memref<128x128xf32, #tpu.memory_space<vmem>>, vector<1x16xf32>,
        %get3A_91 = vector.shape_cast %get3A_90 : vector<1x16xf32> to vector<16xf32>
        %get3A_92 = arith.index_cast %scan3A_56 : i32 to index
        %get3A_93 = arith.constant 32 : index
        %get3A_94 = tpu.vector_load %arg7[%get3A_92, %get3A_93] {strides = array<i32>} : memref<128x128xf32, #tpu.memory_space<vmem>>, vector<1x16xf32>,
        %get3A_95 = vector.shape_cast %get3A_94 : vector<1x16xf32> to vector<16xf32>
        %add3A_96 = arith.addf %get3A_91, %get3A_95 : vector<16xf32>
        %max3A_97 = arith.constant 0.000000e+00 : f32
        %max3A_98 = vector.broadcast %max3A_97 : f32 to vector<16xf32>
        %max3A_99 = arith.maximumf %add3A_96, %max3A_98 : vector<16xf32>
        %swap3A_100 = arith.index_cast %scan3A_56 : i32 to index
        %swap3A_101 = arith.constant 32 : index
        %swap3A_102 = tpu.vector_load %arg8[%swap3A_100, %swap3A_101] {strides = array<i32>} : memref<128x128xf32, #tpu.memory_space<vmem>>, vector<1x16xf32>,
        %swap3A_103 = vector.shape_cast %swap3A_102 : vector<1x16xf32> to vector<16xf32>
        %swap3A_104 = vector.shape_cast %max3A_99 : vector<16xf32> to vector<1x16xf32>
        tpu.vector_store %arg8[%swap3A_100, %swap3A_101], %swap3A_104 {strides = array<i32>} : memref<128x128xf32, #tpu.memory_space<vmem>>, vector<1x16xf32>,
        %get3A_105 = arith.index_cast %scan3A_56 : i32 to index
        %get3A_106 = arith.constant 48 : index
        %get3A_107 = tpu.vector_load %arg8[%get3A_105, %get3A_106] {strides = array<i32>} : memref<128x128xf32, #tpu.memory_space<vmem>>, vector<1x16xf32>,
        %get3A_108 = vector.shape_cast %get3A_107 : vector<1x16xf32> to vector<16xf32>
        %get3A_109 = arith.index_cast %scan3A_56 : i32 to index
        %get3A_110 = arith.constant 48 : index
        %get3A_111 = tpu.vector_load %arg7[%get3A_109, %get3A_110] {strides = array<i32>} : memref<128x128xf32, #tpu.memory_space<vmem>>, vector<1x16xf32>,
        %get3A_112 = vector.shape_cast %get3A_111 : vector<1x16xf32> to vector<16xf32>
        %add3A_113 = arith.addf %get3A_108, %get3A_112 : vector<16xf32>
        %max3A_114 = arith.constant 0.000000e+00 : f32
        %max3A_115 = vector.broadcast %max3A_114 : f32 to vector<16xf32>
        %max3A_116 = arith.maximumf %add3A_113, %max3A_115 : vector<16xf32>
        %swap3A_117 = arith.index_cast %scan3A_56 : i32 to index
        %swap3A_118 = arith.constant 48 : index
        %swap3A_119 = tpu.vector_load %arg8[%swap3A_117, %swap3A_118] {strides = array<i32>} : memref<128x128xf32, #tpu.memory_space<vmem>>, vector<1x16xf32>,
        %swap3A_120 = vector.shape_cast %swap3A_119 : vector<1x16xf32> to vector<16xf32>
        %swap3A_121 = vector.shape_cast %max3A_116 : vector<16xf32> to vector<1x16xf32>
        tpu.vector_store %arg8[%swap3A_117, %swap3A_118], %swap3A_121 {strides = array<i32>} : memref<128x128xf32, #tpu.memory_space<vmem>>, vector<1x16xf32>,
        %get3A_122 = arith.index_cast %scan3A_56 : i32 to index
        %get3A_123 = arith.constant 64 : index
        %get3A_124 = tpu.vector_load %arg8[%get3A_122, %get3A_123] {strides = array<i32>} : memref<128x128xf32, #tpu.memory_space<vmem>>, vector<1x16xf32>,
        %get3A_125 = vector.shape_cast %get3A_124 : vector<1x16xf32> to vector<16xf32>
        %get3A_126 = arith.index_cast %scan3A_56 : i32 to index
        %get3A_127 = arith.constant 64 : index
        %get3A_128 = tpu.vector_load %arg7[%get3A_126, %get3A_127] {strides = array<i32>} : memref<128x128xf32, #tpu.memory_space<vmem>>, vector<1x16xf32>,
        %get3A_129 = vector.shape_cast %get3A_128 : vector<1x16xf32> to vector<16xf32>
        %add3A_130 = arith.addf %get3A_125, %get3A_129 : vector<16xf32>
        %max3A_131 = arith.constant 0.000000e+00 : f32
        %max3A_132 = vector.broadcast %max3A_131 : f32 to vector<16xf32>
        %max3A_133 = arith.maximumf %add3A_130, %max3A_132 : vector<16xf32>
        %swap3A_134 = arith.index_cast %scan3A_56 : i32 to index
        %swap3A_135 = arith.constant 64 : index
        %swap3A_136 = tpu.vector_load %arg8[%swap3A_134, %swap3A_135] {strides = array<i32>} : memref<128x128xf32, #tpu.memory_space<vmem>>, vector<1x16xf32>,
        %swap3A_137 = vector.shape_cast %swap3A_136 : vector<1x16xf32> to vector<16xf32>
        %swap3A_138 = vector.shape_cast %max3A_133 : vector<16xf32> to vector<1x16xf32>
        tpu.vector_store %arg8[%swap3A_134, %swap3A_135], %swap3A_138 {strides = array<i32>} : memref<128x128xf32, #tpu.memory_space<vmem>>, vector<1x16xf32>,
        %get3A_139 = arith.index_cast %scan3A_56 : i32 to index
        %get3A_140 = arith.constant 80 : index
        %get3A_141 = tpu.vector_load %arg8[%get3A_139, %get3A_140] {strides = array<i32>} : memref<128x128xf32, #tpu.memory_space<vmem>>, vector<1x16xf32>,
        %get3A_142 = vector.shape_cast %get3A_141 : vector<1x16xf32> to vector<16xf32>
        %get3A_143 = arith.index_cast %scan3A_56 : i32 to index
        %get3A_144 = arith.constant 80 : index
        %get3A_145 = tpu.vector_load %arg7[%get3A_143, %get3A_144] {strides = array<i32>} : memref<128x128xf32, #tpu.memory_space<vmem>>, vector<1x16xf32>,
        %get3A_146 = vector.shape_cast %get3A_145 : vector<1x16xf32> to vector<16xf32>
        %add3A_147 = arith.addf %get3A_142, %get3A_146 : vector<16xf32>
        %max3A_148 = arith.constant 0.000000e+00 : f32
        %max3A_149 = vector.broadcast %max3A_148 : f32 to vector<16xf32>
        %max3A_150 = arith.maximumf %add3A_147, %max3A_149 : vector<16xf32>
        %swap3A_151 = arith.index_cast %scan3A_56 : i32 to index
        %swap3A_152 = arith.constant 80 : index
        %swap3A_153 = tpu.vector_load %arg8[%swap3A_151, %swap3A_152] {strides = array<i32>} : memref<128x128xf32, #tpu.memory_space<vmem>>, vector<1x16xf32>,
        %swap3A_154 = vector.shape_cast %swap3A_153 : vector<1x16xf32> to vector<16xf32>
        %swap3A_155 = vector.shape_cast %max3A_150 : vector<16xf32> to vector<1x16xf32>
        tpu.vector_store %arg8[%swap3A_151, %swap3A_152], %swap3A_155 {strides = array<i32>} : memref<128x128xf32, #tpu.memory_space<vmem>>, vector<1x16xf32>,
        %get3A_156 = arith.index_cast %scan3A_56 : i32 to index
        %get3A_157 = arith.constant 96 : index
        %get3A_158 = tpu.vector_load %arg8[%get3A_156, %get3A_157] {strides = array<i32>} : memref<128x128xf32, #tpu.memory_space<vmem>>, vector<1x16xf32>,
        %get3A_159 = vector.shape_cast %get3A_158 : vector<1x16xf32> to vector<16xf32>
        %get3A_160 = arith.index_cast %scan3A_56 : i32 to index
        %get3A_161 = arith.constant 96 : index
        %get3A_162 = tpu.vector_load %arg7[%get3A_160, %get3A_161] {strides = array<i32>} : memref<128x128xf32, #tpu.memory_space<vmem>>, vector<1x16xf32>,
        %get3A_163 = vector.shape_cast %get3A_162 : vector<1x16xf32> to vector<16xf32>
        %add3A_164 = arith.addf %get3A_159, %get3A_163 : vector<16xf32>
        %max3A_165 = arith.constant 0.000000e+00 : f32
        %max3A_166 = vector.broadcast %max3A_165 : f32 to vector<16xf32>
        %max3A_167 = arith.maximumf %add3A_164, %max3A_166 : vector<16xf32>
        %swap3A_168 = arith.index_cast %scan3A_56 : i32 to index
        %swap3A_169 = arith.constant 96 : index
        %swap3A_170 = tpu.vector_load %arg8[%swap3A_168, %swap3A_169] {strides = array<i32>} : memref<128x128xf32, #tpu.memory_space<vmem>>, vector<1x16xf32>,
        %swap3A_171 = vector.shape_cast %swap3A_170 : vector<1x16xf32> to vector<16xf32>
        %swap3A_172 = vector.shape_cast %max3A_167 : vector<16xf32> to vector<1x16xf32>
        tpu.vector_store %arg8[%swap3A_168, %swap3A_169], %swap3A_172 {strides = array<i32>} : memref<128x128xf32, #tpu.memory_space<vmem>>, vector<1x16xf32>,
        %get3A_173 = arith.index_cast %scan3A_56 : i32 to index
        %get3A_174 = arith.constant 112 : index
        %get3A_175 = tpu.vector_load %arg8[%get3A_173, %get3A_174] {strides = array<i32>} : memref<128x128xf32, #tpu.memory_space<vmem>>, vector<1x16xf32>,
        %get3A_176 = vector.shape_cast %get3A_175 : vector<1x16xf32> to vector<16xf32>
        %get3A_177 = arith.index_cast %scan3A_56 : i32 to index
        %get3A_178 = arith.constant 112 : index
        %get3A_179 = tpu.vector_load %arg7[%get3A_177, %get3A_178] {strides = array<i32>} : memref<128x128xf32, #tpu.memory_space<vmem>>, vector<1x16xf32>,
        %get3A_180 = vector.shape_cast %get3A_179 : vector<1x16xf32> to vector<16xf32>
        %add3A_181 = arith.addf %get3A_176, %get3A_180 : vector<16xf32>
        %max3A_182 = arith.constant 0.000000e+00 : f32
        %max3A_183 = vector.broadcast %max3A_182 : f32 to vector<16xf32>
        %max3A_184 = arith.maximumf %add3A_181, %max3A_183 : vector<16xf32>
        %swap3A_185 = arith.index_cast %scan3A_56 : i32 to index
        %swap3A_186 = arith.constant 112 : index
        %swap3A_187 = tpu.vector_load %arg8[%swap3A_185, %swap3A_186] {strides = array<i32>} : memref<128x128xf32, #tpu.memory_space<vmem>>, vector<1x16xf32>,
        %swap3A_188 = vector.shape_cast %swap3A_187 : vector<1x16xf32> to vector<16xf32>
        %swap3A_189 = vector.shape_cast %max3A_184 : vector<16xf32> to vector<1x16xf32>
        tpu.vector_store %arg8[%swap3A_185, %swap3A_186], %swap3A_189 {strides = array<i32>} : memref<128x128xf32, #tpu.memory_space<vmem>>, vector<1x16xf32>,
      }
      %scan3A_55 = arith.constant 128 : i32
      "tpu.region"() ({
        %run_scoped3A = tpu.sem_alloc : memref<!tpu.dma_semaphore, #tpu.memory_space<semaphore_mem>>
        %dma_start3A_56 = arith.constant 0 : i32
        %dma_start3A_57 = tpu.memref_slice %arg10[%scan3A_36, %dma_start3A_56] : memref<40x128xi32, #tpu.memory_space<vmem>> -> memref<1x128xi32, #tpu.memory_space<vmem>>
        %dma_start3A_58 = tpu.memref_squeeze %dma_start3A_57 : memref<1x128xi32, #tpu.memory_space<vmem>> -> memref<128xi32, #tpu.memory_space<vmem>>
        %dma_start3A_59 = arith.constant 0 : i32
        %dma_start3A_60 = arith.constant 0 : i32
        %dma_start3A_61 = tpu.memref_slice %arg11[%dma_start3A_59, %dma_start3A_60] : memref<10000x128xf32, #tpu.memory_space<vmem_shared>> -> memref<10000x128xf32, #tpu.memory_space<vmem_shared>>
        tpu.enqueue_indirect_dma source(%arg8 : memref<128x128xf32, #tpu.memory_space<vmem>>) target(%dma_start3A_61 : memref<10000x128xf32, #tpu.memory_space<vmem_shared>>) offsets(%dma_start3A_58 : memref<128xi32, #tpu.memory_space<vmem>>) semaphore(%run_scoped3A : memref<!tpu.dma_semaphore, #tpu.memory_space<semaphore_mem>>) {add = true}
        %dma_wait3A_62 = arith.constant 0 : i32
        %dma_wait3A_63 = tpu.memref_slice %arg10[%scan3A_36, %dma_wait3A_62] : memref<40x128xi32, #tpu.memory_space<vmem>> -> memref<1x128xi32, #tpu.memory_space<vmem>>
        %dma_wait3A_64 = tpu.memref_squeeze %dma_wait3A_63 : memref<1x128xi32, #tpu.memory_space<vmem>> -> memref<128xi32, #tpu.memory_space<vmem>>
        %dma_wait3A_65 = arith.constant 0 : i32
        %dma_wait3A_66 = arith.constant 0 : i32
        %dma_wait3A_67 = tpu.memref_slice %arg11[%dma_wait3A_65, %dma_wait3A_66] : memref<10000x128xf32, #tpu.memory_space<vmem_shared>> -> memref<10000x128xf32, #tpu.memory_space<vmem_shared>>
        tpu.wait_indirect_dma semaphore(%run_scoped3A : memref<!tpu.dma_semaphore, #tpu.memory_space<semaphore_mem>>) src(%arg8 : memref<128x128xf32, #tpu.memory_space<vmem>>) dst(%dma_wait3A_67 : memref<10000x128xf32, #tpu.memory_space<vmem_shared>>)
        tpu.yield
      }) : () -> ()
    }
    %scan3A_18 = arith.constant 40 : i32
    "tpu.region"() ({
      %run_scoped3A = tpu.sem_alloc : memref<!tpu.dma_semaphore, #tpu.memory_space<semaphore_mem>>
      %dma_start3A = arith.constant 40 : i32
      %dma_start3A_36 = arith.constant 0 : i32
      %dma_start3A_37 = tpu.memref_slice %arg3[%arg0, %arg1, %dma_start3A, %dma_start3A_36] : memref<2x16x80x128xi32, #tpu.memory_space<hbm>> -> memref<1x1x40x128xi32, #tpu.memory_space<hbm>>
      %dma_start3A_38 = tpu.memref_squeeze %dma_start3A_37 : memref<1x1x40x128xi32, #tpu.memory_space<hbm>> -> memref<40x128xi32, #tpu.memory_space<hbm>>
      %dma_start3A_39 = arith.constant 40 : i32
      %dma_start3A_40 = arith.constant 0 : i32
      %dma_start3A_41 = tpu.memref_slice %arg3[%arg0, %arg1, %dma_start3A_39, %dma_start3A_40] : memref<2x16x80x128xi32, #tpu.memory_space<hbm>> -> memref<1x1x40x128xi32, #tpu.memory_space<hbm>>
      %dma_start3A_42 = tpu.memref_squeeze %dma_start3A_41 : memref<1x1x40x128xi32, #tpu.memory_space<hbm>> -> memref<40x128xi32, #tpu.memory_space<hbm>>
      tpu.enqueue_dma source(%dma_start3A_42 : memref<40x128xi32, #tpu.memory_space<hbm>>) target(%arg9 : memref<40x128xi32, #tpu.memory_space<vmem>>) target_semaphore(%run_scoped3A : memref<!tpu.dma_semaphore, #tpu.memory_space<semaphore_mem>>)
      %dma_wait3A = arith.constant 40 : i32
      %dma_wait3A_43 = arith.constant 0 : i32
      %dma_wait3A_44 = tpu.memref_slice %arg3[%arg0, %arg1, %dma_wait3A, %dma_wait3A_43] : memref<2x16x80x128xi32, #tpu.memory_space<hbm>> -> memref<1x1x40x128xi32, #tpu.memory_space<hbm>>
      %dma_wait3A_45 = tpu.memref_squeeze %dma_wait3A_44 : memref<1x1x40x128xi32, #tpu.memory_space<hbm>> -> memref<40x128xi32, #tpu.memory_space<hbm>>
      %dma_wait3A_46 = arith.constant 40 : i32
      %dma_wait3A_47 = arith.constant 0 : i32
      %dma_wait3A_48 = tpu.memref_slice %arg3[%arg0, %arg1, %dma_wait3A_46, %dma_wait3A_47] : memref<2x16x80x128xi32, #tpu.memory_space<hbm>> -> memref<1x1x40x128xi32, #tpu.memory_space<hbm>>
      %dma_wait3A_49 = tpu.memref_squeeze %dma_wait3A_48 : memref<1x1x40x128xi32, #tpu.memory_space<hbm>> -> memref<40x128xi32, #tpu.memory_space<hbm>>
      tpu.wait_dma2 semaphore(%run_scoped3A : memref<!tpu.dma_semaphore, #tpu.memory_space<semaphore_mem>>) src(%dma_wait3A_49 : memref<40x128xi32, #tpu.memory_space<hbm>>) dst(%arg9 : memref<40x128xi32, #tpu.memory_space<vmem>>)
      tpu.yield
    }) : () -> ()
    "tpu.region"() ({
      %run_scoped3A = tpu.sem_alloc : memref<!tpu.dma_semaphore, #tpu.memory_space<semaphore_mem>>
      %dma_start3A = arith.constant 40 : i32
      %dma_start3A_36 = arith.constant 0 : i32
      %dma_start3A_37 = tpu.memref_slice %arg4[%arg0, %arg1, %dma_start3A, %dma_start3A_36] : memref<2x16x80x128xi32, #tpu.memory_space<hbm>> -> memref<1x1x40x128xi32, #tpu.memory_space<hbm>>
      %dma_start3A_38 = tpu.memref_squeeze %dma_start3A_37 : memref<1x1x40x128xi32, #tpu.memory_space<hbm>> -> memref<40x128xi32, #tpu.memory_space<hbm>>
      %dma_start3A_39 = arith.constant 40 : i32
      %dma_start3A_40 = arith.constant 0 : i32
      %dma_start3A_41 = tpu.memref_slice %arg4[%arg0, %arg1, %dma_start3A_39, %dma_start3A_40] : memref<2x16x80x128xi32, #tpu.memory_space<hbm>> -> memref<1x1x40x128xi32, #tpu.memory_space<hbm>>
      %dma_start3A_42 = tpu.memref_squeeze %dma_start3A_41 : memref<1x1x40x128xi32, #tpu.memory_space<hbm>> -> memref<40x128xi32, #tpu.memory_space<hbm>>
      tpu.enqueue_dma source(%dma_start3A_42 : memref<40x128xi32, #tpu.memory_space<hbm>>) target(%arg10 : memref<40x128xi32, #tpu.memory_space<vmem>>) target_semaphore(%run_scoped3A : memref<!tpu.dma_semaphore, #tpu.memory_space<semaphore_mem>>)
      %dma_wait3A = arith.constant 40 : i32
      %dma_wait3A_43 = arith.constant 0 : i32
      %dma_wait3A_44 = tpu.memref_slice %arg4[%arg0, %arg1, %dma_wait3A, %dma_wait3A_43] : memref<2x16x80x128xi32, #tpu.memory_space<hbm>> -> memref<1x1x40x128xi32, #tpu.memory_space<hbm>>
      %dma_wait3A_45 = tpu.memref_squeeze %dma_wait3A_44 : memref<1x1x40x128xi32, #tpu.memory_space<hbm>> -> memref<40x128xi32, #tpu.memory_space<hbm>>
      %dma_wait3A_46 = arith.constant 40 : i32
      %dma_wait3A_47 = arith.constant 0 : i32
      %dma_wait3A_48 = tpu.memref_slice %arg4[%arg0, %arg1, %dma_wait3A_46, %dma_wait3A_47] : memref<2x16x80x128xi32, #tpu.memory_space<hbm>> -> memref<1x1x40x128xi32, #tpu.memory_space<hbm>>
      %dma_wait3A_49 = tpu.memref_squeeze %dma_wait3A_48 : memref<1x1x40x128xi32, #tpu.memory_space<hbm>> -> memref<40x128xi32, #tpu.memory_space<hbm>>
      tpu.wait_dma2 semaphore(%run_scoped3A : memref<!tpu.dma_semaphore, #tpu.memory_space<semaphore_mem>>) src(%dma_wait3A_49 : memref<40x128xi32, #tpu.memory_space<hbm>>) dst(%arg10 : memref<40x128xi32, #tpu.memory_space<vmem>>)
      tpu.yield
    }) : () -> ()
    %scan3A_19 = arith.constant 0 : i32
    %scan3A_20 = arith.constant 0 : i32
    %scan3A_21 = arith.constant 40 : i32
    %scan3A_22 = arith.addi %scan3A_20, %scan3A_21 : i32
    %scan3A_23 = arith.constant 1 : i32
    scf.for %scan3A_36 = %scan3A_20 to %scan3A_22 step %scan3A_23  : i32 {
      %add3A = arith.constant 40 : i32
      %add3A_37 = arith.addi %add3A, %scan3A_36 : i32
      %mul3A_38 = arith.constant 128 : i32
      %mul3A_39 = arith.muli %add3A_37, %mul3A_38 : i32
      "tpu.region"() ({
        %run_scoped3A = tpu.sem_alloc : memref<!tpu.dma_semaphore, #tpu.memory_space<semaphore_mem>>
        %dma_start3A_56 = arith.constant 0 : i32
        %dma_start3A_57 = tpu.memref_slice %arg2[%arg0, %arg1, %mul3A_39, %dma_start3A_56] : memref<2x16x10240x128xf32, #tpu.memory_space<hbm>> -> memref<1x1x128x128xf32, #tpu.memory_space<hbm>>
        %dma_start3A_58 = tpu.memref_squeeze %dma_start3A_57 : memref<1x1x128x128xf32, #tpu.memory_space<hbm>> -> memref<128x128xf32, #tpu.memory_space<hbm>>
        %dma_start3A_59 = arith.constant 0 : i32
        %dma_start3A_60 = tpu.memref_slice %arg2[%arg0, %arg1, %mul3A_39, %dma_start3A_59] : memref<2x16x10240x128xf32, #tpu.memory_space<hbm>> -> memref<1x1x128x128xf32, #tpu.memory_space<hbm>>
        %dma_start3A_61 = tpu.memref_squeeze %dma_start3A_60 : memref<1x1x128x128xf32, #tpu.memory_space<hbm>> -> memref<128x128xf32, #tpu.memory_space<hbm>>
        tpu.enqueue_dma source(%dma_start3A_61 : memref<128x128xf32, #tpu.memory_space<hbm>>) target(%arg7 : memref<128x128xf32, #tpu.memory_space<vmem>>) target_semaphore(%run_scoped3A : memref<!tpu.dma_semaphore, #tpu.memory_space<semaphore_mem>>)
        %dma_wait3A_62 = arith.constant 0 : i32
        %dma_wait3A_63 = tpu.memref_slice %arg2[%arg0, %arg1, %mul3A_39, %dma_wait3A_62] : memref<2x16x10240x128xf32, #tpu.memory_space<hbm>> -> memref<1x1x128x128xf32, #tpu.memory_space<hbm>>
        %dma_wait3A_64 = tpu.memref_squeeze %dma_wait3A_63 : memref<1x1x128x128xf32, #tpu.memory_space<hbm>> -> memref<128x128xf32, #tpu.memory_space<hbm>>
        %dma_wait3A_65 = arith.constant 0 : i32
        %dma_wait3A_66 = tpu.memref_slice %arg2[%arg0, %arg1, %mul3A_39, %dma_wait3A_65] : memref<2x16x10240x128xf32, #tpu.memory_space<hbm>> -> memref<1x1x128x128xf32, #tpu.memory_space<hbm>>
        %dma_wait3A_67 = tpu.memref_squeeze %dma_wait3A_66 : memref<1x1x128x128xf32, #tpu.memory_space<hbm>> -> memref<128x128xf32, #tpu.memory_space<hbm>>
        tpu.wait_dma2 semaphore(%run_scoped3A : memref<!tpu.dma_semaphore, #tpu.memory_space<semaphore_mem>>) src(%dma_wait3A_67 : memref<128x128xf32, #tpu.memory_space<hbm>>) dst(%arg7 : memref<128x128xf32, #tpu.memory_space<vmem>>)
        tpu.yield
      }) : () -> ()
      %dma_start3A = arith.constant 0 : i32
      %dma_start3A_40 = tpu.memref_slice %arg9[%scan3A_36, %dma_start3A] : memref<40x128xi32, #tpu.memory_space<vmem>> -> memref<1x128xi32, #tpu.memory_space<vmem>>
      %dma_start3A_41 = tpu.memref_squeeze %dma_start3A_40 : memref<1x128xi32, #tpu.memory_space<vmem>> -> memref<128xi32, #tpu.memory_space<vmem>>
      %dma_start3A_42 = arith.constant 0 : i32
      %dma_start3A_43 = arith.constant 0 : i32
      %dma_start3A_44 = tpu.memref_slice %arg5[%dma_start3A_42, %dma_start3A_43] : memref<10008x128xf32, #tpu.memory_space<hbm>> -> memref<10008x128xf32, #tpu.memory_space<hbm>>
      tpu.enqueue_indirect_dma source(%dma_start3A_44 : memref<10008x128xf32, #tpu.memory_space<hbm>>) target(%arg8 : memref<128x128xf32, #tpu.memory_space<vmem>>) offsets(%dma_start3A_41 : memref<128xi32, #tpu.memory_space<vmem>>) semaphore(%arg12 : memref<!tpu.dma_semaphore, #tpu.memory_space<semaphore_mem>>)
      %dma_wait3A = arith.constant 0 : i32
      %dma_wait3A_45 = tpu.memref_slice %arg9[%scan3A_36, %dma_wait3A] : memref<40x128xi32, #tpu.memory_space<vmem>> -> memref<1x128xi32, #tpu.memory_space<vmem>>
      %dma_wait3A_46 = tpu.memref_squeeze %dma_wait3A_45 : memref<1x128xi32, #tpu.memory_space<vmem>> -> memref<128xi32, #tpu.memory_space<vmem>>
      %dma_wait3A_47 = arith.constant 0 : i32
      %dma_wait3A_48 = arith.constant 0 : i32
      %dma_wait3A_49 = tpu.memref_slice %arg5[%dma_wait3A_47, %dma_wait3A_48] : memref<10008x128xf32, #tpu.memory_space<hbm>> -> memref<10008x128xf32, #tpu.memory_space<hbm>>
      tpu.wait_indirect_dma semaphore(%arg12 : memref<!tpu.dma_semaphore, #tpu.memory_space<semaphore_mem>>) src(%dma_wait3A_49 : memref<10008x128xf32, #tpu.memory_space<hbm>>) dst(%arg8 : memref<128x128xf32, #tpu.memory_space<vmem>>)
      %scan3A_50 = arith.constant 0 : i32
      %scan3A_51 = arith.constant 0 : i32
      %scan3A_52 = arith.constant 128 : i32
      %scan3A_53 = arith.addi %scan3A_51, %scan3A_52 : i32
      %scan3A_54 = arith.constant 1 : i32
      scf.for %scan3A_56 = %scan3A_51 to %scan3A_53 step %scan3A_54  : i32 {
        %get3A = arith.index_cast %scan3A_56 : i32 to index
        %get3A_57 = arith.constant 0 : index
        %get3A_58 = tpu.vector_load %arg8[%get3A, %get3A_57] {strides = array<i32>} : memref<128x128xf32, #tpu.memory_space<vmem>>, vector<1x16xf32>,
        %get3A_59 = vector.shape_cast %get3A_58 : vector<1x16xf32> to vector<16xf32>
        %get3A_60 = arith.index_cast %scan3A_56 : i32 to index
        %get3A_61 = arith.constant 0 : index
        %get3A_62 = tpu.vector_load %arg7[%get3A_60, %get3A_61] {strides = array<i32>} : memref<128x128xf32, #tpu.memory_space<vmem>>, vector<1x16xf32>,
        %get3A_63 = vector.shape_cast %get3A_62 : vector<1x16xf32> to vector<16xf32>
        %add3A_64 = arith.addf %get3A_59, %get3A_63 : vector<16xf32>
        %max3A = arith.constant 0.000000e+00 : f32
        %max3A_65 = vector.broadcast %max3A : f32 to vector<16xf32>
        %max3A_66 = arith.maximumf %add3A_64, %max3A_65 : vector<16xf32>
        %swap3A = arith.index_cast %scan3A_56 : i32 to index
        %swap3A_67 = arith.constant 0 : index
        %swap3A_68 = tpu.vector_load %arg8[%swap3A, %swap3A_67] {strides = array<i32>} : memref<128x128xf32, #tpu.memory_space<vmem>>, vector<1x16xf32>,
        %swap3A_69 = vector.shape_cast %swap3A_68 : vector<1x16xf32> to vector<16xf32>
        %swap3A_70 = vector.shape_cast %max3A_66 : vector<16xf32> to vector<1x16xf32>
        tpu.vector_store %arg8[%swap3A, %swap3A_67], %swap3A_70 {strides = array<i32>} : memref<128x128xf32, #tpu.memory_space<vmem>>, vector<1x16xf32>,
        %get3A_71 = arith.index_cast %scan3A_56 : i32 to index
        %get3A_72 = arith.constant 16 : index
        %get3A_73 = tpu.vector_load %arg8[%get3A_71, %get3A_72] {strides = array<i32>} : memref<128x128xf32, #tpu.memory_space<vmem>>, vector<1x16xf32>,
        %get3A_74 = vector.shape_cast %get3A_73 : vector<1x16xf32> to vector<16xf32>
        %get3A_75 = arith.index_cast %scan3A_56 : i32 to index
        %get3A_76 = arith.constant 16 : index
        %get3A_77 = tpu.vector_load %arg7[%get3A_75, %get3A_76] {strides = array<i32>} : memref<128x128xf32, #tpu.memory_space<vmem>>, vector<1x16xf32>,
        %get3A_78 = vector.shape_cast %get3A_77 : vector<1x16xf32> to vector<16xf32>
        %add3A_79 = arith.addf %get3A_74, %get3A_78 : vector<16xf32>
        %max3A_80 = arith.constant 0.000000e+00 : f32
        %max3A_81 = vector.broadcast %max3A_80 : f32 to vector<16xf32>
        %max3A_82 = arith.maximumf %add3A_79, %max3A_81 : vector<16xf32>
        %swap3A_83 = arith.index_cast %scan3A_56 : i32 to index
        %swap3A_84 = arith.constant 16 : index
        %swap3A_85 = tpu.vector_load %arg8[%swap3A_83, %swap3A_84] {strides = array<i32>} : memref<128x128xf32, #tpu.memory_space<vmem>>, vector<1x16xf32>,
        %swap3A_86 = vector.shape_cast %swap3A_85 : vector<1x16xf32> to vector<16xf32>
        %swap3A_87 = vector.shape_cast %max3A_82 : vector<16xf32> to vector<1x16xf32>
        tpu.vector_store %arg8[%swap3A_83, %swap3A_84], %swap3A_87 {strides = array<i32>} : memref<128x128xf32, #tpu.memory_space<vmem>>, vector<1x16xf32>,
        %get3A_88 = arith.index_cast %scan3A_56 : i32 to index
        %get3A_89 = arith.constant 32 : index
        %get3A_90 = tpu.vector_load %arg8[%get3A_88, %get3A_89] {strides = array<i32>} : memref<128x128xf32, #tpu.memory_space<vmem>>, vector<1x16xf32>,
        %get3A_91 = vector.shape_cast %get3A_90 : vector<1x16xf32> to vector<16xf32>
        %get3A_92 = arith.index_cast %scan3A_56 : i32 to index
        %get3A_93 = arith.constant 32 : index
        %get3A_94 = tpu.vector_load %arg7[%get3A_92, %get3A_93] {strides = array<i32>} : memref<128x128xf32, #tpu.memory_space<vmem>>, vector<1x16xf32>,
        %get3A_95 = vector.shape_cast %get3A_94 : vector<1x16xf32> to vector<16xf32>
        %add3A_96 = arith.addf %get3A_91, %get3A_95 : vector<16xf32>
        %max3A_97 = arith.constant 0.000000e+00 : f32
        %max3A_98 = vector.broadcast %max3A_97 : f32 to vector<16xf32>
        %max3A_99 = arith.maximumf %add3A_96, %max3A_98 : vector<16xf32>
        %swap3A_100 = arith.index_cast %scan3A_56 : i32 to index
        %swap3A_101 = arith.constant 32 : index
        %swap3A_102 = tpu.vector_load %arg8[%swap3A_100, %swap3A_101] {strides = array<i32>} : memref<128x128xf32, #tpu.memory_space<vmem>>, vector<1x16xf32>,
        %swap3A_103 = vector.shape_cast %swap3A_102 : vector<1x16xf32> to vector<16xf32>
        %swap3A_104 = vector.shape_cast %max3A_99 : vector<16xf32> to vector<1x16xf32>
        tpu.vector_store %arg8[%swap3A_100, %swap3A_101], %swap3A_104 {strides = array<i32>} : memref<128x128xf32, #tpu.memory_space<vmem>>, vector<1x16xf32>,
        %get3A_105 = arith.index_cast %scan3A_56 : i32 to index
        %get3A_106 = arith.constant 48 : index
        %get3A_107 = tpu.vector_load %arg8[%get3A_105, %get3A_106] {strides = array<i32>} : memref<128x128xf32, #tpu.memory_space<vmem>>, vector<1x16xf32>,
        %get3A_108 = vector.shape_cast %get3A_107 : vector<1x16xf32> to vector<16xf32>
        %get3A_109 = arith.index_cast %scan3A_56 : i32 to index
        %get3A_110 = arith.constant 48 : index
        %get3A_111 = tpu.vector_load %arg7[%get3A_109, %get3A_110] {strides = array<i32>} : memref<128x128xf32, #tpu.memory_space<vmem>>, vector<1x16xf32>,
        %get3A_112 = vector.shape_cast %get3A_111 : vector<1x16xf32> to vector<16xf32>
        %add3A_113 = arith.addf %get3A_108, %get3A_112 : vector<16xf32>
        %max3A_114 = arith.constant 0.000000e+00 : f32
        %max3A_115 = vector.broadcast %max3A_114 : f32 to vector<16xf32>
        %max3A_116 = arith.maximumf %add3A_113, %max3A_115 : vector<16xf32>
        %swap3A_117 = arith.index_cast %scan3A_56 : i32 to index
        %swap3A_118 = arith.constant 48 : index
        %swap3A_119 = tpu.vector_load %arg8[%swap3A_117, %swap3A_118] {strides = array<i32>} : memref<128x128xf32, #tpu.memory_space<vmem>>, vector<1x16xf32>,
        %swap3A_120 = vector.shape_cast %swap3A_119 : vector<1x16xf32> to vector<16xf32>
        %swap3A_121 = vector.shape_cast %max3A_116 : vector<16xf32> to vector<1x16xf32>
        tpu.vector_store %arg8[%swap3A_117, %swap3A_118], %swap3A_121 {strides = array<i32>} : memref<128x128xf32, #tpu.memory_space<vmem>>, vector<1x16xf32>,
        %get3A_122 = arith.index_cast %scan3A_56 : i32 to index
        %get3A_123 = arith.constant 64 : index
        %get3A_124 = tpu.vector_load %arg8[%get3A_122, %get3A_123] {strides = array<i32>} : memref<128x128xf32, #tpu.memory_space<vmem>>, vector<1x16xf32>,
        %get3A_125 = vector.shape_cast %get3A_124 : vector<1x16xf32> to vector<16xf32>
        %get3A_126 = arith.index_cast %scan3A_56 : i32 to index
        %get3A_127 = arith.constant 64 : index
        %get3A_128 = tpu.vector_load %arg7[%get3A_126, %get3A_127] {strides = array<i32>} : memref<128x128xf32, #tpu.memory_space<vmem>>, vector<1x16xf32>,
        %get3A_129 = vector.shape_cast %get3A_128 : vector<1x16xf32> to vector<16xf32>
        %add3A_130 = arith.addf %get3A_125, %get3A_129 : vector<16xf32>
        %max3A_131 = arith.constant 0.000000e+00 : f32
        %max3A_132 = vector.broadcast %max3A_131 : f32 to vector<16xf32>
        %max3A_133 = arith.maximumf %add3A_130, %max3A_132 : vector<16xf32>
        %swap3A_134 = arith.index_cast %scan3A_56 : i32 to index
        %swap3A_135 = arith.constant 64 : index
        %swap3A_136 = tpu.vector_load %arg8[%swap3A_134, %swap3A_135] {strides = array<i32>} : memref<128x128xf32, #tpu.memory_space<vmem>>, vector<1x16xf32>,
        %swap3A_137 = vector.shape_cast %swap3A_136 : vector<1x16xf32> to vector<16xf32>
        %swap3A_138 = vector.shape_cast %max3A_133 : vector<16xf32> to vector<1x16xf32>
        tpu.vector_store %arg8[%swap3A_134, %swap3A_135], %swap3A_138 {strides = array<i32>} : memref<128x128xf32, #tpu.memory_space<vmem>>, vector<1x16xf32>,
        %get3A_139 = arith.index_cast %scan3A_56 : i32 to index
        %get3A_140 = arith.constant 80 : index
        %get3A_141 = tpu.vector_load %arg8[%get3A_139, %get3A_140] {strides = array<i32>} : memref<128x128xf32, #tpu.memory_space<vmem>>, vector<1x16xf32>,
        %get3A_142 = vector.shape_cast %get3A_141 : vector<1x16xf32> to vector<16xf32>
        %get3A_143 = arith.index_cast %scan3A_56 : i32 to index
        %get3A_144 = arith.constant 80 : index
        %get3A_145 = tpu.vector_load %arg7[%get3A_143, %get3A_144] {strides = array<i32>} : memref<128x128xf32, #tpu.memory_space<vmem>>, vector<1x16xf32>,
        %get3A_146 = vector.shape_cast %get3A_145 : vector<1x16xf32> to vector<16xf32>
        %add3A_147 = arith.addf %get3A_142, %get3A_146 : vector<16xf32>
        %max3A_148 = arith.constant 0.000000e+00 : f32
        %max3A_149 = vector.broadcast %max3A_148 : f32 to vector<16xf32>
        %max3A_150 = arith.maximumf %add3A_147, %max3A_149 : vector<16xf32>
        %swap3A_151 = arith.index_cast %scan3A_56 : i32 to index
        %swap3A_152 = arith.constant 80 : index
        %swap3A_153 = tpu.vector_load %arg8[%swap3A_151, %swap3A_152] {strides = array<i32>} : memref<128x128xf32, #tpu.memory_space<vmem>>, vector<1x16xf32>,
        %swap3A_154 = vector.shape_cast %swap3A_153 : vector<1x16xf32> to vector<16xf32>
        %swap3A_155 = vector.shape_cast %max3A_150 : vector<16xf32> to vector<1x16xf32>
        tpu.vector_store %arg8[%swap3A_151, %swap3A_152], %swap3A_155 {strides = array<i32>} : memref<128x128xf32, #tpu.memory_space<vmem>>, vector<1x16xf32>,
        %get3A_156 = arith.index_cast %scan3A_56 : i32 to index
        %get3A_157 = arith.constant 96 : index
        %get3A_158 = tpu.vector_load %arg8[%get3A_156, %get3A_157] {strides = array<i32>} : memref<128x128xf32, #tpu.memory_space<vmem>>, vector<1x16xf32>,
        %get3A_159 = vector.shape_cast %get3A_158 : vector<1x16xf32> to vector<16xf32>
        %get3A_160 = arith.index_cast %scan3A_56 : i32 to index
        %get3A_161 = arith.constant 96 : index
        %get3A_162 = tpu.vector_load %arg7[%get3A_160, %get3A_161] {strides = array<i32>} : memref<128x128xf32, #tpu.memory_space<vmem>>, vector<1x16xf32>,
        %get3A_163 = vector.shape_cast %get3A_162 : vector<1x16xf32> to vector<16xf32>
        %add3A_164 = arith.addf %get3A_159, %get3A_163 : vector<16xf32>
        %max3A_165 = arith.constant 0.000000e+00 : f32
        %max3A_166 = vector.broadcast %max3A_165 : f32 to vector<16xf32>
        %max3A_167 = arith.maximumf %add3A_164, %max3A_166 : vector<16xf32>
        %swap3A_168 = arith.index_cast %scan3A_56 : i32 to index
        %swap3A_169 = arith.constant 96 : index
        %swap3A_170 = tpu.vector_load %arg8[%swap3A_168, %swap3A_169] {strides = array<i32>} : memref<128x128xf32, #tpu.memory_space<vmem>>, vector<1x16xf32>,
        %swap3A_171 = vector.shape_cast %swap3A_170 : vector<1x16xf32> to vector<16xf32>
        %swap3A_172 = vector.shape_cast %max3A_167 : vector<16xf32> to vector<1x16xf32>
        tpu.vector_store %arg8[%swap3A_168, %swap3A_169], %swap3A_172 {strides = array<i32>} : memref<128x128xf32, #tpu.memory_space<vmem>>, vector<1x16xf32>,
        %get3A_173 = arith.index_cast %scan3A_56 : i32 to index
        %get3A_174 = arith.constant 112 : index
        %get3A_175 = tpu.vector_load %arg8[%get3A_173, %get3A_174] {strides = array<i32>} : memref<128x128xf32, #tpu.memory_space<vmem>>, vector<1x16xf32>,
        %get3A_176 = vector.shape_cast %get3A_175 : vector<1x16xf32> to vector<16xf32>
        %get3A_177 = arith.index_cast %scan3A_56 : i32 to index
        %get3A_178 = arith.constant 112 : index
        %get3A_179 = tpu.vector_load %arg7[%get3A_177, %get3A_178] {strides = array<i32>} : memref<128x128xf32, #tpu.memory_space<vmem>>, vector<1x16xf32>,
        %get3A_180 = vector.shape_cast %get3A_179 : vector<1x16xf32> to vector<16xf32>
        %add3A_181 = arith.addf %get3A_176, %get3A_180 : vector<16xf32>
        %max3A_182 = arith.constant 0.000000e+00 : f32
        %max3A_183 = vector.broadcast %max3A_182 : f32 to vector<16xf32>
        %max3A_184 = arith.maximumf %add3A_181, %max3A_183 : vector<16xf32>
        %swap3A_185 = arith.index_cast %scan3A_56 : i32 to index
        %swap3A_186 = arith.constant 112 : index
        %swap3A_187 = tpu.vector_load %arg8[%swap3A_185, %swap3A_186] {strides = array<i32>} : memref<128x128xf32, #tpu.memory_space<vmem>>, vector<1x16xf32>,
        %swap3A_188 = vector.shape_cast %swap3A_187 : vector<1x16xf32> to vector<16xf32>
        %swap3A_189 = vector.shape_cast %max3A_184 : vector<16xf32> to vector<1x16xf32>
        tpu.vector_store %arg8[%swap3A_185, %swap3A_186], %swap3A_189 {strides = array<i32>} : memref<128x128xf32, #tpu.memory_space<vmem>>, vector<1x16xf32>,
      }
      %scan3A_55 = arith.constant 128 : i32
      "tpu.region"() ({
        %run_scoped3A = tpu.sem_alloc : memref<!tpu.dma_semaphore, #tpu.memory_space<semaphore_mem>>
        %dma_start3A_56 = arith.constant 0 : i32
        %dma_start3A_57 = tpu.memref_slice %arg10[%scan3A_36, %dma_start3A_56] : memref<40x128xi32, #tpu.memory_space<vmem>> -> memref<1x128xi32, #tpu.memory_space<vmem>>
        %dma_start3A_58 = tpu.memref_squeeze %dma_start3A_57 : memref<1x128xi32, #tpu.memory_space<vmem>> -> memref<128xi32, #tpu.memory_space<vmem>>
        %dma_start3A_59 = arith.constant 0 : i32
        %dma_start3A_60 = arith.constant 0 : i32
        %dma_start3A_61 = tpu.memref_slice %arg11[%dma_start3A_59, %dma_start3A_60] : memref<10000x128xf32, #tpu.memory_space<vmem_shared>> -> memref<10000x128xf32, #tpu.memory_space<vmem_shared>>
        tpu.enqueue_indirect_dma source(%arg8 : memref<128x128xf32, #tpu.memory_space<vmem>>) target(%dma_start3A_61 : memref<10000x128xf32, #tpu.memory_space<vmem_shared>>) offsets(%dma_start3A_58 : memref<128xi32, #tpu.memory_space<vmem>>) semaphore(%run_scoped3A : memref<!tpu.dma_semaphore, #tpu.memory_space<semaphore_mem>>) {add = true}
        %dma_wait3A_62 = arith.constant 0 : i32
        %dma_wait3A_63 = tpu.memref_slice %arg10[%scan3A_36, %dma_wait3A_62] : memref<40x128xi32, #tpu.memory_space<vmem>> -> memref<1x128xi32, #tpu.memory_space<vmem>>
        %dma_wait3A_64 = tpu.memref_squeeze %dma_wait3A_63 : memref<1x128xi32, #tpu.memory_space<vmem>> -> memref<128xi32, #tpu.memory_space<vmem>>
        %dma_wait3A_65 = arith.constant 0 : i32
        %dma_wait3A_66 = arith.constant 0 : i32
        %dma_wait3A_67 = tpu.memref_slice %arg11[%dma_wait3A_65, %dma_wait3A_66] : memref<10000x128xf32, #tpu.memory_space<vmem_shared>> -> memref<10000x128xf32, #tpu.memory_space<vmem_shared>>
        tpu.wait_indirect_dma semaphore(%run_scoped3A : memref<!tpu.dma_semaphore, #tpu.memory_space<semaphore_mem>>) src(%arg8 : memref<128x128xf32, #tpu.memory_space<vmem>>) dst(%dma_wait3A_67 : memref<10000x128xf32, #tpu.memory_space<vmem_shared>>)
        tpu.yield
      }) : () -> ()
    }
    %scan3A_24 = arith.constant 40 : i32
    %barrier3A_25 = arith.constant 0 : index
    tpu.barrier barrier_id(%barrier3A_25)
    %lt3A_26 = arith.constant 15 : i32
    %lt3A_27 = arith.cmpi slt, %arg1, %lt3A_26 : i32
    %convert_element_type3A_28 = arith.extui %lt3A_27 : i1 to i32
    %cond3A_29 = arith.constant 0 : i32
    %cond3A_30 = arith.cmpi ne, %convert_element_type3A_28, %cond3A_29 : i32
    scf.if %cond3A_30 {
      "tpu.region"() ({
        %run_scoped3A = tpu.sem_alloc : memref<!tpu.dma_semaphore, #tpu.memory_space<semaphore_mem>>
        %dma_start3A = arith.constant 0 : i32
        %dma_start3A_36 = tpu.memref_slice %arg6[%arg0, %mul3A_6, %dma_start3A] : memref<2x10000x128xf32, #tpu.memory_space<hbm>> -> memref<1x624x128xf32, #tpu.memory_space<hbm>>
        %dma_start3A_37 = tpu.memref_squeeze %dma_start3A_36 : memref<1x624x128xf32, #tpu.memory_space<hbm>> -> memref<624x128xf32, #tpu.memory_space<hbm>>
        %dma_start3A_38 = arith.constant 0 : i32
        %dma_start3A_39 = tpu.memref_slice %arg11[%mul3A_6, %dma_start3A_38] : memref<10000x128xf32, #tpu.memory_space<vmem_shared>> -> memref<624x128xf32, #tpu.memory_space<vmem_shared>>
        tpu.enqueue_dma source(%dma_start3A_39 : memref<624x128xf32, #tpu.memory_space<vmem_shared>>) target(%dma_start3A_37 : memref<624x128xf32, #tpu.memory_space<hbm>>) target_semaphore(%run_scoped3A : memref<!tpu.dma_semaphore, #tpu.memory_space<semaphore_mem>>)
        %dma_wait3A = arith.constant 0 : i32
        %dma_wait3A_40 = tpu.memref_slice %arg6[%arg0, %mul3A_6, %dma_wait3A] : memref<2x10000x128xf32, #tpu.memory_space<hbm>> -> memref<1x624x128xf32, #tpu.memory_space<hbm>>
        %dma_wait3A_41 = tpu.memref_squeeze %dma_wait3A_40 : memref<1x624x128xf32, #tpu.memory_space<hbm>> -> memref<624x128xf32, #tpu.memory_space<hbm>>
        %dma_wait3A_42 = arith.constant 0 : i32
        %dma_wait3A_43 = tpu.memref_slice %arg11[%mul3A_6, %dma_wait3A_42] : memref<10000x128xf32, #tpu.memory_space<vmem_shared>> -> memref<624x128xf32, #tpu.memory_space<vmem_shared>>
        tpu.wait_dma2 semaphore(%run_scoped3A : memref<!tpu.dma_semaphore, #tpu.memory_space<semaphore_mem>>) src(%dma_wait3A_43 : memref<624x128xf32, #tpu.memory_space<vmem_shared>>) dst(%dma_wait3A_41 : memref<624x128xf32, #tpu.memory_space<hbm>>)
        tpu.yield
      }) : () -> ()
    } else {
    }
    %eq3A_31 = arith.constant 15 : i32
    %eq3A_32 = arith.cmpi eq, %arg1, %eq3A_31 : i32
    %convert_element_type3A_33 = arith.extui %eq3A_32 : i1 to i32
    %cond3A_34 = arith.constant 0 : i32
    %cond3A_35 = arith.cmpi ne, %convert_element_type3A_33, %cond3A_34 : i32
    scf.if %cond3A_35 {
      "tpu.region"() ({
        %run_scoped3A = tpu.sem_alloc : memref<!tpu.dma_semaphore, #tpu.memory_space<semaphore_mem>>
        %dma_start3A = arith.constant 0 : i32
        %dma_start3A_36 = tpu.memref_slice %arg6[%arg0, %mul3A_6, %dma_start3A] : memref<2x10000x128xf32, #tpu.memory_space<hbm>> -> memref<1x640x128xf32, #tpu.memory_space<hbm>>
        %dma_start3A_37 = tpu.memref_squeeze %dma_start3A_36 : memref<1x640x128xf32, #tpu.memory_space<hbm>> -> memref<640x128xf32, #tpu.memory_space<hbm>>
        %dma_start3A_38 = arith.constant 0 : i32
        %dma_start3A_39 = tpu.memref_slice %arg11[%mul3A_6, %dma_start3A_38] : memref<10000x128xf32, #tpu.memory_space<vmem_shared>> -> memref<640x128xf32, #tpu.memory_space<vmem_shared>>
        tpu.enqueue_dma source(%dma_start3A_39 : memref<640x128xf32, #tpu.memory_space<vmem_shared>>) target(%dma_start3A_37 : memref<640x128xf32, #tpu.memory_space<hbm>>) target_semaphore(%run_scoped3A : memref<!tpu.dma_semaphore, #tpu.memory_space<semaphore_mem>>)
        %dma_wait3A = arith.constant 0 : i32
        %dma_wait3A_40 = tpu.memref_slice %arg6[%arg0, %mul3A_6, %dma_wait3A] : memref<2x10000x128xf32, #tpu.memory_space<hbm>> -> memref<1x640x128xf32, #tpu.memory_space<hbm>>
        %dma_wait3A_41 = tpu.memref_squeeze %dma_wait3A_40 : memref<1x640x128xf32, #tpu.memory_space<hbm>> -> memref<640x128xf32, #tpu.memory_space<hbm>>
        %dma_wait3A_42 = arith.constant 0 : i32
        %dma_wait3A_43 = tpu.memref_slice %arg11[%mul3A_6, %dma_wait3A_42] : memref<10000x128xf32, #tpu.memory_space<vmem_shared>> -> memref<640x128xf32, #tpu.memory_space<vmem_shared>>
        tpu.wait_dma2 semaphore(%run_scoped3A : memref<!tpu.dma_semaphore, #tpu.memory_space<semaphore_mem>>) src(%dma_wait3A_43 : memref<640x128xf32, #tpu.memory_space<vmem_shared>>) dst(%dma_wait3A_41 : memref<640x128xf32, #tpu.memory_space<hbm>>)
        tpu.yield
      }) : () -> ()
    } else {
    }
    return
  }
}

#map = affine_map<(d0, d1) -> (0, 0, 0, 0)>
#map1 = affine_map<(d0, d1) -> (0, 0)>
#map2 = affine_map<(d0, d1) -> (0, 0, 0)>
module attributes {stable_mosaic.version = 14 : i64} {
  func.func @_sc_body(%arg0: i32, %arg1: i32, %arg2: memref<2x16x10240x128xf32, #tpu.memory_space<hbm>>, %arg3: memref<2x16x80x128xi32, #tpu.memory_space<hbm>>, %arg4: memref<2x16x80x128xi32, #tpu.memory_space<hbm>>, %arg5: memref<10008x128xf32, #tpu.memory_space<hbm>>, %arg6: memref<2x10000x128xf32, #tpu.memory_space<hbm>>, %arg7: memref<128x128xf32, #tpu.memory_space<vmem>>, %arg8: memref<128x128xf32, #tpu.memory_space<vmem>>, %arg9: memref<40x128xi32, #tpu.memory_space<vmem>>, %arg10: memref<40x128xi32, #tpu.memory_space<vmem>>, %arg11: memref<10000x128xf32, #tpu.memory_space<vmem_shared>>, %arg12: memref<!tpu.dma_semaphore, #tpu.memory_space<semaphore_mem>>) attributes {dimension_semantics = [#tpu.dimension_semantics<core_parallel>, #tpu.dimension_semantics<subcore_parallel>], iteration_bounds = array<i64: 2, 16>, scalar_prefetch = 0 : i64, scratch_operands = 6 : i64, tpu.core_type = #tpu.core_type<sc_vector_subcore>, window_params = [{transform_indices = #map}, {transform_indices = #map}, {transform_indices = #map}, {transform_indices = #map1}, {transform_indices = #map2}]} {
    %broadcast_in_dim3A = arith.constant 0.000000e+00 : f32
    %broadcast_in_dim3A_0 = vector.broadcast %broadcast_in_dim3A : f32 to vector<16xf32>
    %scan3A = arith.constant 0 : i32
    %scan3A_1 = arith.constant 0 : i32
    %scan3A_2 = arith.constant 128 : i32
    %scan3A_3 = arith.addi %scan3A_1, %scan3A_2 : i32
    %scan3A_4 = arith.constant 1 : i32
    scf.for %scan3A_36 = %scan3A_1 to %scan3A_3 step %scan3A_4  : i32 {
      %swap3A = arith.index_cast %scan3A_36 : i32 to index
      %swap3A_37 = arith.constant 0 : index
      %swap3A_38 = tpu.vector_load %arg8[%swap3A, %swap3A_37] {strides = array<i32>} : memref<128x128xf32, #tpu.memory_space<vmem>>, vector<1x16xf32>,
      %swap3A_39 = vector.shape_cast %swap3A_38 : vector<1x16xf32> to vector<16xf32>
      %swap3A_40 = vector.shape_cast %broadcast_in_dim3A_0 : vector<16xf32> to vector<1x16xf32>
      tpu.vector_store %arg8[%swap3A, %swap3A_37], %swap3A_40 {strides = array<i32>} : memref<128x128xf32, #tpu.memory_space<vmem>>, vector<1x16xf32>,
      %swap3A_41 = arith.index_cast %scan3A_36 : i32 to index
      %swap3A_42 = arith.constant 16 : index
      %swap3A_43 = tpu.vector_load %arg8[%swap3A_41, %swap3A_42] {strides = array<i32>} : memref<128x128xf32, #tpu.memory_space<vmem>>, vector<1x16xf32>,
      %swap3A_44 = vector.shape_cast %swap3A_43 : vector<1x16xf32> to vector<16xf32>
      %swap3A_45 = vector.shape_cast %broadcast_in_dim3A_0 : vector<16xf32> to vector<1x16xf32>
      tpu.vector_store %arg8[%swap3A_41, %swap3A_42], %swap3A_45 {strides = array<i32>} : memref<128x128xf32, #tpu.memory_space<vmem>>, vector<1x16xf32>,
      %swap3A_46 = arith.index_cast %scan3A_36 : i32 to index
      %swap3A_47 = arith.constant 32 : index
      %swap3A_48 = tpu.vector_load %arg8[%swap3A_46, %swap3A_47] {strides = array<i32>} : memref<128x128xf32, #tpu.memory_space<vmem>>, vector<1x16xf32>,
      %swap3A_49 = vector.shape_cast %swap3A_48 : vector<1x16xf32> to vector<16xf32>
      %swap3A_50 = vector.shape_cast %broadcast_in_dim3A_0 : vector<16xf32> to vector<1x16xf32>
      tpu.vector_store %arg8[%swap3A_46, %swap3A_47], %swap3A_50 {strides = array<i32>} : memref<128x128xf32, #tpu.memory_space<vmem>>, vector<1x16xf32>,
      %swap3A_51 = arith.index_cast %scan3A_36 : i32 to index
      %swap3A_52 = arith.constant 48 : index
      %swap3A_53 = tpu.vector_load %arg8[%swap3A_51, %swap3A_52] {strides = array<i32>} : memref<128x128xf32, #tpu.memory_space<vmem>>, vector<1x16xf32>,
      %swap3A_54 = vector.shape_cast %swap3A_53 : vector<1x16xf32> to vector<16xf32>
      %swap3A_55 = vector.shape_cast %broadcast_in_dim3A_0 : vector<16xf32> to vector<1x16xf32>
      tpu.vector_store %arg8[%swap3A_51, %swap3A_52], %swap3A_55 {strides = array<i32>} : memref<128x128xf32, #tpu.memory_space<vmem>>, vector<1x16xf32>,
      %swap3A_56 = arith.index_cast %scan3A_36 : i32 to index
      %swap3A_57 = arith.constant 64 : index
      %swap3A_58 = tpu.vector_load %arg8[%swap3A_56, %swap3A_57] {strides = array<i32>} : memref<128x128xf32, #tpu.memory_space<vmem>>, vector<1x16xf32>,
      %swap3A_59 = vector.shape_cast %swap3A_58 : vector<1x16xf32> to vector<16xf32>
      %swap3A_60 = vector.shape_cast %broadcast_in_dim3A_0 : vector<16xf32> to vector<1x16xf32>
      tpu.vector_store %arg8[%swap3A_56, %swap3A_57], %swap3A_60 {strides = array<i32>} : memref<128x128xf32, #tpu.memory_space<vmem>>, vector<1x16xf32>,
      %swap3A_61 = arith.index_cast %scan3A_36 : i32 to index
      %swap3A_62 = arith.constant 80 : index
      %swap3A_63 = tpu.vector_load %arg8[%swap3A_61, %swap3A_62] {strides = array<i32>} : memref<128x128xf32, #tpu.memory_space<vmem>>, vector<1x16xf32>,
      %swap3A_64 = vector.shape_cast %swap3A_63 : vector<1x16xf32> to vector<16xf32>
      %swap3A_65 = vector.shape_cast %broadcast_in_dim3A_0 : vector<16xf32> to vector<1x16xf32>
      tpu.vector_store %arg8[%swap3A_61, %swap3A_62], %swap3A_65 {strides = array<i32>} : memref<128x128xf32, #tpu.memory_space<vmem>>, vector<1x16xf32>,
      %swap3A_66 = arith.index_cast %scan3A_36 : i32 to index
      %swap3A_67 = arith.constant 96 : index
      %swap3A_68 = tpu.vector_load %arg8[%swap3A_66, %swap3A_67] {strides = array<i32>} : memref<128x128xf32, #tpu.memory_space<vmem>>, vector<1x16xf32>,
      %swap3A_69 = vector.shape_cast %swap3A_68 : vector<1x16xf32> to vector<16xf32>
      %swap3A_70 = vector.shape_cast %broadcast_in_dim3A_0 : vector<16xf32> to vector<1x16xf32>
      tpu.vector_store %arg8[%swap3A_66, %swap3A_67], %swap3A_70 {strides = array<i32>} : memref<128x128xf32, #tpu.memory_space<vmem>>, vector<1x16xf32>,
      %swap3A_71 = arith.index_cast %scan3A_36 : i32 to index
      %swap3A_72 = arith.constant 112 : index
      %swap3A_73 = tpu.vector_load %arg8[%swap3A_71, %swap3A_72] {strides = array<i32>} : memref<128x128xf32, #tpu.memory_space<vmem>>, vector<1x16xf32>,
      %swap3A_74 = vector.shape_cast %swap3A_73 : vector<1x16xf32> to vector<16xf32>
      %swap3A_75 = vector.shape_cast %broadcast_in_dim3A_0 : vector<16xf32> to vector<1x16xf32>
      tpu.vector_store %arg8[%swap3A_71, %swap3A_72], %swap3A_75 {strides = array<i32>} : memref<128x128xf32, #tpu.memory_space<vmem>>, vector<1x16xf32>,
    }
    %scan3A_5 = arith.constant 128 : i32
    %mul3A = arith.constant 624 : i32
    %mul3A_6 = arith.muli %arg1, %mul3A : i32
    %lt3A = arith.constant 15 : i32
    %lt3A_7 = arith.cmpi slt, %arg1, %lt3A : i32
    %convert_element_type3A = arith.extui %lt3A_7 : i1 to i32
    %cond3A = arith.constant 0 : i32
    %cond3A_8 = arith.cmpi ne, %convert_element_type3A, %cond3A : i32
    scf.if %cond3A_8 {
      %add3A = arith.constant 0 : i32
      %add3A_36 = arith.addi %mul3A_6, %add3A : i32
      "tpu.region"() ({
        %run_scoped3A = tpu.sem_alloc : memref<!tpu.dma_semaphore, #tpu.memory_space<semaphore_mem>>
        %dma_start3A = arith.constant 0 : i32
        %dma_start3A_45 = tpu.memref_slice %arg11[%add3A_36, %dma_start3A] : memref<10000x128xf32, #tpu.memory_space<vmem_shared>> -> memref<128x128xf32, #tpu.memory_space<vmem_shared>>
        %dma_start3A_46 = arith.constant 0 : i32
        %dma_start3A_47 = tpu.memref_slice %arg11[%add3A_36, %dma_start3A_46] : memref<10000x128xf32, #tpu.memory_space<vmem_shared>> -> memref<128x128xf32, #tpu.memory_space<vmem_shared>>
        tpu.enqueue_dma source(%arg8 : memref<128x128xf32, #tpu.memory_space<vmem>>) target(%dma_start3A_47 : memref<128x128xf32, #tpu.memory_space<vmem_shared>>) target_semaphore(%run_scoped3A : memref<!tpu.dma_semaphore, #tpu.memory_space<semaphore_mem>>)
        %dma_wait3A = arith.constant 0 : i32
        %dma_wait3A_48 = tpu.memref_slice %arg11[%add3A_36, %dma_wait3A] : memref<10000x128xf32, #tpu.memory_space<vmem_shared>> -> memref<128x128xf32, #tpu.memory_space<vmem_shared>>
        %dma_wait3A_49 = arith.constant 0 : i32
        %dma_wait3A_50 = tpu.memref_slice %arg11[%add3A_36, %dma_wait3A_49] : memref<10000x128xf32, #tpu.memory_space<vmem_shared>> -> memref<128x128xf32, #tpu.memory_space<vmem_shared>>
        tpu.wait_dma2 semaphore(%run_scoped3A : memref<!tpu.dma_semaphore, #tpu.memory_space<semaphore_mem>>) src(%arg8 : memref<128x128xf32, #tpu.memory_space<vmem>>) dst(%dma_wait3A_50 : memref<128x128xf32, #tpu.memory_space<vmem_shared>>)
        tpu.yield
      }) : () -> ()
      %add3A_37 = arith.constant 128 : i32
      %add3A_38 = arith.addi %mul3A_6, %add3A_37 : i32
      "tpu.region"() ({
        %run_scoped3A = tpu.sem_alloc : memref<!tpu.dma_semaphore, #tpu.memory_space<semaphore_mem>>
        %dma_start3A = arith.constant 0 : i32
        %dma_start3A_45 = tpu.memref_slice %arg11[%add3A_38, %dma_start3A] : memref<10000x128xf32, #tpu.memory_space<vmem_shared>> -> memref<128x128xf32, #tpu.memory_space<vmem_shared>>
        %dma_start3A_46 = arith.constant 0 : i32
        %dma_start3A_47 = tpu.memref_slice %arg11[%add3A_38, %dma_start3A_46] : memref<10000x128xf32, #tpu.memory_space<vmem_shared>> -> memref<128x128xf32, #tpu.memory_space<vmem_shared>>
        tpu.enqueue_dma source(%arg8 : memref<128x128xf32, #tpu.memory_space<vmem>>) target(%dma_start3A_47 : memref<128x128xf32, #tpu.memory_space<vmem_shared>>) target_semaphore(%run_scoped3A : memref<!tpu.dma_semaphore, #tpu.memory_space<semaphore_mem>>)
        %dma_wait3A = arith.constant 0 : i32
        %dma_wait3A_48 = tpu.memref_slice %arg11[%add3A_38, %dma_wait3A] : memref<10000x128xf32, #tpu.memory_space<vmem_shared>> -> memref<128x128xf32, #tpu.memory_space<vmem_shared>>
        %dma_wait3A_49 = arith.constant 0 : i32
        %dma_wait3A_50 = tpu.memref_slice %arg11[%add3A_38, %dma_wait3A_49] : memref<10000x128xf32, #tpu.memory_space<vmem_shared>> -> memref<128x128xf32, #tpu.memory_space<vmem_shared>>
        tpu.wait_dma2 semaphore(%run_scoped3A : memref<!tpu.dma_semaphore, #tpu.memory_space<semaphore_mem>>) src(%arg8 : memref<128x128xf32, #tpu.memory_space<vmem>>) dst(%dma_wait3A_50 : memref<128x128xf32, #tpu.memory_space<vmem_shared>>)
        tpu.yield
      }) : () -> ()
      %add3A_39 = arith.constant 256 : i32
      %add3A_40 = arith.addi %mul3A_6, %add3A_39 : i32
      "tpu.region"() ({
        %run_scoped3A = tpu.sem_alloc : memref<!tpu.dma_semaphore, #tpu.memory_space<semaphore_mem>>
        %dma_start3A = arith.constant 0 : i32
        %dma_start3A_45 = tpu.memref_slice %arg11[%add3A_40, %dma_start3A] : memref<10000x128xf32, #tpu.memory_space<vmem_shared>> -> memref<128x128xf32, #tpu.memory_space<vmem_shared>>
        %dma_start3A_46 = arith.constant 0 : i32
        %dma_start3A_47 = tpu.memref_slice %arg11[%add3A_40, %dma_start3A_46] : memref<10000x128xf32, #tpu.memory_space<vmem_shared>> -> memref<128x128xf32, #tpu.memory_space<vmem_shared>>
        tpu.enqueue_dma source(%arg8 : memref<128x128xf32, #tpu.memory_space<vmem>>) target(%dma_start3A_47 : memref<128x128xf32, #tpu.memory_space<vmem_shared>>) target_semaphore(%run_scoped3A : memref<!tpu.dma_semaphore, #tpu.memory_space<semaphore_mem>>)
        %dma_wait3A = arith.constant 0 : i32
        %dma_wait3A_48 = tpu.memref_slice %arg11[%add3A_40, %dma_wait3A] : memref<10000x128xf32, #tpu.memory_space<vmem_shared>> -> memref<128x128xf32, #tpu.memory_space<vmem_shared>>
        %dma_wait3A_49 = arith.constant 0 : i32
        %dma_wait3A_50 = tpu.memref_slice %arg11[%add3A_40, %dma_wait3A_49] : memref<10000x128xf32, #tpu.memory_space<vmem_shared>> -> memref<128x128xf32, #tpu.memory_space<vmem_shared>>
        tpu.wait_dma2 semaphore(%run_scoped3A : memref<!tpu.dma_semaphore, #tpu.memory_space<semaphore_mem>>) src(%arg8 : memref<128x128xf32, #tpu.memory_space<vmem>>) dst(%dma_wait3A_50 : memref<128x128xf32, #tpu.memory_space<vmem_shared>>)
        tpu.yield
      }) : () -> ()
      %add3A_41 = arith.constant 384 : i32
      %add3A_42 = arith.addi %mul3A_6, %add3A_41 : i32
      "tpu.region"() ({
        %run_scoped3A = tpu.sem_alloc : memref<!tpu.dma_semaphore, #tpu.memory_space<semaphore_mem>>
        %dma_start3A = arith.constant 0 : i32
        %dma_start3A_45 = tpu.memref_slice %arg11[%add3A_42, %dma_start3A] : memref<10000x128xf32, #tpu.memory_space<vmem_shared>> -> memref<128x128xf32, #tpu.memory_space<vmem_shared>>
        %dma_start3A_46 = arith.constant 0 : i32
        %dma_start3A_47 = tpu.memref_slice %arg11[%add3A_42, %dma_start3A_46] : memref<10000x128xf32, #tpu.memory_space<vmem_shared>> -> memref<128x128xf32, #tpu.memory_space<vmem_shared>>
        tpu.enqueue_dma source(%arg8 : memref<128x128xf32, #tpu.memory_space<vmem>>) target(%dma_start3A_47 : memref<128x128xf32, #tpu.memory_space<vmem_shared>>) target_semaphore(%run_scoped3A : memref<!tpu.dma_semaphore, #tpu.memory_space<semaphore_mem>>)
        %dma_wait3A = arith.constant 0 : i32
        %dma_wait3A_48 = tpu.memref_slice %arg11[%add3A_42, %dma_wait3A] : memref<10000x128xf32, #tpu.memory_space<vmem_shared>> -> memref<128x128xf32, #tpu.memory_space<vmem_shared>>
        %dma_wait3A_49 = arith.constant 0 : i32
        %dma_wait3A_50 = tpu.memref_slice %arg11[%add3A_42, %dma_wait3A_49] : memref<10000x128xf32, #tpu.memory_space<vmem_shared>> -> memref<128x128xf32, #tpu.memory_space<vmem_shared>>
        tpu.wait_dma2 semaphore(%run_scoped3A : memref<!tpu.dma_semaphore, #tpu.memory_space<semaphore_mem>>) src(%arg8 : memref<128x128xf32, #tpu.memory_space<vmem>>) dst(%dma_wait3A_50 : memref<128x128xf32, #tpu.memory_space<vmem_shared>>)
        tpu.yield
      }) : () -> ()
      %add3A_43 = arith.constant 512 : i32
      %add3A_44 = arith.addi %mul3A_6, %add3A_43 : i32
      "tpu.region"() ({
        %run_scoped3A = tpu.sem_alloc : memref<!tpu.dma_semaphore, #tpu.memory_space<semaphore_mem>>
        %dma_start3A = arith.constant 0 : i32
        %dma_start3A_45 = arith.constant 0 : i32
        %dma_start3A_46 = tpu.memref_slice %arg8[%dma_start3A, %dma_start3A_45] : memref<128x128xf32, #tpu.memory_space<vmem>> -> memref<112x128xf32, #tpu.memory_space<vmem>>
        %dma_start3A_47 = arith.constant 0 : i32
        %dma_start3A_48 = tpu.memref_slice %arg11[%add3A_44, %dma_start3A_47] : memref<10000x128xf32, #tpu.memory_space<vmem_shared>> -> memref<112x128xf32, #tpu.memory_space<vmem_shared>>
        %dma_start3A_49 = arith.constant 0 : i32
        %dma_start3A_50 = tpu.memref_slice %arg11[%add3A_44, %dma_start3A_49] : memref<10000x128xf32, #tpu.memory_space<vmem_shared>> -> memref<112x128xf32, #tpu.memory_space<vmem_shared>>
        %dma_start3A_51 = arith.constant 0 : i32
        %dma_start3A_52 = arith.constant 0 : i32
        %dma_start3A_53 = tpu.memref_slice %arg8[%dma_start3A_51, %dma_start3A_52] : memref<128x128xf32, #tpu.memory_space<vmem>> -> memref<112x128xf32, #tpu.memory_space<vmem>>
        tpu.enqueue_dma source(%dma_start3A_53 : memref<112x128xf32, #tpu.memory_space<vmem>>) target(%dma_start3A_50 : memref<112x128xf32, #tpu.memory_space<vmem_shared>>) target_semaphore(%run_scoped3A : memref<!tpu.dma_semaphore, #tpu.memory_space<semaphore_mem>>)
        %dma_wait3A = arith.constant 0 : i32
        %dma_wait3A_54 = arith.constant 0 : i32
        %dma_wait3A_55 = tpu.memref_slice %arg8[%dma_wait3A, %dma_wait3A_54] : memref<128x128xf32, #tpu.memory_space<vmem>> -> memref<112x128xf32, #tpu.memory_space<vmem>>
        %dma_wait3A_56 = arith.constant 0 : i32
        %dma_wait3A_57 = tpu.memref_slice %arg11[%add3A_44, %dma_wait3A_56] : memref<10000x128xf32, #tpu.memory_space<vmem_shared>> -> memref<112x128xf32, #tpu.memory_space<vmem_shared>>
        %dma_wait3A_58 = arith.constant 0 : i32
        %dma_wait3A_59 = tpu.memref_slice %arg11[%add3A_44, %dma_wait3A_58] : memref<10000x128xf32, #tpu.memory_space<vmem_shared>> -> memref<112x128xf32, #tpu.memory_space<vmem_shared>>
        %dma_wait3A_60 = arith.constant 0 : i32
        %dma_wait3A_61 = arith.constant 0 : i32
        %dma_wait3A_62 = tpu.memref_slice %arg8[%dma_wait3A_60, %dma_wait3A_61] : memref<128x128xf32, #tpu.memory_space<vmem>> -> memref<112x128xf32, #tpu.memory_space<vmem>>
        tpu.wait_dma2 semaphore(%run_scoped3A : memref<!tpu.dma_semaphore, #tpu.memory_space<semaphore_mem>>) src(%dma_wait3A_62 : memref<112x128xf32, #tpu.memory_space<vmem>>) dst(%dma_wait3A_59 : memref<112x128xf32, #tpu.memory_space<vmem_shared>>)
        tpu.yield
      }) : () -> ()
    } else {
    }
    %eq3A = arith.constant 15 : i32
    %eq3A_9 = arith.cmpi eq, %arg1, %eq3A : i32
    %convert_element_type3A_10 = arith.extui %eq3A_9 : i1 to i32
    %cond3A_11 = arith.constant 0 : i32
    %cond3A_12 = arith.cmpi ne, %convert_element_type3A_10, %cond3A_11 : i32
    scf.if %cond3A_12 {
      %add3A = arith.constant 0 : i32
      %add3A_36 = arith.addi %mul3A_6, %add3A : i32
      "tpu.region"() ({
        %run_scoped3A = tpu.sem_alloc : memref<!tpu.dma_semaphore, #tpu.memory_space<semaphore_mem>>
        %dma_start3A = arith.constant 0 : i32
        %dma_start3A_45 = tpu.memref_slice %arg11[%add3A_36, %dma_start3A] : memref<10000x128xf32, #tpu.memory_space<vmem_shared>> -> memref<128x128xf32, #tpu.memory_space<vmem_shared>>
        %dma_start3A_46 = arith.constant 0 : i32
        %dma_start3A_47 = tpu.memref_slice %arg11[%add3A_36, %dma_start3A_46] : memref<10000x128xf32, #tpu.memory_space<vmem_shared>> -> memref<128x128xf32, #tpu.memory_space<vmem_shared>>
        tpu.enqueue_dma source(%arg8 : memref<128x128xf32, #tpu.memory_space<vmem>>) target(%dma_start3A_47 : memref<128x128xf32, #tpu.memory_space<vmem_shared>>) target_semaphore(%run_scoped3A : memref<!tpu.dma_semaphore, #tpu.memory_space<semaphore_mem>>)
        %dma_wait3A = arith.constant 0 : i32
        %dma_wait3A_48 = tpu.memref_slice %arg11[%add3A_36, %dma_wait3A] : memref<10000x128xf32, #tpu.memory_space<vmem_shared>> -> memref<128x128xf32, #tpu.memory_space<vmem_shared>>
        %dma_wait3A_49 = arith.constant 0 : i32
        %dma_wait3A_50 = tpu.memref_slice %arg11[%add3A_36, %dma_wait3A_49] : memref<10000x128xf32, #tpu.memory_space<vmem_shared>> -> memref<128x128xf32, #tpu.memory_space<vmem_shared>>
        tpu.wait_dma2 semaphore(%run_scoped3A : memref<!tpu.dma_semaphore, #tpu.memory_space<semaphore_mem>>) src(%arg8 : memref<128x128xf32, #tpu.memory_space<vmem>>) dst(%dma_wait3A_50 : memref<128x128xf32, #tpu.memory_space<vmem_shared>>)
        tpu.yield
      }) : () -> ()
      %add3A_37 = arith.constant 128 : i32
      %add3A_38 = arith.addi %mul3A_6, %add3A_37 : i32
      "tpu.region"() ({
        %run_scoped3A = tpu.sem_alloc : memref<!tpu.dma_semaphore, #tpu.memory_space<semaphore_mem>>
        %dma_start3A = arith.constant 0 : i32
        %dma_start3A_45 = tpu.memref_slice %arg11[%add3A_38, %dma_start3A] : memref<10000x128xf32, #tpu.memory_space<vmem_shared>> -> memref<128x128xf32, #tpu.memory_space<vmem_shared>>
        %dma_start3A_46 = arith.constant 0 : i32
        %dma_start3A_47 = tpu.memref_slice %arg11[%add3A_38, %dma_start3A_46] : memref<10000x128xf32, #tpu.memory_space<vmem_shared>> -> memref<128x128xf32, #tpu.memory_space<vmem_shared>>
        tpu.enqueue_dma source(%arg8 : memref<128x128xf32, #tpu.memory_space<vmem>>) target(%dma_start3A_47 : memref<128x128xf32, #tpu.memory_space<vmem_shared>>) target_semaphore(%run_scoped3A : memref<!tpu.dma_semaphore, #tpu.memory_space<semaphore_mem>>)
        %dma_wait3A = arith.constant 0 : i32
        %dma_wait3A_48 = tpu.memref_slice %arg11[%add3A_38, %dma_wait3A] : memref<10000x128xf32, #tpu.memory_space<vmem_shared>> -> memref<128x128xf32, #tpu.memory_space<vmem_shared>>
        %dma_wait3A_49 = arith.constant 0 : i32
        %dma_wait3A_50 = tpu.memref_slice %arg11[%add3A_38, %dma_wait3A_49] : memref<10000x128xf32, #tpu.memory_space<vmem_shared>> -> memref<128x128xf32, #tpu.memory_space<vmem_shared>>
        tpu.wait_dma2 semaphore(%run_scoped3A : memref<!tpu.dma_semaphore, #tpu.memory_space<semaphore_mem>>) src(%arg8 : memref<128x128xf32, #tpu.memory_space<vmem>>) dst(%dma_wait3A_50 : memref<128x128xf32, #tpu.memory_space<vmem_shared>>)
        tpu.yield
      }) : () -> ()
      %add3A_39 = arith.constant 256 : i32
      %add3A_40 = arith.addi %mul3A_6, %add3A_39 : i32
      "tpu.region"() ({
        %run_scoped3A = tpu.sem_alloc : memref<!tpu.dma_semaphore, #tpu.memory_space<semaphore_mem>>
        %dma_start3A = arith.constant 0 : i32
        %dma_start3A_45 = tpu.memref_slice %arg11[%add3A_40, %dma_start3A] : memref<10000x128xf32, #tpu.memory_space<vmem_shared>> -> memref<128x128xf32, #tpu.memory_space<vmem_shared>>
        %dma_start3A_46 = arith.constant 0 : i32
        %dma_start3A_47 = tpu.memref_slice %arg11[%add3A_40, %dma_start3A_46] : memref<10000x128xf32, #tpu.memory_space<vmem_shared>> -> memref<128x128xf32, #tpu.memory_space<vmem_shared>>
        tpu.enqueue_dma source(%arg8 : memref<128x128xf32, #tpu.memory_space<vmem>>) target(%dma_start3A_47 : memref<128x128xf32, #tpu.memory_space<vmem_shared>>) target_semaphore(%run_scoped3A : memref<!tpu.dma_semaphore, #tpu.memory_space<semaphore_mem>>)
        %dma_wait3A = arith.constant 0 : i32
        %dma_wait3A_48 = tpu.memref_slice %arg11[%add3A_40, %dma_wait3A] : memref<10000x128xf32, #tpu.memory_space<vmem_shared>> -> memref<128x128xf32, #tpu.memory_space<vmem_shared>>
        %dma_wait3A_49 = arith.constant 0 : i32
        %dma_wait3A_50 = tpu.memref_slice %arg11[%add3A_40, %dma_wait3A_49] : memref<10000x128xf32, #tpu.memory_space<vmem_shared>> -> memref<128x128xf32, #tpu.memory_space<vmem_shared>>
        tpu.wait_dma2 semaphore(%run_scoped3A : memref<!tpu.dma_semaphore, #tpu.memory_space<semaphore_mem>>) src(%arg8 : memref<128x128xf32, #tpu.memory_space<vmem>>) dst(%dma_wait3A_50 : memref<128x128xf32, #tpu.memory_space<vmem_shared>>)
        tpu.yield
      }) : () -> ()
      %add3A_41 = arith.constant 384 : i32
      %add3A_42 = arith.addi %mul3A_6, %add3A_41 : i32
      "tpu.region"() ({
        %run_scoped3A = tpu.sem_alloc : memref<!tpu.dma_semaphore, #tpu.memory_space<semaphore_mem>>
        %dma_start3A = arith.constant 0 : i32
        %dma_start3A_45 = tpu.memref_slice %arg11[%add3A_42, %dma_start3A] : memref<10000x128xf32, #tpu.memory_space<vmem_shared>> -> memref<128x128xf32, #tpu.memory_space<vmem_shared>>
        %dma_start3A_46 = arith.constant 0 : i32
        %dma_start3A_47 = tpu.memref_slice %arg11[%add3A_42, %dma_start3A_46] : memref<10000x128xf32, #tpu.memory_space<vmem_shared>> -> memref<128x128xf32, #tpu.memory_space<vmem_shared>>
        tpu.enqueue_dma source(%arg8 : memref<128x128xf32, #tpu.memory_space<vmem>>) target(%dma_start3A_47 : memref<128x128xf32, #tpu.memory_space<vmem_shared>>) target_semaphore(%run_scoped3A : memref<!tpu.dma_semaphore, #tpu.memory_space<semaphore_mem>>)
        %dma_wait3A = arith.constant 0 : i32
        %dma_wait3A_48 = tpu.memref_slice %arg11[%add3A_42, %dma_wait3A] : memref<10000x128xf32, #tpu.memory_space<vmem_shared>> -> memref<128x128xf32, #tpu.memory_space<vmem_shared>>
        %dma_wait3A_49 = arith.constant 0 : i32
        %dma_wait3A_50 = tpu.memref_slice %arg11[%add3A_42, %dma_wait3A_49] : memref<10000x128xf32, #tpu.memory_space<vmem_shared>> -> memref<128x128xf32, #tpu.memory_space<vmem_shared>>
        tpu.wait_dma2 semaphore(%run_scoped3A : memref<!tpu.dma_semaphore, #tpu.memory_space<semaphore_mem>>) src(%arg8 : memref<128x128xf32, #tpu.memory_space<vmem>>) dst(%dma_wait3A_50 : memref<128x128xf32, #tpu.memory_space<vmem_shared>>)
        tpu.yield
      }) : () -> ()
      %add3A_43 = arith.constant 512 : i32
      %add3A_44 = arith.addi %mul3A_6, %add3A_43 : i32
      "tpu.region"() ({
        %run_scoped3A = tpu.sem_alloc : memref<!tpu.dma_semaphore, #tpu.memory_space<semaphore_mem>>
        %dma_start3A = arith.constant 0 : i32
        %dma_start3A_45 = tpu.memref_slice %arg11[%add3A_44, %dma_start3A] : memref<10000x128xf32, #tpu.memory_space<vmem_shared>> -> memref<128x128xf32, #tpu.memory_space<vmem_shared>>
        %dma_start3A_46 = arith.constant 0 : i32
        %dma_start3A_47 = tpu.memref_slice %arg11[%add3A_44, %dma_start3A_46] : memref<10000x128xf32, #tpu.memory_space<vmem_shared>> -> memref<128x128xf32, #tpu.memory_space<vmem_shared>>
        tpu.enqueue_dma source(%arg8 : memref<128x128xf32, #tpu.memory_space<vmem>>) target(%dma_start3A_47 : memref<128x128xf32, #tpu.memory_space<vmem_shared>>) target_semaphore(%run_scoped3A : memref<!tpu.dma_semaphore, #tpu.memory_space<semaphore_mem>>)
        %dma_wait3A = arith.constant 0 : i32
        %dma_wait3A_48 = tpu.memref_slice %arg11[%add3A_44, %dma_wait3A] : memref<10000x128xf32, #tpu.memory_space<vmem_shared>> -> memref<128x128xf32, #tpu.memory_space<vmem_shared>>
        %dma_wait3A_49 = arith.constant 0 : i32
        %dma_wait3A_50 = tpu.memref_slice %arg11[%add3A_44, %dma_wait3A_49] : memref<10000x128xf32, #tpu.memory_space<vmem_shared>> -> memref<128x128xf32, #tpu.memory_space<vmem_shared>>
        tpu.wait_dma2 semaphore(%run_scoped3A : memref<!tpu.dma_semaphore, #tpu.memory_space<semaphore_mem>>) src(%arg8 : memref<128x128xf32, #tpu.memory_space<vmem>>) dst(%dma_wait3A_50 : memref<128x128xf32, #tpu.memory_space<vmem_shared>>)
        tpu.yield
      }) : () -> ()
    } else {
    }
    %barrier3A = arith.constant 0 : index
    tpu.barrier barrier_id(%barrier3A)
    "tpu.region"() ({
      %run_scoped3A = tpu.sem_alloc : memref<!tpu.dma_semaphore, #tpu.memory_space<semaphore_mem>>
      %dma_start3A = arith.constant 0 : i32
      %dma_start3A_36 = arith.constant 0 : i32
      %dma_start3A_37 = tpu.memref_slice %arg3[%arg0, %arg1, %dma_start3A, %dma_start3A_36] : memref<2x16x80x128xi32, #tpu.memory_space<hbm>> -> memref<1x1x40x128xi32, #tpu.memory_space<hbm>>
      %dma_start3A_38 = tpu.memref_squeeze %dma_start3A_37 : memref<1x1x40x128xi32, #tpu.memory_space<hbm>> -> memref<40x128xi32, #tpu.memory_space<hbm>>
      %dma_start3A_39 = arith.constant 0 : i32
      %dma_start3A_40 = arith.constant 0 : i32
      %dma_start3A_41 = tpu.memref_slice %arg3[%arg0, %arg1, %dma_start3A_39, %dma_start3A_40] : memref<2x16x80x128xi32, #tpu.memory_space<hbm>> -> memref<1x1x40x128xi32, #tpu.memory_space<hbm>>
      %dma_start3A_42 = tpu.memref_squeeze %dma_start3A_41 : memref<1x1x40x128xi32, #tpu.memory_space<hbm>> -> memref<40x128xi32, #tpu.memory_space<hbm>>
      tpu.enqueue_dma source(%dma_start3A_42 : memref<40x128xi32, #tpu.memory_space<hbm>>) target(%arg9 : memref<40x128xi32, #tpu.memory_space<vmem>>) target_semaphore(%run_scoped3A : memref<!tpu.dma_semaphore, #tpu.memory_space<semaphore_mem>>)
      %dma_wait3A = arith.constant 0 : i32
      %dma_wait3A_43 = arith.constant 0 : i32
      %dma_wait3A_44 = tpu.memref_slice %arg3[%arg0, %arg1, %dma_wait3A, %dma_wait3A_43] : memref<2x16x80x128xi32, #tpu.memory_space<hbm>> -> memref<1x1x40x128xi32, #tpu.memory_space<hbm>>
      %dma_wait3A_45 = tpu.memref_squeeze %dma_wait3A_44 : memref<1x1x40x128xi32, #tpu.memory_space<hbm>> -> memref<40x128xi32, #tpu.memory_space<hbm>>
      %dma_wait3A_46 = arith.constant 0 : i32
      %dma_wait3A_47 = arith.constant 0 : i32
      %dma_wait3A_48 = tpu.memref_slice %arg3[%arg0, %arg1, %dma_wait3A_46, %dma_wait3A_47] : memref<2x16x80x128xi32, #tpu.memory_space<hbm>> -> memref<1x1x40x128xi32, #tpu.memory_space<hbm>>
      %dma_wait3A_49 = tpu.memref_squeeze %dma_wait3A_48 : memref<1x1x40x128xi32, #tpu.memory_space<hbm>> -> memref<40x128xi32, #tpu.memory_space<hbm>>
      tpu.wait_dma2 semaphore(%run_scoped3A : memref<!tpu.dma_semaphore, #tpu.memory_space<semaphore_mem>>) src(%dma_wait3A_49 : memref<40x128xi32, #tpu.memory_space<hbm>>) dst(%arg9 : memref<40x128xi32, #tpu.memory_space<vmem>>)
      tpu.yield
    }) : () -> ()
    "tpu.region"() ({
      %run_scoped3A = tpu.sem_alloc : memref<!tpu.dma_semaphore, #tpu.memory_space<semaphore_mem>>
      %dma_start3A = arith.constant 0 : i32
      %dma_start3A_36 = arith.constant 0 : i32
      %dma_start3A_37 = tpu.memref_slice %arg4[%arg0, %arg1, %dma_start3A, %dma_start3A_36] : memref<2x16x80x128xi32, #tpu.memory_space<hbm>> -> memref<1x1x40x128xi32, #tpu.memory_space<hbm>>
      %dma_start3A_38 = tpu.memref_squeeze %dma_start3A_37 : memref<1x1x40x128xi32, #tpu.memory_space<hbm>> -> memref<40x128xi32, #tpu.memory_space<hbm>>
      %dma_start3A_39 = arith.constant 0 : i32
      %dma_start3A_40 = arith.constant 0 : i32
      %dma_start3A_41 = tpu.memref_slice %arg4[%arg0, %arg1, %dma_start3A_39, %dma_start3A_40] : memref<2x16x80x128xi32, #tpu.memory_space<hbm>> -> memref<1x1x40x128xi32, #tpu.memory_space<hbm>>
      %dma_start3A_42 = tpu.memref_squeeze %dma_start3A_41 : memref<1x1x40x128xi32, #tpu.memory_space<hbm>> -> memref<40x128xi32, #tpu.memory_space<hbm>>
      tpu.enqueue_dma source(%dma_start3A_42 : memref<40x128xi32, #tpu.memory_space<hbm>>) target(%arg10 : memref<40x128xi32, #tpu.memory_space<vmem>>) target_semaphore(%run_scoped3A : memref<!tpu.dma_semaphore, #tpu.memory_space<semaphore_mem>>)
      %dma_wait3A = arith.constant 0 : i32
      %dma_wait3A_43 = arith.constant 0 : i32
      %dma_wait3A_44 = tpu.memref_slice %arg4[%arg0, %arg1, %dma_wait3A, %dma_wait3A_43] : memref<2x16x80x128xi32, #tpu.memory_space<hbm>> -> memref<1x1x40x128xi32, #tpu.memory_space<hbm>>
      %dma_wait3A_45 = tpu.memref_squeeze %dma_wait3A_44 : memref<1x1x40x128xi32, #tpu.memory_space<hbm>> -> memref<40x128xi32, #tpu.memory_space<hbm>>
      %dma_wait3A_46 = arith.constant 0 : i32
      %dma_wait3A_47 = arith.constant 0 : i32
      %dma_wait3A_48 = tpu.memref_slice %arg4[%arg0, %arg1, %dma_wait3A_46, %dma_wait3A_47] : memref<2x16x80x128xi32, #tpu.memory_space<hbm>> -> memref<1x1x40x128xi32, #tpu.memory_space<hbm>>
      %dma_wait3A_49 = tpu.memref_squeeze %dma_wait3A_48 : memref<1x1x40x128xi32, #tpu.memory_space<hbm>> -> memref<40x128xi32, #tpu.memory_space<hbm>>
      tpu.wait_dma2 semaphore(%run_scoped3A : memref<!tpu.dma_semaphore, #tpu.memory_space<semaphore_mem>>) src(%dma_wait3A_49 : memref<40x128xi32, #tpu.memory_space<hbm>>) dst(%arg10 : memref<40x128xi32, #tpu.memory_space<vmem>>)
      tpu.yield
    }) : () -> ()
    %scan3A_13 = arith.constant 0 : i32
    %scan3A_14 = arith.constant 0 : i32
    %scan3A_15 = arith.constant 40 : i32
    %scan3A_16 = arith.addi %scan3A_14, %scan3A_15 : i32
    %scan3A_17 = arith.constant 1 : i32
    scf.for %scan3A_36 = %scan3A_14 to %scan3A_16 step %scan3A_17  : i32 {
      %add3A = arith.constant 0 : i32
      %add3A_37 = arith.addi %add3A, %scan3A_36 : i32
      %mul3A_38 = arith.constant 128 : i32
      %mul3A_39 = arith.muli %add3A_37, %mul3A_38 : i32
      "tpu.region"() ({
        %run_scoped3A = tpu.sem_alloc : memref<!tpu.dma_semaphore, #tpu.memory_space<semaphore_mem>>
        %dma_start3A_56 = arith.constant 0 : i32
        %dma_start3A_57 = tpu.memref_slice %arg2[%arg0, %arg1, %mul3A_39, %dma_start3A_56] : memref<2x16x10240x128xf32, #tpu.memory_space<hbm>> -> memref<1x1x128x128xf32, #tpu.memory_space<hbm>>
        %dma_start3A_58 = tpu.memref_squeeze %dma_start3A_57 : memref<1x1x128x128xf32, #tpu.memory_space<hbm>> -> memref<128x128xf32, #tpu.memory_space<hbm>>
        %dma_start3A_59 = arith.constant 0 : i32
        %dma_start3A_60 = tpu.memref_slice %arg2[%arg0, %arg1, %mul3A_39, %dma_start3A_59] : memref<2x16x10240x128xf32, #tpu.memory_space<hbm>> -> memref<1x1x128x128xf32, #tpu.memory_space<hbm>>
        %dma_start3A_61 = tpu.memref_squeeze %dma_start3A_60 : memref<1x1x128x128xf32, #tpu.memory_space<hbm>> -> memref<128x128xf32, #tpu.memory_space<hbm>>
        tpu.enqueue_dma source(%dma_start3A_61 : memref<128x128xf32, #tpu.memory_space<hbm>>) target(%arg7 : memref<128x128xf32, #tpu.memory_space<vmem>>) target_semaphore(%run_scoped3A : memref<!tpu.dma_semaphore, #tpu.memory_space<semaphore_mem>>)
        %dma_wait3A_62 = arith.constant 0 : i32
        %dma_wait3A_63 = tpu.memref_slice %arg2[%arg0, %arg1, %mul3A_39, %dma_wait3A_62] : memref<2x16x10240x128xf32, #tpu.memory_space<hbm>> -> memref<1x1x128x128xf32, #tpu.memory_space<hbm>>
        %dma_wait3A_64 = tpu.memref_squeeze %dma_wait3A_63 : memref<1x1x128x128xf32, #tpu.memory_space<hbm>> -> memref<128x128xf32, #tpu.memory_space<hbm>>
        %dma_wait3A_65 = arith.constant 0 : i32
        %dma_wait3A_66 = tpu.memref_slice %arg2[%arg0, %arg1, %mul3A_39, %dma_wait3A_65] : memref<2x16x10240x128xf32, #tpu.memory_space<hbm>> -> memref<1x1x128x128xf32, #tpu.memory_space<hbm>>
        %dma_wait3A_67 = tpu.memref_squeeze %dma_wait3A_66 : memref<1x1x128x128xf32, #tpu.memory_space<hbm>> -> memref<128x128xf32, #tpu.memory_space<hbm>>
        tpu.wait_dma2 semaphore(%run_scoped3A : memref<!tpu.dma_semaphore, #tpu.memory_space<semaphore_mem>>) src(%dma_wait3A_67 : memref<128x128xf32, #tpu.memory_space<hbm>>) dst(%arg7 : memref<128x128xf32, #tpu.memory_space<vmem>>)
        tpu.yield
      }) : () -> ()
      %dma_start3A = arith.constant 0 : i32
      %dma_start3A_40 = tpu.memref_slice %arg9[%scan3A_36, %dma_start3A] : memref<40x128xi32, #tpu.memory_space<vmem>> -> memref<1x128xi32, #tpu.memory_space<vmem>>
      %dma_start3A_41 = tpu.memref_squeeze %dma_start3A_40 : memref<1x128xi32, #tpu.memory_space<vmem>> -> memref<128xi32, #tpu.memory_space<vmem>>
      %dma_start3A_42 = arith.constant 0 : i32
      %dma_start3A_43 = arith.constant 0 : i32
      %dma_start3A_44 = tpu.memref_slice %arg5[%dma_start3A_42, %dma_start3A_43] : memref<10008x128xf32, #tpu.memory_space<hbm>> -> memref<10008x128xf32, #tpu.memory_space<hbm>>
      tpu.enqueue_indirect_dma source(%dma_start3A_44 : memref<10008x128xf32, #tpu.memory_space<hbm>>) target(%arg8 : memref<128x128xf32, #tpu.memory_space<vmem>>) offsets(%dma_start3A_41 : memref<128xi32, #tpu.memory_space<vmem>>) semaphore(%arg12 : memref<!tpu.dma_semaphore, #tpu.memory_space<semaphore_mem>>)
      %dma_wait3A = arith.constant 0 : i32
      %dma_wait3A_45 = tpu.memref_slice %arg9[%scan3A_36, %dma_wait3A] : memref<40x128xi32, #tpu.memory_space<vmem>> -> memref<1x128xi32, #tpu.memory_space<vmem>>
      %dma_wait3A_46 = tpu.memref_squeeze %dma_wait3A_45 : memref<1x128xi32, #tpu.memory_space<vmem>> -> memref<128xi32, #tpu.memory_space<vmem>>
      %dma_wait3A_47 = arith.constant 0 : i32
      %dma_wait3A_48 = arith.constant 0 : i32
      %dma_wait3A_49 = tpu.memref_slice %arg5[%dma_wait3A_47, %dma_wait3A_48] : memref<10008x128xf32, #tpu.memory_space<hbm>> -> memref<10008x128xf32, #tpu.memory_space<hbm>>
      tpu.wait_indirect_dma semaphore(%arg12 : memref<!tpu.dma_semaphore, #tpu.memory_space<semaphore_mem>>) src(%dma_wait3A_49 : memref<10008x128xf32, #tpu.memory_space<hbm>>) dst(%arg8 : memref<128x128xf32, #tpu.memory_space<vmem>>)
      %scan3A_50 = arith.constant 0 : i32
      %scan3A_51 = arith.constant 0 : i32
      %scan3A_52 = arith.constant 128 : i32
      %scan3A_53 = arith.addi %scan3A_51, %scan3A_52 : i32
      %scan3A_54 = arith.constant 1 : i32
      scf.for %scan3A_56 = %scan3A_51 to %scan3A_53 step %scan3A_54  : i32 {
        %get3A = arith.index_cast %scan3A_56 : i32 to index
        %get3A_57 = arith.constant 0 : index
        %get3A_58 = tpu.vector_load %arg8[%get3A, %get3A_57] {strides = array<i32>} : memref<128x128xf32, #tpu.memory_space<vmem>>, vector<1x16xf32>,
        %get3A_59 = vector.shape_cast %get3A_58 : vector<1x16xf32> to vector<16xf32>
        %get3A_60 = arith.index_cast %scan3A_56 : i32 to index
        %get3A_61 = arith.constant 0 : index
        %get3A_62 = tpu.vector_load %arg7[%get3A_60, %get3A_61] {strides = array<i32>} : memref<128x128xf32, #tpu.memory_space<vmem>>, vector<1x16xf32>,
        %get3A_63 = vector.shape_cast %get3A_62 : vector<1x16xf32> to vector<16xf32>
        %add3A_64 = arith.addf %get3A_59, %get3A_63 : vector<16xf32>
        %max3A = arith.constant 0.000000e+00 : f32
        %max3A_65 = vector.broadcast %max3A : f32 to vector<16xf32>
        %max3A_66 = arith.maximumf %add3A_64, %max3A_65 : vector<16xf32>
        %swap3A = arith.index_cast %scan3A_56 : i32 to index
        %swap3A_67 = arith.constant 0 : index
        %swap3A_68 = tpu.vector_load %arg8[%swap3A, %swap3A_67] {strides = array<i32>} : memref<128x128xf32, #tpu.memory_space<vmem>>, vector<1x16xf32>,
        %swap3A_69 = vector.shape_cast %swap3A_68 : vector<1x16xf32> to vector<16xf32>
        %swap3A_70 = vector.shape_cast %max3A_66 : vector<16xf32> to vector<1x16xf32>
        tpu.vector_store %arg8[%swap3A, %swap3A_67], %swap3A_70 {strides = array<i32>} : memref<128x128xf32, #tpu.memory_space<vmem>>, vector<1x16xf32>,
        %get3A_71 = arith.index_cast %scan3A_56 : i32 to index
        %get3A_72 = arith.constant 16 : index
        %get3A_73 = tpu.vector_load %arg8[%get3A_71, %get3A_72] {strides = array<i32>} : memref<128x128xf32, #tpu.memory_space<vmem>>, vector<1x16xf32>,
        %get3A_74 = vector.shape_cast %get3A_73 : vector<1x16xf32> to vector<16xf32>
        %get3A_75 = arith.index_cast %scan3A_56 : i32 to index
        %get3A_76 = arith.constant 16 : index
        %get3A_77 = tpu.vector_load %arg7[%get3A_75, %get3A_76] {strides = array<i32>} : memref<128x128xf32, #tpu.memory_space<vmem>>, vector<1x16xf32>,
        %get3A_78 = vector.shape_cast %get3A_77 : vector<1x16xf32> to vector<16xf32>
        %add3A_79 = arith.addf %get3A_74, %get3A_78 : vector<16xf32>
        %max3A_80 = arith.constant 0.000000e+00 : f32
        %max3A_81 = vector.broadcast %max3A_80 : f32 to vector<16xf32>
        %max3A_82 = arith.maximumf %add3A_79, %max3A_81 : vector<16xf32>
        %swap3A_83 = arith.index_cast %scan3A_56 : i32 to index
        %swap3A_84 = arith.constant 16 : index
        %swap3A_85 = tpu.vector_load %arg8[%swap3A_83, %swap3A_84] {strides = array<i32>} : memref<128x128xf32, #tpu.memory_space<vmem>>, vector<1x16xf32>,
        %swap3A_86 = vector.shape_cast %swap3A_85 : vector<1x16xf32> to vector<16xf32>
        %swap3A_87 = vector.shape_cast %max3A_82 : vector<16xf32> to vector<1x16xf32>
        tpu.vector_store %arg8[%swap3A_83, %swap3A_84], %swap3A_87 {strides = array<i32>} : memref<128x128xf32, #tpu.memory_space<vmem>>, vector<1x16xf32>,
        %get3A_88 = arith.index_cast %scan3A_56 : i32 to index
        %get3A_89 = arith.constant 32 : index
        %get3A_90 = tpu.vector_load %arg8[%get3A_88, %get3A_89] {strides = array<i32>} : memref<128x128xf32, #tpu.memory_space<vmem>>, vector<1x16xf32>,
        %get3A_91 = vector.shape_cast %get3A_90 : vector<1x16xf32> to vector<16xf32>
        %get3A_92 = arith.index_cast %scan3A_56 : i32 to index
        %get3A_93 = arith.constant 32 : index
        %get3A_94 = tpu.vector_load %arg7[%get3A_92, %get3A_93] {strides = array<i32>} : memref<128x128xf32, #tpu.memory_space<vmem>>, vector<1x16xf32>,
        %get3A_95 = vector.shape_cast %get3A_94 : vector<1x16xf32> to vector<16xf32>
        %add3A_96 = arith.addf %get3A_91, %get3A_95 : vector<16xf32>
        %max3A_97 = arith.constant 0.000000e+00 : f32
        %max3A_98 = vector.broadcast %max3A_97 : f32 to vector<16xf32>
        %max3A_99 = arith.maximumf %add3A_96, %max3A_98 : vector<16xf32>
        %swap3A_100 = arith.index_cast %scan3A_56 : i32 to index
        %swap3A_101 = arith.constant 32 : index
        %swap3A_102 = tpu.vector_load %arg8[%swap3A_100, %swap3A_101] {strides = array<i32>} : memref<128x128xf32, #tpu.memory_space<vmem>>, vector<1x16xf32>,
        %swap3A_103 = vector.shape_cast %swap3A_102 : vector<1x16xf32> to vector<16xf32>
        %swap3A_104 = vector.shape_cast %max3A_99 : vector<16xf32> to vector<1x16xf32>
        tpu.vector_store %arg8[%swap3A_100, %swap3A_101], %swap3A_104 {strides = array<i32>} : memref<128x128xf32, #tpu.memory_space<vmem>>, vector<1x16xf32>,
        %get3A_105 = arith.index_cast %scan3A_56 : i32 to index
        %get3A_106 = arith.constant 48 : index
        %get3A_107 = tpu.vector_load %arg8[%get3A_105, %get3A_106] {strides = array<i32>} : memref<128x128xf32, #tpu.memory_space<vmem>>, vector<1x16xf32>,
        %get3A_108 = vector.shape_cast %get3A_107 : vector<1x16xf32> to vector<16xf32>
        %get3A_109 = arith.index_cast %scan3A_56 : i32 to index
        %get3A_110 = arith.constant 48 : index
        %get3A_111 = tpu.vector_load %arg7[%get3A_109, %get3A_110] {strides = array<i32>} : memref<128x128xf32, #tpu.memory_space<vmem>>, vector<1x16xf32>,
        %get3A_112 = vector.shape_cast %get3A_111 : vector<1x16xf32> to vector<16xf32>
        %add3A_113 = arith.addf %get3A_108, %get3A_112 : vector<16xf32>
        %max3A_114 = arith.constant 0.000000e+00 : f32
        %max3A_115 = vector.broadcast %max3A_114 : f32 to vector<16xf32>
        %max3A_116 = arith.maximumf %add3A_113, %max3A_115 : vector<16xf32>
        %swap3A_117 = arith.index_cast %scan3A_56 : i32 to index
        %swap3A_118 = arith.constant 48 : index
        %swap3A_119 = tpu.vector_load %arg8[%swap3A_117, %swap3A_118] {strides = array<i32>} : memref<128x128xf32, #tpu.memory_space<vmem>>, vector<1x16xf32>,
        %swap3A_120 = vector.shape_cast %swap3A_119 : vector<1x16xf32> to vector<16xf32>
        %swap3A_121 = vector.shape_cast %max3A_116 : vector<16xf32> to vector<1x16xf32>
        tpu.vector_store %arg8[%swap3A_117, %swap3A_118], %swap3A_121 {strides = array<i32>} : memref<128x128xf32, #tpu.memory_space<vmem>>, vector<1x16xf32>,
        %get3A_122 = arith.index_cast %scan3A_56 : i32 to index
        %get3A_123 = arith.constant 64 : index
        %get3A_124 = tpu.vector_load %arg8[%get3A_122, %get3A_123] {strides = array<i32>} : memref<128x128xf32, #tpu.memory_space<vmem>>, vector<1x16xf32>,
        %get3A_125 = vector.shape_cast %get3A_124 : vector<1x16xf32> to vector<16xf32>
        %get3A_126 = arith.index_cast %scan3A_56 : i32 to index
        %get3A_127 = arith.constant 64 : index
        %get3A_128 = tpu.vector_load %arg7[%get3A_126, %get3A_127] {strides = array<i32>} : memref<128x128xf32, #tpu.memory_space<vmem>>, vector<1x16xf32>,
        %get3A_129 = vector.shape_cast %get3A_128 : vector<1x16xf32> to vector<16xf32>
        %add3A_130 = arith.addf %get3A_125, %get3A_129 : vector<16xf32>
        %max3A_131 = arith.constant 0.000000e+00 : f32
        %max3A_132 = vector.broadcast %max3A_131 : f32 to vector<16xf32>
        %max3A_133 = arith.maximumf %add3A_130, %max3A_132 : vector<16xf32>
        %swap3A_134 = arith.index_cast %scan3A_56 : i32 to index
        %swap3A_135 = arith.constant 64 : index
        %swap3A_136 = tpu.vector_load %arg8[%swap3A_134, %swap3A_135] {strides = array<i32>} : memref<128x128xf32, #tpu.memory_space<vmem>>, vector<1x16xf32>,
        %swap3A_137 = vector.shape_cast %swap3A_136 : vector<1x16xf32> to vector<16xf32>
        %swap3A_138 = vector.shape_cast %max3A_133 : vector<16xf32> to vector<1x16xf32>
        tpu.vector_store %arg8[%swap3A_134, %swap3A_135], %swap3A_138 {strides = array<i32>} : memref<128x128xf32, #tpu.memory_space<vmem>>, vector<1x16xf32>,
        %get3A_139 = arith.index_cast %scan3A_56 : i32 to index
        %get3A_140 = arith.constant 80 : index
        %get3A_141 = tpu.vector_load %arg8[%get3A_139, %get3A_140] {strides = array<i32>} : memref<128x128xf32, #tpu.memory_space<vmem>>, vector<1x16xf32>,
        %get3A_142 = vector.shape_cast %get3A_141 : vector<1x16xf32> to vector<16xf32>
        %get3A_143 = arith.index_cast %scan3A_56 : i32 to index
        %get3A_144 = arith.constant 80 : index
        %get3A_145 = tpu.vector_load %arg7[%get3A_143, %get3A_144] {strides = array<i32>} : memref<128x128xf32, #tpu.memory_space<vmem>>, vector<1x16xf32>,
        %get3A_146 = vector.shape_cast %get3A_145 : vector<1x16xf32> to vector<16xf32>
        %add3A_147 = arith.addf %get3A_142, %get3A_146 : vector<16xf32>
        %max3A_148 = arith.constant 0.000000e+00 : f32
        %max3A_149 = vector.broadcast %max3A_148 : f32 to vector<16xf32>
        %max3A_150 = arith.maximumf %add3A_147, %max3A_149 : vector<16xf32>
        %swap3A_151 = arith.index_cast %scan3A_56 : i32 to index
        %swap3A_152 = arith.constant 80 : index
        %swap3A_153 = tpu.vector_load %arg8[%swap3A_151, %swap3A_152] {strides = array<i32>} : memref<128x128xf32, #tpu.memory_space<vmem>>, vector<1x16xf32>,
        %swap3A_154 = vector.shape_cast %swap3A_153 : vector<1x16xf32> to vector<16xf32>
        %swap3A_155 = vector.shape_cast %max3A_150 : vector<16xf32> to vector<1x16xf32>
        tpu.vector_store %arg8[%swap3A_151, %swap3A_152], %swap3A_155 {strides = array<i32>} : memref<128x128xf32, #tpu.memory_space<vmem>>, vector<1x16xf32>,
        %get3A_156 = arith.index_cast %scan3A_56 : i32 to index
        %get3A_157 = arith.constant 96 : index
        %get3A_158 = tpu.vector_load %arg8[%get3A_156, %get3A_157] {strides = array<i32>} : memref<128x128xf32, #tpu.memory_space<vmem>>, vector<1x16xf32>,
        %get3A_159 = vector.shape_cast %get3A_158 : vector<1x16xf32> to vector<16xf32>
        %get3A_160 = arith.index_cast %scan3A_56 : i32 to index
        %get3A_161 = arith.constant 96 : index
        %get3A_162 = tpu.vector_load %arg7[%get3A_160, %get3A_161] {strides = array<i32>} : memref<128x128xf32, #tpu.memory_space<vmem>>, vector<1x16xf32>,
        %get3A_163 = vector.shape_cast %get3A_162 : vector<1x16xf32> to vector<16xf32>
        %add3A_164 = arith.addf %get3A_159, %get3A_163 : vector<16xf32>
        %max3A_165 = arith.constant 0.000000e+00 : f32
        %max3A_166 = vector.broadcast %max3A_165 : f32 to vector<16xf32>
        %max3A_167 = arith.maximumf %add3A_164, %max3A_166 : vector<16xf32>
        %swap3A_168 = arith.index_cast %scan3A_56 : i32 to index
        %swap3A_169 = arith.constant 96 : index
        %swap3A_170 = tpu.vector_load %arg8[%swap3A_168, %swap3A_169] {strides = array<i32>} : memref<128x128xf32, #tpu.memory_space<vmem>>, vector<1x16xf32>,
        %swap3A_171 = vector.shape_cast %swap3A_170 : vector<1x16xf32> to vector<16xf32>
        %swap3A_172 = vector.shape_cast %max3A_167 : vector<16xf32> to vector<1x16xf32>
        tpu.vector_store %arg8[%swap3A_168, %swap3A_169], %swap3A_172 {strides = array<i32>} : memref<128x128xf32, #tpu.memory_space<vmem>>, vector<1x16xf32>,
        %get3A_173 = arith.index_cast %scan3A_56 : i32 to index
        %get3A_174 = arith.constant 112 : index
        %get3A_175 = tpu.vector_load %arg8[%get3A_173, %get3A_174] {strides = array<i32>} : memref<128x128xf32, #tpu.memory_space<vmem>>, vector<1x16xf32>,
        %get3A_176 = vector.shape_cast %get3A_175 : vector<1x16xf32> to vector<16xf32>
        %get3A_177 = arith.index_cast %scan3A_56 : i32 to index
        %get3A_178 = arith.constant 112 : index
        %get3A_179 = tpu.vector_load %arg7[%get3A_177, %get3A_178] {strides = array<i32>} : memref<128x128xf32, #tpu.memory_space<vmem>>, vector<1x16xf32>,
        %get3A_180 = vector.shape_cast %get3A_179 : vector<1x16xf32> to vector<16xf32>
        %add3A_181 = arith.addf %get3A_176, %get3A_180 : vector<16xf32>
        %max3A_182 = arith.constant 0.000000e+00 : f32
        %max3A_183 = vector.broadcast %max3A_182 : f32 to vector<16xf32>
        %max3A_184 = arith.maximumf %add3A_181, %max3A_183 : vector<16xf32>
        %swap3A_185 = arith.index_cast %scan3A_56 : i32 to index
        %swap3A_186 = arith.constant 112 : index
        %swap3A_187 = tpu.vector_load %arg8[%swap3A_185, %swap3A_186] {strides = array<i32>} : memref<128x128xf32, #tpu.memory_space<vmem>>, vector<1x16xf32>,
        %swap3A_188 = vector.shape_cast %swap3A_187 : vector<1x16xf32> to vector<16xf32>
        %swap3A_189 = vector.shape_cast %max3A_184 : vector<16xf32> to vector<1x16xf32>
        tpu.vector_store %arg8[%swap3A_185, %swap3A_186], %swap3A_189 {strides = array<i32>} : memref<128x128xf32, #tpu.memory_space<vmem>>, vector<1x16xf32>,
      }
      %scan3A_55 = arith.constant 128 : i32
      "tpu.region"() ({
        %run_scoped3A = tpu.sem_alloc : memref<!tpu.dma_semaphore, #tpu.memory_space<semaphore_mem>>
        %dma_start3A_56 = arith.constant 0 : i32
        %dma_start3A_57 = tpu.memref_slice %arg10[%scan3A_36, %dma_start3A_56] : memref<40x128xi32, #tpu.memory_space<vmem>> -> memref<1x128xi32, #tpu.memory_space<vmem>>
        %dma_start3A_58 = tpu.memref_squeeze %dma_start3A_57 : memref<1x128xi32, #tpu.memory_space<vmem>> -> memref<128xi32, #tpu.memory_space<vmem>>
        %dma_start3A_59 = arith.constant 0 : i32
        %dma_start3A_60 = arith.constant 0 : i32
        %dma_start3A_61 = tpu.memref_slice %arg11[%dma_start3A_59, %dma_start3A_60] : memref<10000x128xf32, #tpu.memory_space<vmem_shared>> -> memref<10000x128xf32, #tpu.memory_space<vmem_shared>>
        tpu.enqueue_indirect_dma source(%arg8 : memref<128x128xf32, #tpu.memory_space<vmem>>) target(%dma_start3A_61 : memref<10000x128xf32, #tpu.memory_space<vmem_shared>>) offsets(%dma_start3A_58 : memref<128xi32, #tpu.memory_space<vmem>>) semaphore(%run_scoped3A : memref<!tpu.dma_semaphore, #tpu.memory_space<semaphore_mem>>) {add = true}
        %dma_wait3A_62 = arith.constant 0 : i32
        %dma_wait3A_63 = tpu.memref_slice %arg10[%scan3A_36, %dma_wait3A_62] : memref<40x128xi32, #tpu.memory_space<vmem>> -> memref<1x128xi32, #tpu.memory_space<vmem>>
        %dma_wait3A_64 = tpu.memref_squeeze %dma_wait3A_63 : memref<1x128xi32, #tpu.memory_space<vmem>> -> memref<128xi32, #tpu.memory_space<vmem>>
        %dma_wait3A_65 = arith.constant 0 : i32
        %dma_wait3A_66 = arith.constant 0 : i32
        %dma_wait3A_67 = tpu.memref_slice %arg11[%dma_wait3A_65, %dma_wait3A_66] : memref<10000x128xf32, #tpu.memory_space<vmem_shared>> -> memref<10000x128xf32, #tpu.memory_space<vmem_shared>>
        tpu.wait_indirect_dma semaphore(%run_scoped3A : memref<!tpu.dma_semaphore, #tpu.memory_space<semaphore_mem>>) src(%arg8 : memref<128x128xf32, #tpu.memory_space<vmem>>) dst(%dma_wait3A_67 : memref<10000x128xf32, #tpu.memory_space<vmem_shared>>)
        tpu.yield
      }) : () -> ()
    }
    %scan3A_18 = arith.constant 40 : i32
    "tpu.region"() ({
      %run_scoped3A = tpu.sem_alloc : memref<!tpu.dma_semaphore, #tpu.memory_space<semaphore_mem>>
      %dma_start3A = arith.constant 40 : i32
      %dma_start3A_36 = arith.constant 0 : i32
      %dma_start3A_37 = tpu.memref_slice %arg3[%arg0, %arg1, %dma_start3A, %dma_start3A_36] : memref<2x16x80x128xi32, #tpu.memory_space<hbm>> -> memref<1x1x40x128xi32, #tpu.memory_space<hbm>>
      %dma_start3A_38 = tpu.memref_squeeze %dma_start3A_37 : memref<1x1x40x128xi32, #tpu.memory_space<hbm>> -> memref<40x128xi32, #tpu.memory_space<hbm>>
      %dma_start3A_39 = arith.constant 40 : i32
      %dma_start3A_40 = arith.constant 0 : i32
      %dma_start3A_41 = tpu.memref_slice %arg3[%arg0, %arg1, %dma_start3A_39, %dma_start3A_40] : memref<2x16x80x128xi32, #tpu.memory_space<hbm>> -> memref<1x1x40x128xi32, #tpu.memory_space<hbm>>
      %dma_start3A_42 = tpu.memref_squeeze %dma_start3A_41 : memref<1x1x40x128xi32, #tpu.memory_space<hbm>> -> memref<40x128xi32, #tpu.memory_space<hbm>>
      tpu.enqueue_dma source(%dma_start3A_42 : memref<40x128xi32, #tpu.memory_space<hbm>>) target(%arg9 : memref<40x128xi32, #tpu.memory_space<vmem>>) target_semaphore(%run_scoped3A : memref<!tpu.dma_semaphore, #tpu.memory_space<semaphore_mem>>)
      %dma_wait3A = arith.constant 40 : i32
      %dma_wait3A_43 = arith.constant 0 : i32
      %dma_wait3A_44 = tpu.memref_slice %arg3[%arg0, %arg1, %dma_wait3A, %dma_wait3A_43] : memref<2x16x80x128xi32, #tpu.memory_space<hbm>> -> memref<1x1x40x128xi32, #tpu.memory_space<hbm>>
      %dma_wait3A_45 = tpu.memref_squeeze %dma_wait3A_44 : memref<1x1x40x128xi32, #tpu.memory_space<hbm>> -> memref<40x128xi32, #tpu.memory_space<hbm>>
      %dma_wait3A_46 = arith.constant 40 : i32
      %dma_wait3A_47 = arith.constant 0 : i32
      %dma_wait3A_48 = tpu.memref_slice %arg3[%arg0, %arg1, %dma_wait3A_46, %dma_wait3A_47] : memref<2x16x80x128xi32, #tpu.memory_space<hbm>> -> memref<1x1x40x128xi32, #tpu.memory_space<hbm>>
      %dma_wait3A_49 = tpu.memref_squeeze %dma_wait3A_48 : memref<1x1x40x128xi32, #tpu.memory_space<hbm>> -> memref<40x128xi32, #tpu.memory_space<hbm>>
      tpu.wait_dma2 semaphore(%run_scoped3A : memref<!tpu.dma_semaphore, #tpu.memory_space<semaphore_mem>>) src(%dma_wait3A_49 : memref<40x128xi32, #tpu.memory_space<hbm>>) dst(%arg9 : memref<40x128xi32, #tpu.memory_space<vmem>>)
      tpu.yield
    }) : () -> ()
    "tpu.region"() ({
      %run_scoped3A = tpu.sem_alloc : memref<!tpu.dma_semaphore, #tpu.memory_space<semaphore_mem>>
      %dma_start3A = arith.constant 40 : i32
      %dma_start3A_36 = arith.constant 0 : i32
      %dma_start3A_37 = tpu.memref_slice %arg4[%arg0, %arg1, %dma_start3A, %dma_start3A_36] : memref<2x16x80x128xi32, #tpu.memory_space<hbm>> -> memref<1x1x40x128xi32, #tpu.memory_space<hbm>>
      %dma_start3A_38 = tpu.memref_squeeze %dma_start3A_37 : memref<1x1x40x128xi32, #tpu.memory_space<hbm>> -> memref<40x128xi32, #tpu.memory_space<hbm>>
      %dma_start3A_39 = arith.constant 40 : i32
      %dma_start3A_40 = arith.constant 0 : i32
      %dma_start3A_41 = tpu.memref_slice %arg4[%arg0, %arg1, %dma_start3A_39, %dma_start3A_40] : memref<2x16x80x128xi32, #tpu.memory_space<hbm>> -> memref<1x1x40x128xi32, #tpu.memory_space<hbm>>
      %dma_start3A_42 = tpu.memref_squeeze %dma_start3A_41 : memref<1x1x40x128xi32, #tpu.memory_space<hbm>> -> memref<40x128xi32, #tpu.memory_space<hbm>>
      tpu.enqueue_dma source(%dma_start3A_42 : memref<40x128xi32, #tpu.memory_space<hbm>>) target(%arg10 : memref<40x128xi32, #tpu.memory_space<vmem>>) target_semaphore(%run_scoped3A : memref<!tpu.dma_semaphore, #tpu.memory_space<semaphore_mem>>)
      %dma_wait3A = arith.constant 40 : i32
      %dma_wait3A_43 = arith.constant 0 : i32
      %dma_wait3A_44 = tpu.memref_slice %arg4[%arg0, %arg1, %dma_wait3A, %dma_wait3A_43] : memref<2x16x80x128xi32, #tpu.memory_space<hbm>> -> memref<1x1x40x128xi32, #tpu.memory_space<hbm>>
      %dma_wait3A_45 = tpu.memref_squeeze %dma_wait3A_44 : memref<1x1x40x128xi32, #tpu.memory_space<hbm>> -> memref<40x128xi32, #tpu.memory_space<hbm>>
      %dma_wait3A_46 = arith.constant 40 : i32
      %dma_wait3A_47 = arith.constant 0 : i32
      %dma_wait3A_48 = tpu.memref_slice %arg4[%arg0, %arg1, %dma_wait3A_46, %dma_wait3A_47] : memref<2x16x80x128xi32, #tpu.memory_space<hbm>> -> memref<1x1x40x128xi32, #tpu.memory_space<hbm>>
      %dma_wait3A_49 = tpu.memref_squeeze %dma_wait3A_48 : memref<1x1x40x128xi32, #tpu.memory_space<hbm>> -> memref<40x128xi32, #tpu.memory_space<hbm>>
      tpu.wait_dma2 semaphore(%run_scoped3A : memref<!tpu.dma_semaphore, #tpu.memory_space<semaphore_mem>>) src(%dma_wait3A_49 : memref<40x128xi32, #tpu.memory_space<hbm>>) dst(%arg10 : memref<40x128xi32, #tpu.memory_space<vmem>>)
      tpu.yield
    }) : () -> ()
    %scan3A_19 = arith.constant 0 : i32
    %scan3A_20 = arith.constant 0 : i32
    %scan3A_21 = arith.constant 40 : i32
    %scan3A_22 = arith.addi %scan3A_20, %scan3A_21 : i32
    %scan3A_23 = arith.constant 1 : i32
    scf.for %scan3A_36 = %scan3A_20 to %scan3A_22 step %scan3A_23  : i32 {
      %add3A = arith.constant 40 : i32
      %add3A_37 = arith.addi %add3A, %scan3A_36 : i32
      %mul3A_38 = arith.constant 128 : i32
      %mul3A_39 = arith.muli %add3A_37, %mul3A_38 : i32
      "tpu.region"() ({
        %run_scoped3A = tpu.sem_alloc : memref<!tpu.dma_semaphore, #tpu.memory_space<semaphore_mem>>
        %dma_start3A_56 = arith.constant 0 : i32
        %dma_start3A_57 = tpu.memref_slice %arg2[%arg0, %arg1, %mul3A_39, %dma_start3A_56] : memref<2x16x10240x128xf32, #tpu.memory_space<hbm>> -> memref<1x1x128x128xf32, #tpu.memory_space<hbm>>
        %dma_start3A_58 = tpu.memref_squeeze %dma_start3A_57 : memref<1x1x128x128xf32, #tpu.memory_space<hbm>> -> memref<128x128xf32, #tpu.memory_space<hbm>>
        %dma_start3A_59 = arith.constant 0 : i32
        %dma_start3A_60 = tpu.memref_slice %arg2[%arg0, %arg1, %mul3A_39, %dma_start3A_59] : memref<2x16x10240x128xf32, #tpu.memory_space<hbm>> -> memref<1x1x128x128xf32, #tpu.memory_space<hbm>>
        %dma_start3A_61 = tpu.memref_squeeze %dma_start3A_60 : memref<1x1x128x128xf32, #tpu.memory_space<hbm>> -> memref<128x128xf32, #tpu.memory_space<hbm>>
        tpu.enqueue_dma source(%dma_start3A_61 : memref<128x128xf32, #tpu.memory_space<hbm>>) target(%arg7 : memref<128x128xf32, #tpu.memory_space<vmem>>) target_semaphore(%run_scoped3A : memref<!tpu.dma_semaphore, #tpu.memory_space<semaphore_mem>>)
        %dma_wait3A_62 = arith.constant 0 : i32
        %dma_wait3A_63 = tpu.memref_slice %arg2[%arg0, %arg1, %mul3A_39, %dma_wait3A_62] : memref<2x16x10240x128xf32, #tpu.memory_space<hbm>> -> memref<1x1x128x128xf32, #tpu.memory_space<hbm>>
        %dma_wait3A_64 = tpu.memref_squeeze %dma_wait3A_63 : memref<1x1x128x128xf32, #tpu.memory_space<hbm>> -> memref<128x128xf32, #tpu.memory_space<hbm>>
        %dma_wait3A_65 = arith.constant 0 : i32
        %dma_wait3A_66 = tpu.memref_slice %arg2[%arg0, %arg1, %mul3A_39, %dma_wait3A_65] : memref<2x16x10240x128xf32, #tpu.memory_space<hbm>> -> memref<1x1x128x128xf32, #tpu.memory_space<hbm>>
        %dma_wait3A_67 = tpu.memref_squeeze %dma_wait3A_66 : memref<1x1x128x128xf32, #tpu.memory_space<hbm>> -> memref<128x128xf32, #tpu.memory_space<hbm>>
        tpu.wait_dma2 semaphore(%run_scoped3A : memref<!tpu.dma_semaphore, #tpu.memory_space<semaphore_mem>>) src(%dma_wait3A_67 : memref<128x128xf32, #tpu.memory_space<hbm>>) dst(%arg7 : memref<128x128xf32, #tpu.memory_space<vmem>>)
        tpu.yield
      }) : () -> ()
      %dma_start3A = arith.constant 0 : i32
      %dma_start3A_40 = tpu.memref_slice %arg9[%scan3A_36, %dma_start3A] : memref<40x128xi32, #tpu.memory_space<vmem>> -> memref<1x128xi32, #tpu.memory_space<vmem>>
      %dma_start3A_41 = tpu.memref_squeeze %dma_start3A_40 : memref<1x128xi32, #tpu.memory_space<vmem>> -> memref<128xi32, #tpu.memory_space<vmem>>
      %dma_start3A_42 = arith.constant 0 : i32
      %dma_start3A_43 = arith.constant 0 : i32
      %dma_start3A_44 = tpu.memref_slice %arg5[%dma_start3A_42, %dma_start3A_43] : memref<10008x128xf32, #tpu.memory_space<hbm>> -> memref<10008x128xf32, #tpu.memory_space<hbm>>
      tpu.enqueue_indirect_dma source(%dma_start3A_44 : memref<10008x128xf32, #tpu.memory_space<hbm>>) target(%arg8 : memref<128x128xf32, #tpu.memory_space<vmem>>) offsets(%dma_start3A_41 : memref<128xi32, #tpu.memory_space<vmem>>) semaphore(%arg12 : memref<!tpu.dma_semaphore, #tpu.memory_space<semaphore_mem>>)
      %dma_wait3A = arith.constant 0 : i32
      %dma_wait3A_45 = tpu.memref_slice %arg9[%scan3A_36, %dma_wait3A] : memref<40x128xi32, #tpu.memory_space<vmem>> -> memref<1x128xi32, #tpu.memory_space<vmem>>
      %dma_wait3A_46 = tpu.memref_squeeze %dma_wait3A_45 : memref<1x128xi32, #tpu.memory_space<vmem>> -> memref<128xi32, #tpu.memory_space<vmem>>
      %dma_wait3A_47 = arith.constant 0 : i32
      %dma_wait3A_48 = arith.constant 0 : i32
      %dma_wait3A_49 = tpu.memref_slice %arg5[%dma_wait3A_47, %dma_wait3A_48] : memref<10008x128xf32, #tpu.memory_space<hbm>> -> memref<10008x128xf32, #tpu.memory_space<hbm>>
      tpu.wait_indirect_dma semaphore(%arg12 : memref<!tpu.dma_semaphore, #tpu.memory_space<semaphore_mem>>) src(%dma_wait3A_49 : memref<10008x128xf32, #tpu.memory_space<hbm>>) dst(%arg8 : memref<128x128xf32, #tpu.memory_space<vmem>>)
      %scan3A_50 = arith.constant 0 : i32
      %scan3A_51 = arith.constant 0 : i32
      %scan3A_52 = arith.constant 128 : i32
      %scan3A_53 = arith.addi %scan3A_51, %scan3A_52 : i32
      %scan3A_54 = arith.constant 1 : i32
      scf.for %scan3A_56 = %scan3A_51 to %scan3A_53 step %scan3A_54  : i32 {
        %get3A = arith.index_cast %scan3A_56 : i32 to index
        %get3A_57 = arith.constant 0 : index
        %get3A_58 = tpu.vector_load %arg8[%get3A, %get3A_57] {strides = array<i32>} : memref<128x128xf32, #tpu.memory_space<vmem>>, vector<1x16xf32>,
        %get3A_59 = vector.shape_cast %get3A_58 : vector<1x16xf32> to vector<16xf32>
        %get3A_60 = arith.index_cast %scan3A_56 : i32 to index
        %get3A_61 = arith.constant 0 : index
        %get3A_62 = tpu.vector_load %arg7[%get3A_60, %get3A_61] {strides = array<i32>} : memref<128x128xf32, #tpu.memory_space<vmem>>, vector<1x16xf32>,
        %get3A_63 = vector.shape_cast %get3A_62 : vector<1x16xf32> to vector<16xf32>
        %add3A_64 = arith.addf %get3A_59, %get3A_63 : vector<16xf32>
        %max3A = arith.constant 0.000000e+00 : f32
        %max3A_65 = vector.broadcast %max3A : f32 to vector<16xf32>
        %max3A_66 = arith.maximumf %add3A_64, %max3A_65 : vector<16xf32>
        %swap3A = arith.index_cast %scan3A_56 : i32 to index
        %swap3A_67 = arith.constant 0 : index
        %swap3A_68 = tpu.vector_load %arg8[%swap3A, %swap3A_67] {strides = array<i32>} : memref<128x128xf32, #tpu.memory_space<vmem>>, vector<1x16xf32>,
        %swap3A_69 = vector.shape_cast %swap3A_68 : vector<1x16xf32> to vector<16xf32>
        %swap3A_70 = vector.shape_cast %max3A_66 : vector<16xf32> to vector<1x16xf32>
        tpu.vector_store %arg8[%swap3A, %swap3A_67], %swap3A_70 {strides = array<i32>} : memref<128x128xf32, #tpu.memory_space<vmem>>, vector<1x16xf32>,
        %get3A_71 = arith.index_cast %scan3A_56 : i32 to index
        %get3A_72 = arith.constant 16 : index
        %get3A_73 = tpu.vector_load %arg8[%get3A_71, %get3A_72] {strides = array<i32>} : memref<128x128xf32, #tpu.memory_space<vmem>>, vector<1x16xf32>,
        %get3A_74 = vector.shape_cast %get3A_73 : vector<1x16xf32> to vector<16xf32>
        %get3A_75 = arith.index_cast %scan3A_56 : i32 to index
        %get3A_76 = arith.constant 16 : index
        %get3A_77 = tpu.vector_load %arg7[%get3A_75, %get3A_76] {strides = array<i32>} : memref<128x128xf32, #tpu.memory_space<vmem>>, vector<1x16xf32>,
        %get3A_78 = vector.shape_cast %get3A_77 : vector<1x16xf32> to vector<16xf32>
        %add3A_79 = arith.addf %get3A_74, %get3A_78 : vector<16xf32>
        %max3A_80 = arith.constant 0.000000e+00 : f32
        %max3A_81 = vector.broadcast %max3A_80 : f32 to vector<16xf32>
        %max3A_82 = arith.maximumf %add3A_79, %max3A_81 : vector<16xf32>
        %swap3A_83 = arith.index_cast %scan3A_56 : i32 to index
        %swap3A_84 = arith.constant 16 : index
        %swap3A_85 = tpu.vector_load %arg8[%swap3A_83, %swap3A_84] {strides = array<i32>} : memref<128x128xf32, #tpu.memory_space<vmem>>, vector<1x16xf32>,
        %swap3A_86 = vector.shape_cast %swap3A_85 : vector<1x16xf32> to vector<16xf32>
        %swap3A_87 = vector.shape_cast %max3A_82 : vector<16xf32> to vector<1x16xf32>
        tpu.vector_store %arg8[%swap3A_83, %swap3A_84], %swap3A_87 {strides = array<i32>} : memref<128x128xf32, #tpu.memory_space<vmem>>, vector<1x16xf32>,
        %get3A_88 = arith.index_cast %scan3A_56 : i32 to index
        %get3A_89 = arith.constant 32 : index
        %get3A_90 = tpu.vector_load %arg8[%get3A_88, %get3A_89] {strides = array<i32>} : memref<128x128xf32, #tpu.memory_space<vmem>>, vector<1x16xf32>,
        %get3A_91 = vector.shape_cast %get3A_90 : vector<1x16xf32> to vector<16xf32>
        %get3A_92 = arith.index_cast %scan3A_56 : i32 to index
        %get3A_93 = arith.constant 32 : index
        %get3A_94 = tpu.vector_load %arg7[%get3A_92, %get3A_93] {strides = array<i32>} : memref<128x128xf32, #tpu.memory_space<vmem>>, vector<1x16xf32>,
        %get3A_95 = vector.shape_cast %get3A_94 : vector<1x16xf32> to vector<16xf32>
        %add3A_96 = arith.addf %get3A_91, %get3A_95 : vector<16xf32>
        %max3A_97 = arith.constant 0.000000e+00 : f32
        %max3A_98 = vector.broadcast %max3A_97 : f32 to vector<16xf32>
        %max3A_99 = arith.maximumf %add3A_96, %max3A_98 : vector<16xf32>
        %swap3A_100 = arith.index_cast %scan3A_56 : i32 to index
        %swap3A_101 = arith.constant 32 : index
        %swap3A_102 = tpu.vector_load %arg8[%swap3A_100, %swap3A_101] {strides = array<i32>} : memref<128x128xf32, #tpu.memory_space<vmem>>, vector<1x16xf32>,
        %swap3A_103 = vector.shape_cast %swap3A_102 : vector<1x16xf32> to vector<16xf32>
        %swap3A_104 = vector.shape_cast %max3A_99 : vector<16xf32> to vector<1x16xf32>
        tpu.vector_store %arg8[%swap3A_100, %swap3A_101], %swap3A_104 {strides = array<i32>} : memref<128x128xf32, #tpu.memory_space<vmem>>, vector<1x16xf32>,
        %get3A_105 = arith.index_cast %scan3A_56 : i32 to index
        %get3A_106 = arith.constant 48 : index
        %get3A_107 = tpu.vector_load %arg8[%get3A_105, %get3A_106] {strides = array<i32>} : memref<128x128xf32, #tpu.memory_space<vmem>>, vector<1x16xf32>,
        %get3A_108 = vector.shape_cast %get3A_107 : vector<1x16xf32> to vector<16xf32>
        %get3A_109 = arith.index_cast %scan3A_56 : i32 to index
        %get3A_110 = arith.constant 48 : index
        %get3A_111 = tpu.vector_load %arg7[%get3A_109, %get3A_110] {strides = array<i32>} : memref<128x128xf32, #tpu.memory_space<vmem>>, vector<1x16xf32>,
        %get3A_112 = vector.shape_cast %get3A_111 : vector<1x16xf32> to vector<16xf32>
        %add3A_113 = arith.addf %get3A_108, %get3A_112 : vector<16xf32>
        %max3A_114 = arith.constant 0.000000e+00 : f32
        %max3A_115 = vector.broadcast %max3A_114 : f32 to vector<16xf32>
        %max3A_116 = arith.maximumf %add3A_113, %max3A_115 : vector<16xf32>
        %swap3A_117 = arith.index_cast %scan3A_56 : i32 to index
        %swap3A_118 = arith.constant 48 : index
        %swap3A_119 = tpu.vector_load %arg8[%swap3A_117, %swap3A_118] {strides = array<i32>} : memref<128x128xf32, #tpu.memory_space<vmem>>, vector<1x16xf32>,
        %swap3A_120 = vector.shape_cast %swap3A_119 : vector<1x16xf32> to vector<16xf32>
        %swap3A_121 = vector.shape_cast %max3A_116 : vector<16xf32> to vector<1x16xf32>
        tpu.vector_store %arg8[%swap3A_117, %swap3A_118], %swap3A_121 {strides = array<i32>} : memref<128x128xf32, #tpu.memory_space<vmem>>, vector<1x16xf32>,
        %get3A_122 = arith.index_cast %scan3A_56 : i32 to index
        %get3A_123 = arith.constant 64 : index
        %get3A_124 = tpu.vector_load %arg8[%get3A_122, %get3A_123] {strides = array<i32>} : memref<128x128xf32, #tpu.memory_space<vmem>>, vector<1x16xf32>,
        %get3A_125 = vector.shape_cast %get3A_124 : vector<1x16xf32> to vector<16xf32>
        %get3A_126 = arith.index_cast %scan3A_56 : i32 to index
        %get3A_127 = arith.constant 64 : index
        %get3A_128 = tpu.vector_load %arg7[%get3A_126, %get3A_127] {strides = array<i32>} : memref<128x128xf32, #tpu.memory_space<vmem>>, vector<1x16xf32>,
        %get3A_129 = vector.shape_cast %get3A_128 : vector<1x16xf32> to vector<16xf32>
        %add3A_130 = arith.addf %get3A_125, %get3A_129 : vector<16xf32>
        %max3A_131 = arith.constant 0.000000e+00 : f32
        %max3A_132 = vector.broadcast %max3A_131 : f32 to vector<16xf32>
        %max3A_133 = arith.maximumf %add3A_130, %max3A_132 : vector<16xf32>
        %swap3A_134 = arith.index_cast %scan3A_56 : i32 to index
        %swap3A_135 = arith.constant 64 : index
        %swap3A_136 = tpu.vector_load %arg8[%swap3A_134, %swap3A_135] {strides = array<i32>} : memref<128x128xf32, #tpu.memory_space<vmem>>, vector<1x16xf32>,
        %swap3A_137 = vector.shape_cast %swap3A_136 : vector<1x16xf32> to vector<16xf32>
        %swap3A_138 = vector.shape_cast %max3A_133 : vector<16xf32> to vector<1x16xf32>
        tpu.vector_store %arg8[%swap3A_134, %swap3A_135], %swap3A_138 {strides = array<i32>} : memref<128x128xf32, #tpu.memory_space<vmem>>, vector<1x16xf32>,
        %get3A_139 = arith.index_cast %scan3A_56 : i32 to index
        %get3A_140 = arith.constant 80 : index
        %get3A_141 = tpu.vector_load %arg8[%get3A_139, %get3A_140] {strides = array<i32>} : memref<128x128xf32, #tpu.memory_space<vmem>>, vector<1x16xf32>,
        %get3A_142 = vector.shape_cast %get3A_141 : vector<1x16xf32> to vector<16xf32>
        %get3A_143 = arith.index_cast %scan3A_56 : i32 to index
        %get3A_144 = arith.constant 80 : index
        %get3A_145 = tpu.vector_load %arg7[%get3A_143, %get3A_144] {strides = array<i32>} : memref<128x128xf32, #tpu.memory_space<vmem>>, vector<1x16xf32>,
        %get3A_146 = vector.shape_cast %get3A_145 : vector<1x16xf32> to vector<16xf32>
        %add3A_147 = arith.addf %get3A_142, %get3A_146 : vector<16xf32>
        %max3A_148 = arith.constant 0.000000e+00 : f32
        %max3A_149 = vector.broadcast %max3A_148 : f32 to vector<16xf32>
        %max3A_150 = arith.maximumf %add3A_147, %max3A_149 : vector<16xf32>
        %swap3A_151 = arith.index_cast %scan3A_56 : i32 to index
        %swap3A_152 = arith.constant 80 : index
        %swap3A_153 = tpu.vector_load %arg8[%swap3A_151, %swap3A_152] {strides = array<i32>} : memref<128x128xf32, #tpu.memory_space<vmem>>, vector<1x16xf32>,
        %swap3A_154 = vector.shape_cast %swap3A_153 : vector<1x16xf32> to vector<16xf32>
        %swap3A_155 = vector.shape_cast %max3A_150 : vector<16xf32> to vector<1x16xf32>
        tpu.vector_store %arg8[%swap3A_151, %swap3A_152], %swap3A_155 {strides = array<i32>} : memref<128x128xf32, #tpu.memory_space<vmem>>, vector<1x16xf32>,
        %get3A_156 = arith.index_cast %scan3A_56 : i32 to index
        %get3A_157 = arith.constant 96 : index
        %get3A_158 = tpu.vector_load %arg8[%get3A_156, %get3A_157] {strides = array<i32>} : memref<128x128xf32, #tpu.memory_space<vmem>>, vector<1x16xf32>,
        %get3A_159 = vector.shape_cast %get3A_158 : vector<1x16xf32> to vector<16xf32>
        %get3A_160 = arith.index_cast %scan3A_56 : i32 to index
        %get3A_161 = arith.constant 96 : index
        %get3A_162 = tpu.vector_load %arg7[%get3A_160, %get3A_161] {strides = array<i32>} : memref<128x128xf32, #tpu.memory_space<vmem>>, vector<1x16xf32>,
        %get3A_163 = vector.shape_cast %get3A_162 : vector<1x16xf32> to vector<16xf32>
        %add3A_164 = arith.addf %get3A_159, %get3A_163 : vector<16xf32>
        %max3A_165 = arith.constant 0.000000e+00 : f32
        %max3A_166 = vector.broadcast %max3A_165 : f32 to vector<16xf32>
        %max3A_167 = arith.maximumf %add3A_164, %max3A_166 : vector<16xf32>
        %swap3A_168 = arith.index_cast %scan3A_56 : i32 to index
        %swap3A_169 = arith.constant 96 : index
        %swap3A_170 = tpu.vector_load %arg8[%swap3A_168, %swap3A_169] {strides = array<i32>} : memref<128x128xf32, #tpu.memory_space<vmem>>, vector<1x16xf32>,
        %swap3A_171 = vector.shape_cast %swap3A_170 : vector<1x16xf32> to vector<16xf32>
        %swap3A_172 = vector.shape_cast %max3A_167 : vector<16xf32> to vector<1x16xf32>
        tpu.vector_store %arg8[%swap3A_168, %swap3A_169], %swap3A_172 {strides = array<i32>} : memref<128x128xf32, #tpu.memory_space<vmem>>, vector<1x16xf32>,
        %get3A_173 = arith.index_cast %scan3A_56 : i32 to index
        %get3A_174 = arith.constant 112 : index
        %get3A_175 = tpu.vector_load %arg8[%get3A_173, %get3A_174] {strides = array<i32>} : memref<128x128xf32, #tpu.memory_space<vmem>>, vector<1x16xf32>,
        %get3A_176 = vector.shape_cast %get3A_175 : vector<1x16xf32> to vector<16xf32>
        %get3A_177 = arith.index_cast %scan3A_56 : i32 to index
        %get3A_178 = arith.constant 112 : index
        %get3A_179 = tpu.vector_load %arg7[%get3A_177, %get3A_178] {strides = array<i32>} : memref<128x128xf32, #tpu.memory_space<vmem>>, vector<1x16xf32>,
        %get3A_180 = vector.shape_cast %get3A_179 : vector<1x16xf32> to vector<16xf32>
        %add3A_181 = arith.addf %get3A_176, %get3A_180 : vector<16xf32>
        %max3A_182 = arith.constant 0.000000e+00 : f32
        %max3A_183 = vector.broadcast %max3A_182 : f32 to vector<16xf32>
        %max3A_184 = arith.maximumf %add3A_181, %max3A_183 : vector<16xf32>
        %swap3A_185 = arith.index_cast %scan3A_56 : i32 to index
        %swap3A_186 = arith.constant 112 : index
        %swap3A_187 = tpu.vector_load %arg8[%swap3A_185, %swap3A_186] {strides = array<i32>} : memref<128x128xf32, #tpu.memory_space<vmem>>, vector<1x16xf32>,
        %swap3A_188 = vector.shape_cast %swap3A_187 : vector<1x16xf32> to vector<16xf32>
        %swap3A_189 = vector.shape_cast %max3A_184 : vector<16xf32> to vector<1x16xf32>
        tpu.vector_store %arg8[%swap3A_185, %swap3A_186], %swap3A_189 {strides = array<i32>} : memref<128x128xf32, #tpu.memory_space<vmem>>, vector<1x16xf32>,
      }
      %scan3A_55 = arith.constant 128 : i32
      "tpu.region"() ({
        %run_scoped3A = tpu.sem_alloc : memref<!tpu.dma_semaphore, #tpu.memory_space<semaphore_mem>>
        %dma_start3A_56 = arith.constant 0 : i32
        %dma_start3A_57 = tpu.memref_slice %arg10[%scan3A_36, %dma_start3A_56] : memref<40x128xi32, #tpu.memory_space<vmem>> -> memref<1x128xi32, #tpu.memory_space<vmem>>
        %dma_start3A_58 = tpu.memref_squeeze %dma_start3A_57 : memref<1x128xi32, #tpu.memory_space<vmem>> -> memref<128xi32, #tpu.memory_space<vmem>>
        %dma_start3A_59 = arith.constant 0 : i32
        %dma_start3A_60 = arith.constant 0 : i32
        %dma_start3A_61 = tpu.memref_slice %arg11[%dma_start3A_59, %dma_start3A_60] : memref<10000x128xf32, #tpu.memory_space<vmem_shared>> -> memref<10000x128xf32, #tpu.memory_space<vmem_shared>>
        tpu.enqueue_indirect_dma source(%arg8 : memref<128x128xf32, #tpu.memory_space<vmem>>) target(%dma_start3A_61 : memref<10000x128xf32, #tpu.memory_space<vmem_shared>>) offsets(%dma_start3A_58 : memref<128xi32, #tpu.memory_space<vmem>>) semaphore(%run_scoped3A : memref<!tpu.dma_semaphore, #tpu.memory_space<semaphore_mem>>) {add = true}
        %dma_wait3A_62 = arith.constant 0 : i32
        %dma_wait3A_63 = tpu.memref_slice %arg10[%scan3A_36, %dma_wait3A_62] : memref<40x128xi32, #tpu.memory_space<vmem>> -> memref<1x128xi32, #tpu.memory_space<vmem>>
        %dma_wait3A_64 = tpu.memref_squeeze %dma_wait3A_63 : memref<1x128xi32, #tpu.memory_space<vmem>> -> memref<128xi32, #tpu.memory_space<vmem>>
        %dma_wait3A_65 = arith.constant 0 : i32
        %dma_wait3A_66 = arith.constant 0 : i32
        %dma_wait3A_67 = tpu.memref_slice %arg11[%dma_wait3A_65, %dma_wait3A_66] : memref<10000x128xf32, #tpu.memory_space<vmem_shared>> -> memref<10000x128xf32, #tpu.memory_space<vmem_shared>>
        tpu.wait_indirect_dma semaphore(%run_scoped3A : memref<!tpu.dma_semaphore, #tpu.memory_space<semaphore_mem>>) src(%arg8 : memref<128x128xf32, #tpu.memory_space<vmem>>) dst(%dma_wait3A_67 : memref<10000x128xf32, #tpu.memory_space<vmem_shared>>)
        tpu.yield
      }) : () -> ()
    }
    %scan3A_24 = arith.constant 40 : i32
    %barrier3A_25 = arith.constant 0 : index
    tpu.barrier barrier_id(%barrier3A_25)
    %lt3A_26 = arith.constant 15 : i32
    %lt3A_27 = arith.cmpi slt, %arg1, %lt3A_26 : i32
    %convert_element_type3A_28 = arith.extui %lt3A_27 : i1 to i32
    %cond3A_29 = arith.constant 0 : i32
    %cond3A_30 = arith.cmpi ne, %convert_element_type3A_28, %cond3A_29 : i32
    scf.if %cond3A_30 {
      "tpu.region"() ({
        %run_scoped3A = tpu.sem_alloc : memref<!tpu.dma_semaphore, #tpu.memory_space<semaphore_mem>>
        %dma_start3A = arith.constant 0 : i32
        %dma_start3A_36 = tpu.memref_slice %arg6[%arg0, %mul3A_6, %dma_start3A] : memref<2x10000x128xf32, #tpu.memory_space<hbm>> -> memref<1x624x128xf32, #tpu.memory_space<hbm>>
        %dma_start3A_37 = tpu.memref_squeeze %dma_start3A_36 : memref<1x624x128xf32, #tpu.memory_space<hbm>> -> memref<624x128xf32, #tpu.memory_space<hbm>>
        %dma_start3A_38 = arith.constant 0 : i32
        %dma_start3A_39 = tpu.memref_slice %arg11[%mul3A_6, %dma_start3A_38] : memref<10000x128xf32, #tpu.memory_space<vmem_shared>> -> memref<624x128xf32, #tpu.memory_space<vmem_shared>>
        tpu.enqueue_dma source(%dma_start3A_39 : memref<624x128xf32, #tpu.memory_space<vmem_shared>>) target(%dma_start3A_37 : memref<624x128xf32, #tpu.memory_space<hbm>>) target_semaphore(%run_scoped3A : memref<!tpu.dma_semaphore, #tpu.memory_space<semaphore_mem>>)
        %dma_wait3A = arith.constant 0 : i32
        %dma_wait3A_40 = tpu.memref_slice %arg6[%arg0, %mul3A_6, %dma_wait3A] : memref<2x10000x128xf32, #tpu.memory_space<hbm>> -> memref<1x624x128xf32, #tpu.memory_space<hbm>>
        %dma_wait3A_41 = tpu.memref_squeeze %dma_wait3A_40 : memref<1x624x128xf32, #tpu.memory_space<hbm>> -> memref<624x128xf32, #tpu.memory_space<hbm>>
        %dma_wait3A_42 = arith.constant 0 : i32
        %dma_wait3A_43 = tpu.memref_slice %arg11[%mul3A_6, %dma_wait3A_42] : memref<10000x128xf32, #tpu.memory_space<vmem_shared>> -> memref<624x128xf32, #tpu.memory_space<vmem_shared>>
        tpu.wait_dma2 semaphore(%run_scoped3A : memref<!tpu.dma_semaphore, #tpu.memory_space<semaphore_mem>>) src(%dma_wait3A_43 : memref<624x128xf32, #tpu.memory_space<vmem_shared>>) dst(%dma_wait3A_41 : memref<624x128xf32, #tpu.memory_space<hbm>>)
        tpu.yield
      }) : () -> ()
    } else {
    }
    %eq3A_31 = arith.constant 15 : i32
    %eq3A_32 = arith.cmpi eq, %arg1, %eq3A_31 : i32
    %convert_element_type3A_33 = arith.extui %eq3A_32 : i1 to i32
    %cond3A_34 = arith.constant 0 : i32
    %cond3A_35 = arith.cmpi ne, %convert_element_type3A_33, %cond3A_34 : i32
    scf.if %cond3A_35 {
      "tpu.region"() ({
        %run_scoped3A = tpu.sem_alloc : memref<!tpu.dma_semaphore, #tpu.memory_space<semaphore_mem>>
        %dma_start3A = arith.constant 0 : i32
        %dma_start3A_36 = tpu.memref_slice %arg6[%arg0, %mul3A_6, %dma_start3A] : memref<2x10000x128xf32, #tpu.memory_space<hbm>> -> memref<1x640x128xf32, #tpu.memory_space<hbm>>
        %dma_start3A_37 = tpu.memref_squeeze %dma_start3A_36 : memref<1x640x128xf32, #tpu.memory_space<hbm>> -> memref<640x128xf32, #tpu.memory_space<hbm>>
        %dma_start3A_38 = arith.constant 0 : i32
        %dma_start3A_39 = tpu.memref_slice %arg11[%mul3A_6, %dma_start3A_38] : memref<10000x128xf32, #tpu.memory_space<vmem_shared>> -> memref<640x128xf32, #tpu.memory_space<vmem_shared>>
        tpu.enqueue_dma source(%dma_start3A_39 : memref<640x128xf32, #tpu.memory_space<vmem_shared>>) target(%dma_start3A_37 : memref<640x128xf32, #tpu.memory_space<hbm>>) target_semaphore(%run_scoped3A : memref<!tpu.dma_semaphore, #tpu.memory_space<semaphore_mem>>)
        %dma_wait3A = arith.constant 0 : i32
        %dma_wait3A_40 = tpu.memref_slice %arg6[%arg0, %mul3A_6, %dma_wait3A] : memref<2x10000x128xf32, #tpu.memory_space<hbm>> -> memref<1x640x128xf32, #tpu.memory_space<hbm>>
        %dma_wait3A_41 = tpu.memref_squeeze %dma_wait3A_40 : memref<1x640x128xf32, #tpu.memory_space<hbm>> -> memref<640x128xf32, #tpu.memory_space<hbm>>
        %dma_wait3A_42 = arith.constant 0 : i32
        %dma_wait3A_43 = tpu.memref_slice %arg11[%mul3A_6, %dma_wait3A_42] : memref<10000x128xf32, #tpu.memory_space<vmem_shared>> -> memref<640x128xf32, #tpu.memory_space<vmem_shared>>
        tpu.wait_dma2 semaphore(%run_scoped3A : memref<!tpu.dma_semaphore, #tpu.memory_space<semaphore_mem>>) src(%dma_wait3A_43 : memref<640x128xf32, #tpu.memory_space<vmem_shared>>) dst(%dma_wait3A_41 : memref<640x128xf32, #tpu.memory_space<hbm>>)
        tpu.yield
      }) : () -> ()
    } else {
    }
    return
  }
}

#map = affine_map<(d0, d1) -> (0, 0, 0, 0)>
#map1 = affine_map<(d0, d1) -> (0, 0)>
#map2 = affine_map<(d0, d1) -> (0, 0, 0)>
module attributes {stable_mosaic.version = 14 : i64} {
  func.func @_sc_body(%arg0: i32, %arg1: i32, %arg2: memref<2x16x10240x128xf32, #tpu.memory_space<hbm>>, %arg3: memref<2x16x80x128xi32, #tpu.memory_space<hbm>>, %arg4: memref<2x16x80x128xi32, #tpu.memory_space<hbm>>, %arg5: memref<10008x128xf32, #tpu.memory_space<hbm>>, %arg6: memref<2x10000x128xf32, #tpu.memory_space<hbm>>, %arg7: memref<128x128xf32, #tpu.memory_space<vmem>>, %arg8: memref<128x128xf32, #tpu.memory_space<vmem>>, %arg9: memref<40x128xi32, #tpu.memory_space<vmem>>, %arg10: memref<40x128xi32, #tpu.memory_space<vmem>>, %arg11: memref<10000x128xf32, #tpu.memory_space<vmem_shared>>, %arg12: memref<!tpu.dma_semaphore, #tpu.memory_space<semaphore_mem>>) attributes {dimension_semantics = [#tpu.dimension_semantics<core_parallel>, #tpu.dimension_semantics<subcore_parallel>], iteration_bounds = array<i64: 2, 16>, scalar_prefetch = 0 : i64, scratch_operands = 6 : i64, tpu.core_type = #tpu.core_type<sc_vector_subcore>, window_params = [{transform_indices = #map}, {transform_indices = #map}, {transform_indices = #map}, {transform_indices = #map1}, {transform_indices = #map2}]} {
    %broadcast_in_dim3A = arith.constant 0.000000e+00 : f32
    %broadcast_in_dim3A_0 = vector.broadcast %broadcast_in_dim3A : f32 to vector<16xf32>
    %scan3A = arith.constant 0 : i32
    %scan3A_1 = arith.constant 0 : i32
    %scan3A_2 = arith.constant 128 : i32
    %scan3A_3 = arith.addi %scan3A_1, %scan3A_2 : i32
    %scan3A_4 = arith.constant 1 : i32
    scf.for %scan3A_36 = %scan3A_1 to %scan3A_3 step %scan3A_4  : i32 {
      %swap3A = arith.index_cast %scan3A_36 : i32 to index
      %swap3A_37 = arith.constant 0 : index
      %swap3A_38 = tpu.vector_load %arg8[%swap3A, %swap3A_37] {strides = array<i32>} : memref<128x128xf32, #tpu.memory_space<vmem>>, vector<1x16xf32>,
      %swap3A_39 = vector.shape_cast %swap3A_38 : vector<1x16xf32> to vector<16xf32>
      %swap3A_40 = vector.shape_cast %broadcast_in_dim3A_0 : vector<16xf32> to vector<1x16xf32>
      tpu.vector_store %arg8[%swap3A, %swap3A_37], %swap3A_40 {strides = array<i32>} : memref<128x128xf32, #tpu.memory_space<vmem>>, vector<1x16xf32>,
      %swap3A_41 = arith.index_cast %scan3A_36 : i32 to index
      %swap3A_42 = arith.constant 16 : index
      %swap3A_43 = tpu.vector_load %arg8[%swap3A_41, %swap3A_42] {strides = array<i32>} : memref<128x128xf32, #tpu.memory_space<vmem>>, vector<1x16xf32>,
      %swap3A_44 = vector.shape_cast %swap3A_43 : vector<1x16xf32> to vector<16xf32>
      %swap3A_45 = vector.shape_cast %broadcast_in_dim3A_0 : vector<16xf32> to vector<1x16xf32>
      tpu.vector_store %arg8[%swap3A_41, %swap3A_42], %swap3A_45 {strides = array<i32>} : memref<128x128xf32, #tpu.memory_space<vmem>>, vector<1x16xf32>,
      %swap3A_46 = arith.index_cast %scan3A_36 : i32 to index
      %swap3A_47 = arith.constant 32 : index
      %swap3A_48 = tpu.vector_load %arg8[%swap3A_46, %swap3A_47] {strides = array<i32>} : memref<128x128xf32, #tpu.memory_space<vmem>>, vector<1x16xf32>,
      %swap3A_49 = vector.shape_cast %swap3A_48 : vector<1x16xf32> to vector<16xf32>
      %swap3A_50 = vector.shape_cast %broadcast_in_dim3A_0 : vector<16xf32> to vector<1x16xf32>
      tpu.vector_store %arg8[%swap3A_46, %swap3A_47], %swap3A_50 {strides = array<i32>} : memref<128x128xf32, #tpu.memory_space<vmem>>, vector<1x16xf32>,
      %swap3A_51 = arith.index_cast %scan3A_36 : i32 to index
      %swap3A_52 = arith.constant 48 : index
      %swap3A_53 = tpu.vector_load %arg8[%swap3A_51, %swap3A_52] {strides = array<i32>} : memref<128x128xf32, #tpu.memory_space<vmem>>, vector<1x16xf32>,
      %swap3A_54 = vector.shape_cast %swap3A_53 : vector<1x16xf32> to vector<16xf32>
      %swap3A_55 = vector.shape_cast %broadcast_in_dim3A_0 : vector<16xf32> to vector<1x16xf32>
      tpu.vector_store %arg8[%swap3A_51, %swap3A_52], %swap3A_55 {strides = array<i32>} : memref<128x128xf32, #tpu.memory_space<vmem>>, vector<1x16xf32>,
      %swap3A_56 = arith.index_cast %scan3A_36 : i32 to index
      %swap3A_57 = arith.constant 64 : index
      %swap3A_58 = tpu.vector_load %arg8[%swap3A_56, %swap3A_57] {strides = array<i32>} : memref<128x128xf32, #tpu.memory_space<vmem>>, vector<1x16xf32>,
      %swap3A_59 = vector.shape_cast %swap3A_58 : vector<1x16xf32> to vector<16xf32>
      %swap3A_60 = vector.shape_cast %broadcast_in_dim3A_0 : vector<16xf32> to vector<1x16xf32>
      tpu.vector_store %arg8[%swap3A_56, %swap3A_57], %swap3A_60 {strides = array<i32>} : memref<128x128xf32, #tpu.memory_space<vmem>>, vector<1x16xf32>,
      %swap3A_61 = arith.index_cast %scan3A_36 : i32 to index
      %swap3A_62 = arith.constant 80 : index
      %swap3A_63 = tpu.vector_load %arg8[%swap3A_61, %swap3A_62] {strides = array<i32>} : memref<128x128xf32, #tpu.memory_space<vmem>>, vector<1x16xf32>,
      %swap3A_64 = vector.shape_cast %swap3A_63 : vector<1x16xf32> to vector<16xf32>
      %swap3A_65 = vector.shape_cast %broadcast_in_dim3A_0 : vector<16xf32> to vector<1x16xf32>
      tpu.vector_store %arg8[%swap3A_61, %swap3A_62], %swap3A_65 {strides = array<i32>} : memref<128x128xf32, #tpu.memory_space<vmem>>, vector<1x16xf32>,
      %swap3A_66 = arith.index_cast %scan3A_36 : i32 to index
      %swap3A_67 = arith.constant 96 : index
      %swap3A_68 = tpu.vector_load %arg8[%swap3A_66, %swap3A_67] {strides = array<i32>} : memref<128x128xf32, #tpu.memory_space<vmem>>, vector<1x16xf32>,
      %swap3A_69 = vector.shape_cast %swap3A_68 : vector<1x16xf32> to vector<16xf32>
      %swap3A_70 = vector.shape_cast %broadcast_in_dim3A_0 : vector<16xf32> to vector<1x16xf32>
      tpu.vector_store %arg8[%swap3A_66, %swap3A_67], %swap3A_70 {strides = array<i32>} : memref<128x128xf32, #tpu.memory_space<vmem>>, vector<1x16xf32>,
      %swap3A_71 = arith.index_cast %scan3A_36 : i32 to index
      %swap3A_72 = arith.constant 112 : index
      %swap3A_73 = tpu.vector_load %arg8[%swap3A_71, %swap3A_72] {strides = array<i32>} : memref<128x128xf32, #tpu.memory_space<vmem>>, vector<1x16xf32>,
      %swap3A_74 = vector.shape_cast %swap3A_73 : vector<1x16xf32> to vector<16xf32>
      %swap3A_75 = vector.shape_cast %broadcast_in_dim3A_0 : vector<16xf32> to vector<1x16xf32>
      tpu.vector_store %arg8[%swap3A_71, %swap3A_72], %swap3A_75 {strides = array<i32>} : memref<128x128xf32, #tpu.memory_space<vmem>>, vector<1x16xf32>,
    }
    %scan3A_5 = arith.constant 128 : i32
    %mul3A = arith.constant 624 : i32
    %mul3A_6 = arith.muli %arg1, %mul3A : i32
    %lt3A = arith.constant 15 : i32
    %lt3A_7 = arith.cmpi slt, %arg1, %lt3A : i32
    %convert_element_type3A = arith.extui %lt3A_7 : i1 to i32
    %cond3A = arith.constant 0 : i32
    %cond3A_8 = arith.cmpi ne, %convert_element_type3A, %cond3A : i32
    scf.if %cond3A_8 {
      %add3A = arith.constant 0 : i32
      %add3A_36 = arith.addi %mul3A_6, %add3A : i32
      "tpu.region"() ({
        %run_scoped3A = tpu.sem_alloc : memref<!tpu.dma_semaphore, #tpu.memory_space<semaphore_mem>>
        %dma_start3A = arith.constant 0 : i32
        %dma_start3A_45 = tpu.memref_slice %arg11[%add3A_36, %dma_start3A] : memref<10000x128xf32, #tpu.memory_space<vmem_shared>> -> memref<128x128xf32, #tpu.memory_space<vmem_shared>>
        %dma_start3A_46 = arith.constant 0 : i32
        %dma_start3A_47 = tpu.memref_slice %arg11[%add3A_36, %dma_start3A_46] : memref<10000x128xf32, #tpu.memory_space<vmem_shared>> -> memref<128x128xf32, #tpu.memory_space<vmem_shared>>
        tpu.enqueue_dma source(%arg8 : memref<128x128xf32, #tpu.memory_space<vmem>>) target(%dma_start3A_47 : memref<128x128xf32, #tpu.memory_space<vmem_shared>>) target_semaphore(%run_scoped3A : memref<!tpu.dma_semaphore, #tpu.memory_space<semaphore_mem>>)
        %dma_wait3A = arith.constant 0 : i32
        %dma_wait3A_48 = tpu.memref_slice %arg11[%add3A_36, %dma_wait3A] : memref<10000x128xf32, #tpu.memory_space<vmem_shared>> -> memref<128x128xf32, #tpu.memory_space<vmem_shared>>
        %dma_wait3A_49 = arith.constant 0 : i32
        %dma_wait3A_50 = tpu.memref_slice %arg11[%add3A_36, %dma_wait3A_49] : memref<10000x128xf32, #tpu.memory_space<vmem_shared>> -> memref<128x128xf32, #tpu.memory_space<vmem_shared>>
        tpu.wait_dma2 semaphore(%run_scoped3A : memref<!tpu.dma_semaphore, #tpu.memory_space<semaphore_mem>>) src(%arg8 : memref<128x128xf32, #tpu.memory_space<vmem>>) dst(%dma_wait3A_50 : memref<128x128xf32, #tpu.memory_space<vmem_shared>>)
        tpu.yield
      }) : () -> ()
      %add3A_37 = arith.constant 128 : i32
      %add3A_38 = arith.addi %mul3A_6, %add3A_37 : i32
      "tpu.region"() ({
        %run_scoped3A = tpu.sem_alloc : memref<!tpu.dma_semaphore, #tpu.memory_space<semaphore_mem>>
        %dma_start3A = arith.constant 0 : i32
        %dma_start3A_45 = tpu.memref_slice %arg11[%add3A_38, %dma_start3A] : memref<10000x128xf32, #tpu.memory_space<vmem_shared>> -> memref<128x128xf32, #tpu.memory_space<vmem_shared>>
        %dma_start3A_46 = arith.constant 0 : i32
        %dma_start3A_47 = tpu.memref_slice %arg11[%add3A_38, %dma_start3A_46] : memref<10000x128xf32, #tpu.memory_space<vmem_shared>> -> memref<128x128xf32, #tpu.memory_space<vmem_shared>>
        tpu.enqueue_dma source(%arg8 : memref<128x128xf32, #tpu.memory_space<vmem>>) target(%dma_start3A_47 : memref<128x128xf32, #tpu.memory_space<vmem_shared>>) target_semaphore(%run_scoped3A : memref<!tpu.dma_semaphore, #tpu.memory_space<semaphore_mem>>)
        %dma_wait3A = arith.constant 0 : i32
        %dma_wait3A_48 = tpu.memref_slice %arg11[%add3A_38, %dma_wait3A] : memref<10000x128xf32, #tpu.memory_space<vmem_shared>> -> memref<128x128xf32, #tpu.memory_space<vmem_shared>>
        %dma_wait3A_49 = arith.constant 0 : i32
        %dma_wait3A_50 = tpu.memref_slice %arg11[%add3A_38, %dma_wait3A_49] : memref<10000x128xf32, #tpu.memory_space<vmem_shared>> -> memref<128x128xf32, #tpu.memory_space<vmem_shared>>
        tpu.wait_dma2 semaphore(%run_scoped3A : memref<!tpu.dma_semaphore, #tpu.memory_space<semaphore_mem>>) src(%arg8 : memref<128x128xf32, #tpu.memory_space<vmem>>) dst(%dma_wait3A_50 : memref<128x128xf32, #tpu.memory_space<vmem_shared>>)
        tpu.yield
      }) : () -> ()
      %add3A_39 = arith.constant 256 : i32
      %add3A_40 = arith.addi %mul3A_6, %add3A_39 : i32
      "tpu.region"() ({
        %run_scoped3A = tpu.sem_alloc : memref<!tpu.dma_semaphore, #tpu.memory_space<semaphore_mem>>
        %dma_start3A = arith.constant 0 : i32
        %dma_start3A_45 = tpu.memref_slice %arg11[%add3A_40, %dma_start3A] : memref<10000x128xf32, #tpu.memory_space<vmem_shared>> -> memref<128x128xf32, #tpu.memory_space<vmem_shared>>
        %dma_start3A_46 = arith.constant 0 : i32
        %dma_start3A_47 = tpu.memref_slice %arg11[%add3A_40, %dma_start3A_46] : memref<10000x128xf32, #tpu.memory_space<vmem_shared>> -> memref<128x128xf32, #tpu.memory_space<vmem_shared>>
        tpu.enqueue_dma source(%arg8 : memref<128x128xf32, #tpu.memory_space<vmem>>) target(%dma_start3A_47 : memref<128x128xf32, #tpu.memory_space<vmem_shared>>) target_semaphore(%run_scoped3A : memref<!tpu.dma_semaphore, #tpu.memory_space<semaphore_mem>>)
        %dma_wait3A = arith.constant 0 : i32
        %dma_wait3A_48 = tpu.memref_slice %arg11[%add3A_40, %dma_wait3A] : memref<10000x128xf32, #tpu.memory_space<vmem_shared>> -> memref<128x128xf32, #tpu.memory_space<vmem_shared>>
        %dma_wait3A_49 = arith.constant 0 : i32
        %dma_wait3A_50 = tpu.memref_slice %arg11[%add3A_40, %dma_wait3A_49] : memref<10000x128xf32, #tpu.memory_space<vmem_shared>> -> memref<128x128xf32, #tpu.memory_space<vmem_shared>>
        tpu.wait_dma2 semaphore(%run_scoped3A : memref<!tpu.dma_semaphore, #tpu.memory_space<semaphore_mem>>) src(%arg8 : memref<128x128xf32, #tpu.memory_space<vmem>>) dst(%dma_wait3A_50 : memref<128x128xf32, #tpu.memory_space<vmem_shared>>)
        tpu.yield
      }) : () -> ()
      %add3A_41 = arith.constant 384 : i32
      %add3A_42 = arith.addi %mul3A_6, %add3A_41 : i32
      "tpu.region"() ({
        %run_scoped3A = tpu.sem_alloc : memref<!tpu.dma_semaphore, #tpu.memory_space<semaphore_mem>>
        %dma_start3A = arith.constant 0 : i32
        %dma_start3A_45 = tpu.memref_slice %arg11[%add3A_42, %dma_start3A] : memref<10000x128xf32, #tpu.memory_space<vmem_shared>> -> memref<128x128xf32, #tpu.memory_space<vmem_shared>>
        %dma_start3A_46 = arith.constant 0 : i32
        %dma_start3A_47 = tpu.memref_slice %arg11[%add3A_42, %dma_start3A_46] : memref<10000x128xf32, #tpu.memory_space<vmem_shared>> -> memref<128x128xf32, #tpu.memory_space<vmem_shared>>
        tpu.enqueue_dma source(%arg8 : memref<128x128xf32, #tpu.memory_space<vmem>>) target(%dma_start3A_47 : memref<128x128xf32, #tpu.memory_space<vmem_shared>>) target_semaphore(%run_scoped3A : memref<!tpu.dma_semaphore, #tpu.memory_space<semaphore_mem>>)
        %dma_wait3A = arith.constant 0 : i32
        %dma_wait3A_48 = tpu.memref_slice %arg11[%add3A_42, %dma_wait3A] : memref<10000x128xf32, #tpu.memory_space<vmem_shared>> -> memref<128x128xf32, #tpu.memory_space<vmem_shared>>
        %dma_wait3A_49 = arith.constant 0 : i32
        %dma_wait3A_50 = tpu.memref_slice %arg11[%add3A_42, %dma_wait3A_49] : memref<10000x128xf32, #tpu.memory_space<vmem_shared>> -> memref<128x128xf32, #tpu.memory_space<vmem_shared>>
        tpu.wait_dma2 semaphore(%run_scoped3A : memref<!tpu.dma_semaphore, #tpu.memory_space<semaphore_mem>>) src(%arg8 : memref<128x128xf32, #tpu.memory_space<vmem>>) dst(%dma_wait3A_50 : memref<128x128xf32, #tpu.memory_space<vmem_shared>>)
        tpu.yield
      }) : () -> ()
      %add3A_43 = arith.constant 512 : i32
      %add3A_44 = arith.addi %mul3A_6, %add3A_43 : i32
      "tpu.region"() ({
        %run_scoped3A = tpu.sem_alloc : memref<!tpu.dma_semaphore, #tpu.memory_space<semaphore_mem>>
        %dma_start3A = arith.constant 0 : i32
        %dma_start3A_45 = arith.constant 0 : i32
        %dma_start3A_46 = tpu.memref_slice %arg8[%dma_start3A, %dma_start3A_45] : memref<128x128xf32, #tpu.memory_space<vmem>> -> memref<112x128xf32, #tpu.memory_space<vmem>>
        %dma_start3A_47 = arith.constant 0 : i32
        %dma_start3A_48 = tpu.memref_slice %arg11[%add3A_44, %dma_start3A_47] : memref<10000x128xf32, #tpu.memory_space<vmem_shared>> -> memref<112x128xf32, #tpu.memory_space<vmem_shared>>
        %dma_start3A_49 = arith.constant 0 : i32
        %dma_start3A_50 = tpu.memref_slice %arg11[%add3A_44, %dma_start3A_49] : memref<10000x128xf32, #tpu.memory_space<vmem_shared>> -> memref<112x128xf32, #tpu.memory_space<vmem_shared>>
        %dma_start3A_51 = arith.constant 0 : i32
        %dma_start3A_52 = arith.constant 0 : i32
        %dma_start3A_53 = tpu.memref_slice %arg8[%dma_start3A_51, %dma_start3A_52] : memref<128x128xf32, #tpu.memory_space<vmem>> -> memref<112x128xf32, #tpu.memory_space<vmem>>
        tpu.enqueue_dma source(%dma_start3A_53 : memref<112x128xf32, #tpu.memory_space<vmem>>) target(%dma_start3A_50 : memref<112x128xf32, #tpu.memory_space<vmem_shared>>) target_semaphore(%run_scoped3A : memref<!tpu.dma_semaphore, #tpu.memory_space<semaphore_mem>>)
        %dma_wait3A = arith.constant 0 : i32
        %dma_wait3A_54 = arith.constant 0 : i32
        %dma_wait3A_55 = tpu.memref_slice %arg8[%dma_wait3A, %dma_wait3A_54] : memref<128x128xf32, #tpu.memory_space<vmem>> -> memref<112x128xf32, #tpu.memory_space<vmem>>
        %dma_wait3A_56 = arith.constant 0 : i32
        %dma_wait3A_57 = tpu.memref_slice %arg11[%add3A_44, %dma_wait3A_56] : memref<10000x128xf32, #tpu.memory_space<vmem_shared>> -> memref<112x128xf32, #tpu.memory_space<vmem_shared>>
        %dma_wait3A_58 = arith.constant 0 : i32
        %dma_wait3A_59 = tpu.memref_slice %arg11[%add3A_44, %dma_wait3A_58] : memref<10000x128xf32, #tpu.memory_space<vmem_shared>> -> memref<112x128xf32, #tpu.memory_space<vmem_shared>>
        %dma_wait3A_60 = arith.constant 0 : i32
        %dma_wait3A_61 = arith.constant 0 : i32
        %dma_wait3A_62 = tpu.memref_slice %arg8[%dma_wait3A_60, %dma_wait3A_61] : memref<128x128xf32, #tpu.memory_space<vmem>> -> memref<112x128xf32, #tpu.memory_space<vmem>>
        tpu.wait_dma2 semaphore(%run_scoped3A : memref<!tpu.dma_semaphore, #tpu.memory_space<semaphore_mem>>) src(%dma_wait3A_62 : memref<112x128xf32, #tpu.memory_space<vmem>>) dst(%dma_wait3A_59 : memref<112x128xf32, #tpu.memory_space<vmem_shared>>)
        tpu.yield
      }) : () -> ()
    } else {
    }
    %eq3A = arith.constant 15 : i32
    %eq3A_9 = arith.cmpi eq, %arg1, %eq3A : i32
    %convert_element_type3A_10 = arith.extui %eq3A_9 : i1 to i32
    %cond3A_11 = arith.constant 0 : i32
    %cond3A_12 = arith.cmpi ne, %convert_element_type3A_10, %cond3A_11 : i32
    scf.if %cond3A_12 {
      %add3A = arith.constant 0 : i32
      %add3A_36 = arith.addi %mul3A_6, %add3A : i32
      "tpu.region"() ({
        %run_scoped3A = tpu.sem_alloc : memref<!tpu.dma_semaphore, #tpu.memory_space<semaphore_mem>>
        %dma_start3A = arith.constant 0 : i32
        %dma_start3A_45 = tpu.memref_slice %arg11[%add3A_36, %dma_start3A] : memref<10000x128xf32, #tpu.memory_space<vmem_shared>> -> memref<128x128xf32, #tpu.memory_space<vmem_shared>>
        %dma_start3A_46 = arith.constant 0 : i32
        %dma_start3A_47 = tpu.memref_slice %arg11[%add3A_36, %dma_start3A_46] : memref<10000x128xf32, #tpu.memory_space<vmem_shared>> -> memref<128x128xf32, #tpu.memory_space<vmem_shared>>
        tpu.enqueue_dma source(%arg8 : memref<128x128xf32, #tpu.memory_space<vmem>>) target(%dma_start3A_47 : memref<128x128xf32, #tpu.memory_space<vmem_shared>>) target_semaphore(%run_scoped3A : memref<!tpu.dma_semaphore, #tpu.memory_space<semaphore_mem>>)
        %dma_wait3A = arith.constant 0 : i32
        %dma_wait3A_48 = tpu.memref_slice %arg11[%add3A_36, %dma_wait3A] : memref<10000x128xf32, #tpu.memory_space<vmem_shared>> -> memref<128x128xf32, #tpu.memory_space<vmem_shared>>
        %dma_wait3A_49 = arith.constant 0 : i32
        %dma_wait3A_50 = tpu.memref_slice %arg11[%add3A_36, %dma_wait3A_49] : memref<10000x128xf32, #tpu.memory_space<vmem_shared>> -> memref<128x128xf32, #tpu.memory_space<vmem_shared>>
        tpu.wait_dma2 semaphore(%run_scoped3A : memref<!tpu.dma_semaphore, #tpu.memory_space<semaphore_mem>>) src(%arg8 : memref<128x128xf32, #tpu.memory_space<vmem>>) dst(%dma_wait3A_50 : memref<128x128xf32, #tpu.memory_space<vmem_shared>>)
        tpu.yield
      }) : () -> ()
      %add3A_37 = arith.constant 128 : i32
      %add3A_38 = arith.addi %mul3A_6, %add3A_37 : i32
      "tpu.region"() ({
        %run_scoped3A = tpu.sem_alloc : memref<!tpu.dma_semaphore, #tpu.memory_space<semaphore_mem>>
        %dma_start3A = arith.constant 0 : i32
        %dma_start3A_45 = tpu.memref_slice %arg11[%add3A_38, %dma_start3A] : memref<10000x128xf32, #tpu.memory_space<vmem_shared>> -> memref<128x128xf32, #tpu.memory_space<vmem_shared>>
        %dma_start3A_46 = arith.constant 0 : i32
        %dma_start3A_47 = tpu.memref_slice %arg11[%add3A_38, %dma_start3A_46] : memref<10000x128xf32, #tpu.memory_space<vmem_shared>> -> memref<128x128xf32, #tpu.memory_space<vmem_shared>>
        tpu.enqueue_dma source(%arg8 : memref<128x128xf32, #tpu.memory_space<vmem>>) target(%dma_start3A_47 : memref<128x128xf32, #tpu.memory_space<vmem_shared>>) target_semaphore(%run_scoped3A : memref<!tpu.dma_semaphore, #tpu.memory_space<semaphore_mem>>)
        %dma_wait3A = arith.constant 0 : i32
        %dma_wait3A_48 = tpu.memref_slice %arg11[%add3A_38, %dma_wait3A] : memref<10000x128xf32, #tpu.memory_space<vmem_shared>> -> memref<128x128xf32, #tpu.memory_space<vmem_shared>>
        %dma_wait3A_49 = arith.constant 0 : i32
        %dma_wait3A_50 = tpu.memref_slice %arg11[%add3A_38, %dma_wait3A_49] : memref<10000x128xf32, #tpu.memory_space<vmem_shared>> -> memref<128x128xf32, #tpu.memory_space<vmem_shared>>
        tpu.wait_dma2 semaphore(%run_scoped3A : memref<!tpu.dma_semaphore, #tpu.memory_space<semaphore_mem>>) src(%arg8 : memref<128x128xf32, #tpu.memory_space<vmem>>) dst(%dma_wait3A_50 : memref<128x128xf32, #tpu.memory_space<vmem_shared>>)
        tpu.yield
      }) : () -> ()
      %add3A_39 = arith.constant 256 : i32
      %add3A_40 = arith.addi %mul3A_6, %add3A_39 : i32
      "tpu.region"() ({
        %run_scoped3A = tpu.sem_alloc : memref<!tpu.dma_semaphore, #tpu.memory_space<semaphore_mem>>
        %dma_start3A = arith.constant 0 : i32
        %dma_start3A_45 = tpu.memref_slice %arg11[%add3A_40, %dma_start3A] : memref<10000x128xf32, #tpu.memory_space<vmem_shared>> -> memref<128x128xf32, #tpu.memory_space<vmem_shared>>
        %dma_start3A_46 = arith.constant 0 : i32
        %dma_start3A_47 = tpu.memref_slice %arg11[%add3A_40, %dma_start3A_46] : memref<10000x128xf32, #tpu.memory_space<vmem_shared>> -> memref<128x128xf32, #tpu.memory_space<vmem_shared>>
        tpu.enqueue_dma source(%arg8 : memref<128x128xf32, #tpu.memory_space<vmem>>) target(%dma_start3A_47 : memref<128x128xf32, #tpu.memory_space<vmem_shared>>) target_semaphore(%run_scoped3A : memref<!tpu.dma_semaphore, #tpu.memory_space<semaphore_mem>>)
        %dma_wait3A = arith.constant 0 : i32
        %dma_wait3A_48 = tpu.memref_slice %arg11[%add3A_40, %dma_wait3A] : memref<10000x128xf32, #tpu.memory_space<vmem_shared>> -> memref<128x128xf32, #tpu.memory_space<vmem_shared>>
        %dma_wait3A_49 = arith.constant 0 : i32
        %dma_wait3A_50 = tpu.memref_slice %arg11[%add3A_40, %dma_wait3A_49] : memref<10000x128xf32, #tpu.memory_space<vmem_shared>> -> memref<128x128xf32, #tpu.memory_space<vmem_shared>>
        tpu.wait_dma2 semaphore(%run_scoped3A : memref<!tpu.dma_semaphore, #tpu.memory_space<semaphore_mem>>) src(%arg8 : memref<128x128xf32, #tpu.memory_space<vmem>>) dst(%dma_wait3A_50 : memref<128x128xf32, #tpu.memory_space<vmem_shared>>)
        tpu.yield
      }) : () -> ()
      %add3A_41 = arith.constant 384 : i32
      %add3A_42 = arith.addi %mul3A_6, %add3A_41 : i32
      "tpu.region"() ({
        %run_scoped3A = tpu.sem_alloc : memref<!tpu.dma_semaphore, #tpu.memory_space<semaphore_mem>>
        %dma_start3A = arith.constant 0 : i32
        %dma_start3A_45 = tpu.memref_slice %arg11[%add3A_42, %dma_start3A] : memref<10000x128xf32, #tpu.memory_space<vmem_shared>> -> memref<128x128xf32, #tpu.memory_space<vmem_shared>>
        %dma_start3A_46 = arith.constant 0 : i32
        %dma_start3A_47 = tpu.memref_slice %arg11[%add3A_42, %dma_start3A_46] : memref<10000x128xf32, #tpu.memory_space<vmem_shared>> -> memref<128x128xf32, #tpu.memory_space<vmem_shared>>
        tpu.enqueue_dma source(%arg8 : memref<128x128xf32, #tpu.memory_space<vmem>>) target(%dma_start3A_47 : memref<128x128xf32, #tpu.memory_space<vmem_shared>>) target_semaphore(%run_scoped3A : memref<!tpu.dma_semaphore, #tpu.memory_space<semaphore_mem>>)
        %dma_wait3A = arith.constant 0 : i32
        %dma_wait3A_48 = tpu.memref_slice %arg11[%add3A_42, %dma_wait3A] : memref<10000x128xf32, #tpu.memory_space<vmem_shared>> -> memref<128x128xf32, #tpu.memory_space<vmem_shared>>
        %dma_wait3A_49 = arith.constant 0 : i32
        %dma_wait3A_50 = tpu.memref_slice %arg11[%add3A_42, %dma_wait3A_49] : memref<10000x128xf32, #tpu.memory_space<vmem_shared>> -> memref<128x128xf32, #tpu.memory_space<vmem_shared>>
        tpu.wait_dma2 semaphore(%run_scoped3A : memref<!tpu.dma_semaphore, #tpu.memory_space<semaphore_mem>>) src(%arg8 : memref<128x128xf32, #tpu.memory_space<vmem>>) dst(%dma_wait3A_50 : memref<128x128xf32, #tpu.memory_space<vmem_shared>>)
        tpu.yield
      }) : () -> ()
      %add3A_43 = arith.constant 512 : i32
      %add3A_44 = arith.addi %mul3A_6, %add3A_43 : i32
      "tpu.region"() ({
        %run_scoped3A = tpu.sem_alloc : memref<!tpu.dma_semaphore, #tpu.memory_space<semaphore_mem>>
        %dma_start3A = arith.constant 0 : i32
        %dma_start3A_45 = tpu.memref_slice %arg11[%add3A_44, %dma_start3A] : memref<10000x128xf32, #tpu.memory_space<vmem_shared>> -> memref<128x128xf32, #tpu.memory_space<vmem_shared>>
        %dma_start3A_46 = arith.constant 0 : i32
        %dma_start3A_47 = tpu.memref_slice %arg11[%add3A_44, %dma_start3A_46] : memref<10000x128xf32, #tpu.memory_space<vmem_shared>> -> memref<128x128xf32, #tpu.memory_space<vmem_shared>>
        tpu.enqueue_dma source(%arg8 : memref<128x128xf32, #tpu.memory_space<vmem>>) target(%dma_start3A_47 : memref<128x128xf32, #tpu.memory_space<vmem_shared>>) target_semaphore(%run_scoped3A : memref<!tpu.dma_semaphore, #tpu.memory_space<semaphore_mem>>)
        %dma_wait3A = arith.constant 0 : i32
        %dma_wait3A_48 = tpu.memref_slice %arg11[%add3A_44, %dma_wait3A] : memref<10000x128xf32, #tpu.memory_space<vmem_shared>> -> memref<128x128xf32, #tpu.memory_space<vmem_shared>>
        %dma_wait3A_49 = arith.constant 0 : i32
        %dma_wait3A_50 = tpu.memref_slice %arg11[%add3A_44, %dma_wait3A_49] : memref<10000x128xf32, #tpu.memory_space<vmem_shared>> -> memref<128x128xf32, #tpu.memory_space<vmem_shared>>
        tpu.wait_dma2 semaphore(%run_scoped3A : memref<!tpu.dma_semaphore, #tpu.memory_space<semaphore_mem>>) src(%arg8 : memref<128x128xf32, #tpu.memory_space<vmem>>) dst(%dma_wait3A_50 : memref<128x128xf32, #tpu.memory_space<vmem_shared>>)
        tpu.yield
      }) : () -> ()
    } else {
    }
    %barrier3A = arith.constant 0 : index
    tpu.barrier barrier_id(%barrier3A)
    "tpu.region"() ({
      %run_scoped3A = tpu.sem_alloc : memref<!tpu.dma_semaphore, #tpu.memory_space<semaphore_mem>>
      %dma_start3A = arith.constant 0 : i32
      %dma_start3A_36 = arith.constant 0 : i32
      %dma_start3A_37 = tpu.memref_slice %arg3[%arg0, %arg1, %dma_start3A, %dma_start3A_36] : memref<2x16x80x128xi32, #tpu.memory_space<hbm>> -> memref<1x1x40x128xi32, #tpu.memory_space<hbm>>
      %dma_start3A_38 = tpu.memref_squeeze %dma_start3A_37 : memref<1x1x40x128xi32, #tpu.memory_space<hbm>> -> memref<40x128xi32, #tpu.memory_space<hbm>>
      %dma_start3A_39 = arith.constant 0 : i32
      %dma_start3A_40 = arith.constant 0 : i32
      %dma_start3A_41 = tpu.memref_slice %arg3[%arg0, %arg1, %dma_start3A_39, %dma_start3A_40] : memref<2x16x80x128xi32, #tpu.memory_space<hbm>> -> memref<1x1x40x128xi32, #tpu.memory_space<hbm>>
      %dma_start3A_42 = tpu.memref_squeeze %dma_start3A_41 : memref<1x1x40x128xi32, #tpu.memory_space<hbm>> -> memref<40x128xi32, #tpu.memory_space<hbm>>
      tpu.enqueue_dma source(%dma_start3A_42 : memref<40x128xi32, #tpu.memory_space<hbm>>) target(%arg9 : memref<40x128xi32, #tpu.memory_space<vmem>>) target_semaphore(%run_scoped3A : memref<!tpu.dma_semaphore, #tpu.memory_space<semaphore_mem>>)
      %dma_wait3A = arith.constant 0 : i32
      %dma_wait3A_43 = arith.constant 0 : i32
      %dma_wait3A_44 = tpu.memref_slice %arg3[%arg0, %arg1, %dma_wait3A, %dma_wait3A_43] : memref<2x16x80x128xi32, #tpu.memory_space<hbm>> -> memref<1x1x40x128xi32, #tpu.memory_space<hbm>>
      %dma_wait3A_45 = tpu.memref_squeeze %dma_wait3A_44 : memref<1x1x40x128xi32, #tpu.memory_space<hbm>> -> memref<40x128xi32, #tpu.memory_space<hbm>>
      %dma_wait3A_46 = arith.constant 0 : i32
      %dma_wait3A_47 = arith.constant 0 : i32
      %dma_wait3A_48 = tpu.memref_slice %arg3[%arg0, %arg1, %dma_wait3A_46, %dma_wait3A_47] : memref<2x16x80x128xi32, #tpu.memory_space<hbm>> -> memref<1x1x40x128xi32, #tpu.memory_space<hbm>>
      %dma_wait3A_49 = tpu.memref_squeeze %dma_wait3A_48 : memref<1x1x40x128xi32, #tpu.memory_space<hbm>> -> memref<40x128xi32, #tpu.memory_space<hbm>>
      tpu.wait_dma2 semaphore(%run_scoped3A : memref<!tpu.dma_semaphore, #tpu.memory_space<semaphore_mem>>) src(%dma_wait3A_49 : memref<40x128xi32, #tpu.memory_space<hbm>>) dst(%arg9 : memref<40x128xi32, #tpu.memory_space<vmem>>)
      tpu.yield
    }) : () -> ()
    "tpu.region"() ({
      %run_scoped3A = tpu.sem_alloc : memref<!tpu.dma_semaphore, #tpu.memory_space<semaphore_mem>>
      %dma_start3A = arith.constant 0 : i32
      %dma_start3A_36 = arith.constant 0 : i32
      %dma_start3A_37 = tpu.memref_slice %arg4[%arg0, %arg1, %dma_start3A, %dma_start3A_36] : memref<2x16x80x128xi32, #tpu.memory_space<hbm>> -> memref<1x1x40x128xi32, #tpu.memory_space<hbm>>
      %dma_start3A_38 = tpu.memref_squeeze %dma_start3A_37 : memref<1x1x40x128xi32, #tpu.memory_space<hbm>> -> memref<40x128xi32, #tpu.memory_space<hbm>>
      %dma_start3A_39 = arith.constant 0 : i32
      %dma_start3A_40 = arith.constant 0 : i32
      %dma_start3A_41 = tpu.memref_slice %arg4[%arg0, %arg1, %dma_start3A_39, %dma_start3A_40] : memref<2x16x80x128xi32, #tpu.memory_space<hbm>> -> memref<1x1x40x128xi32, #tpu.memory_space<hbm>>
      %dma_start3A_42 = tpu.memref_squeeze %dma_start3A_41 : memref<1x1x40x128xi32, #tpu.memory_space<hbm>> -> memref<40x128xi32, #tpu.memory_space<hbm>>
      tpu.enqueue_dma source(%dma_start3A_42 : memref<40x128xi32, #tpu.memory_space<hbm>>) target(%arg10 : memref<40x128xi32, #tpu.memory_space<vmem>>) target_semaphore(%run_scoped3A : memref<!tpu.dma_semaphore, #tpu.memory_space<semaphore_mem>>)
      %dma_wait3A = arith.constant 0 : i32
      %dma_wait3A_43 = arith.constant 0 : i32
      %dma_wait3A_44 = tpu.memref_slice %arg4[%arg0, %arg1, %dma_wait3A, %dma_wait3A_43] : memref<2x16x80x128xi32, #tpu.memory_space<hbm>> -> memref<1x1x40x128xi32, #tpu.memory_space<hbm>>
      %dma_wait3A_45 = tpu.memref_squeeze %dma_wait3A_44 : memref<1x1x40x128xi32, #tpu.memory_space<hbm>> -> memref<40x128xi32, #tpu.memory_space<hbm>>
      %dma_wait3A_46 = arith.constant 0 : i32
      %dma_wait3A_47 = arith.constant 0 : i32
      %dma_wait3A_48 = tpu.memref_slice %arg4[%arg0, %arg1, %dma_wait3A_46, %dma_wait3A_47] : memref<2x16x80x128xi32, #tpu.memory_space<hbm>> -> memref<1x1x40x128xi32, #tpu.memory_space<hbm>>
      %dma_wait3A_49 = tpu.memref_squeeze %dma_wait3A_48 : memref<1x1x40x128xi32, #tpu.memory_space<hbm>> -> memref<40x128xi32, #tpu.memory_space<hbm>>
      tpu.wait_dma2 semaphore(%run_scoped3A : memref<!tpu.dma_semaphore, #tpu.memory_space<semaphore_mem>>) src(%dma_wait3A_49 : memref<40x128xi32, #tpu.memory_space<hbm>>) dst(%arg10 : memref<40x128xi32, #tpu.memory_space<vmem>>)
      tpu.yield
    }) : () -> ()
    %scan3A_13 = arith.constant 0 : i32
    %scan3A_14 = arith.constant 0 : i32
    %scan3A_15 = arith.constant 40 : i32
    %scan3A_16 = arith.addi %scan3A_14, %scan3A_15 : i32
    %scan3A_17 = arith.constant 1 : i32
    scf.for %scan3A_36 = %scan3A_14 to %scan3A_16 step %scan3A_17  : i32 {
      %add3A = arith.constant 0 : i32
      %add3A_37 = arith.addi %add3A, %scan3A_36 : i32
      %mul3A_38 = arith.constant 128 : i32
      %mul3A_39 = arith.muli %add3A_37, %mul3A_38 : i32
      "tpu.region"() ({
        %run_scoped3A = tpu.sem_alloc : memref<!tpu.dma_semaphore, #tpu.memory_space<semaphore_mem>>
        %dma_start3A_56 = arith.constant 0 : i32
        %dma_start3A_57 = tpu.memref_slice %arg2[%arg0, %arg1, %mul3A_39, %dma_start3A_56] : memref<2x16x10240x128xf32, #tpu.memory_space<hbm>> -> memref<1x1x128x128xf32, #tpu.memory_space<hbm>>
        %dma_start3A_58 = tpu.memref_squeeze %dma_start3A_57 : memref<1x1x128x128xf32, #tpu.memory_space<hbm>> -> memref<128x128xf32, #tpu.memory_space<hbm>>
        %dma_start3A_59 = arith.constant 0 : i32
        %dma_start3A_60 = tpu.memref_slice %arg2[%arg0, %arg1, %mul3A_39, %dma_start3A_59] : memref<2x16x10240x128xf32, #tpu.memory_space<hbm>> -> memref<1x1x128x128xf32, #tpu.memory_space<hbm>>
        %dma_start3A_61 = tpu.memref_squeeze %dma_start3A_60 : memref<1x1x128x128xf32, #tpu.memory_space<hbm>> -> memref<128x128xf32, #tpu.memory_space<hbm>>
        tpu.enqueue_dma source(%dma_start3A_61 : memref<128x128xf32, #tpu.memory_space<hbm>>) target(%arg7 : memref<128x128xf32, #tpu.memory_space<vmem>>) target_semaphore(%run_scoped3A : memref<!tpu.dma_semaphore, #tpu.memory_space<semaphore_mem>>)
        %dma_wait3A_62 = arith.constant 0 : i32
        %dma_wait3A_63 = tpu.memref_slice %arg2[%arg0, %arg1, %mul3A_39, %dma_wait3A_62] : memref<2x16x10240x128xf32, #tpu.memory_space<hbm>> -> memref<1x1x128x128xf32, #tpu.memory_space<hbm>>
        %dma_wait3A_64 = tpu.memref_squeeze %dma_wait3A_63 : memref<1x1x128x128xf32, #tpu.memory_space<hbm>> -> memref<128x128xf32, #tpu.memory_space<hbm>>
        %dma_wait3A_65 = arith.constant 0 : i32
        %dma_wait3A_66 = tpu.memref_slice %arg2[%arg0, %arg1, %mul3A_39, %dma_wait3A_65] : memref<2x16x10240x128xf32, #tpu.memory_space<hbm>> -> memref<1x1x128x128xf32, #tpu.memory_space<hbm>>
        %dma_wait3A_67 = tpu.memref_squeeze %dma_wait3A_66 : memref<1x1x128x128xf32, #tpu.memory_space<hbm>> -> memref<128x128xf32, #tpu.memory_space<hbm>>
        tpu.wait_dma2 semaphore(%run_scoped3A : memref<!tpu.dma_semaphore, #tpu.memory_space<semaphore_mem>>) src(%dma_wait3A_67 : memref<128x128xf32, #tpu.memory_space<hbm>>) dst(%arg7 : memref<128x128xf32, #tpu.memory_space<vmem>>)
        tpu.yield
      }) : () -> ()
      %dma_start3A = arith.constant 0 : i32
      %dma_start3A_40 = tpu.memref_slice %arg9[%scan3A_36, %dma_start3A] : memref<40x128xi32, #tpu.memory_space<vmem>> -> memref<1x128xi32, #tpu.memory_space<vmem>>
      %dma_start3A_41 = tpu.memref_squeeze %dma_start3A_40 : memref<1x128xi32, #tpu.memory_space<vmem>> -> memref<128xi32, #tpu.memory_space<vmem>>
      %dma_start3A_42 = arith.constant 0 : i32
      %dma_start3A_43 = arith.constant 0 : i32
      %dma_start3A_44 = tpu.memref_slice %arg5[%dma_start3A_42, %dma_start3A_43] : memref<10008x128xf32, #tpu.memory_space<hbm>> -> memref<10008x128xf32, #tpu.memory_space<hbm>>
      tpu.enqueue_indirect_dma source(%dma_start3A_44 : memref<10008x128xf32, #tpu.memory_space<hbm>>) target(%arg8 : memref<128x128xf32, #tpu.memory_space<vmem>>) offsets(%dma_start3A_41 : memref<128xi32, #tpu.memory_space<vmem>>) semaphore(%arg12 : memref<!tpu.dma_semaphore, #tpu.memory_space<semaphore_mem>>)
      %dma_wait3A = arith.constant 0 : i32
      %dma_wait3A_45 = tpu.memref_slice %arg9[%scan3A_36, %dma_wait3A] : memref<40x128xi32, #tpu.memory_space<vmem>> -> memref<1x128xi32, #tpu.memory_space<vmem>>
      %dma_wait3A_46 = tpu.memref_squeeze %dma_wait3A_45 : memref<1x128xi32, #tpu.memory_space<vmem>> -> memref<128xi32, #tpu.memory_space<vmem>>
      %dma_wait3A_47 = arith.constant 0 : i32
      %dma_wait3A_48 = arith.constant 0 : i32
      %dma_wait3A_49 = tpu.memref_slice %arg5[%dma_wait3A_47, %dma_wait3A_48] : memref<10008x128xf32, #tpu.memory_space<hbm>> -> memref<10008x128xf32, #tpu.memory_space<hbm>>
      tpu.wait_indirect_dma semaphore(%arg12 : memref<!tpu.dma_semaphore, #tpu.memory_space<semaphore_mem>>) src(%dma_wait3A_49 : memref<10008x128xf32, #tpu.memory_space<hbm>>) dst(%arg8 : memref<128x128xf32, #tpu.memory_space<vmem>>)
      %scan3A_50 = arith.constant 0 : i32
      %scan3A_51 = arith.constant 0 : i32
      %scan3A_52 = arith.constant 128 : i32
      %scan3A_53 = arith.addi %scan3A_51, %scan3A_52 : i32
      %scan3A_54 = arith.constant 1 : i32
      scf.for %scan3A_56 = %scan3A_51 to %scan3A_53 step %scan3A_54  : i32 {
        %get3A = arith.index_cast %scan3A_56 : i32 to index
        %get3A_57 = arith.constant 0 : index
        %get3A_58 = tpu.vector_load %arg8[%get3A, %get3A_57] {strides = array<i32>} : memref<128x128xf32, #tpu.memory_space<vmem>>, vector<1x16xf32>,
        %get3A_59 = vector.shape_cast %get3A_58 : vector<1x16xf32> to vector<16xf32>
        %get3A_60 = arith.index_cast %scan3A_56 : i32 to index
        %get3A_61 = arith.constant 0 : index
        %get3A_62 = tpu.vector_load %arg7[%get3A_60, %get3A_61] {strides = array<i32>} : memref<128x128xf32, #tpu.memory_space<vmem>>, vector<1x16xf32>,
        %get3A_63 = vector.shape_cast %get3A_62 : vector<1x16xf32> to vector<16xf32>
        %add3A_64 = arith.addf %get3A_59, %get3A_63 : vector<16xf32>
        %max3A = arith.constant 0.000000e+00 : f32
        %max3A_65 = vector.broadcast %max3A : f32 to vector<16xf32>
        %max3A_66 = arith.maximumf %add3A_64, %max3A_65 : vector<16xf32>
        %swap3A = arith.index_cast %scan3A_56 : i32 to index
        %swap3A_67 = arith.constant 0 : index
        %swap3A_68 = tpu.vector_load %arg8[%swap3A, %swap3A_67] {strides = array<i32>} : memref<128x128xf32, #tpu.memory_space<vmem>>, vector<1x16xf32>,
        %swap3A_69 = vector.shape_cast %swap3A_68 : vector<1x16xf32> to vector<16xf32>
        %swap3A_70 = vector.shape_cast %max3A_66 : vector<16xf32> to vector<1x16xf32>
        tpu.vector_store %arg8[%swap3A, %swap3A_67], %swap3A_70 {strides = array<i32>} : memref<128x128xf32, #tpu.memory_space<vmem>>, vector<1x16xf32>,
        %get3A_71 = arith.index_cast %scan3A_56 : i32 to index
        %get3A_72 = arith.constant 16 : index
        %get3A_73 = tpu.vector_load %arg8[%get3A_71, %get3A_72] {strides = array<i32>} : memref<128x128xf32, #tpu.memory_space<vmem>>, vector<1x16xf32>,
        %get3A_74 = vector.shape_cast %get3A_73 : vector<1x16xf32> to vector<16xf32>
        %get3A_75 = arith.index_cast %scan3A_56 : i32 to index
        %get3A_76 = arith.constant 16 : index
        %get3A_77 = tpu.vector_load %arg7[%get3A_75, %get3A_76] {strides = array<i32>} : memref<128x128xf32, #tpu.memory_space<vmem>>, vector<1x16xf32>,
        %get3A_78 = vector.shape_cast %get3A_77 : vector<1x16xf32> to vector<16xf32>
        %add3A_79 = arith.addf %get3A_74, %get3A_78 : vector<16xf32>
        %max3A_80 = arith.constant 0.000000e+00 : f32
        %max3A_81 = vector.broadcast %max3A_80 : f32 to vector<16xf32>
        %max3A_82 = arith.maximumf %add3A_79, %max3A_81 : vector<16xf32>
        %swap3A_83 = arith.index_cast %scan3A_56 : i32 to index
        %swap3A_84 = arith.constant 16 : index
        %swap3A_85 = tpu.vector_load %arg8[%swap3A_83, %swap3A_84] {strides = array<i32>} : memref<128x128xf32, #tpu.memory_space<vmem>>, vector<1x16xf32>,
        %swap3A_86 = vector.shape_cast %swap3A_85 : vector<1x16xf32> to vector<16xf32>
        %swap3A_87 = vector.shape_cast %max3A_82 : vector<16xf32> to vector<1x16xf32>
        tpu.vector_store %arg8[%swap3A_83, %swap3A_84], %swap3A_87 {strides = array<i32>} : memref<128x128xf32, #tpu.memory_space<vmem>>, vector<1x16xf32>,
        %get3A_88 = arith.index_cast %scan3A_56 : i32 to index
        %get3A_89 = arith.constant 32 : index
        %get3A_90 = tpu.vector_load %arg8[%get3A_88, %get3A_89] {strides = array<i32>} : memref<128x128xf32, #tpu.memory_space<vmem>>, vector<1x16xf32>,
        %get3A_91 = vector.shape_cast %get3A_90 : vector<1x16xf32> to vector<16xf32>
        %get3A_92 = arith.index_cast %scan3A_56 : i32 to index
        %get3A_93 = arith.constant 32 : index
        %get3A_94 = tpu.vector_load %arg7[%get3A_92, %get3A_93] {strides = array<i32>} : memref<128x128xf32, #tpu.memory_space<vmem>>, vector<1x16xf32>,
        %get3A_95 = vector.shape_cast %get3A_94 : vector<1x16xf32> to vector<16xf32>
        %add3A_96 = arith.addf %get3A_91, %get3A_95 : vector<16xf32>
        %max3A_97 = arith.constant 0.000000e+00 : f32
        %max3A_98 = vector.broadcast %max3A_97 : f32 to vector<16xf32>
        %max3A_99 = arith.maximumf %add3A_96, %max3A_98 : vector<16xf32>
        %swap3A_100 = arith.index_cast %scan3A_56 : i32 to index
        %swap3A_101 = arith.constant 32 : index
        %swap3A_102 = tpu.vector_load %arg8[%swap3A_100, %swap3A_101] {strides = array<i32>} : memref<128x128xf32, #tpu.memory_space<vmem>>, vector<1x16xf32>,
        %swap3A_103 = vector.shape_cast %swap3A_102 : vector<1x16xf32> to vector<16xf32>
        %swap3A_104 = vector.shape_cast %max3A_99 : vector<16xf32> to vector<1x16xf32>
        tpu.vector_store %arg8[%swap3A_100, %swap3A_101], %swap3A_104 {strides = array<i32>} : memref<128x128xf32, #tpu.memory_space<vmem>>, vector<1x16xf32>,
        %get3A_105 = arith.index_cast %scan3A_56 : i32 to index
        %get3A_106 = arith.constant 48 : index
        %get3A_107 = tpu.vector_load %arg8[%get3A_105, %get3A_106] {strides = array<i32>} : memref<128x128xf32, #tpu.memory_space<vmem>>, vector<1x16xf32>,
        %get3A_108 = vector.shape_cast %get3A_107 : vector<1x16xf32> to vector<16xf32>
        %get3A_109 = arith.index_cast %scan3A_56 : i32 to index
        %get3A_110 = arith.constant 48 : index
        %get3A_111 = tpu.vector_load %arg7[%get3A_109, %get3A_110] {strides = array<i32>} : memref<128x128xf32, #tpu.memory_space<vmem>>, vector<1x16xf32>,
        %get3A_112 = vector.shape_cast %get3A_111 : vector<1x16xf32> to vector<16xf32>
        %add3A_113 = arith.addf %get3A_108, %get3A_112 : vector<16xf32>
        %max3A_114 = arith.constant 0.000000e+00 : f32
        %max3A_115 = vector.broadcast %max3A_114 : f32 to vector<16xf32>
        %max3A_116 = arith.maximumf %add3A_113, %max3A_115 : vector<16xf32>
        %swap3A_117 = arith.index_cast %scan3A_56 : i32 to index
        %swap3A_118 = arith.constant 48 : index
        %swap3A_119 = tpu.vector_load %arg8[%swap3A_117, %swap3A_118] {strides = array<i32>} : memref<128x128xf32, #tpu.memory_space<vmem>>, vector<1x16xf32>,
        %swap3A_120 = vector.shape_cast %swap3A_119 : vector<1x16xf32> to vector<16xf32>
        %swap3A_121 = vector.shape_cast %max3A_116 : vector<16xf32> to vector<1x16xf32>
        tpu.vector_store %arg8[%swap3A_117, %swap3A_118], %swap3A_121 {strides = array<i32>} : memref<128x128xf32, #tpu.memory_space<vmem>>, vector<1x16xf32>,
        %get3A_122 = arith.index_cast %scan3A_56 : i32 to index
        %get3A_123 = arith.constant 64 : index
        %get3A_124 = tpu.vector_load %arg8[%get3A_122, %get3A_123] {strides = array<i32>} : memref<128x128xf32, #tpu.memory_space<vmem>>, vector<1x16xf32>,
        %get3A_125 = vector.shape_cast %get3A_124 : vector<1x16xf32> to vector<16xf32>
        %get3A_126 = arith.index_cast %scan3A_56 : i32 to index
        %get3A_127 = arith.constant 64 : index
        %get3A_128 = tpu.vector_load %arg7[%get3A_126, %get3A_127] {strides = array<i32>} : memref<128x128xf32, #tpu.memory_space<vmem>>, vector<1x16xf32>,
        %get3A_129 = vector.shape_cast %get3A_128 : vector<1x16xf32> to vector<16xf32>
        %add3A_130 = arith.addf %get3A_125, %get3A_129 : vector<16xf32>
        %max3A_131 = arith.constant 0.000000e+00 : f32
        %max3A_132 = vector.broadcast %max3A_131 : f32 to vector<16xf32>
        %max3A_133 = arith.maximumf %add3A_130, %max3A_132 : vector<16xf32>
        %swap3A_134 = arith.index_cast %scan3A_56 : i32 to index
        %swap3A_135 = arith.constant 64 : index
        %swap3A_136 = tpu.vector_load %arg8[%swap3A_134, %swap3A_135] {strides = array<i32>} : memref<128x128xf32, #tpu.memory_space<vmem>>, vector<1x16xf32>,
        %swap3A_137 = vector.shape_cast %swap3A_136 : vector<1x16xf32> to vector<16xf32>
        %swap3A_138 = vector.shape_cast %max3A_133 : vector<16xf32> to vector<1x16xf32>
        tpu.vector_store %arg8[%swap3A_134, %swap3A_135], %swap3A_138 {strides = array<i32>} : memref<128x128xf32, #tpu.memory_space<vmem>>, vector<1x16xf32>,
        %get3A_139 = arith.index_cast %scan3A_56 : i32 to index
        %get3A_140 = arith.constant 80 : index
        %get3A_141 = tpu.vector_load %arg8[%get3A_139, %get3A_140] {strides = array<i32>} : memref<128x128xf32, #tpu.memory_space<vmem>>, vector<1x16xf32>,
        %get3A_142 = vector.shape_cast %get3A_141 : vector<1x16xf32> to vector<16xf32>
        %get3A_143 = arith.index_cast %scan3A_56 : i32 to index
        %get3A_144 = arith.constant 80 : index
        %get3A_145 = tpu.vector_load %arg7[%get3A_143, %get3A_144] {strides = array<i32>} : memref<128x128xf32, #tpu.memory_space<vmem>>, vector<1x16xf32>,
        %get3A_146 = vector.shape_cast %get3A_145 : vector<1x16xf32> to vector<16xf32>
        %add3A_147 = arith.addf %get3A_142, %get3A_146 : vector<16xf32>
        %max3A_148 = arith.constant 0.000000e+00 : f32
        %max3A_149 = vector.broadcast %max3A_148 : f32 to vector<16xf32>
        %max3A_150 = arith.maximumf %add3A_147, %max3A_149 : vector<16xf32>
        %swap3A_151 = arith.index_cast %scan3A_56 : i32 to index
        %swap3A_152 = arith.constant 80 : index
        %swap3A_153 = tpu.vector_load %arg8[%swap3A_151, %swap3A_152] {strides = array<i32>} : memref<128x128xf32, #tpu.memory_space<vmem>>, vector<1x16xf32>,
        %swap3A_154 = vector.shape_cast %swap3A_153 : vector<1x16xf32> to vector<16xf32>
        %swap3A_155 = vector.shape_cast %max3A_150 : vector<16xf32> to vector<1x16xf32>
        tpu.vector_store %arg8[%swap3A_151, %swap3A_152], %swap3A_155 {strides = array<i32>} : memref<128x128xf32, #tpu.memory_space<vmem>>, vector<1x16xf32>,
        %get3A_156 = arith.index_cast %scan3A_56 : i32 to index
        %get3A_157 = arith.constant 96 : index
        %get3A_158 = tpu.vector_load %arg8[%get3A_156, %get3A_157] {strides = array<i32>} : memref<128x128xf32, #tpu.memory_space<vmem>>, vector<1x16xf32>,
        %get3A_159 = vector.shape_cast %get3A_158 : vector<1x16xf32> to vector<16xf32>
        %get3A_160 = arith.index_cast %scan3A_56 : i32 to index
        %get3A_161 = arith.constant 96 : index
        %get3A_162 = tpu.vector_load %arg7[%get3A_160, %get3A_161] {strides = array<i32>} : memref<128x128xf32, #tpu.memory_space<vmem>>, vector<1x16xf32>,
        %get3A_163 = vector.shape_cast %get3A_162 : vector<1x16xf32> to vector<16xf32>
        %add3A_164 = arith.addf %get3A_159, %get3A_163 : vector<16xf32>
        %max3A_165 = arith.constant 0.000000e+00 : f32
        %max3A_166 = vector.broadcast %max3A_165 : f32 to vector<16xf32>
        %max3A_167 = arith.maximumf %add3A_164, %max3A_166 : vector<16xf32>
        %swap3A_168 = arith.index_cast %scan3A_56 : i32 to index
        %swap3A_169 = arith.constant 96 : index
        %swap3A_170 = tpu.vector_load %arg8[%swap3A_168, %swap3A_169] {strides = array<i32>} : memref<128x128xf32, #tpu.memory_space<vmem>>, vector<1x16xf32>,
        %swap3A_171 = vector.shape_cast %swap3A_170 : vector<1x16xf32> to vector<16xf32>
        %swap3A_172 = vector.shape_cast %max3A_167 : vector<16xf32> to vector<1x16xf32>
        tpu.vector_store %arg8[%swap3A_168, %swap3A_169], %swap3A_172 {strides = array<i32>} : memref<128x128xf32, #tpu.memory_space<vmem>>, vector<1x16xf32>,
        %get3A_173 = arith.index_cast %scan3A_56 : i32 to index
        %get3A_174 = arith.constant 112 : index
        %get3A_175 = tpu.vector_load %arg8[%get3A_173, %get3A_174] {strides = array<i32>} : memref<128x128xf32, #tpu.memory_space<vmem>>, vector<1x16xf32>,
        %get3A_176 = vector.shape_cast %get3A_175 : vector<1x16xf32> to vector<16xf32>
        %get3A_177 = arith.index_cast %scan3A_56 : i32 to index
        %get3A_178 = arith.constant 112 : index
        %get3A_179 = tpu.vector_load %arg7[%get3A_177, %get3A_178] {strides = array<i32>} : memref<128x128xf32, #tpu.memory_space<vmem>>, vector<1x16xf32>,
        %get3A_180 = vector.shape_cast %get3A_179 : vector<1x16xf32> to vector<16xf32>
        %add3A_181 = arith.addf %get3A_176, %get3A_180 : vector<16xf32>
        %max3A_182 = arith.constant 0.000000e+00 : f32
        %max3A_183 = vector.broadcast %max3A_182 : f32 to vector<16xf32>
        %max3A_184 = arith.maximumf %add3A_181, %max3A_183 : vector<16xf32>
        %swap3A_185 = arith.index_cast %scan3A_56 : i32 to index
        %swap3A_186 = arith.constant 112 : index
        %swap3A_187 = tpu.vector_load %arg8[%swap3A_185, %swap3A_186] {strides = array<i32>} : memref<128x128xf32, #tpu.memory_space<vmem>>, vector<1x16xf32>,
        %swap3A_188 = vector.shape_cast %swap3A_187 : vector<1x16xf32> to vector<16xf32>
        %swap3A_189 = vector.shape_cast %max3A_184 : vector<16xf32> to vector<1x16xf32>
        tpu.vector_store %arg8[%swap3A_185, %swap3A_186], %swap3A_189 {strides = array<i32>} : memref<128x128xf32, #tpu.memory_space<vmem>>, vector<1x16xf32>,
      }
      %scan3A_55 = arith.constant 128 : i32
      "tpu.region"() ({
        %run_scoped3A = tpu.sem_alloc : memref<!tpu.dma_semaphore, #tpu.memory_space<semaphore_mem>>
        %dma_start3A_56 = arith.constant 0 : i32
        %dma_start3A_57 = tpu.memref_slice %arg10[%scan3A_36, %dma_start3A_56] : memref<40x128xi32, #tpu.memory_space<vmem>> -> memref<1x128xi32, #tpu.memory_space<vmem>>
        %dma_start3A_58 = tpu.memref_squeeze %dma_start3A_57 : memref<1x128xi32, #tpu.memory_space<vmem>> -> memref<128xi32, #tpu.memory_space<vmem>>
        %dma_start3A_59 = arith.constant 0 : i32
        %dma_start3A_60 = arith.constant 0 : i32
        %dma_start3A_61 = tpu.memref_slice %arg11[%dma_start3A_59, %dma_start3A_60] : memref<10000x128xf32, #tpu.memory_space<vmem_shared>> -> memref<10000x128xf32, #tpu.memory_space<vmem_shared>>
        tpu.enqueue_indirect_dma source(%arg8 : memref<128x128xf32, #tpu.memory_space<vmem>>) target(%dma_start3A_61 : memref<10000x128xf32, #tpu.memory_space<vmem_shared>>) offsets(%dma_start3A_58 : memref<128xi32, #tpu.memory_space<vmem>>) semaphore(%run_scoped3A : memref<!tpu.dma_semaphore, #tpu.memory_space<semaphore_mem>>) {add = true}
        %dma_wait3A_62 = arith.constant 0 : i32
        %dma_wait3A_63 = tpu.memref_slice %arg10[%scan3A_36, %dma_wait3A_62] : memref<40x128xi32, #tpu.memory_space<vmem>> -> memref<1x128xi32, #tpu.memory_space<vmem>>
        %dma_wait3A_64 = tpu.memref_squeeze %dma_wait3A_63 : memref<1x128xi32, #tpu.memory_space<vmem>> -> memref<128xi32, #tpu.memory_space<vmem>>
        %dma_wait3A_65 = arith.constant 0 : i32
        %dma_wait3A_66 = arith.constant 0 : i32
        %dma_wait3A_67 = tpu.memref_slice %arg11[%dma_wait3A_65, %dma_wait3A_66] : memref<10000x128xf32, #tpu.memory_space<vmem_shared>> -> memref<10000x128xf32, #tpu.memory_space<vmem_shared>>
        tpu.wait_indirect_dma semaphore(%run_scoped3A : memref<!tpu.dma_semaphore, #tpu.memory_space<semaphore_mem>>) src(%arg8 : memref<128x128xf32, #tpu.memory_space<vmem>>) dst(%dma_wait3A_67 : memref<10000x128xf32, #tpu.memory_space<vmem_shared>>)
        tpu.yield
      }) : () -> ()
    }
    %scan3A_18 = arith.constant 40 : i32
    "tpu.region"() ({
      %run_scoped3A = tpu.sem_alloc : memref<!tpu.dma_semaphore, #tpu.memory_space<semaphore_mem>>
      %dma_start3A = arith.constant 40 : i32
      %dma_start3A_36 = arith.constant 0 : i32
      %dma_start3A_37 = tpu.memref_slice %arg3[%arg0, %arg1, %dma_start3A, %dma_start3A_36] : memref<2x16x80x128xi32, #tpu.memory_space<hbm>> -> memref<1x1x40x128xi32, #tpu.memory_space<hbm>>
      %dma_start3A_38 = tpu.memref_squeeze %dma_start3A_37 : memref<1x1x40x128xi32, #tpu.memory_space<hbm>> -> memref<40x128xi32, #tpu.memory_space<hbm>>
      %dma_start3A_39 = arith.constant 40 : i32
      %dma_start3A_40 = arith.constant 0 : i32
      %dma_start3A_41 = tpu.memref_slice %arg3[%arg0, %arg1, %dma_start3A_39, %dma_start3A_40] : memref<2x16x80x128xi32, #tpu.memory_space<hbm>> -> memref<1x1x40x128xi32, #tpu.memory_space<hbm>>
      %dma_start3A_42 = tpu.memref_squeeze %dma_start3A_41 : memref<1x1x40x128xi32, #tpu.memory_space<hbm>> -> memref<40x128xi32, #tpu.memory_space<hbm>>
      tpu.enqueue_dma source(%dma_start3A_42 : memref<40x128xi32, #tpu.memory_space<hbm>>) target(%arg9 : memref<40x128xi32, #tpu.memory_space<vmem>>) target_semaphore(%run_scoped3A : memref<!tpu.dma_semaphore, #tpu.memory_space<semaphore_mem>>)
      %dma_wait3A = arith.constant 40 : i32
      %dma_wait3A_43 = arith.constant 0 : i32
      %dma_wait3A_44 = tpu.memref_slice %arg3[%arg0, %arg1, %dma_wait3A, %dma_wait3A_43] : memref<2x16x80x128xi32, #tpu.memory_space<hbm>> -> memref<1x1x40x128xi32, #tpu.memory_space<hbm>>
      %dma_wait3A_45 = tpu.memref_squeeze %dma_wait3A_44 : memref<1x1x40x128xi32, #tpu.memory_space<hbm>> -> memref<40x128xi32, #tpu.memory_space<hbm>>
      %dma_wait3A_46 = arith.constant 40 : i32
      %dma_wait3A_47 = arith.constant 0 : i32
      %dma_wait3A_48 = tpu.memref_slice %arg3[%arg0, %arg1, %dma_wait3A_46, %dma_wait3A_47] : memref<2x16x80x128xi32, #tpu.memory_space<hbm>> -> memref<1x1x40x128xi32, #tpu.memory_space<hbm>>
      %dma_wait3A_49 = tpu.memref_squeeze %dma_wait3A_48 : memref<1x1x40x128xi32, #tpu.memory_space<hbm>> -> memref<40x128xi32, #tpu.memory_space<hbm>>
      tpu.wait_dma2 semaphore(%run_scoped3A : memref<!tpu.dma_semaphore, #tpu.memory_space<semaphore_mem>>) src(%dma_wait3A_49 : memref<40x128xi32, #tpu.memory_space<hbm>>) dst(%arg9 : memref<40x128xi32, #tpu.memory_space<vmem>>)
      tpu.yield
    }) : () -> ()
    "tpu.region"() ({
      %run_scoped3A = tpu.sem_alloc : memref<!tpu.dma_semaphore, #tpu.memory_space<semaphore_mem>>
      %dma_start3A = arith.constant 40 : i32
      %dma_start3A_36 = arith.constant 0 : i32
      %dma_start3A_37 = tpu.memref_slice %arg4[%arg0, %arg1, %dma_start3A, %dma_start3A_36] : memref<2x16x80x128xi32, #tpu.memory_space<hbm>> -> memref<1x1x40x128xi32, #tpu.memory_space<hbm>>
      %dma_start3A_38 = tpu.memref_squeeze %dma_start3A_37 : memref<1x1x40x128xi32, #tpu.memory_space<hbm>> -> memref<40x128xi32, #tpu.memory_space<hbm>>
      %dma_start3A_39 = arith.constant 40 : i32
      %dma_start3A_40 = arith.constant 0 : i32
      %dma_start3A_41 = tpu.memref_slice %arg4[%arg0, %arg1, %dma_start3A_39, %dma_start3A_40] : memref<2x16x80x128xi32, #tpu.memory_space<hbm>> -> memref<1x1x40x128xi32, #tpu.memory_space<hbm>>
      %dma_start3A_42 = tpu.memref_squeeze %dma_start3A_41 : memref<1x1x40x128xi32, #tpu.memory_space<hbm>> -> memref<40x128xi32, #tpu.memory_space<hbm>>
      tpu.enqueue_dma source(%dma_start3A_42 : memref<40x128xi32, #tpu.memory_space<hbm>>) target(%arg10 : memref<40x128xi32, #tpu.memory_space<vmem>>) target_semaphore(%run_scoped3A : memref<!tpu.dma_semaphore, #tpu.memory_space<semaphore_mem>>)
      %dma_wait3A = arith.constant 40 : i32
      %dma_wait3A_43 = arith.constant 0 : i32
      %dma_wait3A_44 = tpu.memref_slice %arg4[%arg0, %arg1, %dma_wait3A, %dma_wait3A_43] : memref<2x16x80x128xi32, #tpu.memory_space<hbm>> -> memref<1x1x40x128xi32, #tpu.memory_space<hbm>>
      %dma_wait3A_45 = tpu.memref_squeeze %dma_wait3A_44 : memref<1x1x40x128xi32, #tpu.memory_space<hbm>> -> memref<40x128xi32, #tpu.memory_space<hbm>>
      %dma_wait3A_46 = arith.constant 40 : i32
      %dma_wait3A_47 = arith.constant 0 : i32
      %dma_wait3A_48 = tpu.memref_slice %arg4[%arg0, %arg1, %dma_wait3A_46, %dma_wait3A_47] : memref<2x16x80x128xi32, #tpu.memory_space<hbm>> -> memref<1x1x40x128xi32, #tpu.memory_space<hbm>>
      %dma_wait3A_49 = tpu.memref_squeeze %dma_wait3A_48 : memref<1x1x40x128xi32, #tpu.memory_space<hbm>> -> memref<40x128xi32, #tpu.memory_space<hbm>>
      tpu.wait_dma2 semaphore(%run_scoped3A : memref<!tpu.dma_semaphore, #tpu.memory_space<semaphore_mem>>) src(%dma_wait3A_49 : memref<40x128xi32, #tpu.memory_space<hbm>>) dst(%arg10 : memref<40x128xi32, #tpu.memory_space<vmem>>)
      tpu.yield
    }) : () -> ()
    %scan3A_19 = arith.constant 0 : i32
    %scan3A_20 = arith.constant 0 : i32
    %scan3A_21 = arith.constant 40 : i32
    %scan3A_22 = arith.addi %scan3A_20, %scan3A_21 : i32
    %scan3A_23 = arith.constant 1 : i32
    scf.for %scan3A_36 = %scan3A_20 to %scan3A_22 step %scan3A_23  : i32 {
      %add3A = arith.constant 40 : i32
      %add3A_37 = arith.addi %add3A, %scan3A_36 : i32
      %mul3A_38 = arith.constant 128 : i32
      %mul3A_39 = arith.muli %add3A_37, %mul3A_38 : i32
      "tpu.region"() ({
        %run_scoped3A = tpu.sem_alloc : memref<!tpu.dma_semaphore, #tpu.memory_space<semaphore_mem>>
        %dma_start3A_56 = arith.constant 0 : i32
        %dma_start3A_57 = tpu.memref_slice %arg2[%arg0, %arg1, %mul3A_39, %dma_start3A_56] : memref<2x16x10240x128xf32, #tpu.memory_space<hbm>> -> memref<1x1x128x128xf32, #tpu.memory_space<hbm>>
        %dma_start3A_58 = tpu.memref_squeeze %dma_start3A_57 : memref<1x1x128x128xf32, #tpu.memory_space<hbm>> -> memref<128x128xf32, #tpu.memory_space<hbm>>
        %dma_start3A_59 = arith.constant 0 : i32
        %dma_start3A_60 = tpu.memref_slice %arg2[%arg0, %arg1, %mul3A_39, %dma_start3A_59] : memref<2x16x10240x128xf32, #tpu.memory_space<hbm>> -> memref<1x1x128x128xf32, #tpu.memory_space<hbm>>
        %dma_start3A_61 = tpu.memref_squeeze %dma_start3A_60 : memref<1x1x128x128xf32, #tpu.memory_space<hbm>> -> memref<128x128xf32, #tpu.memory_space<hbm>>
        tpu.enqueue_dma source(%dma_start3A_61 : memref<128x128xf32, #tpu.memory_space<hbm>>) target(%arg7 : memref<128x128xf32, #tpu.memory_space<vmem>>) target_semaphore(%run_scoped3A : memref<!tpu.dma_semaphore, #tpu.memory_space<semaphore_mem>>)
        %dma_wait3A_62 = arith.constant 0 : i32
        %dma_wait3A_63 = tpu.memref_slice %arg2[%arg0, %arg1, %mul3A_39, %dma_wait3A_62] : memref<2x16x10240x128xf32, #tpu.memory_space<hbm>> -> memref<1x1x128x128xf32, #tpu.memory_space<hbm>>
        %dma_wait3A_64 = tpu.memref_squeeze %dma_wait3A_63 : memref<1x1x128x128xf32, #tpu.memory_space<hbm>> -> memref<128x128xf32, #tpu.memory_space<hbm>>
        %dma_wait3A_65 = arith.constant 0 : i32
        %dma_wait3A_66 = tpu.memref_slice %arg2[%arg0, %arg1, %mul3A_39, %dma_wait3A_65] : memref<2x16x10240x128xf32, #tpu.memory_space<hbm>> -> memref<1x1x128x128xf32, #tpu.memory_space<hbm>>
        %dma_wait3A_67 = tpu.memref_squeeze %dma_wait3A_66 : memref<1x1x128x128xf32, #tpu.memory_space<hbm>> -> memref<128x128xf32, #tpu.memory_space<hbm>>
        tpu.wait_dma2 semaphore(%run_scoped3A : memref<!tpu.dma_semaphore, #tpu.memory_space<semaphore_mem>>) src(%dma_wait3A_67 : memref<128x128xf32, #tpu.memory_space<hbm>>) dst(%arg7 : memref<128x128xf32, #tpu.memory_space<vmem>>)
        tpu.yield
      }) : () -> ()
      %dma_start3A = arith.constant 0 : i32
      %dma_start3A_40 = tpu.memref_slice %arg9[%scan3A_36, %dma_start3A] : memref<40x128xi32, #tpu.memory_space<vmem>> -> memref<1x128xi32, #tpu.memory_space<vmem>>
      %dma_start3A_41 = tpu.memref_squeeze %dma_start3A_40 : memref<1x128xi32, #tpu.memory_space<vmem>> -> memref<128xi32, #tpu.memory_space<vmem>>
      %dma_start3A_42 = arith.constant 0 : i32
      %dma_start3A_43 = arith.constant 0 : i32
      %dma_start3A_44 = tpu.memref_slice %arg5[%dma_start3A_42, %dma_start3A_43] : memref<10008x128xf32, #tpu.memory_space<hbm>> -> memref<10008x128xf32, #tpu.memory_space<hbm>>
      tpu.enqueue_indirect_dma source(%dma_start3A_44 : memref<10008x128xf32, #tpu.memory_space<hbm>>) target(%arg8 : memref<128x128xf32, #tpu.memory_space<vmem>>) offsets(%dma_start3A_41 : memref<128xi32, #tpu.memory_space<vmem>>) semaphore(%arg12 : memref<!tpu.dma_semaphore, #tpu.memory_space<semaphore_mem>>)
      %dma_wait3A = arith.constant 0 : i32
      %dma_wait3A_45 = tpu.memref_slice %arg9[%scan3A_36, %dma_wait3A] : memref<40x128xi32, #tpu.memory_space<vmem>> -> memref<1x128xi32, #tpu.memory_space<vmem>>
      %dma_wait3A_46 = tpu.memref_squeeze %dma_wait3A_45 : memref<1x128xi32, #tpu.memory_space<vmem>> -> memref<128xi32, #tpu.memory_space<vmem>>
      %dma_wait3A_47 = arith.constant 0 : i32
      %dma_wait3A_48 = arith.constant 0 : i32
      %dma_wait3A_49 = tpu.memref_slice %arg5[%dma_wait3A_47, %dma_wait3A_48] : memref<10008x128xf32, #tpu.memory_space<hbm>> -> memref<10008x128xf32, #tpu.memory_space<hbm>>
      tpu.wait_indirect_dma semaphore(%arg12 : memref<!tpu.dma_semaphore, #tpu.memory_space<semaphore_mem>>) src(%dma_wait3A_49 : memref<10008x128xf32, #tpu.memory_space<hbm>>) dst(%arg8 : memref<128x128xf32, #tpu.memory_space<vmem>>)
      %scan3A_50 = arith.constant 0 : i32
      %scan3A_51 = arith.constant 0 : i32
      %scan3A_52 = arith.constant 128 : i32
      %scan3A_53 = arith.addi %scan3A_51, %scan3A_52 : i32
      %scan3A_54 = arith.constant 1 : i32
      scf.for %scan3A_56 = %scan3A_51 to %scan3A_53 step %scan3A_54  : i32 {
        %get3A = arith.index_cast %scan3A_56 : i32 to index
        %get3A_57 = arith.constant 0 : index
        %get3A_58 = tpu.vector_load %arg8[%get3A, %get3A_57] {strides = array<i32>} : memref<128x128xf32, #tpu.memory_space<vmem>>, vector<1x16xf32>,
        %get3A_59 = vector.shape_cast %get3A_58 : vector<1x16xf32> to vector<16xf32>
        %get3A_60 = arith.index_cast %scan3A_56 : i32 to index
        %get3A_61 = arith.constant 0 : index
        %get3A_62 = tpu.vector_load %arg7[%get3A_60, %get3A_61] {strides = array<i32>} : memref<128x128xf32, #tpu.memory_space<vmem>>, vector<1x16xf32>,
        %get3A_63 = vector.shape_cast %get3A_62 : vector<1x16xf32> to vector<16xf32>
        %add3A_64 = arith.addf %get3A_59, %get3A_63 : vector<16xf32>
        %max3A = arith.constant 0.000000e+00 : f32
        %max3A_65 = vector.broadcast %max3A : f32 to vector<16xf32>
        %max3A_66 = arith.maximumf %add3A_64, %max3A_65 : vector<16xf32>
        %swap3A = arith.index_cast %scan3A_56 : i32 to index
        %swap3A_67 = arith.constant 0 : index
        %swap3A_68 = tpu.vector_load %arg8[%swap3A, %swap3A_67] {strides = array<i32>} : memref<128x128xf32, #tpu.memory_space<vmem>>, vector<1x16xf32>,
        %swap3A_69 = vector.shape_cast %swap3A_68 : vector<1x16xf32> to vector<16xf32>
        %swap3A_70 = vector.shape_cast %max3A_66 : vector<16xf32> to vector<1x16xf32>
        tpu.vector_store %arg8[%swap3A, %swap3A_67], %swap3A_70 {strides = array<i32>} : memref<128x128xf32, #tpu.memory_space<vmem>>, vector<1x16xf32>,
        %get3A_71 = arith.index_cast %scan3A_56 : i32 to index
        %get3A_72 = arith.constant 16 : index
        %get3A_73 = tpu.vector_load %arg8[%get3A_71, %get3A_72] {strides = array<i32>} : memref<128x128xf32, #tpu.memory_space<vmem>>, vector<1x16xf32>,
        %get3A_74 = vector.shape_cast %get3A_73 : vector<1x16xf32> to vector<16xf32>
        %get3A_75 = arith.index_cast %scan3A_56 : i32 to index
        %get3A_76 = arith.constant 16 : index
        %get3A_77 = tpu.vector_load %arg7[%get3A_75, %get3A_76] {strides = array<i32>} : memref<128x128xf32, #tpu.memory_space<vmem>>, vector<1x16xf32>,
        %get3A_78 = vector.shape_cast %get3A_77 : vector<1x16xf32> to vector<16xf32>
        %add3A_79 = arith.addf %get3A_74, %get3A_78 : vector<16xf32>
        %max3A_80 = arith.constant 0.000000e+00 : f32
        %max3A_81 = vector.broadcast %max3A_80 : f32 to vector<16xf32>
        %max3A_82 = arith.maximumf %add3A_79, %max3A_81 : vector<16xf32>
        %swap3A_83 = arith.index_cast %scan3A_56 : i32 to index
        %swap3A_84 = arith.constant 16 : index
        %swap3A_85 = tpu.vector_load %arg8[%swap3A_83, %swap3A_84] {strides = array<i32>} : memref<128x128xf32, #tpu.memory_space<vmem>>, vector<1x16xf32>,
        %swap3A_86 = vector.shape_cast %swap3A_85 : vector<1x16xf32> to vector<16xf32>
        %swap3A_87 = vector.shape_cast %max3A_82 : vector<16xf32> to vector<1x16xf32>
        tpu.vector_store %arg8[%swap3A_83, %swap3A_84], %swap3A_87 {strides = array<i32>} : memref<128x128xf32, #tpu.memory_space<vmem>>, vector<1x16xf32>,
        %get3A_88 = arith.index_cast %scan3A_56 : i32 to index
        %get3A_89 = arith.constant 32 : index
        %get3A_90 = tpu.vector_load %arg8[%get3A_88, %get3A_89] {strides = array<i32>} : memref<128x128xf32, #tpu.memory_space<vmem>>, vector<1x16xf32>,
        %get3A_91 = vector.shape_cast %get3A_90 : vector<1x16xf32> to vector<16xf32>
        %get3A_92 = arith.index_cast %scan3A_56 : i32 to index
        %get3A_93 = arith.constant 32 : index
        %get3A_94 = tpu.vector_load %arg7[%get3A_92, %get3A_93] {strides = array<i32>} : memref<128x128xf32, #tpu.memory_space<vmem>>, vector<1x16xf32>,
        %get3A_95 = vector.shape_cast %get3A_94 : vector<1x16xf32> to vector<16xf32>
        %add3A_96 = arith.addf %get3A_91, %get3A_95 : vector<16xf32>
        %max3A_97 = arith.constant 0.000000e+00 : f32
        %max3A_98 = vector.broadcast %max3A_97 : f32 to vector<16xf32>
        %max3A_99 = arith.maximumf %add3A_96, %max3A_98 : vector<16xf32>
        %swap3A_100 = arith.index_cast %scan3A_56 : i32 to index
        %swap3A_101 = arith.constant 32 : index
        %swap3A_102 = tpu.vector_load %arg8[%swap3A_100, %swap3A_101] {strides = array<i32>} : memref<128x128xf32, #tpu.memory_space<vmem>>, vector<1x16xf32>,
        %swap3A_103 = vector.shape_cast %swap3A_102 : vector<1x16xf32> to vector<16xf32>
        %swap3A_104 = vector.shape_cast %max3A_99 : vector<16xf32> to vector<1x16xf32>
        tpu.vector_store %arg8[%swap3A_100, %swap3A_101], %swap3A_104 {strides = array<i32>} : memref<128x128xf32, #tpu.memory_space<vmem>>, vector<1x16xf32>,
        %get3A_105 = arith.index_cast %scan3A_56 : i32 to index
        %get3A_106 = arith.constant 48 : index
        %get3A_107 = tpu.vector_load %arg8[%get3A_105, %get3A_106] {strides = array<i32>} : memref<128x128xf32, #tpu.memory_space<vmem>>, vector<1x16xf32>,
        %get3A_108 = vector.shape_cast %get3A_107 : vector<1x16xf32> to vector<16xf32>
        %get3A_109 = arith.index_cast %scan3A_56 : i32 to index
        %get3A_110 = arith.constant 48 : index
        %get3A_111 = tpu.vector_load %arg7[%get3A_109, %get3A_110] {strides = array<i32>} : memref<128x128xf32, #tpu.memory_space<vmem>>, vector<1x16xf32>,
        %get3A_112 = vector.shape_cast %get3A_111 : vector<1x16xf32> to vector<16xf32>
        %add3A_113 = arith.addf %get3A_108, %get3A_112 : vector<16xf32>
        %max3A_114 = arith.constant 0.000000e+00 : f32
        %max3A_115 = vector.broadcast %max3A_114 : f32 to vector<16xf32>
        %max3A_116 = arith.maximumf %add3A_113, %max3A_115 : vector<16xf32>
        %swap3A_117 = arith.index_cast %scan3A_56 : i32 to index
        %swap3A_118 = arith.constant 48 : index
        %swap3A_119 = tpu.vector_load %arg8[%swap3A_117, %swap3A_118] {strides = array<i32>} : memref<128x128xf32, #tpu.memory_space<vmem>>, vector<1x16xf32>,
        %swap3A_120 = vector.shape_cast %swap3A_119 : vector<1x16xf32> to vector<16xf32>
        %swap3A_121 = vector.shape_cast %max3A_116 : vector<16xf32> to vector<1x16xf32>
        tpu.vector_store %arg8[%swap3A_117, %swap3A_118], %swap3A_121 {strides = array<i32>} : memref<128x128xf32, #tpu.memory_space<vmem>>, vector<1x16xf32>,
        %get3A_122 = arith.index_cast %scan3A_56 : i32 to index
        %get3A_123 = arith.constant 64 : index
        %get3A_124 = tpu.vector_load %arg8[%get3A_122, %get3A_123] {strides = array<i32>} : memref<128x128xf32, #tpu.memory_space<vmem>>, vector<1x16xf32>,
        %get3A_125 = vector.shape_cast %get3A_124 : vector<1x16xf32> to vector<16xf32>
        %get3A_126 = arith.index_cast %scan3A_56 : i32 to index
        %get3A_127 = arith.constant 64 : index
        %get3A_128 = tpu.vector_load %arg7[%get3A_126, %get3A_127] {strides = array<i32>} : memref<128x128xf32, #tpu.memory_space<vmem>>, vector<1x16xf32>,
        %get3A_129 = vector.shape_cast %get3A_128 : vector<1x16xf32> to vector<16xf32>
        %add3A_130 = arith.addf %get3A_125, %get3A_129 : vector<16xf32>
        %max3A_131 = arith.constant 0.000000e+00 : f32
        %max3A_132 = vector.broadcast %max3A_131 : f32 to vector<16xf32>
        %max3A_133 = arith.maximumf %add3A_130, %max3A_132 : vector<16xf32>
        %swap3A_134 = arith.index_cast %scan3A_56 : i32 to index
        %swap3A_135 = arith.constant 64 : index
        %swap3A_136 = tpu.vector_load %arg8[%swap3A_134, %swap3A_135] {strides = array<i32>} : memref<128x128xf32, #tpu.memory_space<vmem>>, vector<1x16xf32>,
        %swap3A_137 = vector.shape_cast %swap3A_136 : vector<1x16xf32> to vector<16xf32>
        %swap3A_138 = vector.shape_cast %max3A_133 : vector<16xf32> to vector<1x16xf32>
        tpu.vector_store %arg8[%swap3A_134, %swap3A_135], %swap3A_138 {strides = array<i32>} : memref<128x128xf32, #tpu.memory_space<vmem>>, vector<1x16xf32>,
        %get3A_139 = arith.index_cast %scan3A_56 : i32 to index
        %get3A_140 = arith.constant 80 : index
        %get3A_141 = tpu.vector_load %arg8[%get3A_139, %get3A_140] {strides = array<i32>} : memref<128x128xf32, #tpu.memory_space<vmem>>, vector<1x16xf32>,
        %get3A_142 = vector.shape_cast %get3A_141 : vector<1x16xf32> to vector<16xf32>
        %get3A_143 = arith.index_cast %scan3A_56 : i32 to index
        %get3A_144 = arith.constant 80 : index
        %get3A_145 = tpu.vector_load %arg7[%get3A_143, %get3A_144] {strides = array<i32>} : memref<128x128xf32, #tpu.memory_space<vmem>>, vector<1x16xf32>,
        %get3A_146 = vector.shape_cast %get3A_145 : vector<1x16xf32> to vector<16xf32>
        %add3A_147 = arith.addf %get3A_142, %get3A_146 : vector<16xf32>
        %max3A_148 = arith.constant 0.000000e+00 : f32
        %max3A_149 = vector.broadcast %max3A_148 : f32 to vector<16xf32>
        %max3A_150 = arith.maximumf %add3A_147, %max3A_149 : vector<16xf32>
        %swap3A_151 = arith.index_cast %scan3A_56 : i32 to index
        %swap3A_152 = arith.constant 80 : index
        %swap3A_153 = tpu.vector_load %arg8[%swap3A_151, %swap3A_152] {strides = array<i32>} : memref<128x128xf32, #tpu.memory_space<vmem>>, vector<1x16xf32>,
        %swap3A_154 = vector.shape_cast %swap3A_153 : vector<1x16xf32> to vector<16xf32>
        %swap3A_155 = vector.shape_cast %max3A_150 : vector<16xf32> to vector<1x16xf32>
        tpu.vector_store %arg8[%swap3A_151, %swap3A_152], %swap3A_155 {strides = array<i32>} : memref<128x128xf32, #tpu.memory_space<vmem>>, vector<1x16xf32>,
        %get3A_156 = arith.index_cast %scan3A_56 : i32 to index
        %get3A_157 = arith.constant 96 : index
        %get3A_158 = tpu.vector_load %arg8[%get3A_156, %get3A_157] {strides = array<i32>} : memref<128x128xf32, #tpu.memory_space<vmem>>, vector<1x16xf32>,
        %get3A_159 = vector.shape_cast %get3A_158 : vector<1x16xf32> to vector<16xf32>
        %get3A_160 = arith.index_cast %scan3A_56 : i32 to index
        %get3A_161 = arith.constant 96 : index
        %get3A_162 = tpu.vector_load %arg7[%get3A_160, %get3A_161] {strides = array<i32>} : memref<128x128xf32, #tpu.memory_space<vmem>>, vector<1x16xf32>,
        %get3A_163 = vector.shape_cast %get3A_162 : vector<1x16xf32> to vector<16xf32>
        %add3A_164 = arith.addf %get3A_159, %get3A_163 : vector<16xf32>
        %max3A_165 = arith.constant 0.000000e+00 : f32
        %max3A_166 = vector.broadcast %max3A_165 : f32 to vector<16xf32>
        %max3A_167 = arith.maximumf %add3A_164, %max3A_166 : vector<16xf32>
        %swap3A_168 = arith.index_cast %scan3A_56 : i32 to index
        %swap3A_169 = arith.constant 96 : index
        %swap3A_170 = tpu.vector_load %arg8[%swap3A_168, %swap3A_169] {strides = array<i32>} : memref<128x128xf32, #tpu.memory_space<vmem>>, vector<1x16xf32>,
        %swap3A_171 = vector.shape_cast %swap3A_170 : vector<1x16xf32> to vector<16xf32>
        %swap3A_172 = vector.shape_cast %max3A_167 : vector<16xf32> to vector<1x16xf32>
        tpu.vector_store %arg8[%swap3A_168, %swap3A_169], %swap3A_172 {strides = array<i32>} : memref<128x128xf32, #tpu.memory_space<vmem>>, vector<1x16xf32>,
        %get3A_173 = arith.index_cast %scan3A_56 : i32 to index
        %get3A_174 = arith.constant 112 : index
        %get3A_175 = tpu.vector_load %arg8[%get3A_173, %get3A_174] {strides = array<i32>} : memref<128x128xf32, #tpu.memory_space<vmem>>, vector<1x16xf32>,
        %get3A_176 = vector.shape_cast %get3A_175 : vector<1x16xf32> to vector<16xf32>
        %get3A_177 = arith.index_cast %scan3A_56 : i32 to index
        %get3A_178 = arith.constant 112 : index
        %get3A_179 = tpu.vector_load %arg7[%get3A_177, %get3A_178] {strides = array<i32>} : memref<128x128xf32, #tpu.memory_space<vmem>>, vector<1x16xf32>,
        %get3A_180 = vector.shape_cast %get3A_179 : vector<1x16xf32> to vector<16xf32>
        %add3A_181 = arith.addf %get3A_176, %get3A_180 : vector<16xf32>
        %max3A_182 = arith.constant 0.000000e+00 : f32
        %max3A_183 = vector.broadcast %max3A_182 : f32 to vector<16xf32>
        %max3A_184 = arith.maximumf %add3A_181, %max3A_183 : vector<16xf32>
        %swap3A_185 = arith.index_cast %scan3A_56 : i32 to index
        %swap3A_186 = arith.constant 112 : index
        %swap3A_187 = tpu.vector_load %arg8[%swap3A_185, %swap3A_186] {strides = array<i32>} : memref<128x128xf32, #tpu.memory_space<vmem>>, vector<1x16xf32>,
        %swap3A_188 = vector.shape_cast %swap3A_187 : vector<1x16xf32> to vector<16xf32>
        %swap3A_189 = vector.shape_cast %max3A_184 : vector<16xf32> to vector<1x16xf32>
        tpu.vector_store %arg8[%swap3A_185, %swap3A_186], %swap3A_189 {strides = array<i32>} : memref<128x128xf32, #tpu.memory_space<vmem>>, vector<1x16xf32>,
      }
      %scan3A_55 = arith.constant 128 : i32
      "tpu.region"() ({
        %run_scoped3A = tpu.sem_alloc : memref<!tpu.dma_semaphore, #tpu.memory_space<semaphore_mem>>
        %dma_start3A_56 = arith.constant 0 : i32
        %dma_start3A_57 = tpu.memref_slice %arg10[%scan3A_36, %dma_start3A_56] : memref<40x128xi32, #tpu.memory_space<vmem>> -> memref<1x128xi32, #tpu.memory_space<vmem>>
        %dma_start3A_58 = tpu.memref_squeeze %dma_start3A_57 : memref<1x128xi32, #tpu.memory_space<vmem>> -> memref<128xi32, #tpu.memory_space<vmem>>
        %dma_start3A_59 = arith.constant 0 : i32
        %dma_start3A_60 = arith.constant 0 : i32
        %dma_start3A_61 = tpu.memref_slice %arg11[%dma_start3A_59, %dma_start3A_60] : memref<10000x128xf32, #tpu.memory_space<vmem_shared>> -> memref<10000x128xf32, #tpu.memory_space<vmem_shared>>
        tpu.enqueue_indirect_dma source(%arg8 : memref<128x128xf32, #tpu.memory_space<vmem>>) target(%dma_start3A_61 : memref<10000x128xf32, #tpu.memory_space<vmem_shared>>) offsets(%dma_start3A_58 : memref<128xi32, #tpu.memory_space<vmem>>) semaphore(%run_scoped3A : memref<!tpu.dma_semaphore, #tpu.memory_space<semaphore_mem>>) {add = true}
        %dma_wait3A_62 = arith.constant 0 : i32
        %dma_wait3A_63 = tpu.memref_slice %arg10[%scan3A_36, %dma_wait3A_62] : memref<40x128xi32, #tpu.memory_space<vmem>> -> memref<1x128xi32, #tpu.memory_space<vmem>>
        %dma_wait3A_64 = tpu.memref_squeeze %dma_wait3A_63 : memref<1x128xi32, #tpu.memory_space<vmem>> -> memref<128xi32, #tpu.memory_space<vmem>>
        %dma_wait3A_65 = arith.constant 0 : i32
        %dma_wait3A_66 = arith.constant 0 : i32
        %dma_wait3A_67 = tpu.memref_slice %arg11[%dma_wait3A_65, %dma_wait3A_66] : memref<10000x128xf32, #tpu.memory_space<vmem_shared>> -> memref<10000x128xf32, #tpu.memory_space<vmem_shared>>
        tpu.wait_indirect_dma semaphore(%run_scoped3A : memref<!tpu.dma_semaphore, #tpu.memory_space<semaphore_mem>>) src(%arg8 : memref<128x128xf32, #tpu.memory_space<vmem>>) dst(%dma_wait3A_67 : memref<10000x128xf32, #tpu.memory_space<vmem_shared>>)
        tpu.yield
      }) : () -> ()
    }
    %scan3A_24 = arith.constant 40 : i32
    %barrier3A_25 = arith.constant 0 : index
    tpu.barrier barrier_id(%barrier3A_25)
    %lt3A_26 = arith.constant 15 : i32
    %lt3A_27 = arith.cmpi slt, %arg1, %lt3A_26 : i32
    %convert_element_type3A_28 = arith.extui %lt3A_27 : i1 to i32
    %cond3A_29 = arith.constant 0 : i32
    %cond3A_30 = arith.cmpi ne, %convert_element_type3A_28, %cond3A_29 : i32
    scf.if %cond3A_30 {
      "tpu.region"() ({
        %run_scoped3A = tpu.sem_alloc : memref<!tpu.dma_semaphore, #tpu.memory_space<semaphore_mem>>
        %dma_start3A = arith.constant 0 : i32
        %dma_start3A_36 = tpu.memref_slice %arg6[%arg0, %mul3A_6, %dma_start3A] : memref<2x10000x128xf32, #tpu.memory_space<hbm>> -> memref<1x624x128xf32, #tpu.memory_space<hbm>>
        %dma_start3A_37 = tpu.memref_squeeze %dma_start3A_36 : memref<1x624x128xf32, #tpu.memory_space<hbm>> -> memref<624x128xf32, #tpu.memory_space<hbm>>
        %dma_start3A_38 = arith.constant 0 : i32
        %dma_start3A_39 = tpu.memref_slice %arg11[%mul3A_6, %dma_start3A_38] : memref<10000x128xf32, #tpu.memory_space<vmem_shared>> -> memref<624x128xf32, #tpu.memory_space<vmem_shared>>
        tpu.enqueue_dma source(%dma_start3A_39 : memref<624x128xf32, #tpu.memory_space<vmem_shared>>) target(%dma_start3A_37 : memref<624x128xf32, #tpu.memory_space<hbm>>) target_semaphore(%run_scoped3A : memref<!tpu.dma_semaphore, #tpu.memory_space<semaphore_mem>>)
        %dma_wait3A = arith.constant 0 : i32
        %dma_wait3A_40 = tpu.memref_slice %arg6[%arg0, %mul3A_6, %dma_wait3A] : memref<2x10000x128xf32, #tpu.memory_space<hbm>> -> memref<1x624x128xf32, #tpu.memory_space<hbm>>
        %dma_wait3A_41 = tpu.memref_squeeze %dma_wait3A_40 : memref<1x624x128xf32, #tpu.memory_space<hbm>> -> memref<624x128xf32, #tpu.memory_space<hbm>>
        %dma_wait3A_42 = arith.constant 0 : i32
        %dma_wait3A_43 = tpu.memref_slice %arg11[%mul3A_6, %dma_wait3A_42] : memref<10000x128xf32, #tpu.memory_space<vmem_shared>> -> memref<624x128xf32, #tpu.memory_space<vmem_shared>>
        tpu.wait_dma2 semaphore(%run_scoped3A : memref<!tpu.dma_semaphore, #tpu.memory_space<semaphore_mem>>) src(%dma_wait3A_43 : memref<624x128xf32, #tpu.memory_space<vmem_shared>>) dst(%dma_wait3A_41 : memref<624x128xf32, #tpu.memory_space<hbm>>)
        tpu.yield
      }) : () -> ()
    } else {
    }
    %eq3A_31 = arith.constant 15 : i32
    %eq3A_32 = arith.cmpi eq, %arg1, %eq3A_31 : i32
    %convert_element_type3A_33 = arith.extui %eq3A_32 : i1 to i32
    %cond3A_34 = arith.constant 0 : i32
    %cond3A_35 = arith.cmpi ne, %convert_element_type3A_33, %cond3A_34 : i32
    scf.if %cond3A_35 {
      "tpu.region"() ({
        %run_scoped3A = tpu.sem_alloc : memref<!tpu.dma_semaphore, #tpu.memory_space<semaphore_mem>>
        %dma_start3A = arith.constant 0 : i32
        %dma_start3A_36 = tpu.memref_slice %arg6[%arg0, %mul3A_6, %dma_start3A] : memref<2x10000x128xf32, #tpu.memory_space<hbm>> -> memref<1x640x128xf32, #tpu.memory_space<hbm>>
        %dma_start3A_37 = tpu.memref_squeeze %dma_start3A_36 : memref<1x640x128xf32, #tpu.memory_space<hbm>> -> memref<640x128xf32, #tpu.memory_space<hbm>>
        %dma_start3A_38 = arith.constant 0 : i32
        %dma_start3A_39 = tpu.memref_slice %arg11[%mul3A_6, %dma_start3A_38] : memref<10000x128xf32, #tpu.memory_space<vmem_shared>> -> memref<640x128xf32, #tpu.memory_space<vmem_shared>>
        tpu.enqueue_dma source(%dma_start3A_39 : memref<640x128xf32, #tpu.memory_space<vmem_shared>>) target(%dma_start3A_37 : memref<640x128xf32, #tpu.memory_space<hbm>>) target_semaphore(%run_scoped3A : memref<!tpu.dma_semaphore, #tpu.memory_space<semaphore_mem>>)
        %dma_wait3A = arith.constant 0 : i32
        %dma_wait3A_40 = tpu.memref_slice %arg6[%arg0, %mul3A_6, %dma_wait3A] : memref<2x10000x128xf32, #tpu.memory_space<hbm>> -> memref<1x640x128xf32, #tpu.memory_space<hbm>>
        %dma_wait3A_41 = tpu.memref_squeeze %dma_wait3A_40 : memref<1x640x128xf32, #tpu.memory_space<hbm>> -> memref<640x128xf32, #tpu.memory_space<hbm>>
        %dma_wait3A_42 = arith.constant 0 : i32
        %dma_wait3A_43 = tpu.memref_slice %arg11[%mul3A_6, %dma_wait3A_42] : memref<10000x128xf32, #tpu.memory_space<vmem_shared>> -> memref<640x128xf32, #tpu.memory_space<vmem_shared>>
        tpu.wait_dma2 semaphore(%run_scoped3A : memref<!tpu.dma_semaphore, #tpu.memory_space<semaphore_mem>>) src(%dma_wait3A_43 : memref<640x128xf32, #tpu.memory_space<vmem_shared>>) dst(%dma_wait3A_41 : memref<640x128xf32, #tpu.memory_space<hbm>>)
        tpu.yield
      }) : () -> ()
    } else {
    }
    return
  }
}

#map = affine_map<(d0, d1) -> (0, 0, 0, 0)>
#map1 = affine_map<(d0, d1) -> (0, 0)>
#map2 = affine_map<(d0, d1) -> (0, 0, 0)>
module attributes {stable_mosaic.version = 14 : i64} {
  func.func @_sc_body(%arg0: i32, %arg1: i32, %arg2: memref<2x16x10240x128xf32, #tpu.memory_space<hbm>>, %arg3: memref<2x16x80x128xi32, #tpu.memory_space<hbm>>, %arg4: memref<2x16x80x128xi32, #tpu.memory_space<hbm>>, %arg5: memref<10008x128xf32, #tpu.memory_space<hbm>>, %arg6: memref<2x10000x128xf32, #tpu.memory_space<hbm>>, %arg7: memref<128x128xf32, #tpu.memory_space<vmem>>, %arg8: memref<128x128xf32, #tpu.memory_space<vmem>>, %arg9: memref<40x128xi32, #tpu.memory_space<vmem>>, %arg10: memref<40x128xi32, #tpu.memory_space<vmem>>, %arg11: memref<10000x128xf32, #tpu.memory_space<vmem_shared>>, %arg12: memref<!tpu.dma_semaphore, #tpu.memory_space<semaphore_mem>>) attributes {dimension_semantics = [#tpu.dimension_semantics<core_parallel>, #tpu.dimension_semantics<subcore_parallel>], iteration_bounds = array<i64: 2, 16>, scalar_prefetch = 0 : i64, scratch_operands = 6 : i64, tpu.core_type = #tpu.core_type<sc_vector_subcore>, window_params = [{transform_indices = #map}, {transform_indices = #map}, {transform_indices = #map}, {transform_indices = #map1}, {transform_indices = #map2}]} {
    %broadcast_in_dim3A = arith.constant 0.000000e+00 : f32
    %broadcast_in_dim3A_0 = vector.broadcast %broadcast_in_dim3A : f32 to vector<16xf32>
    %scan3A = arith.constant 0 : i32
    %scan3A_1 = arith.constant 0 : i32
    %scan3A_2 = arith.constant 128 : i32
    %scan3A_3 = arith.addi %scan3A_1, %scan3A_2 : i32
    %scan3A_4 = arith.constant 1 : i32
    scf.for %scan3A_36 = %scan3A_1 to %scan3A_3 step %scan3A_4  : i32 {
      %swap3A = arith.index_cast %scan3A_36 : i32 to index
      %swap3A_37 = arith.constant 0 : index
      %swap3A_38 = tpu.vector_load %arg8[%swap3A, %swap3A_37] {strides = array<i32>} : memref<128x128xf32, #tpu.memory_space<vmem>>, vector<1x16xf32>,
      %swap3A_39 = vector.shape_cast %swap3A_38 : vector<1x16xf32> to vector<16xf32>
      %swap3A_40 = vector.shape_cast %broadcast_in_dim3A_0 : vector<16xf32> to vector<1x16xf32>
      tpu.vector_store %arg8[%swap3A, %swap3A_37], %swap3A_40 {strides = array<i32>} : memref<128x128xf32, #tpu.memory_space<vmem>>, vector<1x16xf32>,
      %swap3A_41 = arith.index_cast %scan3A_36 : i32 to index
      %swap3A_42 = arith.constant 16 : index
      %swap3A_43 = tpu.vector_load %arg8[%swap3A_41, %swap3A_42] {strides = array<i32>} : memref<128x128xf32, #tpu.memory_space<vmem>>, vector<1x16xf32>,
      %swap3A_44 = vector.shape_cast %swap3A_43 : vector<1x16xf32> to vector<16xf32>
      %swap3A_45 = vector.shape_cast %broadcast_in_dim3A_0 : vector<16xf32> to vector<1x16xf32>
      tpu.vector_store %arg8[%swap3A_41, %swap3A_42], %swap3A_45 {strides = array<i32>} : memref<128x128xf32, #tpu.memory_space<vmem>>, vector<1x16xf32>,
      %swap3A_46 = arith.index_cast %scan3A_36 : i32 to index
      %swap3A_47 = arith.constant 32 : index
      %swap3A_48 = tpu.vector_load %arg8[%swap3A_46, %swap3A_47] {strides = array<i32>} : memref<128x128xf32, #tpu.memory_space<vmem>>, vector<1x16xf32>,
      %swap3A_49 = vector.shape_cast %swap3A_48 : vector<1x16xf32> to vector<16xf32>
      %swap3A_50 = vector.shape_cast %broadcast_in_dim3A_0 : vector<16xf32> to vector<1x16xf32>
      tpu.vector_store %arg8[%swap3A_46, %swap3A_47], %swap3A_50 {strides = array<i32>} : memref<128x128xf32, #tpu.memory_space<vmem>>, vector<1x16xf32>,
      %swap3A_51 = arith.index_cast %scan3A_36 : i32 to index
      %swap3A_52 = arith.constant 48 : index
      %swap3A_53 = tpu.vector_load %arg8[%swap3A_51, %swap3A_52] {strides = array<i32>} : memref<128x128xf32, #tpu.memory_space<vmem>>, vector<1x16xf32>,
      %swap3A_54 = vector.shape_cast %swap3A_53 : vector<1x16xf32> to vector<16xf32>
      %swap3A_55 = vector.shape_cast %broadcast_in_dim3A_0 : vector<16xf32> to vector<1x16xf32>
      tpu.vector_store %arg8[%swap3A_51, %swap3A_52], %swap3A_55 {strides = array<i32>} : memref<128x128xf32, #tpu.memory_space<vmem>>, vector<1x16xf32>,
      %swap3A_56 = arith.index_cast %scan3A_36 : i32 to index
      %swap3A_57 = arith.constant 64 : index
      %swap3A_58 = tpu.vector_load %arg8[%swap3A_56, %swap3A_57] {strides = array<i32>} : memref<128x128xf32, #tpu.memory_space<vmem>>, vector<1x16xf32>,
      %swap3A_59 = vector.shape_cast %swap3A_58 : vector<1x16xf32> to vector<16xf32>
      %swap3A_60 = vector.shape_cast %broadcast_in_dim3A_0 : vector<16xf32> to vector<1x16xf32>
      tpu.vector_store %arg8[%swap3A_56, %swap3A_57], %swap3A_60 {strides = array<i32>} : memref<128x128xf32, #tpu.memory_space<vmem>>, vector<1x16xf32>,
      %swap3A_61 = arith.index_cast %scan3A_36 : i32 to index
      %swap3A_62 = arith.constant 80 : index
      %swap3A_63 = tpu.vector_load %arg8[%swap3A_61, %swap3A_62] {strides = array<i32>} : memref<128x128xf32, #tpu.memory_space<vmem>>, vector<1x16xf32>,
      %swap3A_64 = vector.shape_cast %swap3A_63 : vector<1x16xf32> to vector<16xf32>
      %swap3A_65 = vector.shape_cast %broadcast_in_dim3A_0 : vector<16xf32> to vector<1x16xf32>
      tpu.vector_store %arg8[%swap3A_61, %swap3A_62], %swap3A_65 {strides = array<i32>} : memref<128x128xf32, #tpu.memory_space<vmem>>, vector<1x16xf32>,
      %swap3A_66 = arith.index_cast %scan3A_36 : i32 to index
      %swap3A_67 = arith.constant 96 : index
      %swap3A_68 = tpu.vector_load %arg8[%swap3A_66, %swap3A_67] {strides = array<i32>} : memref<128x128xf32, #tpu.memory_space<vmem>>, vector<1x16xf32>,
      %swap3A_69 = vector.shape_cast %swap3A_68 : vector<1x16xf32> to vector<16xf32>
      %swap3A_70 = vector.shape_cast %broadcast_in_dim3A_0 : vector<16xf32> to vector<1x16xf32>
      tpu.vector_store %arg8[%swap3A_66, %swap3A_67], %swap3A_70 {strides = array<i32>} : memref<128x128xf32, #tpu.memory_space<vmem>>, vector<1x16xf32>,
      %swap3A_71 = arith.index_cast %scan3A_36 : i32 to index
      %swap3A_72 = arith.constant 112 : index
      %swap3A_73 = tpu.vector_load %arg8[%swap3A_71, %swap3A_72] {strides = array<i32>} : memref<128x128xf32, #tpu.memory_space<vmem>>, vector<1x16xf32>,
      %swap3A_74 = vector.shape_cast %swap3A_73 : vector<1x16xf32> to vector<16xf32>
      %swap3A_75 = vector.shape_cast %broadcast_in_dim3A_0 : vector<16xf32> to vector<1x16xf32>
      tpu.vector_store %arg8[%swap3A_71, %swap3A_72], %swap3A_75 {strides = array<i32>} : memref<128x128xf32, #tpu.memory_space<vmem>>, vector<1x16xf32>,
    }
    %scan3A_5 = arith.constant 128 : i32
    %mul3A = arith.constant 624 : i32
    %mul3A_6 = arith.muli %arg1, %mul3A : i32
    %lt3A = arith.constant 15 : i32
    %lt3A_7 = arith.cmpi slt, %arg1, %lt3A : i32
    %convert_element_type3A = arith.extui %lt3A_7 : i1 to i32
    %cond3A = arith.constant 0 : i32
    %cond3A_8 = arith.cmpi ne, %convert_element_type3A, %cond3A : i32
    scf.if %cond3A_8 {
      %add3A = arith.constant 0 : i32
      %add3A_36 = arith.addi %mul3A_6, %add3A : i32
      "tpu.region"() ({
        %run_scoped3A = tpu.sem_alloc : memref<!tpu.dma_semaphore, #tpu.memory_space<semaphore_mem>>
        %dma_start3A = arith.constant 0 : i32
        %dma_start3A_45 = tpu.memref_slice %arg11[%add3A_36, %dma_start3A] : memref<10000x128xf32, #tpu.memory_space<vmem_shared>> -> memref<128x128xf32, #tpu.memory_space<vmem_shared>>
        %dma_start3A_46 = arith.constant 0 : i32
        %dma_start3A_47 = tpu.memref_slice %arg11[%add3A_36, %dma_start3A_46] : memref<10000x128xf32, #tpu.memory_space<vmem_shared>> -> memref<128x128xf32, #tpu.memory_space<vmem_shared>>
        tpu.enqueue_dma source(%arg8 : memref<128x128xf32, #tpu.memory_space<vmem>>) target(%dma_start3A_47 : memref<128x128xf32, #tpu.memory_space<vmem_shared>>) target_semaphore(%run_scoped3A : memref<!tpu.dma_semaphore, #tpu.memory_space<semaphore_mem>>)
        %dma_wait3A = arith.constant 0 : i32
        %dma_wait3A_48 = tpu.memref_slice %arg11[%add3A_36, %dma_wait3A] : memref<10000x128xf32, #tpu.memory_space<vmem_shared>> -> memref<128x128xf32, #tpu.memory_space<vmem_shared>>
        %dma_wait3A_49 = arith.constant 0 : i32
        %dma_wait3A_50 = tpu.memref_slice %arg11[%add3A_36, %dma_wait3A_49] : memref<10000x128xf32, #tpu.memory_space<vmem_shared>> -> memref<128x128xf32, #tpu.memory_space<vmem_shared>>
        tpu.wait_dma2 semaphore(%run_scoped3A : memref<!tpu.dma_semaphore, #tpu.memory_space<semaphore_mem>>) src(%arg8 : memref<128x128xf32, #tpu.memory_space<vmem>>) dst(%dma_wait3A_50 : memref<128x128xf32, #tpu.memory_space<vmem_shared>>)
        tpu.yield
      }) : () -> ()
      %add3A_37 = arith.constant 128 : i32
      %add3A_38 = arith.addi %mul3A_6, %add3A_37 : i32
      "tpu.region"() ({
        %run_scoped3A = tpu.sem_alloc : memref<!tpu.dma_semaphore, #tpu.memory_space<semaphore_mem>>
        %dma_start3A = arith.constant 0 : i32
        %dma_start3A_45 = tpu.memref_slice %arg11[%add3A_38, %dma_start3A] : memref<10000x128xf32, #tpu.memory_space<vmem_shared>> -> memref<128x128xf32, #tpu.memory_space<vmem_shared>>
        %dma_start3A_46 = arith.constant 0 : i32
        %dma_start3A_47 = tpu.memref_slice %arg11[%add3A_38, %dma_start3A_46] : memref<10000x128xf32, #tpu.memory_space<vmem_shared>> -> memref<128x128xf32, #tpu.memory_space<vmem_shared>>
        tpu.enqueue_dma source(%arg8 : memref<128x128xf32, #tpu.memory_space<vmem>>) target(%dma_start3A_47 : memref<128x128xf32, #tpu.memory_space<vmem_shared>>) target_semaphore(%run_scoped3A : memref<!tpu.dma_semaphore, #tpu.memory_space<semaphore_mem>>)
        %dma_wait3A = arith.constant 0 : i32
        %dma_wait3A_48 = tpu.memref_slice %arg11[%add3A_38, %dma_wait3A] : memref<10000x128xf32, #tpu.memory_space<vmem_shared>> -> memref<128x128xf32, #tpu.memory_space<vmem_shared>>
        %dma_wait3A_49 = arith.constant 0 : i32
        %dma_wait3A_50 = tpu.memref_slice %arg11[%add3A_38, %dma_wait3A_49] : memref<10000x128xf32, #tpu.memory_space<vmem_shared>> -> memref<128x128xf32, #tpu.memory_space<vmem_shared>>
        tpu.wait_dma2 semaphore(%run_scoped3A : memref<!tpu.dma_semaphore, #tpu.memory_space<semaphore_mem>>) src(%arg8 : memref<128x128xf32, #tpu.memory_space<vmem>>) dst(%dma_wait3A_50 : memref<128x128xf32, #tpu.memory_space<vmem_shared>>)
        tpu.yield
      }) : () -> ()
      %add3A_39 = arith.constant 256 : i32
      %add3A_40 = arith.addi %mul3A_6, %add3A_39 : i32
      "tpu.region"() ({
        %run_scoped3A = tpu.sem_alloc : memref<!tpu.dma_semaphore, #tpu.memory_space<semaphore_mem>>
        %dma_start3A = arith.constant 0 : i32
        %dma_start3A_45 = tpu.memref_slice %arg11[%add3A_40, %dma_start3A] : memref<10000x128xf32, #tpu.memory_space<vmem_shared>> -> memref<128x128xf32, #tpu.memory_space<vmem_shared>>
        %dma_start3A_46 = arith.constant 0 : i32
        %dma_start3A_47 = tpu.memref_slice %arg11[%add3A_40, %dma_start3A_46] : memref<10000x128xf32, #tpu.memory_space<vmem_shared>> -> memref<128x128xf32, #tpu.memory_space<vmem_shared>>
        tpu.enqueue_dma source(%arg8 : memref<128x128xf32, #tpu.memory_space<vmem>>) target(%dma_start3A_47 : memref<128x128xf32, #tpu.memory_space<vmem_shared>>) target_semaphore(%run_scoped3A : memref<!tpu.dma_semaphore, #tpu.memory_space<semaphore_mem>>)
        %dma_wait3A = arith.constant 0 : i32
        %dma_wait3A_48 = tpu.memref_slice %arg11[%add3A_40, %dma_wait3A] : memref<10000x128xf32, #tpu.memory_space<vmem_shared>> -> memref<128x128xf32, #tpu.memory_space<vmem_shared>>
        %dma_wait3A_49 = arith.constant 0 : i32
        %dma_wait3A_50 = tpu.memref_slice %arg11[%add3A_40, %dma_wait3A_49] : memref<10000x128xf32, #tpu.memory_space<vmem_shared>> -> memref<128x128xf32, #tpu.memory_space<vmem_shared>>
        tpu.wait_dma2 semaphore(%run_scoped3A : memref<!tpu.dma_semaphore, #tpu.memory_space<semaphore_mem>>) src(%arg8 : memref<128x128xf32, #tpu.memory_space<vmem>>) dst(%dma_wait3A_50 : memref<128x128xf32, #tpu.memory_space<vmem_shared>>)
        tpu.yield
      }) : () -> ()
      %add3A_41 = arith.constant 384 : i32
      %add3A_42 = arith.addi %mul3A_6, %add3A_41 : i32
      "tpu.region"() ({
        %run_scoped3A = tpu.sem_alloc : memref<!tpu.dma_semaphore, #tpu.memory_space<semaphore_mem>>
        %dma_start3A = arith.constant 0 : i32
        %dma_start3A_45 = tpu.memref_slice %arg11[%add3A_42, %dma_start3A] : memref<10000x128xf32, #tpu.memory_space<vmem_shared>> -> memref<128x128xf32, #tpu.memory_space<vmem_shared>>
        %dma_start3A_46 = arith.constant 0 : i32
        %dma_start3A_47 = tpu.memref_slice %arg11[%add3A_42, %dma_start3A_46] : memref<10000x128xf32, #tpu.memory_space<vmem_shared>> -> memref<128x128xf32, #tpu.memory_space<vmem_shared>>
        tpu.enqueue_dma source(%arg8 : memref<128x128xf32, #tpu.memory_space<vmem>>) target(%dma_start3A_47 : memref<128x128xf32, #tpu.memory_space<vmem_shared>>) target_semaphore(%run_scoped3A : memref<!tpu.dma_semaphore, #tpu.memory_space<semaphore_mem>>)
        %dma_wait3A = arith.constant 0 : i32
        %dma_wait3A_48 = tpu.memref_slice %arg11[%add3A_42, %dma_wait3A] : memref<10000x128xf32, #tpu.memory_space<vmem_shared>> -> memref<128x128xf32, #tpu.memory_space<vmem_shared>>
        %dma_wait3A_49 = arith.constant 0 : i32
        %dma_wait3A_50 = tpu.memref_slice %arg11[%add3A_42, %dma_wait3A_49] : memref<10000x128xf32, #tpu.memory_space<vmem_shared>> -> memref<128x128xf32, #tpu.memory_space<vmem_shared>>
        tpu.wait_dma2 semaphore(%run_scoped3A : memref<!tpu.dma_semaphore, #tpu.memory_space<semaphore_mem>>) src(%arg8 : memref<128x128xf32, #tpu.memory_space<vmem>>) dst(%dma_wait3A_50 : memref<128x128xf32, #tpu.memory_space<vmem_shared>>)
        tpu.yield
      }) : () -> ()
      %add3A_43 = arith.constant 512 : i32
      %add3A_44 = arith.addi %mul3A_6, %add3A_43 : i32
      "tpu.region"() ({
        %run_scoped3A = tpu.sem_alloc : memref<!tpu.dma_semaphore, #tpu.memory_space<semaphore_mem>>
        %dma_start3A = arith.constant 0 : i32
        %dma_start3A_45 = arith.constant 0 : i32
        %dma_start3A_46 = tpu.memref_slice %arg8[%dma_start3A, %dma_start3A_45] : memref<128x128xf32, #tpu.memory_space<vmem>> -> memref<112x128xf32, #tpu.memory_space<vmem>>
        %dma_start3A_47 = arith.constant 0 : i32
        %dma_start3A_48 = tpu.memref_slice %arg11[%add3A_44, %dma_start3A_47] : memref<10000x128xf32, #tpu.memory_space<vmem_shared>> -> memref<112x128xf32, #tpu.memory_space<vmem_shared>>
        %dma_start3A_49 = arith.constant 0 : i32
        %dma_start3A_50 = tpu.memref_slice %arg11[%add3A_44, %dma_start3A_49] : memref<10000x128xf32, #tpu.memory_space<vmem_shared>> -> memref<112x128xf32, #tpu.memory_space<vmem_shared>>
        %dma_start3A_51 = arith.constant 0 : i32
        %dma_start3A_52 = arith.constant 0 : i32
        %dma_start3A_53 = tpu.memref_slice %arg8[%dma_start3A_51, %dma_start3A_52] : memref<128x128xf32, #tpu.memory_space<vmem>> -> memref<112x128xf32, #tpu.memory_space<vmem>>
        tpu.enqueue_dma source(%dma_start3A_53 : memref<112x128xf32, #tpu.memory_space<vmem>>) target(%dma_start3A_50 : memref<112x128xf32, #tpu.memory_space<vmem_shared>>) target_semaphore(%run_scoped3A : memref<!tpu.dma_semaphore, #tpu.memory_space<semaphore_mem>>)
        %dma_wait3A = arith.constant 0 : i32
        %dma_wait3A_54 = arith.constant 0 : i32
        %dma_wait3A_55 = tpu.memref_slice %arg8[%dma_wait3A, %dma_wait3A_54] : memref<128x128xf32, #tpu.memory_space<vmem>> -> memref<112x128xf32, #tpu.memory_space<vmem>>
        %dma_wait3A_56 = arith.constant 0 : i32
        %dma_wait3A_57 = tpu.memref_slice %arg11[%add3A_44, %dma_wait3A_56] : memref<10000x128xf32, #tpu.memory_space<vmem_shared>> -> memref<112x128xf32, #tpu.memory_space<vmem_shared>>
        %dma_wait3A_58 = arith.constant 0 : i32
        %dma_wait3A_59 = tpu.memref_slice %arg11[%add3A_44, %dma_wait3A_58] : memref<10000x128xf32, #tpu.memory_space<vmem_shared>> -> memref<112x128xf32, #tpu.memory_space<vmem_shared>>
        %dma_wait3A_60 = arith.constant 0 : i32
        %dma_wait3A_61 = arith.constant 0 : i32
        %dma_wait3A_62 = tpu.memref_slice %arg8[%dma_wait3A_60, %dma_wait3A_61] : memref<128x128xf32, #tpu.memory_space<vmem>> -> memref<112x128xf32, #tpu.memory_space<vmem>>
        tpu.wait_dma2 semaphore(%run_scoped3A : memref<!tpu.dma_semaphore, #tpu.memory_space<semaphore_mem>>) src(%dma_wait3A_62 : memref<112x128xf32, #tpu.memory_space<vmem>>) dst(%dma_wait3A_59 : memref<112x128xf32, #tpu.memory_space<vmem_shared>>)
        tpu.yield
      }) : () -> ()
    } else {
    }
    %eq3A = arith.constant 15 : i32
    %eq3A_9 = arith.cmpi eq, %arg1, %eq3A : i32
    %convert_element_type3A_10 = arith.extui %eq3A_9 : i1 to i32
    %cond3A_11 = arith.constant 0 : i32
    %cond3A_12 = arith.cmpi ne, %convert_element_type3A_10, %cond3A_11 : i32
    scf.if %cond3A_12 {
      %add3A = arith.constant 0 : i32
      %add3A_36 = arith.addi %mul3A_6, %add3A : i32
      "tpu.region"() ({
        %run_scoped3A = tpu.sem_alloc : memref<!tpu.dma_semaphore, #tpu.memory_space<semaphore_mem>>
        %dma_start3A = arith.constant 0 : i32
        %dma_start3A_45 = tpu.memref_slice %arg11[%add3A_36, %dma_start3A] : memref<10000x128xf32, #tpu.memory_space<vmem_shared>> -> memref<128x128xf32, #tpu.memory_space<vmem_shared>>
        %dma_start3A_46 = arith.constant 0 : i32
        %dma_start3A_47 = tpu.memref_slice %arg11[%add3A_36, %dma_start3A_46] : memref<10000x128xf32, #tpu.memory_space<vmem_shared>> -> memref<128x128xf32, #tpu.memory_space<vmem_shared>>
        tpu.enqueue_dma source(%arg8 : memref<128x128xf32, #tpu.memory_space<vmem>>) target(%dma_start3A_47 : memref<128x128xf32, #tpu.memory_space<vmem_shared>>) target_semaphore(%run_scoped3A : memref<!tpu.dma_semaphore, #tpu.memory_space<semaphore_mem>>)
        %dma_wait3A = arith.constant 0 : i32
        %dma_wait3A_48 = tpu.memref_slice %arg11[%add3A_36, %dma_wait3A] : memref<10000x128xf32, #tpu.memory_space<vmem_shared>> -> memref<128x128xf32, #tpu.memory_space<vmem_shared>>
        %dma_wait3A_49 = arith.constant 0 : i32
        %dma_wait3A_50 = tpu.memref_slice %arg11[%add3A_36, %dma_wait3A_49] : memref<10000x128xf32, #tpu.memory_space<vmem_shared>> -> memref<128x128xf32, #tpu.memory_space<vmem_shared>>
        tpu.wait_dma2 semaphore(%run_scoped3A : memref<!tpu.dma_semaphore, #tpu.memory_space<semaphore_mem>>) src(%arg8 : memref<128x128xf32, #tpu.memory_space<vmem>>) dst(%dma_wait3A_50 : memref<128x128xf32, #tpu.memory_space<vmem_shared>>)
        tpu.yield
      }) : () -> ()
      %add3A_37 = arith.constant 128 : i32
      %add3A_38 = arith.addi %mul3A_6, %add3A_37 : i32
      "tpu.region"() ({
        %run_scoped3A = tpu.sem_alloc : memref<!tpu.dma_semaphore, #tpu.memory_space<semaphore_mem>>
        %dma_start3A = arith.constant 0 : i32
        %dma_start3A_45 = tpu.memref_slice %arg11[%add3A_38, %dma_start3A] : memref<10000x128xf32, #tpu.memory_space<vmem_shared>> -> memref<128x128xf32, #tpu.memory_space<vmem_shared>>
        %dma_start3A_46 = arith.constant 0 : i32
        %dma_start3A_47 = tpu.memref_slice %arg11[%add3A_38, %dma_start3A_46] : memref<10000x128xf32, #tpu.memory_space<vmem_shared>> -> memref<128x128xf32, #tpu.memory_space<vmem_shared>>
        tpu.enqueue_dma source(%arg8 : memref<128x128xf32, #tpu.memory_space<vmem>>) target(%dma_start3A_47 : memref<128x128xf32, #tpu.memory_space<vmem_shared>>) target_semaphore(%run_scoped3A : memref<!tpu.dma_semaphore, #tpu.memory_space<semaphore_mem>>)
        %dma_wait3A = arith.constant 0 : i32
        %dma_wait3A_48 = tpu.memref_slice %arg11[%add3A_38, %dma_wait3A] : memref<10000x128xf32, #tpu.memory_space<vmem_shared>> -> memref<128x128xf32, #tpu.memory_space<vmem_shared>>
        %dma_wait3A_49 = arith.constant 0 : i32
        %dma_wait3A_50 = tpu.memref_slice %arg11[%add3A_38, %dma_wait3A_49] : memref<10000x128xf32, #tpu.memory_space<vmem_shared>> -> memref<128x128xf32, #tpu.memory_space<vmem_shared>>
        tpu.wait_dma2 semaphore(%run_scoped3A : memref<!tpu.dma_semaphore, #tpu.memory_space<semaphore_mem>>) src(%arg8 : memref<128x128xf32, #tpu.memory_space<vmem>>) dst(%dma_wait3A_50 : memref<128x128xf32, #tpu.memory_space<vmem_shared>>)
        tpu.yield
      }) : () -> ()
      %add3A_39 = arith.constant 256 : i32
      %add3A_40 = arith.addi %mul3A_6, %add3A_39 : i32
      "tpu.region"() ({
        %run_scoped3A = tpu.sem_alloc : memref<!tpu.dma_semaphore, #tpu.memory_space<semaphore_mem>>
        %dma_start3A = arith.constant 0 : i32
        %dma_start3A_45 = tpu.memref_slice %arg11[%add3A_40, %dma_start3A] : memref<10000x128xf32, #tpu.memory_space<vmem_shared>> -> memref<128x128xf32, #tpu.memory_space<vmem_shared>>
        %dma_start3A_46 = arith.constant 0 : i32
        %dma_start3A_47 = tpu.memref_slice %arg11[%add3A_40, %dma_start3A_46] : memref<10000x128xf32, #tpu.memory_space<vmem_shared>> -> memref<128x128xf32, #tpu.memory_space<vmem_shared>>
        tpu.enqueue_dma source(%arg8 : memref<128x128xf32, #tpu.memory_space<vmem>>) target(%dma_start3A_47 : memref<128x128xf32, #tpu.memory_space<vmem_shared>>) target_semaphore(%run_scoped3A : memref<!tpu.dma_semaphore, #tpu.memory_space<semaphore_mem>>)
        %dma_wait3A = arith.constant 0 : i32
        %dma_wait3A_48 = tpu.memref_slice %arg11[%add3A_40, %dma_wait3A] : memref<10000x128xf32, #tpu.memory_space<vmem_shared>> -> memref<128x128xf32, #tpu.memory_space<vmem_shared>>
        %dma_wait3A_49 = arith.constant 0 : i32
        %dma_wait3A_50 = tpu.memref_slice %arg11[%add3A_40, %dma_wait3A_49] : memref<10000x128xf32, #tpu.memory_space<vmem_shared>> -> memref<128x128xf32, #tpu.memory_space<vmem_shared>>
        tpu.wait_dma2 semaphore(%run_scoped3A : memref<!tpu.dma_semaphore, #tpu.memory_space<semaphore_mem>>) src(%arg8 : memref<128x128xf32, #tpu.memory_space<vmem>>) dst(%dma_wait3A_50 : memref<128x128xf32, #tpu.memory_space<vmem_shared>>)
        tpu.yield
      }) : () -> ()
      %add3A_41 = arith.constant 384 : i32
      %add3A_42 = arith.addi %mul3A_6, %add3A_41 : i32
      "tpu.region"() ({
        %run_scoped3A = tpu.sem_alloc : memref<!tpu.dma_semaphore, #tpu.memory_space<semaphore_mem>>
        %dma_start3A = arith.constant 0 : i32
        %dma_start3A_45 = tpu.memref_slice %arg11[%add3A_42, %dma_start3A] : memref<10000x128xf32, #tpu.memory_space<vmem_shared>> -> memref<128x128xf32, #tpu.memory_space<vmem_shared>>
        %dma_start3A_46 = arith.constant 0 : i32
        %dma_start3A_47 = tpu.memref_slice %arg11[%add3A_42, %dma_start3A_46] : memref<10000x128xf32, #tpu.memory_space<vmem_shared>> -> memref<128x128xf32, #tpu.memory_space<vmem_shared>>
        tpu.enqueue_dma source(%arg8 : memref<128x128xf32, #tpu.memory_space<vmem>>) target(%dma_start3A_47 : memref<128x128xf32, #tpu.memory_space<vmem_shared>>) target_semaphore(%run_scoped3A : memref<!tpu.dma_semaphore, #tpu.memory_space<semaphore_mem>>)
        %dma_wait3A = arith.constant 0 : i32
        %dma_wait3A_48 = tpu.memref_slice %arg11[%add3A_42, %dma_wait3A] : memref<10000x128xf32, #tpu.memory_space<vmem_shared>> -> memref<128x128xf32, #tpu.memory_space<vmem_shared>>
        %dma_wait3A_49 = arith.constant 0 : i32
        %dma_wait3A_50 = tpu.memref_slice %arg11[%add3A_42, %dma_wait3A_49] : memref<10000x128xf32, #tpu.memory_space<vmem_shared>> -> memref<128x128xf32, #tpu.memory_space<vmem_shared>>
        tpu.wait_dma2 semaphore(%run_scoped3A : memref<!tpu.dma_semaphore, #tpu.memory_space<semaphore_mem>>) src(%arg8 : memref<128x128xf32, #tpu.memory_space<vmem>>) dst(%dma_wait3A_50 : memref<128x128xf32, #tpu.memory_space<vmem_shared>>)
        tpu.yield
      }) : () -> ()
      %add3A_43 = arith.constant 512 : i32
      %add3A_44 = arith.addi %mul3A_6, %add3A_43 : i32
      "tpu.region"() ({
        %run_scoped3A = tpu.sem_alloc : memref<!tpu.dma_semaphore, #tpu.memory_space<semaphore_mem>>
        %dma_start3A = arith.constant 0 : i32
        %dma_start3A_45 = tpu.memref_slice %arg11[%add3A_44, %dma_start3A] : memref<10000x128xf32, #tpu.memory_space<vmem_shared>> -> memref<128x128xf32, #tpu.memory_space<vmem_shared>>
        %dma_start3A_46 = arith.constant 0 : i32
        %dma_start3A_47 = tpu.memref_slice %arg11[%add3A_44, %dma_start3A_46] : memref<10000x128xf32, #tpu.memory_space<vmem_shared>> -> memref<128x128xf32, #tpu.memory_space<vmem_shared>>
        tpu.enqueue_dma source(%arg8 : memref<128x128xf32, #tpu.memory_space<vmem>>) target(%dma_start3A_47 : memref<128x128xf32, #tpu.memory_space<vmem_shared>>) target_semaphore(%run_scoped3A : memref<!tpu.dma_semaphore, #tpu.memory_space<semaphore_mem>>)
        %dma_wait3A = arith.constant 0 : i32
        %dma_wait3A_48 = tpu.memref_slice %arg11[%add3A_44, %dma_wait3A] : memref<10000x128xf32, #tpu.memory_space<vmem_shared>> -> memref<128x128xf32, #tpu.memory_space<vmem_shared>>
        %dma_wait3A_49 = arith.constant 0 : i32
        %dma_wait3A_50 = tpu.memref_slice %arg11[%add3A_44, %dma_wait3A_49] : memref<10000x128xf32, #tpu.memory_space<vmem_shared>> -> memref<128x128xf32, #tpu.memory_space<vmem_shared>>
        tpu.wait_dma2 semaphore(%run_scoped3A : memref<!tpu.dma_semaphore, #tpu.memory_space<semaphore_mem>>) src(%arg8 : memref<128x128xf32, #tpu.memory_space<vmem>>) dst(%dma_wait3A_50 : memref<128x128xf32, #tpu.memory_space<vmem_shared>>)
        tpu.yield
      }) : () -> ()
    } else {
    }
    %barrier3A = arith.constant 0 : index
    tpu.barrier barrier_id(%barrier3A)
    "tpu.region"() ({
      %run_scoped3A = tpu.sem_alloc : memref<!tpu.dma_semaphore, #tpu.memory_space<semaphore_mem>>
      %dma_start3A = arith.constant 0 : i32
      %dma_start3A_36 = arith.constant 0 : i32
      %dma_start3A_37 = tpu.memref_slice %arg3[%arg0, %arg1, %dma_start3A, %dma_start3A_36] : memref<2x16x80x128xi32, #tpu.memory_space<hbm>> -> memref<1x1x40x128xi32, #tpu.memory_space<hbm>>
      %dma_start3A_38 = tpu.memref_squeeze %dma_start3A_37 : memref<1x1x40x128xi32, #tpu.memory_space<hbm>> -> memref<40x128xi32, #tpu.memory_space<hbm>>
      %dma_start3A_39 = arith.constant 0 : i32
      %dma_start3A_40 = arith.constant 0 : i32
      %dma_start3A_41 = tpu.memref_slice %arg3[%arg0, %arg1, %dma_start3A_39, %dma_start3A_40] : memref<2x16x80x128xi32, #tpu.memory_space<hbm>> -> memref<1x1x40x128xi32, #tpu.memory_space<hbm>>
      %dma_start3A_42 = tpu.memref_squeeze %dma_start3A_41 : memref<1x1x40x128xi32, #tpu.memory_space<hbm>> -> memref<40x128xi32, #tpu.memory_space<hbm>>
      tpu.enqueue_dma source(%dma_start3A_42 : memref<40x128xi32, #tpu.memory_space<hbm>>) target(%arg9 : memref<40x128xi32, #tpu.memory_space<vmem>>) target_semaphore(%run_scoped3A : memref<!tpu.dma_semaphore, #tpu.memory_space<semaphore_mem>>)
      %dma_wait3A = arith.constant 0 : i32
      %dma_wait3A_43 = arith.constant 0 : i32
      %dma_wait3A_44 = tpu.memref_slice %arg3[%arg0, %arg1, %dma_wait3A, %dma_wait3A_43] : memref<2x16x80x128xi32, #tpu.memory_space<hbm>> -> memref<1x1x40x128xi32, #tpu.memory_space<hbm>>
      %dma_wait3A_45 = tpu.memref_squeeze %dma_wait3A_44 : memref<1x1x40x128xi32, #tpu.memory_space<hbm>> -> memref<40x128xi32, #tpu.memory_space<hbm>>
      %dma_wait3A_46 = arith.constant 0 : i32
      %dma_wait3A_47 = arith.constant 0 : i32
      %dma_wait3A_48 = tpu.memref_slice %arg3[%arg0, %arg1, %dma_wait3A_46, %dma_wait3A_47] : memref<2x16x80x128xi32, #tpu.memory_space<hbm>> -> memref<1x1x40x128xi32, #tpu.memory_space<hbm>>
      %dma_wait3A_49 = tpu.memref_squeeze %dma_wait3A_48 : memref<1x1x40x128xi32, #tpu.memory_space<hbm>> -> memref<40x128xi32, #tpu.memory_space<hbm>>
      tpu.wait_dma2 semaphore(%run_scoped3A : memref<!tpu.dma_semaphore, #tpu.memory_space<semaphore_mem>>) src(%dma_wait3A_49 : memref<40x128xi32, #tpu.memory_space<hbm>>) dst(%arg9 : memref<40x128xi32, #tpu.memory_space<vmem>>)
      tpu.yield
    }) : () -> ()
    "tpu.region"() ({
      %run_scoped3A = tpu.sem_alloc : memref<!tpu.dma_semaphore, #tpu.memory_space<semaphore_mem>>
      %dma_start3A = arith.constant 0 : i32
      %dma_start3A_36 = arith.constant 0 : i32
      %dma_start3A_37 = tpu.memref_slice %arg4[%arg0, %arg1, %dma_start3A, %dma_start3A_36] : memref<2x16x80x128xi32, #tpu.memory_space<hbm>> -> memref<1x1x40x128xi32, #tpu.memory_space<hbm>>
      %dma_start3A_38 = tpu.memref_squeeze %dma_start3A_37 : memref<1x1x40x128xi32, #tpu.memory_space<hbm>> -> memref<40x128xi32, #tpu.memory_space<hbm>>
      %dma_start3A_39 = arith.constant 0 : i32
      %dma_start3A_40 = arith.constant 0 : i32
      %dma_start3A_41 = tpu.memref_slice %arg4[%arg0, %arg1, %dma_start3A_39, %dma_start3A_40] : memref<2x16x80x128xi32, #tpu.memory_space<hbm>> -> memref<1x1x40x128xi32, #tpu.memory_space<hbm>>
      %dma_start3A_42 = tpu.memref_squeeze %dma_start3A_41 : memref<1x1x40x128xi32, #tpu.memory_space<hbm>> -> memref<40x128xi32, #tpu.memory_space<hbm>>
      tpu.enqueue_dma source(%dma_start3A_42 : memref<40x128xi32, #tpu.memory_space<hbm>>) target(%arg10 : memref<40x128xi32, #tpu.memory_space<vmem>>) target_semaphore(%run_scoped3A : memref<!tpu.dma_semaphore, #tpu.memory_space<semaphore_mem>>)
      %dma_wait3A = arith.constant 0 : i32
      %dma_wait3A_43 = arith.constant 0 : i32
      %dma_wait3A_44 = tpu.memref_slice %arg4[%arg0, %arg1, %dma_wait3A, %dma_wait3A_43] : memref<2x16x80x128xi32, #tpu.memory_space<hbm>> -> memref<1x1x40x128xi32, #tpu.memory_space<hbm>>
      %dma_wait3A_45 = tpu.memref_squeeze %dma_wait3A_44 : memref<1x1x40x128xi32, #tpu.memory_space<hbm>> -> memref<40x128xi32, #tpu.memory_space<hbm>>
      %dma_wait3A_46 = arith.constant 0 : i32
      %dma_wait3A_47 = arith.constant 0 : i32
      %dma_wait3A_48 = tpu.memref_slice %arg4[%arg0, %arg1, %dma_wait3A_46, %dma_wait3A_47] : memref<2x16x80x128xi32, #tpu.memory_space<hbm>> -> memref<1x1x40x128xi32, #tpu.memory_space<hbm>>
      %dma_wait3A_49 = tpu.memref_squeeze %dma_wait3A_48 : memref<1x1x40x128xi32, #tpu.memory_space<hbm>> -> memref<40x128xi32, #tpu.memory_space<hbm>>
      tpu.wait_dma2 semaphore(%run_scoped3A : memref<!tpu.dma_semaphore, #tpu.memory_space<semaphore_mem>>) src(%dma_wait3A_49 : memref<40x128xi32, #tpu.memory_space<hbm>>) dst(%arg10 : memref<40x128xi32, #tpu.memory_space<vmem>>)
      tpu.yield
    }) : () -> ()
    %scan3A_13 = arith.constant 0 : i32
    %scan3A_14 = arith.constant 0 : i32
    %scan3A_15 = arith.constant 40 : i32
    %scan3A_16 = arith.addi %scan3A_14, %scan3A_15 : i32
    %scan3A_17 = arith.constant 1 : i32
    scf.for %scan3A_36 = %scan3A_14 to %scan3A_16 step %scan3A_17  : i32 {
      %add3A = arith.constant 0 : i32
      %add3A_37 = arith.addi %add3A, %scan3A_36 : i32
      %mul3A_38 = arith.constant 128 : i32
      %mul3A_39 = arith.muli %add3A_37, %mul3A_38 : i32
      "tpu.region"() ({
        %run_scoped3A = tpu.sem_alloc : memref<!tpu.dma_semaphore, #tpu.memory_space<semaphore_mem>>
        %dma_start3A_56 = arith.constant 0 : i32
        %dma_start3A_57 = tpu.memref_slice %arg2[%arg0, %arg1, %mul3A_39, %dma_start3A_56] : memref<2x16x10240x128xf32, #tpu.memory_space<hbm>> -> memref<1x1x128x128xf32, #tpu.memory_space<hbm>>
        %dma_start3A_58 = tpu.memref_squeeze %dma_start3A_57 : memref<1x1x128x128xf32, #tpu.memory_space<hbm>> -> memref<128x128xf32, #tpu.memory_space<hbm>>
        %dma_start3A_59 = arith.constant 0 : i32
        %dma_start3A_60 = tpu.memref_slice %arg2[%arg0, %arg1, %mul3A_39, %dma_start3A_59] : memref<2x16x10240x128xf32, #tpu.memory_space<hbm>> -> memref<1x1x128x128xf32, #tpu.memory_space<hbm>>
        %dma_start3A_61 = tpu.memref_squeeze %dma_start3A_60 : memref<1x1x128x128xf32, #tpu.memory_space<hbm>> -> memref<128x128xf32, #tpu.memory_space<hbm>>
        tpu.enqueue_dma source(%dma_start3A_61 : memref<128x128xf32, #tpu.memory_space<hbm>>) target(%arg7 : memref<128x128xf32, #tpu.memory_space<vmem>>) target_semaphore(%run_scoped3A : memref<!tpu.dma_semaphore, #tpu.memory_space<semaphore_mem>>)
        %dma_wait3A_62 = arith.constant 0 : i32
        %dma_wait3A_63 = tpu.memref_slice %arg2[%arg0, %arg1, %mul3A_39, %dma_wait3A_62] : memref<2x16x10240x128xf32, #tpu.memory_space<hbm>> -> memref<1x1x128x128xf32, #tpu.memory_space<hbm>>
        %dma_wait3A_64 = tpu.memref_squeeze %dma_wait3A_63 : memref<1x1x128x128xf32, #tpu.memory_space<hbm>> -> memref<128x128xf32, #tpu.memory_space<hbm>>
        %dma_wait3A_65 = arith.constant 0 : i32
        %dma_wait3A_66 = tpu.memref_slice %arg2[%arg0, %arg1, %mul3A_39, %dma_wait3A_65] : memref<2x16x10240x128xf32, #tpu.memory_space<hbm>> -> memref<1x1x128x128xf32, #tpu.memory_space<hbm>>
        %dma_wait3A_67 = tpu.memref_squeeze %dma_wait3A_66 : memref<1x1x128x128xf32, #tpu.memory_space<hbm>> -> memref<128x128xf32, #tpu.memory_space<hbm>>
        tpu.wait_dma2 semaphore(%run_scoped3A : memref<!tpu.dma_semaphore, #tpu.memory_space<semaphore_mem>>) src(%dma_wait3A_67 : memref<128x128xf32, #tpu.memory_space<hbm>>) dst(%arg7 : memref<128x128xf32, #tpu.memory_space<vmem>>)
        tpu.yield
      }) : () -> ()
      %dma_start3A = arith.constant 0 : i32
      %dma_start3A_40 = tpu.memref_slice %arg9[%scan3A_36, %dma_start3A] : memref<40x128xi32, #tpu.memory_space<vmem>> -> memref<1x128xi32, #tpu.memory_space<vmem>>
      %dma_start3A_41 = tpu.memref_squeeze %dma_start3A_40 : memref<1x128xi32, #tpu.memory_space<vmem>> -> memref<128xi32, #tpu.memory_space<vmem>>
      %dma_start3A_42 = arith.constant 0 : i32
      %dma_start3A_43 = arith.constant 0 : i32
      %dma_start3A_44 = tpu.memref_slice %arg5[%dma_start3A_42, %dma_start3A_43] : memref<10008x128xf32, #tpu.memory_space<hbm>> -> memref<10008x128xf32, #tpu.memory_space<hbm>>
      tpu.enqueue_indirect_dma source(%dma_start3A_44 : memref<10008x128xf32, #tpu.memory_space<hbm>>) target(%arg8 : memref<128x128xf32, #tpu.memory_space<vmem>>) offsets(%dma_start3A_41 : memref<128xi32, #tpu.memory_space<vmem>>) semaphore(%arg12 : memref<!tpu.dma_semaphore, #tpu.memory_space<semaphore_mem>>)
      %dma_wait3A = arith.constant 0 : i32
      %dma_wait3A_45 = tpu.memref_slice %arg9[%scan3A_36, %dma_wait3A] : memref<40x128xi32, #tpu.memory_space<vmem>> -> memref<1x128xi32, #tpu.memory_space<vmem>>
      %dma_wait3A_46 = tpu.memref_squeeze %dma_wait3A_45 : memref<1x128xi32, #tpu.memory_space<vmem>> -> memref<128xi32, #tpu.memory_space<vmem>>
      %dma_wait3A_47 = arith.constant 0 : i32
      %dma_wait3A_48 = arith.constant 0 : i32
      %dma_wait3A_49 = tpu.memref_slice %arg5[%dma_wait3A_47, %dma_wait3A_48] : memref<10008x128xf32, #tpu.memory_space<hbm>> -> memref<10008x128xf32, #tpu.memory_space<hbm>>
      tpu.wait_indirect_dma semaphore(%arg12 : memref<!tpu.dma_semaphore, #tpu.memory_space<semaphore_mem>>) src(%dma_wait3A_49 : memref<10008x128xf32, #tpu.memory_space<hbm>>) dst(%arg8 : memref<128x128xf32, #tpu.memory_space<vmem>>)
      %scan3A_50 = arith.constant 0 : i32
      %scan3A_51 = arith.constant 0 : i32
      %scan3A_52 = arith.constant 128 : i32
      %scan3A_53 = arith.addi %scan3A_51, %scan3A_52 : i32
      %scan3A_54 = arith.constant 1 : i32
      scf.for %scan3A_56 = %scan3A_51 to %scan3A_53 step %scan3A_54  : i32 {
        %get3A = arith.index_cast %scan3A_56 : i32 to index
        %get3A_57 = arith.constant 0 : index
        %get3A_58 = tpu.vector_load %arg8[%get3A, %get3A_57] {strides = array<i32>} : memref<128x128xf32, #tpu.memory_space<vmem>>, vector<1x16xf32>,
        %get3A_59 = vector.shape_cast %get3A_58 : vector<1x16xf32> to vector<16xf32>
        %get3A_60 = arith.index_cast %scan3A_56 : i32 to index
        %get3A_61 = arith.constant 0 : index
        %get3A_62 = tpu.vector_load %arg7[%get3A_60, %get3A_61] {strides = array<i32>} : memref<128x128xf32, #tpu.memory_space<vmem>>, vector<1x16xf32>,
        %get3A_63 = vector.shape_cast %get3A_62 : vector<1x16xf32> to vector<16xf32>
        %add3A_64 = arith.addf %get3A_59, %get3A_63 : vector<16xf32>
        %max3A = arith.constant 0.000000e+00 : f32
        %max3A_65 = vector.broadcast %max3A : f32 to vector<16xf32>
        %max3A_66 = arith.maximumf %add3A_64, %max3A_65 : vector<16xf32>
        %swap3A = arith.index_cast %scan3A_56 : i32 to index
        %swap3A_67 = arith.constant 0 : index
        %swap3A_68 = tpu.vector_load %arg8[%swap3A, %swap3A_67] {strides = array<i32>} : memref<128x128xf32, #tpu.memory_space<vmem>>, vector<1x16xf32>,
        %swap3A_69 = vector.shape_cast %swap3A_68 : vector<1x16xf32> to vector<16xf32>
        %swap3A_70 = vector.shape_cast %max3A_66 : vector<16xf32> to vector<1x16xf32>
        tpu.vector_store %arg8[%swap3A, %swap3A_67], %swap3A_70 {strides = array<i32>} : memref<128x128xf32, #tpu.memory_space<vmem>>, vector<1x16xf32>,
        %get3A_71 = arith.index_cast %scan3A_56 : i32 to index
        %get3A_72 = arith.constant 16 : index
        %get3A_73 = tpu.vector_load %arg8[%get3A_71, %get3A_72] {strides = array<i32>} : memref<128x128xf32, #tpu.memory_space<vmem>>, vector<1x16xf32>,
        %get3A_74 = vector.shape_cast %get3A_73 : vector<1x16xf32> to vector<16xf32>
        %get3A_75 = arith.index_cast %scan3A_56 : i32 to index
        %get3A_76 = arith.constant 16 : index
        %get3A_77 = tpu.vector_load %arg7[%get3A_75, %get3A_76] {strides = array<i32>} : memref<128x128xf32, #tpu.memory_space<vmem>>, vector<1x16xf32>,
        %get3A_78 = vector.shape_cast %get3A_77 : vector<1x16xf32> to vector<16xf32>
        %add3A_79 = arith.addf %get3A_74, %get3A_78 : vector<16xf32>
        %max3A_80 = arith.constant 0.000000e+00 : f32
        %max3A_81 = vector.broadcast %max3A_80 : f32 to vector<16xf32>
        %max3A_82 = arith.maximumf %add3A_79, %max3A_81 : vector<16xf32>
        %swap3A_83 = arith.index_cast %scan3A_56 : i32 to index
        %swap3A_84 = arith.constant 16 : index
        %swap3A_85 = tpu.vector_load %arg8[%swap3A_83, %swap3A_84] {strides = array<i32>} : memref<128x128xf32, #tpu.memory_space<vmem>>, vector<1x16xf32>,
        %swap3A_86 = vector.shape_cast %swap3A_85 : vector<1x16xf32> to vector<16xf32>
        %swap3A_87 = vector.shape_cast %max3A_82 : vector<16xf32> to vector<1x16xf32>
        tpu.vector_store %arg8[%swap3A_83, %swap3A_84], %swap3A_87 {strides = array<i32>} : memref<128x128xf32, #tpu.memory_space<vmem>>, vector<1x16xf32>,
        %get3A_88 = arith.index_cast %scan3A_56 : i32 to index
        %get3A_89 = arith.constant 32 : index
        %get3A_90 = tpu.vector_load %arg8[%get3A_88, %get3A_89] {strides = array<i32>} : memref<128x128xf32, #tpu.memory_space<vmem>>, vector<1x16xf32>,
        %get3A_91 = vector.shape_cast %get3A_90 : vector<1x16xf32> to vector<16xf32>
        %get3A_92 = arith.index_cast %scan3A_56 : i32 to index
        %get3A_93 = arith.constant 32 : index
        %get3A_94 = tpu.vector_load %arg7[%get3A_92, %get3A_93] {strides = array<i32>} : memref<128x128xf32, #tpu.memory_space<vmem>>, vector<1x16xf32>,
        %get3A_95 = vector.shape_cast %get3A_94 : vector<1x16xf32> to vector<16xf32>
        %add3A_96 = arith.addf %get3A_91, %get3A_95 : vector<16xf32>
        %max3A_97 = arith.constant 0.000000e+00 : f32
        %max3A_98 = vector.broadcast %max3A_97 : f32 to vector<16xf32>
        %max3A_99 = arith.maximumf %add3A_96, %max3A_98 : vector<16xf32>
        %swap3A_100 = arith.index_cast %scan3A_56 : i32 to index
        %swap3A_101 = arith.constant 32 : index
        %swap3A_102 = tpu.vector_load %arg8[%swap3A_100, %swap3A_101] {strides = array<i32>} : memref<128x128xf32, #tpu.memory_space<vmem>>, vector<1x16xf32>,
        %swap3A_103 = vector.shape_cast %swap3A_102 : vector<1x16xf32> to vector<16xf32>
        %swap3A_104 = vector.shape_cast %max3A_99 : vector<16xf32> to vector<1x16xf32>
        tpu.vector_store %arg8[%swap3A_100, %swap3A_101], %swap3A_104 {strides = array<i32>} : memref<128x128xf32, #tpu.memory_space<vmem>>, vector<1x16xf32>,
        %get3A_105 = arith.index_cast %scan3A_56 : i32 to index
        %get3A_106 = arith.constant 48 : index
        %get3A_107 = tpu.vector_load %arg8[%get3A_105, %get3A_106] {strides = array<i32>} : memref<128x128xf32, #tpu.memory_space<vmem>>, vector<1x16xf32>,
        %get3A_108 = vector.shape_cast %get3A_107 : vector<1x16xf32> to vector<16xf32>
        %get3A_109 = arith.index_cast %scan3A_56 : i32 to index
        %get3A_110 = arith.constant 48 : index
        %get3A_111 = tpu.vector_load %arg7[%get3A_109, %get3A_110] {strides = array<i32>} : memref<128x128xf32, #tpu.memory_space<vmem>>, vector<1x16xf32>,
        %get3A_112 = vector.shape_cast %get3A_111 : vector<1x16xf32> to vector<16xf32>
        %add3A_113 = arith.addf %get3A_108, %get3A_112 : vector<16xf32>
        %max3A_114 = arith.constant 0.000000e+00 : f32
        %max3A_115 = vector.broadcast %max3A_114 : f32 to vector<16xf32>
        %max3A_116 = arith.maximumf %add3A_113, %max3A_115 : vector<16xf32>
        %swap3A_117 = arith.index_cast %scan3A_56 : i32 to index
        %swap3A_118 = arith.constant 48 : index
        %swap3A_119 = tpu.vector_load %arg8[%swap3A_117, %swap3A_118] {strides = array<i32>} : memref<128x128xf32, #tpu.memory_space<vmem>>, vector<1x16xf32>,
        %swap3A_120 = vector.shape_cast %swap3A_119 : vector<1x16xf32> to vector<16xf32>
        %swap3A_121 = vector.shape_cast %max3A_116 : vector<16xf32> to vector<1x16xf32>
        tpu.vector_store %arg8[%swap3A_117, %swap3A_118], %swap3A_121 {strides = array<i32>} : memref<128x128xf32, #tpu.memory_space<vmem>>, vector<1x16xf32>,
        %get3A_122 = arith.index_cast %scan3A_56 : i32 to index
        %get3A_123 = arith.constant 64 : index
        %get3A_124 = tpu.vector_load %arg8[%get3A_122, %get3A_123] {strides = array<i32>} : memref<128x128xf32, #tpu.memory_space<vmem>>, vector<1x16xf32>,
        %get3A_125 = vector.shape_cast %get3A_124 : vector<1x16xf32> to vector<16xf32>
        %get3A_126 = arith.index_cast %scan3A_56 : i32 to index
        %get3A_127 = arith.constant 64 : index
        %get3A_128 = tpu.vector_load %arg7[%get3A_126, %get3A_127] {strides = array<i32>} : memref<128x128xf32, #tpu.memory_space<vmem>>, vector<1x16xf32>,
        %get3A_129 = vector.shape_cast %get3A_128 : vector<1x16xf32> to vector<16xf32>
        %add3A_130 = arith.addf %get3A_125, %get3A_129 : vector<16xf32>
        %max3A_131 = arith.constant 0.000000e+00 : f32
        %max3A_132 = vector.broadcast %max3A_131 : f32 to vector<16xf32>
        %max3A_133 = arith.maximumf %add3A_130, %max3A_132 : vector<16xf32>
        %swap3A_134 = arith.index_cast %scan3A_56 : i32 to index
        %swap3A_135 = arith.constant 64 : index
        %swap3A_136 = tpu.vector_load %arg8[%swap3A_134, %swap3A_135] {strides = array<i32>} : memref<128x128xf32, #tpu.memory_space<vmem>>, vector<1x16xf32>,
        %swap3A_137 = vector.shape_cast %swap3A_136 : vector<1x16xf32> to vector<16xf32>
        %swap3A_138 = vector.shape_cast %max3A_133 : vector<16xf32> to vector<1x16xf32>
        tpu.vector_store %arg8[%swap3A_134, %swap3A_135], %swap3A_138 {strides = array<i32>} : memref<128x128xf32, #tpu.memory_space<vmem>>, vector<1x16xf32>,
        %get3A_139 = arith.index_cast %scan3A_56 : i32 to index
        %get3A_140 = arith.constant 80 : index
        %get3A_141 = tpu.vector_load %arg8[%get3A_139, %get3A_140] {strides = array<i32>} : memref<128x128xf32, #tpu.memory_space<vmem>>, vector<1x16xf32>,
        %get3A_142 = vector.shape_cast %get3A_141 : vector<1x16xf32> to vector<16xf32>
        %get3A_143 = arith.index_cast %scan3A_56 : i32 to index
        %get3A_144 = arith.constant 80 : index
        %get3A_145 = tpu.vector_load %arg7[%get3A_143, %get3A_144] {strides = array<i32>} : memref<128x128xf32, #tpu.memory_space<vmem>>, vector<1x16xf32>,
        %get3A_146 = vector.shape_cast %get3A_145 : vector<1x16xf32> to vector<16xf32>
        %add3A_147 = arith.addf %get3A_142, %get3A_146 : vector<16xf32>
        %max3A_148 = arith.constant 0.000000e+00 : f32
        %max3A_149 = vector.broadcast %max3A_148 : f32 to vector<16xf32>
        %max3A_150 = arith.maximumf %add3A_147, %max3A_149 : vector<16xf32>
        %swap3A_151 = arith.index_cast %scan3A_56 : i32 to index
        %swap3A_152 = arith.constant 80 : index
        %swap3A_153 = tpu.vector_load %arg8[%swap3A_151, %swap3A_152] {strides = array<i32>} : memref<128x128xf32, #tpu.memory_space<vmem>>, vector<1x16xf32>,
        %swap3A_154 = vector.shape_cast %swap3A_153 : vector<1x16xf32> to vector<16xf32>
        %swap3A_155 = vector.shape_cast %max3A_150 : vector<16xf32> to vector<1x16xf32>
        tpu.vector_store %arg8[%swap3A_151, %swap3A_152], %swap3A_155 {strides = array<i32>} : memref<128x128xf32, #tpu.memory_space<vmem>>, vector<1x16xf32>,
        %get3A_156 = arith.index_cast %scan3A_56 : i32 to index
        %get3A_157 = arith.constant 96 : index
        %get3A_158 = tpu.vector_load %arg8[%get3A_156, %get3A_157] {strides = array<i32>} : memref<128x128xf32, #tpu.memory_space<vmem>>, vector<1x16xf32>,
        %get3A_159 = vector.shape_cast %get3A_158 : vector<1x16xf32> to vector<16xf32>
        %get3A_160 = arith.index_cast %scan3A_56 : i32 to index
        %get3A_161 = arith.constant 96 : index
        %get3A_162 = tpu.vector_load %arg7[%get3A_160, %get3A_161] {strides = array<i32>} : memref<128x128xf32, #tpu.memory_space<vmem>>, vector<1x16xf32>,
        %get3A_163 = vector.shape_cast %get3A_162 : vector<1x16xf32> to vector<16xf32>
        %add3A_164 = arith.addf %get3A_159, %get3A_163 : vector<16xf32>
        %max3A_165 = arith.constant 0.000000e+00 : f32
        %max3A_166 = vector.broadcast %max3A_165 : f32 to vector<16xf32>
        %max3A_167 = arith.maximumf %add3A_164, %max3A_166 : vector<16xf32>
        %swap3A_168 = arith.index_cast %scan3A_56 : i32 to index
        %swap3A_169 = arith.constant 96 : index
        %swap3A_170 = tpu.vector_load %arg8[%swap3A_168, %swap3A_169] {strides = array<i32>} : memref<128x128xf32, #tpu.memory_space<vmem>>, vector<1x16xf32>,
        %swap3A_171 = vector.shape_cast %swap3A_170 : vector<1x16xf32> to vector<16xf32>
        %swap3A_172 = vector.shape_cast %max3A_167 : vector<16xf32> to vector<1x16xf32>
        tpu.vector_store %arg8[%swap3A_168, %swap3A_169], %swap3A_172 {strides = array<i32>} : memref<128x128xf32, #tpu.memory_space<vmem>>, vector<1x16xf32>,
        %get3A_173 = arith.index_cast %scan3A_56 : i32 to index
        %get3A_174 = arith.constant 112 : index
        %get3A_175 = tpu.vector_load %arg8[%get3A_173, %get3A_174] {strides = array<i32>} : memref<128x128xf32, #tpu.memory_space<vmem>>, vector<1x16xf32>,
        %get3A_176 = vector.shape_cast %get3A_175 : vector<1x16xf32> to vector<16xf32>
        %get3A_177 = arith.index_cast %scan3A_56 : i32 to index
        %get3A_178 = arith.constant 112 : index
        %get3A_179 = tpu.vector_load %arg7[%get3A_177, %get3A_178] {strides = array<i32>} : memref<128x128xf32, #tpu.memory_space<vmem>>, vector<1x16xf32>,
        %get3A_180 = vector.shape_cast %get3A_179 : vector<1x16xf32> to vector<16xf32>
        %add3A_181 = arith.addf %get3A_176, %get3A_180 : vector<16xf32>
        %max3A_182 = arith.constant 0.000000e+00 : f32
        %max3A_183 = vector.broadcast %max3A_182 : f32 to vector<16xf32>
        %max3A_184 = arith.maximumf %add3A_181, %max3A_183 : vector<16xf32>
        %swap3A_185 = arith.index_cast %scan3A_56 : i32 to index
        %swap3A_186 = arith.constant 112 : index
        %swap3A_187 = tpu.vector_load %arg8[%swap3A_185, %swap3A_186] {strides = array<i32>} : memref<128x128xf32, #tpu.memory_space<vmem>>, vector<1x16xf32>,
        %swap3A_188 = vector.shape_cast %swap3A_187 : vector<1x16xf32> to vector<16xf32>
        %swap3A_189 = vector.shape_cast %max3A_184 : vector<16xf32> to vector<1x16xf32>
        tpu.vector_store %arg8[%swap3A_185, %swap3A_186], %swap3A_189 {strides = array<i32>} : memref<128x128xf32, #tpu.memory_space<vmem>>, vector<1x16xf32>,
      }
      %scan3A_55 = arith.constant 128 : i32
      "tpu.region"() ({
        %run_scoped3A = tpu.sem_alloc : memref<!tpu.dma_semaphore, #tpu.memory_space<semaphore_mem>>
        %dma_start3A_56 = arith.constant 0 : i32
        %dma_start3A_57 = tpu.memref_slice %arg10[%scan3A_36, %dma_start3A_56] : memref<40x128xi32, #tpu.memory_space<vmem>> -> memref<1x128xi32, #tpu.memory_space<vmem>>
        %dma_start3A_58 = tpu.memref_squeeze %dma_start3A_57 : memref<1x128xi32, #tpu.memory_space<vmem>> -> memref<128xi32, #tpu.memory_space<vmem>>
        %dma_start3A_59 = arith.constant 0 : i32
        %dma_start3A_60 = arith.constant 0 : i32
        %dma_start3A_61 = tpu.memref_slice %arg11[%dma_start3A_59, %dma_start3A_60] : memref<10000x128xf32, #tpu.memory_space<vmem_shared>> -> memref<10000x128xf32, #tpu.memory_space<vmem_shared>>
        tpu.enqueue_indirect_dma source(%arg8 : memref<128x128xf32, #tpu.memory_space<vmem>>) target(%dma_start3A_61 : memref<10000x128xf32, #tpu.memory_space<vmem_shared>>) offsets(%dma_start3A_58 : memref<128xi32, #tpu.memory_space<vmem>>) semaphore(%run_scoped3A : memref<!tpu.dma_semaphore, #tpu.memory_space<semaphore_mem>>) {add = true}
        %dma_wait3A_62 = arith.constant 0 : i32
        %dma_wait3A_63 = tpu.memref_slice %arg10[%scan3A_36, %dma_wait3A_62] : memref<40x128xi32, #tpu.memory_space<vmem>> -> memref<1x128xi32, #tpu.memory_space<vmem>>
        %dma_wait3A_64 = tpu.memref_squeeze %dma_wait3A_63 : memref<1x128xi32, #tpu.memory_space<vmem>> -> memref<128xi32, #tpu.memory_space<vmem>>
        %dma_wait3A_65 = arith.constant 0 : i32
        %dma_wait3A_66 = arith.constant 0 : i32
        %dma_wait3A_67 = tpu.memref_slice %arg11[%dma_wait3A_65, %dma_wait3A_66] : memref<10000x128xf32, #tpu.memory_space<vmem_shared>> -> memref<10000x128xf32, #tpu.memory_space<vmem_shared>>
        tpu.wait_indirect_dma semaphore(%run_scoped3A : memref<!tpu.dma_semaphore, #tpu.memory_space<semaphore_mem>>) src(%arg8 : memref<128x128xf32, #tpu.memory_space<vmem>>) dst(%dma_wait3A_67 : memref<10000x128xf32, #tpu.memory_space<vmem_shared>>)
        tpu.yield
      }) : () -> ()
    }
    %scan3A_18 = arith.constant 40 : i32
    "tpu.region"() ({
      %run_scoped3A = tpu.sem_alloc : memref<!tpu.dma_semaphore, #tpu.memory_space<semaphore_mem>>
      %dma_start3A = arith.constant 40 : i32
      %dma_start3A_36 = arith.constant 0 : i32
      %dma_start3A_37 = tpu.memref_slice %arg3[%arg0, %arg1, %dma_start3A, %dma_start3A_36] : memref<2x16x80x128xi32, #tpu.memory_space<hbm>> -> memref<1x1x40x128xi32, #tpu.memory_space<hbm>>
      %dma_start3A_38 = tpu.memref_squeeze %dma_start3A_37 : memref<1x1x40x128xi32, #tpu.memory_space<hbm>> -> memref<40x128xi32, #tpu.memory_space<hbm>>
      %dma_start3A_39 = arith.constant 40 : i32
      %dma_start3A_40 = arith.constant 0 : i32
      %dma_start3A_41 = tpu.memref_slice %arg3[%arg0, %arg1, %dma_start3A_39, %dma_start3A_40] : memref<2x16x80x128xi32, #tpu.memory_space<hbm>> -> memref<1x1x40x128xi32, #tpu.memory_space<hbm>>
      %dma_start3A_42 = tpu.memref_squeeze %dma_start3A_41 : memref<1x1x40x128xi32, #tpu.memory_space<hbm>> -> memref<40x128xi32, #tpu.memory_space<hbm>>
      tpu.enqueue_dma source(%dma_start3A_42 : memref<40x128xi32, #tpu.memory_space<hbm>>) target(%arg9 : memref<40x128xi32, #tpu.memory_space<vmem>>) target_semaphore(%run_scoped3A : memref<!tpu.dma_semaphore, #tpu.memory_space<semaphore_mem>>)
      %dma_wait3A = arith.constant 40 : i32
      %dma_wait3A_43 = arith.constant 0 : i32
      %dma_wait3A_44 = tpu.memref_slice %arg3[%arg0, %arg1, %dma_wait3A, %dma_wait3A_43] : memref<2x16x80x128xi32, #tpu.memory_space<hbm>> -> memref<1x1x40x128xi32, #tpu.memory_space<hbm>>
      %dma_wait3A_45 = tpu.memref_squeeze %dma_wait3A_44 : memref<1x1x40x128xi32, #tpu.memory_space<hbm>> -> memref<40x128xi32, #tpu.memory_space<hbm>>
      %dma_wait3A_46 = arith.constant 40 : i32
      %dma_wait3A_47 = arith.constant 0 : i32
      %dma_wait3A_48 = tpu.memref_slice %arg3[%arg0, %arg1, %dma_wait3A_46, %dma_wait3A_47] : memref<2x16x80x128xi32, #tpu.memory_space<hbm>> -> memref<1x1x40x128xi32, #tpu.memory_space<hbm>>
      %dma_wait3A_49 = tpu.memref_squeeze %dma_wait3A_48 : memref<1x1x40x128xi32, #tpu.memory_space<hbm>> -> memref<40x128xi32, #tpu.memory_space<hbm>>
      tpu.wait_dma2 semaphore(%run_scoped3A : memref<!tpu.dma_semaphore, #tpu.memory_space<semaphore_mem>>) src(%dma_wait3A_49 : memref<40x128xi32, #tpu.memory_space<hbm>>) dst(%arg9 : memref<40x128xi32, #tpu.memory_space<vmem>>)
      tpu.yield
    }) : () -> ()
    "tpu.region"() ({
      %run_scoped3A = tpu.sem_alloc : memref<!tpu.dma_semaphore, #tpu.memory_space<semaphore_mem>>
      %dma_start3A = arith.constant 40 : i32
      %dma_start3A_36 = arith.constant 0 : i32
      %dma_start3A_37 = tpu.memref_slice %arg4[%arg0, %arg1, %dma_start3A, %dma_start3A_36] : memref<2x16x80x128xi32, #tpu.memory_space<hbm>> -> memref<1x1x40x128xi32, #tpu.memory_space<hbm>>
      %dma_start3A_38 = tpu.memref_squeeze %dma_start3A_37 : memref<1x1x40x128xi32, #tpu.memory_space<hbm>> -> memref<40x128xi32, #tpu.memory_space<hbm>>
      %dma_start3A_39 = arith.constant 40 : i32
      %dma_start3A_40 = arith.constant 0 : i32
      %dma_start3A_41 = tpu.memref_slice %arg4[%arg0, %arg1, %dma_start3A_39, %dma_start3A_40] : memref<2x16x80x128xi32, #tpu.memory_space<hbm>> -> memref<1x1x40x128xi32, #tpu.memory_space<hbm>>
      %dma_start3A_42 = tpu.memref_squeeze %dma_start3A_41 : memref<1x1x40x128xi32, #tpu.memory_space<hbm>> -> memref<40x128xi32, #tpu.memory_space<hbm>>
      tpu.enqueue_dma source(%dma_start3A_42 : memref<40x128xi32, #tpu.memory_space<hbm>>) target(%arg10 : memref<40x128xi32, #tpu.memory_space<vmem>>) target_semaphore(%run_scoped3A : memref<!tpu.dma_semaphore, #tpu.memory_space<semaphore_mem>>)
      %dma_wait3A = arith.constant 40 : i32
      %dma_wait3A_43 = arith.constant 0 : i32
      %dma_wait3A_44 = tpu.memref_slice %arg4[%arg0, %arg1, %dma_wait3A, %dma_wait3A_43] : memref<2x16x80x128xi32, #tpu.memory_space<hbm>> -> memref<1x1x40x128xi32, #tpu.memory_space<hbm>>
      %dma_wait3A_45 = tpu.memref_squeeze %dma_wait3A_44 : memref<1x1x40x128xi32, #tpu.memory_space<hbm>> -> memref<40x128xi32, #tpu.memory_space<hbm>>
      %dma_wait3A_46 = arith.constant 40 : i32
      %dma_wait3A_47 = arith.constant 0 : i32
      %dma_wait3A_48 = tpu.memref_slice %arg4[%arg0, %arg1, %dma_wait3A_46, %dma_wait3A_47] : memref<2x16x80x128xi32, #tpu.memory_space<hbm>> -> memref<1x1x40x128xi32, #tpu.memory_space<hbm>>
      %dma_wait3A_49 = tpu.memref_squeeze %dma_wait3A_48 : memref<1x1x40x128xi32, #tpu.memory_space<hbm>> -> memref<40x128xi32, #tpu.memory_space<hbm>>
      tpu.wait_dma2 semaphore(%run_scoped3A : memref<!tpu.dma_semaphore, #tpu.memory_space<semaphore_mem>>) src(%dma_wait3A_49 : memref<40x128xi32, #tpu.memory_space<hbm>>) dst(%arg10 : memref<40x128xi32, #tpu.memory_space<vmem>>)
      tpu.yield
    }) : () -> ()
    %scan3A_19 = arith.constant 0 : i32
    %scan3A_20 = arith.constant 0 : i32
    %scan3A_21 = arith.constant 40 : i32
    %scan3A_22 = arith.addi %scan3A_20, %scan3A_21 : i32
    %scan3A_23 = arith.constant 1 : i32
    scf.for %scan3A_36 = %scan3A_20 to %scan3A_22 step %scan3A_23  : i32 {
      %add3A = arith.constant 40 : i32
      %add3A_37 = arith.addi %add3A, %scan3A_36 : i32
      %mul3A_38 = arith.constant 128 : i32
      %mul3A_39 = arith.muli %add3A_37, %mul3A_38 : i32
      "tpu.region"() ({
        %run_scoped3A = tpu.sem_alloc : memref<!tpu.dma_semaphore, #tpu.memory_space<semaphore_mem>>
        %dma_start3A_56 = arith.constant 0 : i32
        %dma_start3A_57 = tpu.memref_slice %arg2[%arg0, %arg1, %mul3A_39, %dma_start3A_56] : memref<2x16x10240x128xf32, #tpu.memory_space<hbm>> -> memref<1x1x128x128xf32, #tpu.memory_space<hbm>>
        %dma_start3A_58 = tpu.memref_squeeze %dma_start3A_57 : memref<1x1x128x128xf32, #tpu.memory_space<hbm>> -> memref<128x128xf32, #tpu.memory_space<hbm>>
        %dma_start3A_59 = arith.constant 0 : i32
        %dma_start3A_60 = tpu.memref_slice %arg2[%arg0, %arg1, %mul3A_39, %dma_start3A_59] : memref<2x16x10240x128xf32, #tpu.memory_space<hbm>> -> memref<1x1x128x128xf32, #tpu.memory_space<hbm>>
        %dma_start3A_61 = tpu.memref_squeeze %dma_start3A_60 : memref<1x1x128x128xf32, #tpu.memory_space<hbm>> -> memref<128x128xf32, #tpu.memory_space<hbm>>
        tpu.enqueue_dma source(%dma_start3A_61 : memref<128x128xf32, #tpu.memory_space<hbm>>) target(%arg7 : memref<128x128xf32, #tpu.memory_space<vmem>>) target_semaphore(%run_scoped3A : memref<!tpu.dma_semaphore, #tpu.memory_space<semaphore_mem>>)
        %dma_wait3A_62 = arith.constant 0 : i32
        %dma_wait3A_63 = tpu.memref_slice %arg2[%arg0, %arg1, %mul3A_39, %dma_wait3A_62] : memref<2x16x10240x128xf32, #tpu.memory_space<hbm>> -> memref<1x1x128x128xf32, #tpu.memory_space<hbm>>
        %dma_wait3A_64 = tpu.memref_squeeze %dma_wait3A_63 : memref<1x1x128x128xf32, #tpu.memory_space<hbm>> -> memref<128x128xf32, #tpu.memory_space<hbm>>
        %dma_wait3A_65 = arith.constant 0 : i32
        %dma_wait3A_66 = tpu.memref_slice %arg2[%arg0, %arg1, %mul3A_39, %dma_wait3A_65] : memref<2x16x10240x128xf32, #tpu.memory_space<hbm>> -> memref<1x1x128x128xf32, #tpu.memory_space<hbm>>
        %dma_wait3A_67 = tpu.memref_squeeze %dma_wait3A_66 : memref<1x1x128x128xf32, #tpu.memory_space<hbm>> -> memref<128x128xf32, #tpu.memory_space<hbm>>
        tpu.wait_dma2 semaphore(%run_scoped3A : memref<!tpu.dma_semaphore, #tpu.memory_space<semaphore_mem>>) src(%dma_wait3A_67 : memref<128x128xf32, #tpu.memory_space<hbm>>) dst(%arg7 : memref<128x128xf32, #tpu.memory_space<vmem>>)
        tpu.yield
      }) : () -> ()
      %dma_start3A = arith.constant 0 : i32
      %dma_start3A_40 = tpu.memref_slice %arg9[%scan3A_36, %dma_start3A] : memref<40x128xi32, #tpu.memory_space<vmem>> -> memref<1x128xi32, #tpu.memory_space<vmem>>
      %dma_start3A_41 = tpu.memref_squeeze %dma_start3A_40 : memref<1x128xi32, #tpu.memory_space<vmem>> -> memref<128xi32, #tpu.memory_space<vmem>>
      %dma_start3A_42 = arith.constant 0 : i32
      %dma_start3A_43 = arith.constant 0 : i32
      %dma_start3A_44 = tpu.memref_slice %arg5[%dma_start3A_42, %dma_start3A_43] : memref<10008x128xf32, #tpu.memory_space<hbm>> -> memref<10008x128xf32, #tpu.memory_space<hbm>>
      tpu.enqueue_indirect_dma source(%dma_start3A_44 : memref<10008x128xf32, #tpu.memory_space<hbm>>) target(%arg8 : memref<128x128xf32, #tpu.memory_space<vmem>>) offsets(%dma_start3A_41 : memref<128xi32, #tpu.memory_space<vmem>>) semaphore(%arg12 : memref<!tpu.dma_semaphore, #tpu.memory_space<semaphore_mem>>)
      %dma_wait3A = arith.constant 0 : i32
      %dma_wait3A_45 = tpu.memref_slice %arg9[%scan3A_36, %dma_wait3A] : memref<40x128xi32, #tpu.memory_space<vmem>> -> memref<1x128xi32, #tpu.memory_space<vmem>>
      %dma_wait3A_46 = tpu.memref_squeeze %dma_wait3A_45 : memref<1x128xi32, #tpu.memory_space<vmem>> -> memref<128xi32, #tpu.memory_space<vmem>>
      %dma_wait3A_47 = arith.constant 0 : i32
      %dma_wait3A_48 = arith.constant 0 : i32
      %dma_wait3A_49 = tpu.memref_slice %arg5[%dma_wait3A_47, %dma_wait3A_48] : memref<10008x128xf32, #tpu.memory_space<hbm>> -> memref<10008x128xf32, #tpu.memory_space<hbm>>
      tpu.wait_indirect_dma semaphore(%arg12 : memref<!tpu.dma_semaphore, #tpu.memory_space<semaphore_mem>>) src(%dma_wait3A_49 : memref<10008x128xf32, #tpu.memory_space<hbm>>) dst(%arg8 : memref<128x128xf32, #tpu.memory_space<vmem>>)
      %scan3A_50 = arith.constant 0 : i32
      %scan3A_51 = arith.constant 0 : i32
      %scan3A_52 = arith.constant 128 : i32
      %scan3A_53 = arith.addi %scan3A_51, %scan3A_52 : i32
      %scan3A_54 = arith.constant 1 : i32
      scf.for %scan3A_56 = %scan3A_51 to %scan3A_53 step %scan3A_54  : i32 {
        %get3A = arith.index_cast %scan3A_56 : i32 to index
        %get3A_57 = arith.constant 0 : index
        %get3A_58 = tpu.vector_load %arg8[%get3A, %get3A_57] {strides = array<i32>} : memref<128x128xf32, #tpu.memory_space<vmem>>, vector<1x16xf32>,
        %get3A_59 = vector.shape_cast %get3A_58 : vector<1x16xf32> to vector<16xf32>
        %get3A_60 = arith.index_cast %scan3A_56 : i32 to index
        %get3A_61 = arith.constant 0 : index
        %get3A_62 = tpu.vector_load %arg7[%get3A_60, %get3A_61] {strides = array<i32>} : memref<128x128xf32, #tpu.memory_space<vmem>>, vector<1x16xf32>,
        %get3A_63 = vector.shape_cast %get3A_62 : vector<1x16xf32> to vector<16xf32>
        %add3A_64 = arith.addf %get3A_59, %get3A_63 : vector<16xf32>
        %max3A = arith.constant 0.000000e+00 : f32
        %max3A_65 = vector.broadcast %max3A : f32 to vector<16xf32>
        %max3A_66 = arith.maximumf %add3A_64, %max3A_65 : vector<16xf32>
        %swap3A = arith.index_cast %scan3A_56 : i32 to index
        %swap3A_67 = arith.constant 0 : index
        %swap3A_68 = tpu.vector_load %arg8[%swap3A, %swap3A_67] {strides = array<i32>} : memref<128x128xf32, #tpu.memory_space<vmem>>, vector<1x16xf32>,
        %swap3A_69 = vector.shape_cast %swap3A_68 : vector<1x16xf32> to vector<16xf32>
        %swap3A_70 = vector.shape_cast %max3A_66 : vector<16xf32> to vector<1x16xf32>
        tpu.vector_store %arg8[%swap3A, %swap3A_67], %swap3A_70 {strides = array<i32>} : memref<128x128xf32, #tpu.memory_space<vmem>>, vector<1x16xf32>,
        %get3A_71 = arith.index_cast %scan3A_56 : i32 to index
        %get3A_72 = arith.constant 16 : index
        %get3A_73 = tpu.vector_load %arg8[%get3A_71, %get3A_72] {strides = array<i32>} : memref<128x128xf32, #tpu.memory_space<vmem>>, vector<1x16xf32>,
        %get3A_74 = vector.shape_cast %get3A_73 : vector<1x16xf32> to vector<16xf32>
        %get3A_75 = arith.index_cast %scan3A_56 : i32 to index
        %get3A_76 = arith.constant 16 : index
        %get3A_77 = tpu.vector_load %arg7[%get3A_75, %get3A_76] {strides = array<i32>} : memref<128x128xf32, #tpu.memory_space<vmem>>, vector<1x16xf32>,
        %get3A_78 = vector.shape_cast %get3A_77 : vector<1x16xf32> to vector<16xf32>
        %add3A_79 = arith.addf %get3A_74, %get3A_78 : vector<16xf32>
        %max3A_80 = arith.constant 0.000000e+00 : f32
        %max3A_81 = vector.broadcast %max3A_80 : f32 to vector<16xf32>
        %max3A_82 = arith.maximumf %add3A_79, %max3A_81 : vector<16xf32>
        %swap3A_83 = arith.index_cast %scan3A_56 : i32 to index
        %swap3A_84 = arith.constant 16 : index
        %swap3A_85 = tpu.vector_load %arg8[%swap3A_83, %swap3A_84] {strides = array<i32>} : memref<128x128xf32, #tpu.memory_space<vmem>>, vector<1x16xf32>,
        %swap3A_86 = vector.shape_cast %swap3A_85 : vector<1x16xf32> to vector<16xf32>
        %swap3A_87 = vector.shape_cast %max3A_82 : vector<16xf32> to vector<1x16xf32>
        tpu.vector_store %arg8[%swap3A_83, %swap3A_84], %swap3A_87 {strides = array<i32>} : memref<128x128xf32, #tpu.memory_space<vmem>>, vector<1x16xf32>,
        %get3A_88 = arith.index_cast %scan3A_56 : i32 to index
        %get3A_89 = arith.constant 32 : index
        %get3A_90 = tpu.vector_load %arg8[%get3A_88, %get3A_89] {strides = array<i32>} : memref<128x128xf32, #tpu.memory_space<vmem>>, vector<1x16xf32>,
        %get3A_91 = vector.shape_cast %get3A_90 : vector<1x16xf32> to vector<16xf32>
        %get3A_92 = arith.index_cast %scan3A_56 : i32 to index
        %get3A_93 = arith.constant 32 : index
        %get3A_94 = tpu.vector_load %arg7[%get3A_92, %get3A_93] {strides = array<i32>} : memref<128x128xf32, #tpu.memory_space<vmem>>, vector<1x16xf32>,
        %get3A_95 = vector.shape_cast %get3A_94 : vector<1x16xf32> to vector<16xf32>
        %add3A_96 = arith.addf %get3A_91, %get3A_95 : vector<16xf32>
        %max3A_97 = arith.constant 0.000000e+00 : f32
        %max3A_98 = vector.broadcast %max3A_97 : f32 to vector<16xf32>
        %max3A_99 = arith.maximumf %add3A_96, %max3A_98 : vector<16xf32>
        %swap3A_100 = arith.index_cast %scan3A_56 : i32 to index
        %swap3A_101 = arith.constant 32 : index
        %swap3A_102 = tpu.vector_load %arg8[%swap3A_100, %swap3A_101] {strides = array<i32>} : memref<128x128xf32, #tpu.memory_space<vmem>>, vector<1x16xf32>,
        %swap3A_103 = vector.shape_cast %swap3A_102 : vector<1x16xf32> to vector<16xf32>
        %swap3A_104 = vector.shape_cast %max3A_99 : vector<16xf32> to vector<1x16xf32>
        tpu.vector_store %arg8[%swap3A_100, %swap3A_101], %swap3A_104 {strides = array<i32>} : memref<128x128xf32, #tpu.memory_space<vmem>>, vector<1x16xf32>,
        %get3A_105 = arith.index_cast %scan3A_56 : i32 to index
        %get3A_106 = arith.constant 48 : index
        %get3A_107 = tpu.vector_load %arg8[%get3A_105, %get3A_106] {strides = array<i32>} : memref<128x128xf32, #tpu.memory_space<vmem>>, vector<1x16xf32>,
        %get3A_108 = vector.shape_cast %get3A_107 : vector<1x16xf32> to vector<16xf32>
        %get3A_109 = arith.index_cast %scan3A_56 : i32 to index
        %get3A_110 = arith.constant 48 : index
        %get3A_111 = tpu.vector_load %arg7[%get3A_109, %get3A_110] {strides = array<i32>} : memref<128x128xf32, #tpu.memory_space<vmem>>, vector<1x16xf32>,
        %get3A_112 = vector.shape_cast %get3A_111 : vector<1x16xf32> to vector<16xf32>
        %add3A_113 = arith.addf %get3A_108, %get3A_112 : vector<16xf32>
        %max3A_114 = arith.constant 0.000000e+00 : f32
        %max3A_115 = vector.broadcast %max3A_114 : f32 to vector<16xf32>
        %max3A_116 = arith.maximumf %add3A_113, %max3A_115 : vector<16xf32>
        %swap3A_117 = arith.index_cast %scan3A_56 : i32 to index
        %swap3A_118 = arith.constant 48 : index
        %swap3A_119 = tpu.vector_load %arg8[%swap3A_117, %swap3A_118] {strides = array<i32>} : memref<128x128xf32, #tpu.memory_space<vmem>>, vector<1x16xf32>,
        %swap3A_120 = vector.shape_cast %swap3A_119 : vector<1x16xf32> to vector<16xf32>
        %swap3A_121 = vector.shape_cast %max3A_116 : vector<16xf32> to vector<1x16xf32>
        tpu.vector_store %arg8[%swap3A_117, %swap3A_118], %swap3A_121 {strides = array<i32>} : memref<128x128xf32, #tpu.memory_space<vmem>>, vector<1x16xf32>,
        %get3A_122 = arith.index_cast %scan3A_56 : i32 to index
        %get3A_123 = arith.constant 64 : index
        %get3A_124 = tpu.vector_load %arg8[%get3A_122, %get3A_123] {strides = array<i32>} : memref<128x128xf32, #tpu.memory_space<vmem>>, vector<1x16xf32>,
        %get3A_125 = vector.shape_cast %get3A_124 : vector<1x16xf32> to vector<16xf32>
        %get3A_126 = arith.index_cast %scan3A_56 : i32 to index
        %get3A_127 = arith.constant 64 : index
        %get3A_128 = tpu.vector_load %arg7[%get3A_126, %get3A_127] {strides = array<i32>} : memref<128x128xf32, #tpu.memory_space<vmem>>, vector<1x16xf32>,
        %get3A_129 = vector.shape_cast %get3A_128 : vector<1x16xf32> to vector<16xf32>
        %add3A_130 = arith.addf %get3A_125, %get3A_129 : vector<16xf32>
        %max3A_131 = arith.constant 0.000000e+00 : f32
        %max3A_132 = vector.broadcast %max3A_131 : f32 to vector<16xf32>
        %max3A_133 = arith.maximumf %add3A_130, %max3A_132 : vector<16xf32>
        %swap3A_134 = arith.index_cast %scan3A_56 : i32 to index
        %swap3A_135 = arith.constant 64 : index
        %swap3A_136 = tpu.vector_load %arg8[%swap3A_134, %swap3A_135] {strides = array<i32>} : memref<128x128xf32, #tpu.memory_space<vmem>>, vector<1x16xf32>,
        %swap3A_137 = vector.shape_cast %swap3A_136 : vector<1x16xf32> to vector<16xf32>
        %swap3A_138 = vector.shape_cast %max3A_133 : vector<16xf32> to vector<1x16xf32>
        tpu.vector_store %arg8[%swap3A_134, %swap3A_135], %swap3A_138 {strides = array<i32>} : memref<128x128xf32, #tpu.memory_space<vmem>>, vector<1x16xf32>,
        %get3A_139 = arith.index_cast %scan3A_56 : i32 to index
        %get3A_140 = arith.constant 80 : index
        %get3A_141 = tpu.vector_load %arg8[%get3A_139, %get3A_140] {strides = array<i32>} : memref<128x128xf32, #tpu.memory_space<vmem>>, vector<1x16xf32>,
        %get3A_142 = vector.shape_cast %get3A_141 : vector<1x16xf32> to vector<16xf32>
        %get3A_143 = arith.index_cast %scan3A_56 : i32 to index
        %get3A_144 = arith.constant 80 : index
        %get3A_145 = tpu.vector_load %arg7[%get3A_143, %get3A_144] {strides = array<i32>} : memref<128x128xf32, #tpu.memory_space<vmem>>, vector<1x16xf32>,
        %get3A_146 = vector.shape_cast %get3A_145 : vector<1x16xf32> to vector<16xf32>
        %add3A_147 = arith.addf %get3A_142, %get3A_146 : vector<16xf32>
        %max3A_148 = arith.constant 0.000000e+00 : f32
        %max3A_149 = vector.broadcast %max3A_148 : f32 to vector<16xf32>
        %max3A_150 = arith.maximumf %add3A_147, %max3A_149 : vector<16xf32>
        %swap3A_151 = arith.index_cast %scan3A_56 : i32 to index
        %swap3A_152 = arith.constant 80 : index
        %swap3A_153 = tpu.vector_load %arg8[%swap3A_151, %swap3A_152] {strides = array<i32>} : memref<128x128xf32, #tpu.memory_space<vmem>>, vector<1x16xf32>,
        %swap3A_154 = vector.shape_cast %swap3A_153 : vector<1x16xf32> to vector<16xf32>
        %swap3A_155 = vector.shape_cast %max3A_150 : vector<16xf32> to vector<1x16xf32>
        tpu.vector_store %arg8[%swap3A_151, %swap3A_152], %swap3A_155 {strides = array<i32>} : memref<128x128xf32, #tpu.memory_space<vmem>>, vector<1x16xf32>,
        %get3A_156 = arith.index_cast %scan3A_56 : i32 to index
        %get3A_157 = arith.constant 96 : index
        %get3A_158 = tpu.vector_load %arg8[%get3A_156, %get3A_157] {strides = array<i32>} : memref<128x128xf32, #tpu.memory_space<vmem>>, vector<1x16xf32>,
        %get3A_159 = vector.shape_cast %get3A_158 : vector<1x16xf32> to vector<16xf32>
        %get3A_160 = arith.index_cast %scan3A_56 : i32 to index
        %get3A_161 = arith.constant 96 : index
        %get3A_162 = tpu.vector_load %arg7[%get3A_160, %get3A_161] {strides = array<i32>} : memref<128x128xf32, #tpu.memory_space<vmem>>, vector<1x16xf32>,
        %get3A_163 = vector.shape_cast %get3A_162 : vector<1x16xf32> to vector<16xf32>
        %add3A_164 = arith.addf %get3A_159, %get3A_163 : vector<16xf32>
        %max3A_165 = arith.constant 0.000000e+00 : f32
        %max3A_166 = vector.broadcast %max3A_165 : f32 to vector<16xf32>
        %max3A_167 = arith.maximumf %add3A_164, %max3A_166 : vector<16xf32>
        %swap3A_168 = arith.index_cast %scan3A_56 : i32 to index
        %swap3A_169 = arith.constant 96 : index
        %swap3A_170 = tpu.vector_load %arg8[%swap3A_168, %swap3A_169] {strides = array<i32>} : memref<128x128xf32, #tpu.memory_space<vmem>>, vector<1x16xf32>,
        %swap3A_171 = vector.shape_cast %swap3A_170 : vector<1x16xf32> to vector<16xf32>
        %swap3A_172 = vector.shape_cast %max3A_167 : vector<16xf32> to vector<1x16xf32>
        tpu.vector_store %arg8[%swap3A_168, %swap3A_169], %swap3A_172 {strides = array<i32>} : memref<128x128xf32, #tpu.memory_space<vmem>>, vector<1x16xf32>,
        %get3A_173 = arith.index_cast %scan3A_56 : i32 to index
        %get3A_174 = arith.constant 112 : index
        %get3A_175 = tpu.vector_load %arg8[%get3A_173, %get3A_174] {strides = array<i32>} : memref<128x128xf32, #tpu.memory_space<vmem>>, vector<1x16xf32>,
        %get3A_176 = vector.shape_cast %get3A_175 : vector<1x16xf32> to vector<16xf32>
        %get3A_177 = arith.index_cast %scan3A_56 : i32 to index
        %get3A_178 = arith.constant 112 : index
        %get3A_179 = tpu.vector_load %arg7[%get3A_177, %get3A_178] {strides = array<i32>} : memref<128x128xf32, #tpu.memory_space<vmem>>, vector<1x16xf32>,
        %get3A_180 = vector.shape_cast %get3A_179 : vector<1x16xf32> to vector<16xf32>
        %add3A_181 = arith.addf %get3A_176, %get3A_180 : vector<16xf32>
        %max3A_182 = arith.constant 0.000000e+00 : f32
        %max3A_183 = vector.broadcast %max3A_182 : f32 to vector<16xf32>
        %max3A_184 = arith.maximumf %add3A_181, %max3A_183 : vector<16xf32>
        %swap3A_185 = arith.index_cast %scan3A_56 : i32 to index
        %swap3A_186 = arith.constant 112 : index
        %swap3A_187 = tpu.vector_load %arg8[%swap3A_185, %swap3A_186] {strides = array<i32>} : memref<128x128xf32, #tpu.memory_space<vmem>>, vector<1x16xf32>,
        %swap3A_188 = vector.shape_cast %swap3A_187 : vector<1x16xf32> to vector<16xf32>
        %swap3A_189 = vector.shape_cast %max3A_184 : vector<16xf32> to vector<1x16xf32>
        tpu.vector_store %arg8[%swap3A_185, %swap3A_186], %swap3A_189 {strides = array<i32>} : memref<128x128xf32, #tpu.memory_space<vmem>>, vector<1x16xf32>,
      }
      %scan3A_55 = arith.constant 128 : i32
      "tpu.region"() ({
        %run_scoped3A = tpu.sem_alloc : memref<!tpu.dma_semaphore, #tpu.memory_space<semaphore_mem>>
        %dma_start3A_56 = arith.constant 0 : i32
        %dma_start3A_57 = tpu.memref_slice %arg10[%scan3A_36, %dma_start3A_56] : memref<40x128xi32, #tpu.memory_space<vmem>> -> memref<1x128xi32, #tpu.memory_space<vmem>>
        %dma_start3A_58 = tpu.memref_squeeze %dma_start3A_57 : memref<1x128xi32, #tpu.memory_space<vmem>> -> memref<128xi32, #tpu.memory_space<vmem>>
        %dma_start3A_59 = arith.constant 0 : i32
        %dma_start3A_60 = arith.constant 0 : i32
        %dma_start3A_61 = tpu.memref_slice %arg11[%dma_start3A_59, %dma_start3A_60] : memref<10000x128xf32, #tpu.memory_space<vmem_shared>> -> memref<10000x128xf32, #tpu.memory_space<vmem_shared>>
        tpu.enqueue_indirect_dma source(%arg8 : memref<128x128xf32, #tpu.memory_space<vmem>>) target(%dma_start3A_61 : memref<10000x128xf32, #tpu.memory_space<vmem_shared>>) offsets(%dma_start3A_58 : memref<128xi32, #tpu.memory_space<vmem>>) semaphore(%run_scoped3A : memref<!tpu.dma_semaphore, #tpu.memory_space<semaphore_mem>>) {add = true}
        %dma_wait3A_62 = arith.constant 0 : i32
        %dma_wait3A_63 = tpu.memref_slice %arg10[%scan3A_36, %dma_wait3A_62] : memref<40x128xi32, #tpu.memory_space<vmem>> -> memref<1x128xi32, #tpu.memory_space<vmem>>
        %dma_wait3A_64 = tpu.memref_squeeze %dma_wait3A_63 : memref<1x128xi32, #tpu.memory_space<vmem>> -> memref<128xi32, #tpu.memory_space<vmem>>
        %dma_wait3A_65 = arith.constant 0 : i32
        %dma_wait3A_66 = arith.constant 0 : i32
        %dma_wait3A_67 = tpu.memref_slice %arg11[%dma_wait3A_65, %dma_wait3A_66] : memref<10000x128xf32, #tpu.memory_space<vmem_shared>> -> memref<10000x128xf32, #tpu.memory_space<vmem_shared>>
        tpu.wait_indirect_dma semaphore(%run_scoped3A : memref<!tpu.dma_semaphore, #tpu.memory_space<semaphore_mem>>) src(%arg8 : memref<128x128xf32, #tpu.memory_space<vmem>>) dst(%dma_wait3A_67 : memref<10000x128xf32, #tpu.memory_space<vmem_shared>>)
        tpu.yield
      }) : () -> ()
    }
    %scan3A_24 = arith.constant 40 : i32
    %barrier3A_25 = arith.constant 0 : index
    tpu.barrier barrier_id(%barrier3A_25)
    %lt3A_26 = arith.constant 15 : i32
    %lt3A_27 = arith.cmpi slt, %arg1, %lt3A_26 : i32
    %convert_element_type3A_28 = arith.extui %lt3A_27 : i1 to i32
    %cond3A_29 = arith.constant 0 : i32
    %cond3A_30 = arith.cmpi ne, %convert_element_type3A_28, %cond3A_29 : i32
    scf.if %cond3A_30 {
      "tpu.region"() ({
        %run_scoped3A = tpu.sem_alloc : memref<!tpu.dma_semaphore, #tpu.memory_space<semaphore_mem>>
        %dma_start3A = arith.constant 0 : i32
        %dma_start3A_36 = tpu.memref_slice %arg6[%arg0, %mul3A_6, %dma_start3A] : memref<2x10000x128xf32, #tpu.memory_space<hbm>> -> memref<1x624x128xf32, #tpu.memory_space<hbm>>
        %dma_start3A_37 = tpu.memref_squeeze %dma_start3A_36 : memref<1x624x128xf32, #tpu.memory_space<hbm>> -> memref<624x128xf32, #tpu.memory_space<hbm>>
        %dma_start3A_38 = arith.constant 0 : i32
        %dma_start3A_39 = tpu.memref_slice %arg11[%mul3A_6, %dma_start3A_38] : memref<10000x128xf32, #tpu.memory_space<vmem_shared>> -> memref<624x128xf32, #tpu.memory_space<vmem_shared>>
        tpu.enqueue_dma source(%dma_start3A_39 : memref<624x128xf32, #tpu.memory_space<vmem_shared>>) target(%dma_start3A_37 : memref<624x128xf32, #tpu.memory_space<hbm>>) target_semaphore(%run_scoped3A : memref<!tpu.dma_semaphore, #tpu.memory_space<semaphore_mem>>)
        %dma_wait3A = arith.constant 0 : i32
        %dma_wait3A_40 = tpu.memref_slice %arg6[%arg0, %mul3A_6, %dma_wait3A] : memref<2x10000x128xf32, #tpu.memory_space<hbm>> -> memref<1x624x128xf32, #tpu.memory_space<hbm>>
        %dma_wait3A_41 = tpu.memref_squeeze %dma_wait3A_40 : memref<1x624x128xf32, #tpu.memory_space<hbm>> -> memref<624x128xf32, #tpu.memory_space<hbm>>
        %dma_wait3A_42 = arith.constant 0 : i32
        %dma_wait3A_43 = tpu.memref_slice %arg11[%mul3A_6, %dma_wait3A_42] : memref<10000x128xf32, #tpu.memory_space<vmem_shared>> -> memref<624x128xf32, #tpu.memory_space<vmem_shared>>
        tpu.wait_dma2 semaphore(%run_scoped3A : memref<!tpu.dma_semaphore, #tpu.memory_space<semaphore_mem>>) src(%dma_wait3A_43 : memref<624x128xf32, #tpu.memory_space<vmem_shared>>) dst(%dma_wait3A_41 : memref<624x128xf32, #tpu.memory_space<hbm>>)
        tpu.yield
      }) : () -> ()
    } else {
    }
    %eq3A_31 = arith.constant 15 : i32
    %eq3A_32 = arith.cmpi eq, %arg1, %eq3A_31 : i32
    %convert_element_type3A_33 = arith.extui %eq3A_32 : i1 to i32
    %cond3A_34 = arith.constant 0 : i32
    %cond3A_35 = arith.cmpi ne, %convert_element_type3A_33, %cond3A_34 : i32
    scf.if %cond3A_35 {
      "tpu.region"() ({
        %run_scoped3A = tpu.sem_alloc : memref<!tpu.dma_semaphore, #tpu.memory_space<semaphore_mem>>
        %dma_start3A = arith.constant 0 : i32
        %dma_start3A_36 = tpu.memref_slice %arg6[%arg0, %mul3A_6, %dma_start3A] : memref<2x10000x128xf32, #tpu.memory_space<hbm>> -> memref<1x640x128xf32, #tpu.memory_space<hbm>>
        %dma_start3A_37 = tpu.memref_squeeze %dma_start3A_36 : memref<1x640x128xf32, #tpu.memory_space<hbm>> -> memref<640x128xf32, #tpu.memory_space<hbm>>
        %dma_start3A_38 = arith.constant 0 : i32
        %dma_start3A_39 = tpu.memref_slice %arg11[%mul3A_6, %dma_start3A_38] : memref<10000x128xf32, #tpu.memory_space<vmem_shared>> -> memref<640x128xf32, #tpu.memory_space<vmem_shared>>
        tpu.enqueue_dma source(%dma_start3A_39 : memref<640x128xf32, #tpu.memory_space<vmem_shared>>) target(%dma_start3A_37 : memref<640x128xf32, #tpu.memory_space<hbm>>) target_semaphore(%run_scoped3A : memref<!tpu.dma_semaphore, #tpu.memory_space<semaphore_mem>>)
        %dma_wait3A = arith.constant 0 : i32
        %dma_wait3A_40 = tpu.memref_slice %arg6[%arg0, %mul3A_6, %dma_wait3A] : memref<2x10000x128xf32, #tpu.memory_space<hbm>> -> memref<1x640x128xf32, #tpu.memory_space<hbm>>
        %dma_wait3A_41 = tpu.memref_squeeze %dma_wait3A_40 : memref<1x640x128xf32, #tpu.memory_space<hbm>> -> memref<640x128xf32, #tpu.memory_space<hbm>>
        %dma_wait3A_42 = arith.constant 0 : i32
        %dma_wait3A_43 = tpu.memref_slice %arg11[%mul3A_6, %dma_wait3A_42] : memref<10000x128xf32, #tpu.memory_space<vmem_shared>> -> memref<640x128xf32, #tpu.memory_space<vmem_shared>>
        tpu.wait_dma2 semaphore(%run_scoped3A : memref<!tpu.dma_semaphore, #tpu.memory_space<semaphore_mem>>) src(%dma_wait3A_43 : memref<640x128xf32, #tpu.memory_space<vmem_shared>>) dst(%dma_wait3A_41 : memref<640x128xf32, #tpu.memory_space<hbm>>)
        tpu.yield
      }) : () -> ()
    } else {
    }
    return
  }
}

module attributes {stable_mosaic.version = 14 : i64} {
  func.func @_ea_stats_body(%arg0: i32, %arg1: memref<2048x16xf32, #tpu.memory_space<vmem>>, %arg2: memref<4x16x128xf32, #tpu.memory_space<vmem>>, %arg3: memref<4x1x128xf32, #tpu.memory_space<vmem>>, %arg4: memref<4x1x128xf32, #tpu.memory_space<vmem>>, %arg5: memref<4x1x128xf32, #tpu.memory_space<vmem>>, %arg6: memref<4x1x128xf32, #tpu.memory_space<vmem>>) attributes {dimension_semantics = [#tpu.dimension_semantics<arbitrary>], iteration_bounds = array<i64: 160>, scalar_prefetch = 0 : i64, scratch_operands = 2 : i64, tpu.core_type = #tpu.core_type<tc>, window_params = [{transform_indices = @transform_0, window_bounds = array<i64: 2048, 16>}, {pipeline_mode = #tpu.pipeline_mode<synchronous>, transform_indices = @transform_1, window_bounds = array<i64: 4, 16, 128>}, {pipeline_mode = #tpu.pipeline_mode<synchronous>, transform_indices = @transform_2, window_bounds = array<i64: 4, 1, 128>}, {pipeline_mode = #tpu.pipeline_mode<synchronous>, transform_indices = @transform_3, window_bounds = array<i64: 4, 1, 128>}]} {
    %eq3A = arith.constant 0 : i32
    %eq3A_0 = arith.cmpi eq, %arg0, %eq3A : i32
    %convert_element_type3A = arith.extui %eq3A_0 : i1 to i32
    %cond3A = arith.constant 0 : i32
    %cond3A_1 = arith.cmpi ne, %convert_element_type3A, %cond3A : i32
    scf.if %cond3A_1 {
      %broadcast_in_dim3A_163 = arith.constant 0.000000e+00 : f32
      %broadcast_in_dim3A_164 = vector.broadcast %broadcast_in_dim3A_163 : f32 to vector<4x1x128xf32>
      %swap3A_165 = arith.constant 0 : index
      %swap3A_166 = arith.constant 0 : index
      %swap3A_167 = arith.constant 0 : index
      %swap3A_168 = vector.load %arg5[%swap3A_165, %swap3A_166, %swap3A_167] : memref<4x1x128xf32, #tpu.memory_space<vmem>>, vector<4x1x128xf32>
      tpu.vector_store %arg5[%swap3A_165, %swap3A_166, %swap3A_167], %broadcast_in_dim3A_164 {strides = array<i32>} : memref<4x1x128xf32, #tpu.memory_space<vmem>>, vector<4x1x128xf32>,
      %broadcast_in_dim3A_169 = arith.constant 0.000000e+00 : f32
      %broadcast_in_dim3A_170 = vector.broadcast %broadcast_in_dim3A_169 : f32 to vector<4x1x128xf32>
      %swap3A_171 = arith.constant 0 : index
      %swap3A_172 = arith.constant 0 : index
      %swap3A_173 = arith.constant 0 : index
      %swap3A_174 = vector.load %arg6[%swap3A_171, %swap3A_172, %swap3A_173] : memref<4x1x128xf32, #tpu.memory_space<vmem>>, vector<4x1x128xf32>
      tpu.vector_store %arg6[%swap3A_171, %swap3A_172, %swap3A_173], %broadcast_in_dim3A_170 {strides = array<i32>} : memref<4x1x128xf32, #tpu.memory_space<vmem>>, vector<4x1x128xf32>,
    } else {
    }
    %get3A = arith.constant 0 : index
    %get3A_2 = arith.constant 0 : index
    %get3A_3 = vector.load %arg1[%get3A, %get3A_2] : memref<2048x16xf32, #tpu.memory_space<vmem>>, vector<2048x16xf32>
    %get3A_4 = arith.constant 0 : index
    %get3A_5 = arith.constant 0 : index
    %get3A_6 = arith.constant 0 : index
    %get3A_7 = vector.load %arg2[%get3A_4, %get3A_5, %get3A_6] : memref<4x16x128xf32, #tpu.memory_space<vmem>>, vector<1x16x128xf32>
    %get3A_8 = vector.shape_cast %get3A_7 : vector<1x16x128xf32> to vector<16x128xf32>
    %convert_element_type3A_9 = arith.truncf %get3A_3 : vector<2048x16xf32> to vector<2048x16xbf16>
    %convert_element_type3A_10 = arith.truncf %get3A_8 : vector<16x128xf32> to vector<16x128xbf16>
    %dot_general3A = arith.constant dense<0.000000e+00> : vector<2048x128xf32>
    %dot_general3A_11 = tpu.matmul %convert_element_type3A_9, %convert_element_type3A_10, %dot_general3A {dimension_numbers = #tpu.dot_dimension_numbers<[1], [0], [0], [1], [0, 0, 1, 1], [], []>, transpose_lhs_hint = false} : vector<2048x16xbf16>, vector<16x128xbf16>, vector<2048x128xf32> -> vector<2048x128xf32>
    %get3A_12 = arith.constant 0 : index
    %get3A_13 = arith.constant 0 : index
    %get3A_14 = arith.constant 0 : index
    %get3A_15 = vector.load %arg5[%get3A_12, %get3A_13, %get3A_14] : memref<4x1x128xf32, #tpu.memory_space<vmem>>, vector<1x1x128xf32>
    %get3A_16 = vector.shape_cast %get3A_15 : vector<1x1x128xf32> to vector<1x128xf32>
    %reduce_sum3A = arith.constant dense<0.000000e+00> : vector<128xf32>
    %reduce_sum3A_17 = vector.multi_reduction <add>, %dot_general3A_11, %reduce_sum3A [0] : vector<2048x128xf32> to vector<128xf32>
    %broadcast_in_dim3A = vector.shape_cast %reduce_sum3A_17 : vector<128xf32> to vector<1x128xf32>
    %add3A = arith.addf %get3A_16, %broadcast_in_dim3A : vector<1x128xf32>
    %swap3A = arith.constant 0 : index
    %swap3A_18 = arith.constant 0 : index
    %swap3A_19 = arith.constant 0 : index
    %swap3A_20 = vector.load %arg5[%swap3A, %swap3A_18, %swap3A_19] : memref<4x1x128xf32, #tpu.memory_space<vmem>>, vector<1x1x128xf32>
    %swap3A_21 = vector.shape_cast %swap3A_20 : vector<1x1x128xf32> to vector<1x128xf32>
    %swap3A_22 = vector.shape_cast %add3A : vector<1x128xf32> to vector<1x1x128xf32>
    tpu.vector_store %arg5[%swap3A, %swap3A_18, %swap3A_19], %swap3A_22 {strides = array<i32>} : memref<4x1x128xf32, #tpu.memory_space<vmem>>, vector<1x1x128xf32>,
    %get3A_23 = arith.constant 0 : index
    %get3A_24 = arith.constant 0 : index
    %get3A_25 = arith.constant 0 : index
    %get3A_26 = vector.load %arg6[%get3A_23, %get3A_24, %get3A_25] : memref<4x1x128xf32, #tpu.memory_space<vmem>>, vector<1x1x128xf32>
    %get3A_27 = vector.shape_cast %get3A_26 : vector<1x1x128xf32> to vector<1x128xf32>
    %mul3A = arith.mulf %dot_general3A_11, %dot_general3A_11 : vector<2048x128xf32>
    %reduce_sum3A_28 = arith.constant dense<0.000000e+00> : vector<128xf32>
    %reduce_sum3A_29 = vector.multi_reduction <add>, %mul3A, %reduce_sum3A_28 [0] : vector<2048x128xf32> to vector<128xf32>
    %broadcast_in_dim3A_30 = vector.shape_cast %reduce_sum3A_29 : vector<128xf32> to vector<1x128xf32>
    %add3A_31 = arith.addf %get3A_27, %broadcast_in_dim3A_30 : vector<1x128xf32>
    %swap3A_32 = arith.constant 0 : index
    %swap3A_33 = arith.constant 0 : index
    %swap3A_34 = arith.constant 0 : index
    %swap3A_35 = vector.load %arg6[%swap3A_32, %swap3A_33, %swap3A_34] : memref<4x1x128xf32, #tpu.memory_space<vmem>>, vector<1x1x128xf32>
    %swap3A_36 = vector.shape_cast %swap3A_35 : vector<1x1x128xf32> to vector<1x128xf32>
    %swap3A_37 = vector.shape_cast %add3A_31 : vector<1x128xf32> to vector<1x1x128xf32>
    tpu.vector_store %arg6[%swap3A_32, %swap3A_33, %swap3A_34], %swap3A_37 {strides = array<i32>} : memref<4x1x128xf32, #tpu.memory_space<vmem>>, vector<1x1x128xf32>,
    %get3A_38 = arith.constant 1 : index
    %get3A_39 = arith.constant 0 : index
    %get3A_40 = arith.constant 0 : index
    %get3A_41 = vector.load %arg2[%get3A_38, %get3A_39, %get3A_40] : memref<4x16x128xf32, #tpu.memory_space<vmem>>, vector<1x16x128xf32>
    %get3A_42 = vector.shape_cast %get3A_41 : vector<1x16x128xf32> to vector<16x128xf32>
    %convert_element_type3A_43 = arith.truncf %get3A_3 : vector<2048x16xf32> to vector<2048x16xbf16>
    %convert_element_type3A_44 = arith.truncf %get3A_42 : vector<16x128xf32> to vector<16x128xbf16>
    %dot_general3A_45 = arith.constant dense<0.000000e+00> : vector<2048x128xf32>
    %dot_general3A_46 = tpu.matmul %convert_element_type3A_43, %convert_element_type3A_44, %dot_general3A_45 {dimension_numbers = #tpu.dot_dimension_numbers<[1], [0], [0], [1], [0, 0, 1, 1], [], []>, transpose_lhs_hint = false} : vector<2048x16xbf16>, vector<16x128xbf16>, vector<2048x128xf32> -> vector<2048x128xf32>
    %get3A_47 = arith.constant 1 : index
    %get3A_48 = arith.constant 0 : index
    %get3A_49 = arith.constant 0 : index
    %get3A_50 = vector.load %arg5[%get3A_47, %get3A_48, %get3A_49] : memref<4x1x128xf32, #tpu.memory_space<vmem>>, vector<1x1x128xf32>
    %get3A_51 = vector.shape_cast %get3A_50 : vector<1x1x128xf32> to vector<1x128xf32>
    %reduce_sum3A_52 = arith.constant dense<0.000000e+00> : vector<128xf32>
    %reduce_sum3A_53 = vector.multi_reduction <add>, %dot_general3A_46, %reduce_sum3A_52 [0] : vector<2048x128xf32> to vector<128xf32>
    %broadcast_in_dim3A_54 = vector.shape_cast %reduce_sum3A_53 : vector<128xf32> to vector<1x128xf32>
    %add3A_55 = arith.addf %get3A_51, %broadcast_in_dim3A_54 : vector<1x128xf32>
    %swap3A_56 = arith.constant 1 : index
    %swap3A_57 = arith.constant 0 : index
    %swap3A_58 = arith.constant 0 : index
    %swap3A_59 = vector.load %arg5[%swap3A_56, %swap3A_57, %swap3A_58] : memref<4x1x128xf32, #tpu.memory_space<vmem>>, vector<1x1x128xf32>
    %swap3A_60 = vector.shape_cast %swap3A_59 : vector<1x1x128xf32> to vector<1x128xf32>
    %swap3A_61 = vector.shape_cast %add3A_55 : vector<1x128xf32> to vector<1x1x128xf32>
    tpu.vector_store %arg5[%swap3A_56, %swap3A_57, %swap3A_58], %swap3A_61 {strides = array<i32>} : memref<4x1x128xf32, #tpu.memory_space<vmem>>, vector<1x1x128xf32>,
    %get3A_62 = arith.constant 1 : index
    %get3A_63 = arith.constant 0 : index
    %get3A_64 = arith.constant 0 : index
    %get3A_65 = vector.load %arg6[%get3A_62, %get3A_63, %get3A_64] : memref<4x1x128xf32, #tpu.memory_space<vmem>>, vector<1x1x128xf32>
    %get3A_66 = vector.shape_cast %get3A_65 : vector<1x1x128xf32> to vector<1x128xf32>
    %mul3A_67 = arith.mulf %dot_general3A_46, %dot_general3A_46 : vector<2048x128xf32>
    %reduce_sum3A_68 = arith.constant dense<0.000000e+00> : vector<128xf32>
    %reduce_sum3A_69 = vector.multi_reduction <add>, %mul3A_67, %reduce_sum3A_68 [0] : vector<2048x128xf32> to vector<128xf32>
    %broadcast_in_dim3A_70 = vector.shape_cast %reduce_sum3A_69 : vector<128xf32> to vector<1x128xf32>
    %add3A_71 = arith.addf %get3A_66, %broadcast_in_dim3A_70 : vector<1x128xf32>
    %swap3A_72 = arith.constant 1 : index
    %swap3A_73 = arith.constant 0 : index
    %swap3A_74 = arith.constant 0 : index
    %swap3A_75 = vector.load %arg6[%swap3A_72, %swap3A_73, %swap3A_74] : memref<4x1x128xf32, #tpu.memory_space<vmem>>, vector<1x1x128xf32>
    %swap3A_76 = vector.shape_cast %swap3A_75 : vector<1x1x128xf32> to vector<1x128xf32>
    %swap3A_77 = vector.shape_cast %add3A_71 : vector<1x128xf32> to vector<1x1x128xf32>
    tpu.vector_store %arg6[%swap3A_72, %swap3A_73, %swap3A_74], %swap3A_77 {strides = array<i32>} : memref<4x1x128xf32, #tpu.memory_space<vmem>>, vector<1x1x128xf32>,
    %get3A_78 = arith.constant 2 : index
    %get3A_79 = arith.constant 0 : index
    %get3A_80 = arith.constant 0 : index
    %get3A_81 = vector.load %arg2[%get3A_78, %get3A_79, %get3A_80] : memref<4x16x128xf32, #tpu.memory_space<vmem>>, vector<1x16x128xf32>
    %get3A_82 = vector.shape_cast %get3A_81 : vector<1x16x128xf32> to vector<16x128xf32>
    %convert_element_type3A_83 = arith.truncf %get3A_3 : vector<2048x16xf32> to vector<2048x16xbf16>
    %convert_element_type3A_84 = arith.truncf %get3A_82 : vector<16x128xf32> to vector<16x128xbf16>
    %dot_general3A_85 = arith.constant dense<0.000000e+00> : vector<2048x128xf32>
    %dot_general3A_86 = tpu.matmul %convert_element_type3A_83, %convert_element_type3A_84, %dot_general3A_85 {dimension_numbers = #tpu.dot_dimension_numbers<[1], [0], [0], [1], [0, 0, 1, 1], [], []>, transpose_lhs_hint = false} : vector<2048x16xbf16>, vector<16x128xbf16>, vector<2048x128xf32> -> vector<2048x128xf32>
    %get3A_87 = arith.constant 2 : index
    %get3A_88 = arith.constant 0 : index
    %get3A_89 = arith.constant 0 : index
    %get3A_90 = vector.load %arg5[%get3A_87, %get3A_88, %get3A_89] : memref<4x1x128xf32, #tpu.memory_space<vmem>>, vector<1x1x128xf32>
    %get3A_91 = vector.shape_cast %get3A_90 : vector<1x1x128xf32> to vector<1x128xf32>
    %reduce_sum3A_92 = arith.constant dense<0.000000e+00> : vector<128xf32>
    %reduce_sum3A_93 = vector.multi_reduction <add>, %dot_general3A_86, %reduce_sum3A_92 [0] : vector<2048x128xf32> to vector<128xf32>
    %broadcast_in_dim3A_94 = vector.shape_cast %reduce_sum3A_93 : vector<128xf32> to vector<1x128xf32>
    %add3A_95 = arith.addf %get3A_91, %broadcast_in_dim3A_94 : vector<1x128xf32>
    %swap3A_96 = arith.constant 2 : index
    %swap3A_97 = arith.constant 0 : index
    %swap3A_98 = arith.constant 0 : index
    %swap3A_99 = vector.load %arg5[%swap3A_96, %swap3A_97, %swap3A_98] : memref<4x1x128xf32, #tpu.memory_space<vmem>>, vector<1x1x128xf32>
    %swap3A_100 = vector.shape_cast %swap3A_99 : vector<1x1x128xf32> to vector<1x128xf32>
    %swap3A_101 = vector.shape_cast %add3A_95 : vector<1x128xf32> to vector<1x1x128xf32>
    tpu.vector_store %arg5[%swap3A_96, %swap3A_97, %swap3A_98], %swap3A_101 {strides = array<i32>} : memref<4x1x128xf32, #tpu.memory_space<vmem>>, vector<1x1x128xf32>,
    %get3A_102 = arith.constant 2 : index
    %get3A_103 = arith.constant 0 : index
    %get3A_104 = arith.constant 0 : index
    %get3A_105 = vector.load %arg6[%get3A_102, %get3A_103, %get3A_104] : memref<4x1x128xf32, #tpu.memory_space<vmem>>, vector<1x1x128xf32>
    %get3A_106 = vector.shape_cast %get3A_105 : vector<1x1x128xf32> to vector<1x128xf32>
    %mul3A_107 = arith.mulf %dot_general3A_86, %dot_general3A_86 : vector<2048x128xf32>
    %reduce_sum3A_108 = arith.constant dense<0.000000e+00> : vector<128xf32>
    %reduce_sum3A_109 = vector.multi_reduction <add>, %mul3A_107, %reduce_sum3A_108 [0] : vector<2048x128xf32> to vector<128xf32>
    %broadcast_in_dim3A_110 = vector.shape_cast %reduce_sum3A_109 : vector<128xf32> to vector<1x128xf32>
    %add3A_111 = arith.addf %get3A_106, %broadcast_in_dim3A_110 : vector<1x128xf32>
    %swap3A_112 = arith.constant 2 : index
    %swap3A_113 = arith.constant 0 : index
    %swap3A_114 = arith.constant 0 : index
    %swap3A_115 = vector.load %arg6[%swap3A_112, %swap3A_113, %swap3A_114] : memref<4x1x128xf32, #tpu.memory_space<vmem>>, vector<1x1x128xf32>
    %swap3A_116 = vector.shape_cast %swap3A_115 : vector<1x1x128xf32> to vector<1x128xf32>
    %swap3A_117 = vector.shape_cast %add3A_111 : vector<1x128xf32> to vector<1x1x128xf32>
    tpu.vector_store %arg6[%swap3A_112, %swap3A_113, %swap3A_114], %swap3A_117 {strides = array<i32>} : memref<4x1x128xf32, #tpu.memory_space<vmem>>, vector<1x1x128xf32>,
    %get3A_118 = arith.constant 3 : index
    %get3A_119 = arith.constant 0 : index
    %get3A_120 = arith.constant 0 : index
    %get3A_121 = vector.load %arg2[%get3A_118, %get3A_119, %get3A_120] : memref<4x16x128xf32, #tpu.memory_space<vmem>>, vector<1x16x128xf32>
    %get3A_122 = vector.shape_cast %get3A_121 : vector<1x16x128xf32> to vector<16x128xf32>
    %convert_element_type3A_123 = arith.truncf %get3A_3 : vector<2048x16xf32> to vector<2048x16xbf16>
    %convert_element_type3A_124 = arith.truncf %get3A_122 : vector<16x128xf32> to vector<16x128xbf16>
    %dot_general3A_125 = arith.constant dense<0.000000e+00> : vector<2048x128xf32>
    %dot_general3A_126 = tpu.matmul %convert_element_type3A_123, %convert_element_type3A_124, %dot_general3A_125 {dimension_numbers = #tpu.dot_dimension_numbers<[1], [0], [0], [1], [0, 0, 1, 1], [], []>, transpose_lhs_hint = false} : vector<2048x16xbf16>, vector<16x128xbf16>, vector<2048x128xf32> -> vector<2048x128xf32>
    %get3A_127 = arith.constant 3 : index
    %get3A_128 = arith.constant 0 : index
    %get3A_129 = arith.constant 0 : index
    %get3A_130 = vector.load %arg5[%get3A_127, %get3A_128, %get3A_129] : memref<4x1x128xf32, #tpu.memory_space<vmem>>, vector<1x1x128xf32>
    %get3A_131 = vector.shape_cast %get3A_130 : vector<1x1x128xf32> to vector<1x128xf32>
    %reduce_sum3A_132 = arith.constant dense<0.000000e+00> : vector<128xf32>
    %reduce_sum3A_133 = vector.multi_reduction <add>, %dot_general3A_126, %reduce_sum3A_132 [0] : vector<2048x128xf32> to vector<128xf32>
    %broadcast_in_dim3A_134 = vector.shape_cast %reduce_sum3A_133 : vector<128xf32> to vector<1x128xf32>
    %add3A_135 = arith.addf %get3A_131, %broadcast_in_dim3A_134 : vector<1x128xf32>
    %swap3A_136 = arith.constant 3 : index
    %swap3A_137 = arith.constant 0 : index
    %swap3A_138 = arith.constant 0 : index
    %swap3A_139 = vector.load %arg5[%swap3A_136, %swap3A_137, %swap3A_138] : memref<4x1x128xf32, #tpu.memory_space<vmem>>, vector<1x1x128xf32>
    %swap3A_140 = vector.shape_cast %swap3A_139 : vector<1x1x128xf32> to vector<1x128xf32>
    %swap3A_141 = vector.shape_cast %add3A_135 : vector<1x128xf32> to vector<1x1x128xf32>
    tpu.vector_store %arg5[%swap3A_136, %swap3A_137, %swap3A_138], %swap3A_141 {strides = array<i32>} : memref<4x1x128xf32, #tpu.memory_space<vmem>>, vector<1x1x128xf32>,
    %get3A_142 = arith.constant 3 : index
    %get3A_143 = arith.constant 0 : index
    %get3A_144 = arith.constant 0 : index
    %get3A_145 = vector.load %arg6[%get3A_142, %get3A_143, %get3A_144] : memref<4x1x128xf32, #tpu.memory_space<vmem>>, vector<1x1x128xf32>
    %get3A_146 = vector.shape_cast %get3A_145 : vector<1x1x128xf32> to vector<1x128xf32>
    %mul3A_147 = arith.mulf %dot_general3A_126, %dot_general3A_126 : vector<2048x128xf32>
    %reduce_sum3A_148 = arith.constant dense<0.000000e+00> : vector<128xf32>
    %reduce_sum3A_149 = vector.multi_reduction <add>, %mul3A_147, %reduce_sum3A_148 [0] : vector<2048x128xf32> to vector<128xf32>
    %broadcast_in_dim3A_150 = vector.shape_cast %reduce_sum3A_149 : vector<128xf32> to vector<1x128xf32>
    %add3A_151 = arith.addf %get3A_146, %broadcast_in_dim3A_150 : vector<1x128xf32>
    %swap3A_152 = arith.constant 3 : index
    %swap3A_153 = arith.constant 0 : index
    %swap3A_154 = arith.constant 0 : index
    %swap3A_155 = vector.load %arg6[%swap3A_152, %swap3A_153, %swap3A_154] : memref<4x1x128xf32, #tpu.memory_space<vmem>>, vector<1x1x128xf32>
    %swap3A_156 = vector.shape_cast %swap3A_155 : vector<1x1x128xf32> to vector<1x128xf32>
    %swap3A_157 = vector.shape_cast %add3A_151 : vector<1x128xf32> to vector<1x1x128xf32>
    tpu.vector_store %arg6[%swap3A_152, %swap3A_153, %swap3A_154], %swap3A_157 {strides = array<i32>} : memref<4x1x128xf32, #tpu.memory_space<vmem>>, vector<1x1x128xf32>,
    %eq3A_158 = arith.constant 159 : i32
    %eq3A_159 = arith.cmpi eq, %arg0, %eq3A_158 : i32
    %convert_element_type3A_160 = arith.extui %eq3A_159 : i1 to i32
    %cond3A_161 = arith.constant 0 : i32
    %cond3A_162 = arith.cmpi ne, %convert_element_type3A_160, %cond3A_161 : i32
    scf.if %cond3A_162 {
      %get3A_163 = arith.constant 0 : index
      %get3A_164 = arith.constant 0 : index
      %get3A_165 = arith.constant 0 : index
      %get3A_166 = vector.load %arg5[%get3A_163, %get3A_164, %get3A_165] : memref<4x1x128xf32, #tpu.memory_space<vmem>>, vector<4x1x128xf32>
      %swap3A_167 = arith.constant 0 : index
      %swap3A_168 = arith.constant 0 : index
      %swap3A_169 = arith.constant 0 : index
      %swap3A_170 = vector.load %arg3[%swap3A_167, %swap3A_168, %swap3A_169] : memref<4x1x128xf32, #tpu.memory_space<vmem>>, vector<4x1x128xf32>
      tpu.vector_store %arg3[%swap3A_167, %swap3A_168, %swap3A_169], %get3A_166 {strides = array<i32>} : memref<4x1x128xf32, #tpu.memory_space<vmem>>, vector<4x1x128xf32>,
      %get3A_171 = arith.constant 0 : index
      %get3A_172 = arith.constant 0 : index
      %get3A_173 = arith.constant 0 : index
      %get3A_174 = vector.load %arg6[%get3A_171, %get3A_172, %get3A_173] : memref<4x1x128xf32, #tpu.memory_space<vmem>>, vector<4x1x128xf32>
      %swap3A_175 = arith.constant 0 : index
      %swap3A_176 = arith.constant 0 : index
      %swap3A_177 = arith.constant 0 : index
      %swap3A_178 = vector.load %arg4[%swap3A_175, %swap3A_176, %swap3A_177] : memref<4x1x128xf32, #tpu.memory_space<vmem>>, vector<4x1x128xf32>
      tpu.vector_store %arg4[%swap3A_175, %swap3A_176, %swap3A_177], %get3A_174 {strides = array<i32>} : memref<4x1x128xf32, #tpu.memory_space<vmem>>, vector<4x1x128xf32>,
    } else {
    }
    return
  }
  func.func @transform_0(%arg0: i32) -> (i32, i32) {
    %c0_i32 = arith.constant 0 : i32
    %c0_i32_0 = arith.constant 0 : i32
    return %arg0, %c0_i32 : i32, i32
  }
  func.func @transform_1(%arg0: i32) -> (i32, i32, i32) {
    %c0_i32 = arith.constant 0 : i32
    %c0_i32_0 = arith.constant 0 : i32
    %c0_i32_1 = arith.constant 0 : i32
    %c0_i32_2 = arith.constant 0 : i32
    return %c0_i32, %c0_i32_0, %c0_i32_1 : i32, i32, i32
  }
  func.func @transform_2(%arg0: i32) -> (i32, i32, i32) {
    %c0_i32 = arith.constant 0 : i32
    %c0_i32_0 = arith.constant 0 : i32
    %c0_i32_1 = arith.constant 0 : i32
    %c0_i32_2 = arith.constant 0 : i32
    return %c0_i32, %c0_i32_0, %c0_i32_1 : i32, i32, i32
  }
  func.func @transform_3(%arg0: i32) -> (i32, i32, i32) {
    %c0_i32 = arith.constant 0 : i32
    %c0_i32_0 = arith.constant 0 : i32
    %c0_i32_1 = arith.constant 0 : i32
    %c0_i32_2 = arith.constant 0 : i32
    return %c0_i32, %c0_i32_0, %c0_i32_1 : i32, i32, i32
  }
}

module attributes {stable_mosaic.version = 14 : i64} {
  func.func @_ea_body(%arg0: i32, %arg1: memref<2048x16xf32, #tpu.memory_space<vmem>>, %arg2: memref<4x16x128xf32, #tpu.memory_space<vmem>>, %arg3: memref<4x1x128xf32, #tpu.memory_space<vmem>>, %arg4: memref<4x1x128xf32, #tpu.memory_space<vmem>>, %arg5: memref<4x1x128xf32, #tpu.memory_space<vmem>>, %arg6: memref<4x1x128xf32, #tpu.memory_space<vmem>>, %arg7: memref<2048x128xf32, #tpu.memory_space<vmem>>, %arg8: memref<2048x128xf32, #tpu.memory_space<vmem>>, %arg9: memref<2048x128xf32, #tpu.memory_space<vmem>>, %arg10: memref<2048x128xf32, #tpu.memory_space<vmem>>) attributes {dimension_semantics = [#tpu.dimension_semantics<arbitrary>], iteration_bounds = array<i64: 160>, scalar_prefetch = 0 : i64, scratch_operands = 0 : i64, tpu.core_type = #tpu.core_type<tc>, window_params = [{transform_indices = @transform_0, window_bounds = array<i64: 2048, 16>}, {pipeline_mode = #tpu.pipeline_mode<synchronous>, transform_indices = @transform_1, window_bounds = array<i64: 4, 16, 128>}, {pipeline_mode = #tpu.pipeline_mode<synchronous>, transform_indices = @transform_2, window_bounds = array<i64: 4, 1, 128>}, {pipeline_mode = #tpu.pipeline_mode<synchronous>, transform_indices = @transform_3, window_bounds = array<i64: 4, 1, 128>}, {pipeline_mode = #tpu.pipeline_mode<synchronous>, transform_indices = @transform_4, window_bounds = array<i64: 4, 1, 128>}, {pipeline_mode = #tpu.pipeline_mode<synchronous>, transform_indices = @transform_5, window_bounds = array<i64: 4, 1, 128>}, {transform_indices = @transform_6, window_bounds = array<i64: 2048, 128>}, {transform_indices = @transform_7, window_bounds = array<i64: 2048, 128>}, {transform_indices = @transform_8, window_bounds = array<i64: 2048, 128>}, {transform_indices = @transform_9, window_bounds = array<i64: 2048, 128>}]} {
    %get3A = arith.constant 0 : index
    %get3A_0 = arith.constant 0 : index
    %get3A_1 = vector.load %arg1[%get3A, %get3A_0] : memref<2048x16xf32, #tpu.memory_space<vmem>>, vector<2048x16xf32>
    %get3A_2 = arith.constant 0 : index
    %get3A_3 = arith.constant 0 : index
    %get3A_4 = arith.constant 0 : index
    %get3A_5 = vector.load %arg2[%get3A_2, %get3A_3, %get3A_4] : memref<4x16x128xf32, #tpu.memory_space<vmem>>, vector<1x16x128xf32>
    %get3A_6 = vector.shape_cast %get3A_5 : vector<1x16x128xf32> to vector<16x128xf32>
    %convert_element_type3A = arith.truncf %get3A_1 : vector<2048x16xf32> to vector<2048x16xbf16>
    %convert_element_type3A_7 = arith.truncf %get3A_6 : vector<16x128xf32> to vector<16x128xbf16>
    %dot_general3A = arith.constant dense<0.000000e+00> : vector<2048x128xf32>
    %dot_general3A_8 = tpu.matmul %convert_element_type3A, %convert_element_type3A_7, %dot_general3A {dimension_numbers = #tpu.dot_dimension_numbers<[1], [0], [0], [1], [0, 0, 1, 1], [], []>, transpose_lhs_hint = false} : vector<2048x16xbf16>, vector<16x128xbf16>, vector<2048x128xf32> -> vector<2048x128xf32>
    %get3A_9 = arith.constant 0 : index
    %get3A_10 = arith.constant 0 : index
    %get3A_11 = arith.constant 0 : index
    %get3A_12 = vector.load %arg3[%get3A_9, %get3A_10, %get3A_11] : memref<4x1x128xf32, #tpu.memory_space<vmem>>, vector<1x1x128xf32>
    %get3A_13 = vector.shape_cast %get3A_12 : vector<1x1x128xf32> to vector<1x128xf32>
    %add3A = vector.broadcast %get3A_13 : vector<1x128xf32> to vector<2048x128xf32>
    %add3A_14 = arith.addf %dot_general3A_8, %add3A : vector<2048x128xf32>
    %get3A_15 = arith.constant 0 : index
    %get3A_16 = arith.constant 0 : index
    %get3A_17 = arith.constant 0 : index
    %get3A_18 = vector.load %arg4[%get3A_15, %get3A_16, %get3A_17] : memref<4x1x128xf32, #tpu.memory_space<vmem>>, vector<1x1x128xf32>
    %get3A_19 = vector.shape_cast %get3A_18 : vector<1x1x128xf32> to vector<1x128xf32>
    %div3A = vector.broadcast %get3A_19 : vector<1x128xf32> to vector<2048x128xf32>
    %div3A_20 = arith.divf %add3A_14, %div3A : vector<2048x128xf32>
    %get3A_21 = arith.constant 0 : index
    %get3A_22 = arith.constant 0 : index
    %get3A_23 = arith.constant 0 : index
    %get3A_24 = vector.load %arg5[%get3A_21, %get3A_22, %get3A_23] : memref<4x1x128xf32, #tpu.memory_space<vmem>>, vector<1x1x128xf32>
    %get3A_25 = vector.shape_cast %get3A_24 : vector<1x1x128xf32> to vector<1x128xf32>
    %mul3A = vector.broadcast %get3A_25 : vector<1x128xf32> to vector<2048x128xf32>
    %mul3A_26 = arith.mulf %div3A_20, %mul3A : vector<2048x128xf32>
    %get3A_27 = arith.constant 0 : index
    %get3A_28 = arith.constant 0 : index
    %get3A_29 = arith.constant 0 : index
    %get3A_30 = vector.load %arg6[%get3A_27, %get3A_28, %get3A_29] : memref<4x1x128xf32, #tpu.memory_space<vmem>>, vector<1x1x128xf32>
    %get3A_31 = vector.shape_cast %get3A_30 : vector<1x1x128xf32> to vector<1x128xf32>
    %add3A_32 = vector.broadcast %get3A_31 : vector<1x128xf32> to vector<2048x128xf32>
    %add3A_33 = arith.addf %mul3A_26, %add3A_32 : vector<2048x128xf32>
    %max3A = arith.constant 0.000000e+00 : f32
    %max3A_34 = vector.broadcast %max3A : f32 to vector<2048x128xf32>
    %max3A_35 = arith.maximumf %add3A_33, %max3A_34 : vector<2048x128xf32>
    %swap3A = arith.constant 0 : index
    %swap3A_36 = arith.constant 0 : index
    %swap3A_37 = vector.load %arg7[%swap3A, %swap3A_36] : memref<2048x128xf32, #tpu.memory_space<vmem>>, vector<2048x128xf32>
    tpu.vector_store %arg7[%swap3A, %swap3A_36], %max3A_35 {strides = array<i32>} : memref<2048x128xf32, #tpu.memory_space<vmem>>, vector<2048x128xf32>,
    %get3A_38 = arith.constant 1 : index
    %get3A_39 = arith.constant 0 : index
    %get3A_40 = arith.constant 0 : index
    %get3A_41 = vector.load %arg2[%get3A_38, %get3A_39, %get3A_40] : memref<4x16x128xf32, #tpu.memory_space<vmem>>, vector<1x16x128xf32>
    %get3A_42 = vector.shape_cast %get3A_41 : vector<1x16x128xf32> to vector<16x128xf32>
    %convert_element_type3A_43 = arith.truncf %get3A_1 : vector<2048x16xf32> to vector<2048x16xbf16>
    %convert_element_type3A_44 = arith.truncf %get3A_42 : vector<16x128xf32> to vector<16x128xbf16>
    %dot_general3A_45 = arith.constant dense<0.000000e+00> : vector<2048x128xf32>
    %dot_general3A_46 = tpu.matmul %convert_element_type3A_43, %convert_element_type3A_44, %dot_general3A_45 {dimension_numbers = #tpu.dot_dimension_numbers<[1], [0], [0], [1], [0, 0, 1, 1], [], []>, transpose_lhs_hint = false} : vector<2048x16xbf16>, vector<16x128xbf16>, vector<2048x128xf32> -> vector<2048x128xf32>
    %get3A_47 = arith.constant 1 : index
    %get3A_48 = arith.constant 0 : index
    %get3A_49 = arith.constant 0 : index
    %get3A_50 = vector.load %arg3[%get3A_47, %get3A_48, %get3A_49] : memref<4x1x128xf32, #tpu.memory_space<vmem>>, vector<1x1x128xf32>
    %get3A_51 = vector.shape_cast %get3A_50 : vector<1x1x128xf32> to vector<1x128xf32>
    %add3A_52 = vector.broadcast %get3A_51 : vector<1x128xf32> to vector<2048x128xf32>
    %add3A_53 = arith.addf %dot_general3A_46, %add3A_52 : vector<2048x128xf32>
    %get3A_54 = arith.constant 1 : index
    %get3A_55 = arith.constant 0 : index
    %get3A_56 = arith.constant 0 : index
    %get3A_57 = vector.load %arg4[%get3A_54, %get3A_55, %get3A_56] : memref<4x1x128xf32, #tpu.memory_space<vmem>>, vector<1x1x128xf32>
    %get3A_58 = vector.shape_cast %get3A_57 : vector<1x1x128xf32> to vector<1x128xf32>
    %div3A_59 = vector.broadcast %get3A_58 : vector<1x128xf32> to vector<2048x128xf32>
    %div3A_60 = arith.divf %add3A_53, %div3A_59 : vector<2048x128xf32>
    %get3A_61 = arith.constant 1 : index
    %get3A_62 = arith.constant 0 : index
    %get3A_63 = arith.constant 0 : index
    %get3A_64 = vector.load %arg5[%get3A_61, %get3A_62, %get3A_63] : memref<4x1x128xf32, #tpu.memory_space<vmem>>, vector<1x1x128xf32>
    %get3A_65 = vector.shape_cast %get3A_64 : vector<1x1x128xf32> to vector<1x128xf32>
    %mul3A_66 = vector.broadcast %get3A_65 : vector<1x128xf32> to vector<2048x128xf32>
    %mul3A_67 = arith.mulf %div3A_60, %mul3A_66 : vector<2048x128xf32>
    %get3A_68 = arith.constant 1 : index
    %get3A_69 = arith.constant 0 : index
    %get3A_70 = arith.constant 0 : index
    %get3A_71 = vector.load %arg6[%get3A_68, %get3A_69, %get3A_70] : memref<4x1x128xf32, #tpu.memory_space<vmem>>, vector<1x1x128xf32>
    %get3A_72 = vector.shape_cast %get3A_71 : vector<1x1x128xf32> to vector<1x128xf32>
    %add3A_73 = vector.broadcast %get3A_72 : vector<1x128xf32> to vector<2048x128xf32>
    %add3A_74 = arith.addf %mul3A_67, %add3A_73 : vector<2048x128xf32>
    %max3A_75 = arith.constant 0.000000e+00 : f32
    %max3A_76 = vector.broadcast %max3A_75 : f32 to vector<2048x128xf32>
    %max3A_77 = arith.maximumf %add3A_74, %max3A_76 : vector<2048x128xf32>
    %swap3A_78 = arith.constant 0 : index
    %swap3A_79 = arith.constant 0 : index
    %swap3A_80 = vector.load %arg8[%swap3A_78, %swap3A_79] : memref<2048x128xf32, #tpu.memory_space<vmem>>, vector<2048x128xf32>
    tpu.vector_store %arg8[%swap3A_78, %swap3A_79], %max3A_77 {strides = array<i32>} : memref<2048x128xf32, #tpu.memory_space<vmem>>, vector<2048x128xf32>,
    %get3A_81 = arith.constant 2 : index
    %get3A_82 = arith.constant 0 : index
    %get3A_83 = arith.constant 0 : index
    %get3A_84 = vector.load %arg2[%get3A_81, %get3A_82, %get3A_83] : memref<4x16x128xf32, #tpu.memory_space<vmem>>, vector<1x16x128xf32>
    %get3A_85 = vector.shape_cast %get3A_84 : vector<1x16x128xf32> to vector<16x128xf32>
    %convert_element_type3A_86 = arith.truncf %get3A_1 : vector<2048x16xf32> to vector<2048x16xbf16>
    %convert_element_type3A_87 = arith.truncf %get3A_85 : vector<16x128xf32> to vector<16x128xbf16>
    %dot_general3A_88 = arith.constant dense<0.000000e+00> : vector<2048x128xf32>
    %dot_general3A_89 = tpu.matmul %convert_element_type3A_86, %convert_element_type3A_87, %dot_general3A_88 {dimension_numbers = #tpu.dot_dimension_numbers<[1], [0], [0], [1], [0, 0, 1, 1], [], []>, transpose_lhs_hint = false} : vector<2048x16xbf16>, vector<16x128xbf16>, vector<2048x128xf32> -> vector<2048x128xf32>
    %get3A_90 = arith.constant 2 : index
    %get3A_91 = arith.constant 0 : index
    %get3A_92 = arith.constant 0 : index
    %get3A_93 = vector.load %arg3[%get3A_90, %get3A_91, %get3A_92] : memref<4x1x128xf32, #tpu.memory_space<vmem>>, vector<1x1x128xf32>
    %get3A_94 = vector.shape_cast %get3A_93 : vector<1x1x128xf32> to vector<1x128xf32>
    %add3A_95 = vector.broadcast %get3A_94 : vector<1x128xf32> to vector<2048x128xf32>
    %add3A_96 = arith.addf %dot_general3A_89, %add3A_95 : vector<2048x128xf32>
    %get3A_97 = arith.constant 2 : index
    %get3A_98 = arith.constant 0 : index
    %get3A_99 = arith.constant 0 : index
    %get3A_100 = vector.load %arg4[%get3A_97, %get3A_98, %get3A_99] : memref<4x1x128xf32, #tpu.memory_space<vmem>>, vector<1x1x128xf32>
    %get3A_101 = vector.shape_cast %get3A_100 : vector<1x1x128xf32> to vector<1x128xf32>
    %div3A_102 = vector.broadcast %get3A_101 : vector<1x128xf32> to vector<2048x128xf32>
    %div3A_103 = arith.divf %add3A_96, %div3A_102 : vector<2048x128xf32>
    %get3A_104 = arith.constant 2 : index
    %get3A_105 = arith.constant 0 : index
    %get3A_106 = arith.constant 0 : index
    %get3A_107 = vector.load %arg5[%get3A_104, %get3A_105, %get3A_106] : memref<4x1x128xf32, #tpu.memory_space<vmem>>, vector<1x1x128xf32>
    %get3A_108 = vector.shape_cast %get3A_107 : vector<1x1x128xf32> to vector<1x128xf32>
    %mul3A_109 = vector.broadcast %get3A_108 : vector<1x128xf32> to vector<2048x128xf32>
    %mul3A_110 = arith.mulf %div3A_103, %mul3A_109 : vector<2048x128xf32>
    %get3A_111 = arith.constant 2 : index
    %get3A_112 = arith.constant 0 : index
    %get3A_113 = arith.constant 0 : index
    %get3A_114 = vector.load %arg6[%get3A_111, %get3A_112, %get3A_113] : memref<4x1x128xf32, #tpu.memory_space<vmem>>, vector<1x1x128xf32>
    %get3A_115 = vector.shape_cast %get3A_114 : vector<1x1x128xf32> to vector<1x128xf32>
    %add3A_116 = vector.broadcast %get3A_115 : vector<1x128xf32> to vector<2048x128xf32>
    %add3A_117 = arith.addf %mul3A_110, %add3A_116 : vector<2048x128xf32>
    %max3A_118 = arith.constant 0.000000e+00 : f32
    %max3A_119 = vector.broadcast %max3A_118 : f32 to vector<2048x128xf32>
    %max3A_120 = arith.maximumf %add3A_117, %max3A_119 : vector<2048x128xf32>
    %swap3A_121 = arith.constant 0 : index
    %swap3A_122 = arith.constant 0 : index
    %swap3A_123 = vector.load %arg9[%swap3A_121, %swap3A_122] : memref<2048x128xf32, #tpu.memory_space<vmem>>, vector<2048x128xf32>
    tpu.vector_store %arg9[%swap3A_121, %swap3A_122], %max3A_120 {strides = array<i32>} : memref<2048x128xf32, #tpu.memory_space<vmem>>, vector<2048x128xf32>,
    %get3A_124 = arith.constant 3 : index
    %get3A_125 = arith.constant 0 : index
    %get3A_126 = arith.constant 0 : index
    %get3A_127 = vector.load %arg2[%get3A_124, %get3A_125, %get3A_126] : memref<4x16x128xf32, #tpu.memory_space<vmem>>, vector<1x16x128xf32>
    %get3A_128 = vector.shape_cast %get3A_127 : vector<1x16x128xf32> to vector<16x128xf32>
    %convert_element_type3A_129 = arith.truncf %get3A_1 : vector<2048x16xf32> to vector<2048x16xbf16>
    %convert_element_type3A_130 = arith.truncf %get3A_128 : vector<16x128xf32> to vector<16x128xbf16>
    %dot_general3A_131 = arith.constant dense<0.000000e+00> : vector<2048x128xf32>
    %dot_general3A_132 = tpu.matmul %convert_element_type3A_129, %convert_element_type3A_130, %dot_general3A_131 {dimension_numbers = #tpu.dot_dimension_numbers<[1], [0], [0], [1], [0, 0, 1, 1], [], []>, transpose_lhs_hint = false} : vector<2048x16xbf16>, vector<16x128xbf16>, vector<2048x128xf32> -> vector<2048x128xf32>
    %get3A_133 = arith.constant 3 : index
    %get3A_134 = arith.constant 0 : index
    %get3A_135 = arith.constant 0 : index
    %get3A_136 = vector.load %arg3[%get3A_133, %get3A_134, %get3A_135] : memref<4x1x128xf32, #tpu.memory_space<vmem>>, vector<1x1x128xf32>
    %get3A_137 = vector.shape_cast %get3A_136 : vector<1x1x128xf32> to vector<1x128xf32>
    %add3A_138 = vector.broadcast %get3A_137 : vector<1x128xf32> to vector<2048x128xf32>
    %add3A_139 = arith.addf %dot_general3A_132, %add3A_138 : vector<2048x128xf32>
    %get3A_140 = arith.constant 3 : index
    %get3A_141 = arith.constant 0 : index
    %get3A_142 = arith.constant 0 : index
    %get3A_143 = vector.load %arg4[%get3A_140, %get3A_141, %get3A_142] : memref<4x1x128xf32, #tpu.memory_space<vmem>>, vector<1x1x128xf32>
    %get3A_144 = vector.shape_cast %get3A_143 : vector<1x1x128xf32> to vector<1x128xf32>
    %div3A_145 = vector.broadcast %get3A_144 : vector<1x128xf32> to vector<2048x128xf32>
    %div3A_146 = arith.divf %add3A_139, %div3A_145 : vector<2048x128xf32>
    %get3A_147 = arith.constant 3 : index
    %get3A_148 = arith.constant 0 : index
    %get3A_149 = arith.constant 0 : index
    %get3A_150 = vector.load %arg5[%get3A_147, %get3A_148, %get3A_149] : memref<4x1x128xf32, #tpu.memory_space<vmem>>, vector<1x1x128xf32>
    %get3A_151 = vector.shape_cast %get3A_150 : vector<1x1x128xf32> to vector<1x128xf32>
    %mul3A_152 = vector.broadcast %get3A_151 : vector<1x128xf32> to vector<2048x128xf32>
    %mul3A_153 = arith.mulf %div3A_146, %mul3A_152 : vector<2048x128xf32>
    %get3A_154 = arith.constant 3 : index
    %get3A_155 = arith.constant 0 : index
    %get3A_156 = arith.constant 0 : index
    %get3A_157 = vector.load %arg6[%get3A_154, %get3A_155, %get3A_156] : memref<4x1x128xf32, #tpu.memory_space<vmem>>, vector<1x1x128xf32>
    %get3A_158 = vector.shape_cast %get3A_157 : vector<1x1x128xf32> to vector<1x128xf32>
    %add3A_159 = vector.broadcast %get3A_158 : vector<1x128xf32> to vector<2048x128xf32>
    %add3A_160 = arith.addf %mul3A_153, %add3A_159 : vector<2048x128xf32>
    %max3A_161 = arith.constant 0.000000e+00 : f32
    %max3A_162 = vector.broadcast %max3A_161 : f32 to vector<2048x128xf32>
    %max3A_163 = arith.maximumf %add3A_160, %max3A_162 : vector<2048x128xf32>
    %swap3A_164 = arith.constant 0 : index
    %swap3A_165 = arith.constant 0 : index
    %swap3A_166 = vector.load %arg10[%swap3A_164, %swap3A_165] : memref<2048x128xf32, #tpu.memory_space<vmem>>, vector<2048x128xf32>
    tpu.vector_store %arg10[%swap3A_164, %swap3A_165], %max3A_163 {strides = array<i32>} : memref<2048x128xf32, #tpu.memory_space<vmem>>, vector<2048x128xf32>,
    return
  }
  func.func @transform_0(%arg0: i32) -> (i32, i32) {
    %c0_i32 = arith.constant 0 : i32
    %c0_i32_0 = arith.constant 0 : i32
    return %arg0, %c0_i32 : i32, i32
  }
  func.func @transform_1(%arg0: i32) -> (i32, i32, i32) {
    %c0_i32 = arith.constant 0 : i32
    %c0_i32_0 = arith.constant 0 : i32
    %c0_i32_1 = arith.constant 0 : i32
    %c0_i32_2 = arith.constant 0 : i32
    return %c0_i32, %c0_i32_0, %c0_i32_1 : i32, i32, i32
  }
  func.func @transform_2(%arg0: i32) -> (i32, i32, i32) {
    %c0_i32 = arith.constant 0 : i32
    %c0_i32_0 = arith.constant 0 : i32
    %c0_i32_1 = arith.constant 0 : i32
    %c0_i32_2 = arith.constant 0 : i32
    return %c0_i32, %c0_i32_0, %c0_i32_1 : i32, i32, i32
  }
  func.func @transform_3(%arg0: i32) -> (i32, i32, i32) {
    %c0_i32 = arith.constant 0 : i32
    %c0_i32_0 = arith.constant 0 : i32
    %c0_i32_1 = arith.constant 0 : i32
    %c0_i32_2 = arith.constant 0 : i32
    return %c0_i32, %c0_i32_0, %c0_i32_1 : i32, i32, i32
  }
  func.func @transform_4(%arg0: i32) -> (i32, i32, i32) {
    %c0_i32 = arith.constant 0 : i32
    %c0_i32_0 = arith.constant 0 : i32
    %c0_i32_1 = arith.constant 0 : i32
    %c0_i32_2 = arith.constant 0 : i32
    return %c0_i32, %c0_i32_0, %c0_i32_1 : i32, i32, i32
  }
  func.func @transform_5(%arg0: i32) -> (i32, i32, i32) {
    %c0_i32 = arith.constant 0 : i32
    %c0_i32_0 = arith.constant 0 : i32
    %c0_i32_1 = arith.constant 0 : i32
    %c0_i32_2 = arith.constant 0 : i32
    return %c0_i32, %c0_i32_0, %c0_i32_1 : i32, i32, i32
  }
  func.func @transform_6(%arg0: i32) -> (i32, i32) {
    %c0_i32 = arith.constant 0 : i32
    %c0_i32_0 = arith.constant 0 : i32
    return %arg0, %c0_i32 : i32, i32
  }
  func.func @transform_7(%arg0: i32) -> (i32, i32) {
    %c0_i32 = arith.constant 0 : i32
    %c0_i32_0 = arith.constant 0 : i32
    return %arg0, %c0_i32 : i32, i32
  }
  func.func @transform_8(%arg0: i32) -> (i32, i32) {
    %c0_i32 = arith.constant 0 : i32
    %c0_i32_0 = arith.constant 0 : i32
    return %arg0, %c0_i32 : i32, i32
  }
  func.func @transform_9(%arg0: i32) -> (i32, i32) {
    %c0_i32 = arith.constant 0 : i32
    %c0_i32_0 = arith.constant 0 : i32
    return %arg0, %c0_i32 : i32, i32
  }
}

module attributes {stable_mosaic.version = 14 : i64} {
  func.func @_enc_body(%arg0: memref<10000x128xf32, #tpu.memory_space<vmem>>, %arg1: memref<128x128xf32, #tpu.memory_space<vmem>>, %arg2: memref<1x128xf32, #tpu.memory_space<vmem>>, %arg3: memref<1x128xf32, #tpu.memory_space<vmem>>, %arg4: memref<1x128xf32, #tpu.memory_space<vmem>>, %arg5: memref<10008x128xf32, #tpu.memory_space<vmem>>) attributes {dimension_semantics = [], scalar_prefetch = 0 : i64, scratch_operands = 0 : i64, tpu.core_type = #tpu.core_type<tc>} {
    %get3A = arith.constant 0 : index
    %get3A_0 = arith.constant 0 : index
    %get3A_1 = vector.load %arg0[%get3A, %get3A_0] : memref<10000x128xf32, #tpu.memory_space<vmem>>, vector<10000x128xf32>
    %get3A_2 = arith.constant 0 : index
    %get3A_3 = arith.constant 0 : index
    %get3A_4 = vector.load %arg1[%get3A_2, %get3A_3] : memref<128x128xf32, #tpu.memory_space<vmem>>, vector<128x128xf32>
    %convert_element_type3A = arith.truncf %get3A_1 : vector<10000x128xf32> to vector<10000x128xbf16>
    %convert_element_type3A_5 = arith.truncf %get3A_4 : vector<128x128xf32> to vector<128x128xbf16>
    %dot_general3A = arith.constant dense<0.000000e+00> : vector<10000x128xf32>
    %dot_general3A_6 = tpu.matmul %convert_element_type3A, %convert_element_type3A_5, %dot_general3A {dimension_numbers = #tpu.dot_dimension_numbers<[1], [0], [0], [1], [0, 0, 1, 1], [], []>, transpose_lhs_hint = false} : vector<10000x128xbf16>, vector<128x128xbf16>, vector<10000x128xf32> -> vector<10000x128xf32>
    %get3A_7 = arith.constant 0 : index
    %get3A_8 = arith.constant 0 : index
    %get3A_9 = vector.load %arg2[%get3A_7, %get3A_8] : memref<1x128xf32, #tpu.memory_space<vmem>>, vector<1x128xf32>
    %add3A = vector.broadcast %get3A_9 : vector<1x128xf32> to vector<10000x128xf32>
    %add3A_10 = arith.addf %dot_general3A_6, %add3A : vector<10000x128xf32>
    %get3A_11 = arith.constant 0 : index
    %get3A_12 = arith.constant 0 : index
    %get3A_13 = vector.load %arg3[%get3A_11, %get3A_12] : memref<1x128xf32, #tpu.memory_space<vmem>>, vector<1x128xf32>
    %get3A_14 = arith.constant 0 : index
    %get3A_15 = arith.constant 0 : index
    %get3A_16 = vector.load %arg4[%get3A_14, %get3A_15] : memref<1x128xf32, #tpu.memory_space<vmem>>, vector<1x128xf32>
    %reduce_sum3A = arith.constant dense<0.000000e+00> : vector<128xf32>
    %reduce_sum3A_17 = vector.multi_reduction <add>, %add3A_10, %reduce_sum3A [0] : vector<10000x128xf32> to vector<128xf32>
    %broadcast_in_dim3A = vector.shape_cast %reduce_sum3A_17 : vector<128xf32> to vector<1x128xf32>
    %div3A = arith.constant 1.000000e+04 : f32
    %div3A_18 = vector.broadcast %div3A : f32 to vector<1x128xf32>
    %div3A_19 = arith.divf %broadcast_in_dim3A, %div3A_18 : vector<1x128xf32>
    %sub3A = vector.broadcast %div3A_19 : vector<1x128xf32> to vector<10000x128xf32>
    %sub3A_20 = arith.subf %add3A_10, %sub3A : vector<10000x128xf32>
    %integer_pow3A = arith.mulf %sub3A_20, %sub3A_20 : vector<10000x128xf32>
    %reduce_sum3A_21 = arith.constant dense<0.000000e+00> : vector<128xf32>
    %reduce_sum3A_22 = vector.multi_reduction <add>, %integer_pow3A, %reduce_sum3A_21 [0] : vector<10000x128xf32> to vector<128xf32>
    %broadcast_in_dim3A_23 = vector.shape_cast %reduce_sum3A_22 : vector<128xf32> to vector<1x128xf32>
    %div3A_24 = arith.constant 1.000000e+04 : f32
    %div3A_25 = vector.broadcast %div3A_24 : f32 to vector<1x128xf32>
    %div3A_26 = arith.divf %broadcast_in_dim3A_23, %div3A_25 : vector<1x128xf32>
    %sub3A_27 = vector.broadcast %div3A_19 : vector<1x128xf32> to vector<10000x128xf32>
    %sub3A_28 = arith.subf %add3A_10, %sub3A_27 : vector<10000x128xf32>
    %add3A_29 = arith.constant 9.99999974E-6 : f32
    %add3A_30 = vector.broadcast %add3A_29 : f32 to vector<1x128xf32>
    %add3A_31 = arith.addf %div3A_26, %add3A_30 : vector<1x128xf32>
    %sqrt3A = math.sqrt %add3A_31 : vector<1x128xf32>
    %div3A_32 = vector.broadcast %sqrt3A : vector<1x128xf32> to vector<10000x128xf32>
    %div3A_33 = arith.divf %sub3A_28, %div3A_32 : vector<10000x128xf32>
    %mul3A = vector.broadcast %get3A_13 : vector<1x128xf32> to vector<10000x128xf32>
    %mul3A_34 = arith.mulf %div3A_33, %mul3A : vector<10000x128xf32>
    %add3A_35 = vector.broadcast %get3A_16 : vector<1x128xf32> to vector<10000x128xf32>
    %add3A_36 = arith.addf %mul3A_34, %add3A_35 : vector<10000x128xf32>
    %max3A = arith.constant 0.000000e+00 : f32
    %max3A_37 = vector.broadcast %max3A : f32 to vector<10000x128xf32>
    %max3A_38 = arith.maximumf %add3A_36, %max3A_37 : vector<10000x128xf32>
    %swap3A = arith.constant 0 : index
    %swap3A_39 = arith.constant 0 : index
    %swap3A_40 = vector.load %arg5[%swap3A, %swap3A_39] : memref<10008x128xf32, #tpu.memory_space<vmem>>, vector<10000x128xf32>
    tpu.vector_store %arg5[%swap3A, %swap3A_39], %max3A_38 {strides = array<i32>} : memref<10008x128xf32, #tpu.memory_space<vmem>>, vector<10000x128xf32>,
    %broadcast_in_dim3A_41 = arith.constant -1.000000e+09 : f32
    %broadcast_in_dim3A_42 = vector.broadcast %broadcast_in_dim3A_41 : f32 to vector<8x128xf32>
    %swap3A_43 = arith.constant 10000 : index
    %swap3A_44 = arith.constant 0 : index
    %swap3A_45 = vector.load %arg5[%swap3A_43, %swap3A_44] : memref<10008x128xf32, #tpu.memory_space<vmem>>, vector<8x128xf32>
    tpu.vector_store %arg5[%swap3A_43, %swap3A_44], %broadcast_in_dim3A_42 {strides = array<i32>} : memref<10008x128xf32, #tpu.memory_space<vmem>>, vector<8x128xf32>,
    return
  }
}

module attributes {stable_mosaic.version = 14 : i64} {
  func.func @_node_body(%arg0: memref<10008x128xf32, #tpu.memory_space<vmem>>, %arg1: memref<2x10000x128xf32, #tpu.memory_space<vmem>>, %arg2: memref<128x128xf32, #tpu.memory_space<vmem>>, %arg3: memref<1x128xf32, #tpu.memory_space<vmem>>, %arg4: memref<1x128xf32, #tpu.memory_space<vmem>>, %arg5: memref<10008x128xf32, #tpu.memory_space<vmem>>) attributes {dimension_semantics = [], scalar_prefetch = 0 : i64, scratch_operands = 0 : i64, tpu.core_type = #tpu.core_type<tc>} {
    %get3A = arith.constant 0 : index
    %get3A_0 = arith.constant 0 : index
    %get3A_1 = vector.load %arg0[%get3A, %get3A_0] : memref<10008x128xf32, #tpu.memory_space<vmem>>, vector<10000x128xf32>
    %get3A_2 = arith.constant 0 : index
    %get3A_3 = arith.constant 0 : index
    %get3A_4 = arith.constant 0 : index
    %get3A_5 = vector.load %arg1[%get3A_2, %get3A_3, %get3A_4] : memref<2x10000x128xf32, #tpu.memory_space<vmem>>, vector<1x10000x128xf32>
    %get3A_6 = vector.shape_cast %get3A_5 : vector<1x10000x128xf32> to vector<10000x128xf32>
    %get3A_7 = arith.constant 1 : index
    %get3A_8 = arith.constant 0 : index
    %get3A_9 = arith.constant 0 : index
    %get3A_10 = vector.load %arg1[%get3A_7, %get3A_8, %get3A_9] : memref<2x10000x128xf32, #tpu.memory_space<vmem>>, vector<1x10000x128xf32>
    %get3A_11 = vector.shape_cast %get3A_10 : vector<1x10000x128xf32> to vector<10000x128xf32>
    %add3A = arith.addf %get3A_6, %get3A_11 : vector<10000x128xf32>
    %add3A_12 = arith.addf %get3A_1, %add3A : vector<10000x128xf32>
    %get3A_13 = arith.constant 0 : index
    %get3A_14 = arith.constant 0 : index
    %get3A_15 = vector.load %arg2[%get3A_13, %get3A_14] : memref<128x128xf32, #tpu.memory_space<vmem>>, vector<128x128xf32>
    %convert_element_type3A = arith.truncf %add3A_12 : vector<10000x128xf32> to vector<10000x128xbf16>
    %convert_element_type3A_16 = arith.truncf %get3A_15 : vector<128x128xf32> to vector<128x128xbf16>
    %dot_general3A = arith.constant dense<0.000000e+00> : vector<10000x128xf32>
    %dot_general3A_17 = tpu.matmul %convert_element_type3A, %convert_element_type3A_16, %dot_general3A {dimension_numbers = #tpu.dot_dimension_numbers<[1], [0], [0], [1], [0, 0, 1, 1], [], []>, transpose_lhs_hint = false} : vector<10000x128xbf16>, vector<128x128xbf16>, vector<10000x128xf32> -> vector<10000x128xf32>
    %get3A_18 = arith.constant 0 : index
    %get3A_19 = arith.constant 0 : index
    %get3A_20 = vector.load %arg3[%get3A_18, %get3A_19] : memref<1x128xf32, #tpu.memory_space<vmem>>, vector<1x128xf32>
    %get3A_21 = arith.constant 0 : index
    %get3A_22 = arith.constant 0 : index
    %get3A_23 = vector.load %arg4[%get3A_21, %get3A_22] : memref<1x128xf32, #tpu.memory_space<vmem>>, vector<1x128xf32>
    %reduce_sum3A = arith.constant dense<0.000000e+00> : vector<128xf32>
    %reduce_sum3A_24 = vector.multi_reduction <add>, %dot_general3A_17, %reduce_sum3A [0] : vector<10000x128xf32> to vector<128xf32>
    %broadcast_in_dim3A = vector.shape_cast %reduce_sum3A_24 : vector<128xf32> to vector<1x128xf32>
    %div3A = arith.constant 1.000000e+04 : f32
    %div3A_25 = vector.broadcast %div3A : f32 to vector<1x128xf32>
    %div3A_26 = arith.divf %broadcast_in_dim3A, %div3A_25 : vector<1x128xf32>
    %sub3A = vector.broadcast %div3A_26 : vector<1x128xf32> to vector<10000x128xf32>
    %sub3A_27 = arith.subf %dot_general3A_17, %sub3A : vector<10000x128xf32>
    %integer_pow3A = arith.mulf %sub3A_27, %sub3A_27 : vector<10000x128xf32>
    %reduce_sum3A_28 = arith.constant dense<0.000000e+00> : vector<128xf32>
    %reduce_sum3A_29 = vector.multi_reduction <add>, %integer_pow3A, %reduce_sum3A_28 [0] : vector<10000x128xf32> to vector<128xf32>
    %broadcast_in_dim3A_30 = vector.shape_cast %reduce_sum3A_29 : vector<128xf32> to vector<1x128xf32>
    %div3A_31 = arith.constant 1.000000e+04 : f32
    %div3A_32 = vector.broadcast %div3A_31 : f32 to vector<1x128xf32>
    %div3A_33 = arith.divf %broadcast_in_dim3A_30, %div3A_32 : vector<1x128xf32>
    %sub3A_34 = vector.broadcast %div3A_26 : vector<1x128xf32> to vector<10000x128xf32>
    %sub3A_35 = arith.subf %dot_general3A_17, %sub3A_34 : vector<10000x128xf32>
    %add3A_36 = arith.constant 9.99999974E-6 : f32
    %add3A_37 = vector.broadcast %add3A_36 : f32 to vector<1x128xf32>
    %add3A_38 = arith.addf %div3A_33, %add3A_37 : vector<1x128xf32>
    %sqrt3A = math.sqrt %add3A_38 : vector<1x128xf32>
    %div3A_39 = vector.broadcast %sqrt3A : vector<1x128xf32> to vector<10000x128xf32>
    %div3A_40 = arith.divf %sub3A_35, %div3A_39 : vector<10000x128xf32>
    %mul3A = vector.broadcast %get3A_20 : vector<1x128xf32> to vector<10000x128xf32>
    %mul3A_41 = arith.mulf %div3A_40, %mul3A : vector<10000x128xf32>
    %add3A_42 = vector.broadcast %get3A_23 : vector<1x128xf32> to vector<10000x128xf32>
    %add3A_43 = arith.addf %mul3A_41, %add3A_42 : vector<10000x128xf32>
    %max3A = arith.constant 0.000000e+00 : f32
    %max3A_44 = vector.broadcast %max3A : f32 to vector<10000x128xf32>
    %max3A_45 = arith.maximumf %add3A_43, %max3A_44 : vector<10000x128xf32>
    %add3A_46 = arith.addf %max3A_45, %get3A_1 : vector<10000x128xf32>
    %swap3A = arith.constant 0 : index
    %swap3A_47 = arith.constant 0 : index
    %swap3A_48 = vector.load %arg5[%swap3A, %swap3A_47] : memref<10008x128xf32, #tpu.memory_space<vmem>>, vector<10000x128xf32>
    tpu.vector_store %arg5[%swap3A, %swap3A_47], %add3A_46 {strides = array<i32>} : memref<10008x128xf32, #tpu.memory_space<vmem>>, vector<10000x128xf32>,
    %broadcast_in_dim3A_49 = arith.constant -1.000000e+09 : f32
    %broadcast_in_dim3A_50 = vector.broadcast %broadcast_in_dim3A_49 : f32 to vector<8x128xf32>
    %swap3A_51 = arith.constant 10000 : index
    %swap3A_52 = arith.constant 0 : index
    %swap3A_53 = vector.load %arg5[%swap3A_51, %swap3A_52] : memref<10008x128xf32, #tpu.memory_space<vmem>>, vector<8x128xf32>
    tpu.vector_store %arg5[%swap3A_51, %swap3A_52], %broadcast_in_dim3A_50 {strides = array<i32>} : memref<10008x128xf32, #tpu.memory_space<vmem>>, vector<8x128xf32>,
    return
  }
}

module attributes {stable_mosaic.version = 14 : i64} {
  func.func @_pool_body(%arg0: memref<10008x128xf32, #tpu.memory_space<vmem>>, %arg1: memref<1x10000xi32, #tpu.memory_space<vmem>>, %arg2: memref<128x128xf32, #tpu.memory_space<vmem>>, %arg3: memref<1x128xf32, #tpu.memory_space<vmem>>, %arg4: memref<1x128xf32, #tpu.memory_space<vmem>>, %arg5: memref<1x128xf32, #tpu.memory_space<vmem>>, %arg6: memref<128x128xf32, #tpu.memory_space<vmem>>, %arg7: memref<1x128xf32, #tpu.memory_space<vmem>>, %arg8: memref<1x128xf32, #tpu.memory_space<vmem>>, %arg9: memref<1x128xf32, #tpu.memory_space<vmem>>, %arg10: memref<64x128xf32, #tpu.memory_space<vmem>>) attributes {dimension_semantics = [], scalar_prefetch = 0 : i64, scratch_operands = 0 : i64, tpu.core_type = #tpu.core_type<tc>} {
    %iota3A = tpu.iota {dimensions = array<i32: 0>} : vector<64x10000xi32>
    %get3A = arith.constant 0 : index
    %get3A_0 = arith.constant 0 : index
    %get3A_1 = vector.load %arg1[%get3A, %get3A_0] : memref<1x10000xi32, #tpu.memory_space<vmem>>, vector<1x10000xi32>
    %eq3A = vector.broadcast %get3A_1 : vector<1x10000xi32> to vector<64x10000xi32>
    %eq3A_2 = arith.cmpi eq, %iota3A, %eq3A : vector<64x10000xi32>
    %convert_element_type3A = arith.extui %eq3A_2 : vector<64x10000xi1> to vector<64x10000xi32>
    %convert_element_type3A_3 = arith.sitofp %convert_element_type3A : vector<64x10000xi32> to vector<64x10000xf32>
    %get3A_4 = arith.constant 0 : index
    %get3A_5 = arith.constant 0 : index
    %get3A_6 = vector.load %arg0[%get3A_4, %get3A_5] : memref<10008x128xf32, #tpu.memory_space<vmem>>, vector<10000x128xf32>
    %dot_general3A = arith.constant dense<0.000000e+00> : vector<64x128xf32>
    %dot_general3A_7 = tpu.matmul %convert_element_type3A_3, %get3A_6, %dot_general3A {dimension_numbers = #tpu.dot_dimension_numbers<[1], [0], [0], [1], [0, 0, 1, 1], [], []>, precision = #tpu.contract_precision<fp32>, transpose_lhs_hint = false} : vector<64x10000xf32>, vector<10000x128xf32>, vector<64x128xf32> -> vector<64x128xf32>
    %get3A_8 = arith.constant 0 : index
    %get3A_9 = arith.constant 0 : index
    %get3A_10 = vector.load %arg2[%get3A_8, %get3A_9] : memref<128x128xf32, #tpu.memory_space<vmem>>, vector<128x128xf32>
    %convert_element_type3A_11 = arith.truncf %dot_general3A_7 : vector<64x128xf32> to vector<64x128xbf16>
    %convert_element_type3A_12 = arith.truncf %get3A_10 : vector<128x128xf32> to vector<128x128xbf16>
    %dot_general3A_13 = arith.constant dense<0.000000e+00> : vector<64x128xf32>
    %dot_general3A_14 = tpu.matmul %convert_element_type3A_11, %convert_element_type3A_12, %dot_general3A_13 {dimension_numbers = #tpu.dot_dimension_numbers<[1], [0], [0], [1], [0, 0, 1, 1], [], []>, transpose_lhs_hint = false} : vector<64x128xbf16>, vector<128x128xbf16>, vector<64x128xf32> -> vector<64x128xf32>
    %get3A_15 = arith.constant 0 : index
    %get3A_16 = arith.constant 0 : index
    %get3A_17 = vector.load %arg3[%get3A_15, %get3A_16] : memref<1x128xf32, #tpu.memory_space<vmem>>, vector<1x128xf32>
    %add3A = vector.broadcast %get3A_17 : vector<1x128xf32> to vector<64x128xf32>
    %add3A_18 = arith.addf %dot_general3A_14, %add3A : vector<64x128xf32>
    %get3A_19 = arith.constant 0 : index
    %get3A_20 = arith.constant 0 : index
    %get3A_21 = vector.load %arg4[%get3A_19, %get3A_20] : memref<1x128xf32, #tpu.memory_space<vmem>>, vector<1x128xf32>
    %get3A_22 = arith.constant 0 : index
    %get3A_23 = arith.constant 0 : index
    %get3A_24 = vector.load %arg5[%get3A_22, %get3A_23] : memref<1x128xf32, #tpu.memory_space<vmem>>, vector<1x128xf32>
    %reduce_sum3A = arith.constant dense<0.000000e+00> : vector<128xf32>
    %reduce_sum3A_25 = vector.multi_reduction <add>, %add3A_18, %reduce_sum3A [0] : vector<64x128xf32> to vector<128xf32>
    %broadcast_in_dim3A = vector.shape_cast %reduce_sum3A_25 : vector<128xf32> to vector<1x128xf32>
    %div3A = arith.constant 6.400000e+01 : f32
    %div3A_26 = vector.broadcast %div3A : f32 to vector<1x128xf32>
    %div3A_27 = arith.divf %broadcast_in_dim3A, %div3A_26 : vector<1x128xf32>
    %sub3A = vector.broadcast %div3A_27 : vector<1x128xf32> to vector<64x128xf32>
    %sub3A_28 = arith.subf %add3A_18, %sub3A : vector<64x128xf32>
    %integer_pow3A = arith.mulf %sub3A_28, %sub3A_28 : vector<64x128xf32>
    %reduce_sum3A_29 = arith.constant dense<0.000000e+00> : vector<128xf32>
    %reduce_sum3A_30 = vector.multi_reduction <add>, %integer_pow3A, %reduce_sum3A_29 [0] : vector<64x128xf32> to vector<128xf32>
    %broadcast_in_dim3A_31 = vector.shape_cast %reduce_sum3A_30 : vector<128xf32> to vector<1x128xf32>
    %div3A_32 = arith.constant 6.400000e+01 : f32
    %div3A_33 = vector.broadcast %div3A_32 : f32 to vector<1x128xf32>
    %div3A_34 = arith.divf %broadcast_in_dim3A_31, %div3A_33 : vector<1x128xf32>
    %sub3A_35 = vector.broadcast %div3A_27 : vector<1x128xf32> to vector<64x128xf32>
    %sub3A_36 = arith.subf %add3A_18, %sub3A_35 : vector<64x128xf32>
    %add3A_37 = arith.constant 9.99999974E-6 : f32
    %add3A_38 = vector.broadcast %add3A_37 : f32 to vector<1x128xf32>
    %add3A_39 = arith.addf %div3A_34, %add3A_38 : vector<1x128xf32>
    %sqrt3A = math.sqrt %add3A_39 : vector<1x128xf32>
    %div3A_40 = vector.broadcast %sqrt3A : vector<1x128xf32> to vector<64x128xf32>
    %div3A_41 = arith.divf %sub3A_36, %div3A_40 : vector<64x128xf32>
    %mul3A = vector.broadcast %get3A_21 : vector<1x128xf32> to vector<64x128xf32>
    %mul3A_42 = arith.mulf %div3A_41, %mul3A : vector<64x128xf32>
    %add3A_43 = vector.broadcast %get3A_24 : vector<1x128xf32> to vector<64x128xf32>
    %add3A_44 = arith.addf %mul3A_42, %add3A_43 : vector<64x128xf32>
    %max3A = arith.constant 0.000000e+00 : f32
    %max3A_45 = vector.broadcast %max3A : f32 to vector<64x128xf32>
    %max3A_46 = arith.maximumf %add3A_44, %max3A_45 : vector<64x128xf32>
    %get3A_47 = arith.constant 0 : index
    %get3A_48 = arith.constant 0 : index
    %get3A_49 = vector.load %arg6[%get3A_47, %get3A_48] : memref<128x128xf32, #tpu.memory_space<vmem>>, vector<128x128xf32>
    %convert_element_type3A_50 = arith.truncf %max3A_46 : vector<64x128xf32> to vector<64x128xbf16>
    %convert_element_type3A_51 = arith.truncf %get3A_49 : vector<128x128xf32> to vector<128x128xbf16>
    %dot_general3A_52 = arith.constant dense<0.000000e+00> : vector<64x128xf32>
    %dot_general3A_53 = tpu.matmul %convert_element_type3A_50, %convert_element_type3A_51, %dot_general3A_52 {dimension_numbers = #tpu.dot_dimension_numbers<[1], [0], [0], [1], [0, 0, 1, 1], [], []>, transpose_lhs_hint = false} : vector<64x128xbf16>, vector<128x128xbf16>, vector<64x128xf32> -> vector<64x128xf32>
    %get3A_54 = arith.constant 0 : index
    %get3A_55 = arith.constant 0 : index
    %get3A_56 = vector.load %arg7[%get3A_54, %get3A_55] : memref<1x128xf32, #tpu.memory_space<vmem>>, vector<1x128xf32>
    %add3A_57 = vector.broadcast %get3A_56 : vector<1x128xf32> to vector<64x128xf32>
    %add3A_58 = arith.addf %dot_general3A_53, %add3A_57 : vector<64x128xf32>
    %get3A_59 = arith.constant 0 : index
    %get3A_60 = arith.constant 0 : index
    %get3A_61 = vector.load %arg8[%get3A_59, %get3A_60] : memref<1x128xf32, #tpu.memory_space<vmem>>, vector<1x128xf32>
    %get3A_62 = arith.constant 0 : index
    %get3A_63 = arith.constant 0 : index
    %get3A_64 = vector.load %arg9[%get3A_62, %get3A_63] : memref<1x128xf32, #tpu.memory_space<vmem>>, vector<1x128xf32>
    %reduce_sum3A_65 = arith.constant dense<0.000000e+00> : vector<128xf32>
    %reduce_sum3A_66 = vector.multi_reduction <add>, %add3A_58, %reduce_sum3A_65 [0] : vector<64x128xf32> to vector<128xf32>
    %broadcast_in_dim3A_67 = vector.shape_cast %reduce_sum3A_66 : vector<128xf32> to vector<1x128xf32>
    %div3A_68 = arith.constant 6.400000e+01 : f32
    %div3A_69 = vector.broadcast %div3A_68 : f32 to vector<1x128xf32>
    %div3A_70 = arith.divf %broadcast_in_dim3A_67, %div3A_69 : vector<1x128xf32>
    %sub3A_71 = vector.broadcast %div3A_70 : vector<1x128xf32> to vector<64x128xf32>
    %sub3A_72 = arith.subf %add3A_58, %sub3A_71 : vector<64x128xf32>
    %integer_pow3A_73 = arith.mulf %sub3A_72, %sub3A_72 : vector<64x128xf32>
    %reduce_sum3A_74 = arith.constant dense<0.000000e+00> : vector<128xf32>
    %reduce_sum3A_75 = vector.multi_reduction <add>, %integer_pow3A_73, %reduce_sum3A_74 [0] : vector<64x128xf32> to vector<128xf32>
    %broadcast_in_dim3A_76 = vector.shape_cast %reduce_sum3A_75 : vector<128xf32> to vector<1x128xf32>
    %div3A_77 = arith.constant 6.400000e+01 : f32
    %div3A_78 = vector.broadcast %div3A_77 : f32 to vector<1x128xf32>
    %div3A_79 = arith.divf %broadcast_in_dim3A_76, %div3A_78 : vector<1x128xf32>
    %sub3A_80 = vector.broadcast %div3A_70 : vector<1x128xf32> to vector<64x128xf32>
    %sub3A_81 = arith.subf %add3A_58, %sub3A_80 : vector<64x128xf32>
    %add3A_82 = arith.constant 9.99999974E-6 : f32
    %add3A_83 = vector.broadcast %add3A_82 : f32 to vector<1x128xf32>
    %add3A_84 = arith.addf %div3A_79, %add3A_83 : vector<1x128xf32>
    %sqrt3A_85 = math.sqrt %add3A_84 : vector<1x128xf32>
    %div3A_86 = vector.broadcast %sqrt3A_85 : vector<1x128xf32> to vector<64x128xf32>
    %div3A_87 = arith.divf %sub3A_81, %div3A_86 : vector<64x128xf32>
    %mul3A_88 = vector.broadcast %get3A_61 : vector<1x128xf32> to vector<64x128xf32>
    %mul3A_89 = arith.mulf %div3A_87, %mul3A_88 : vector<64x128xf32>
    %add3A_90 = vector.broadcast %get3A_64 : vector<1x128xf32> to vector<64x128xf32>
    %add3A_91 = arith.addf %mul3A_89, %add3A_90 : vector<64x128xf32>
    %swap3A = arith.constant 0 : index
    %swap3A_92 = arith.constant 0 : index
    %swap3A_93 = vector.load %arg10[%swap3A, %swap3A_92] : memref<64x128xf32, #tpu.memory_space<vmem>>, vector<64x128xf32>
    tpu.vector_store %arg10[%swap3A, %swap3A_92], %add3A_91 {strides = array<i32>} : memref<64x128xf32, #tpu.memory_space<vmem>>, vector<64x128xf32>,
    return
  }
}

</mosaic_0001>

<sc_bundles>
// kernel: kernel.14.cloned.1.call-start
scs
__scs_entry_jumppad:
0x0: {  	(pc) =	sbr.rel $0x88, $3  }
0x1: {  	(tag) =	ssettag $0x0;
	lr =	simm.s32 $0x1  }
0x2: {  	[smem:$0x3F8A] =	sst lr;
	_ =	strace $0xD0000000  }
0x3: {  	_ = 	snop  }
0x4: {  	_ = 	snop  }
0x5: {  	_ = 	snop  }
0x6: {  	_ = 	snop  }
0x7: {  	_ = 	snop  }
__scs_overlays_trampoline_lowered:
0x8: {  	[smem:$0x3F99] =	sst s0  }
0x9: {  	[smem:$0x3F9A] =	sst s1  }
0xa: {  	[smem:$0x3F9B] =	sst s2  }
0xb: {  	[smem:$0x3F9C] =	sst s3  }
0xc: {  	[smem:$0x3F9D] =	sst s4  }
0xd: {  	[smem:$0x3F9E] =	sst s5  }
0xe: {  	[smem:$0x3F9F] =	sst s6  }
0xf: {  	[smem:$0x3FA0] =	sst s7  }
0x10: {  	[smem:$0x3FA1] =	sst s8  }
0x11: {  	[smem:$0x3FA2] =	sst s9;
	s0 =	simm.s32 @!p0 $0x0  }
0x12: {  	s1 =	sld [smem:$0x3F88];
	s0 =	simm.s32 @p0 $0x1  }
0x13: {  	[smem:$0x3FA3] =	sst s0;
	s0 =	simm.s32 @!p1 $0x0  }
0x14: {  	s2 =	sld [smem:$0x3F87];
	s0 =	simm.s32 @p1 $0x1  }
0x15: {  	[smem:$0x3FA4] =	sst s0;
	s0 =	simm.s32 @!p2 $0x0  }
0x16: {  	s3 =	sld [smem:$0x3FDB];
	s0 =	simm.s32 @p2 $0x1  }
0x17: {  	s4 =	simm.s32 $0x1BF5;
	[smem:$0x3FA6] =	sst s0  }
0x18: {  	s0 =	sld [smem:$0x3F89];
	_ =	swait.ge [sflag:s4], $0x0  }
0x19: {  	s7 =	sld [smem:$0x3F8A]  }
0x1a: {  	s8 =	sadd.s32 $0xFFFFE003, lr  }
0x1b: {  	s9 =	sadd.s32 $0xFFFFFEF7, lr;
	s5 =	simm.s32 $0xFFFFFFFF;
	p2 =	slt.u32 s8, $0xFFFFF086  }
0x1c: {  	p1 =	slt.u32 s9, $0xF7A;
	s5 =	simm.s32 @!p2 $0x0  }
0x1d: {  	s5 =	simm.s32 @p1 $0x1;
	p0 =	seq.s32 s7, s2  }
0x1e: {  	s7 =	smul.u32 @!p0 $0xF7A, s2;
	p2 =	seq.s32 @!p0 s5, $0x0  }
0x1f: {  	s9 =	smul.u32 $0xF7A, s1;
	s8 =	simm.s32 @!p0 $0x1BF5;
	p2 =	por !p2, p0  }
0x20: {  	[sflag:s8] =	ssyncset.s32 @!p0 $0xFFFFF086;
	s6 =	sadd.s32 @!p0 s3, s7;
	s7 =	simm.s32 @!p0 $0x108  }
0x21: {  	s3 =	sadd.s32 s3, s9;
	s6 =	sadd.s32 @!p0 $0x88, s6;
	s7 =	simm.s32 @p2 $0x1082  }
0x22: {  	[simem:s7], [sflag:s8] =	dma.local @!p0 [hbm:s6], $0xF7A  }
0x23: {  	s9 =	sor.u32 $0xD0000000, s2;
	s6 =	simm.s32 $0x108;
	_ =	swait.ge @!p0 [sflag:s8], $0x0  }
0x24: {  	s3 =	sadd.s32 $0x88, s3;
	s6 =	simm.s32 @!p1 $0x1082;
	[sflag:s4] =	ssyncset.s32 $0xFFFFF086  }
0x25: {  	[simem:s6], [sflag:s4] =	dma.local [hbm:s3], $0xF7A  }
0x26: {  	[smem:$0x3F8A] =	sst s1;
	(tag) =	ssettag s2;
	_ =	strace s9  }
0x27: {  	s1 =	sld [smem:$0x3F9A]  }
0x28: {  	s2 =	sld [smem:$0x3F9B]  }
0x29: {  	s4 =	sld [smem:$0x3F9D]  }
0x2a: {  	p0 =	seq.s32 s5, $0x0;
	s5 =	sld [smem:$0x3F9E]  }
0x2b: {  	s6 =	sld [smem:$0x3F9F]  }
0x2c: {  	s7 =	sld [smem:$0x3FA0]  }
0x2d: {  	s3 =	simm.s32 $0x108;
	s8 =	sld [smem:$0x3FA1]  }
0x2e: {  	s3 =	simm.s32 @!p0 $0x1082;
	s9 =	sld [smem:$0x3FA2]  }
0x2f: {  	lr =	sadd.s32 s0, s3;
	s0 =	sld [smem:$0x3F99]  }
0x30: {  	s3 =	sld [smem:$0x3F9C]  }
0x31: {  	[smem:$0x3FA5] =	sst s10  }
0x32: {  	s10 =	sld [smem:$0x3FA3];
	_ =	sdelay $0x3  }
0x33: {  	p0 =	seq.s32 s10, $0x1;
	s10 =	sld [smem:$0x3FA5];
	_ =	sdelay $0x3  }
0x34: {  	[smem:$0x3FA5] =	sst s10  }
0x35: {  	s10 =	sld [smem:$0x3FA4];
	_ =	sdelay $0x3  }
0x36: {  	p1 =	seq.s32 s10, $0x1;
	s10 =	sld [smem:$0x3FA5];
	_ =	sdelay $0x3  }
0x37: {  	[smem:$0x3FA5] =	sst s10  }
0x38: {  	s10 =	sld [smem:$0x3FA6]  }
0x39: {  	_ = 	snop;
	(pc) =	sbr.ind lr, $3  }
0x3a: {  	_ = 	snop  }
0x3b: {  	_ = 	snop  }
0x3c: {  	p2 =	seq.s32 s10, $0x1;
	s10 =	sld [smem:$0x3FA5]  }
0x3d: {  	_ =	shalt  }
0x3e: {  	_ =	shalt  }
0x3f: {  	_ =	shalt  }
0x40: {  	_ =	shalt  }
0x41: {  	_ =	shalt  }
0x42: {  	_ =	shalt  }
0x43: {  	_ =	shalt  }
0x44: {  	_ =	shalt  }
0x45: {  	_ =	shalt  }
0x46: {  	_ =	shalt  }
0x47: {  	_ =	shalt  }
0x48: {  	_ =	shalt  }
0x49: {  	_ =	shalt  }
0x4a: {  	_ =	shalt  }
0x4b: {  	_ =	shalt  }
0x4c: {  	_ =	shalt  }
0x4d: {  	_ =	shalt  }
0x4e: {  	_ =	shalt  }
0x4f: {  	_ =	shalt  }
0x50: {  	_ =	shalt  }
0x51: {  	_ =	shalt  }
0x52: {  	_ =	shalt  }
0x53: {  	_ =	shalt  }
0x54: {  	_ =	shalt  }
0x55: {  	_ =	shalt  }
0x56: {  	_ =	shalt  }
0x57: {  	_ =	shalt  }
0x58: {  	_ =	shalt  }
0x59: {  	_ =	shalt  }
0x5a: {  	_ =	shalt  }
0x5b: {  	_ =	shalt  }
0x5c: {  	_ =	shalt  }
0x5d: {  	_ =	shalt  }
0x5e: {  	_ =	shalt  }
0x5f: {  	_ =	shalt  }
0x60: {  	_ =	shalt  }
0x61: {  	_ =	shalt  }
0x62: {  	_ =	shalt  }
0x63: {  	_ =	shalt  }
0x64: {  	_ =	shalt  }
0x65: {  	_ =	shalt  }
0x66: {  	_ =	shalt  }
0x67: {  	_ =	shalt  }
0x68: {  	_ =	shalt  }
0x69: {  	_ =	shalt  }
0x6a: {  	_ =	shalt  }
0x6b: {  	_ =	shalt  }
0x6c: {  	_ =	shalt  }
0x6d: {  	_ =	shalt  }
0x6e: {  	_ =	shalt  }
0x6f: {  	_ =	shalt  }
0x70: {  	_ =	shalt  }
0x71: {  	_ =	shalt  }
0x72: {  	_ =	shalt  }
0x73: {  	_ =	shalt  }
0x74: {  	_ =	shalt  }
0x75: {  	_ =	shalt  }
0x76: {  	_ =	shalt  }
0x77: {  	_ =	shalt  }
0x78: {  	_ =	shalt  }
0x79: {  	_ =	shalt  }
0x7a: {  	_ =	shalt  }
0x7b: {  	_ =	shalt  }
0x7c: {  	_ =	shalt  }
0x7d: {  	_ =	shalt  }
0x7e: {  	_ =	shalt  }
0x7f: {  	_ =	shalt  }
0x80: {  	_ =	shalt  }
0x81: {  	_ =	shalt  }
0x82: {  	_ =	shalt  }
0x83: {  	_ =	shalt  }
0x84: {  	_ =	shalt  }
0x85: {  	_ =	shalt  }
0x86: {  	_ =	shalt  }
0x87: {  	_ =	shalt  }
.Lfunc_end0:
.L_simem_size_0:
called_computation_lowered:
.L_overlay_start_0:
0x88: {  	s2 =	sld [smem:$0x3FD9]  }
0x89: {  	s3 =	sld [smem:$0x3FFE];
	_ =	sdelay $0x1  }
0x8a: {  	s1 =	srdreg.scid  }
0x8b: {  	s0 =	sand.u32 $0x1, s1  }
0x8c: {  	s16 =	sshll.u32 s0, $0xA;
	s2 =	sadd.s32 s3, s2  }
0x8d: {  	s2 =	sadd.s32 s2, s16  }
0x8e: {  	[smem:$0x3FB1] =	sst s2  }
0x8f: {  	_ = 	snop  }
0x90: {  	(tm) =	ssettm $0x1  }
0x91: {  	s17 =	sld [smem:$0x3FFB];
	_ =	sdelay $0x3  }
0x92: {  	_ =	strace s17  }
0x93: {  	s2 =	sld [smem:$0x3FFC];
	_ =	sdelay $0x3  }
0x94: {  	_ =	strace s2  }
0x95: {  	s2 =	sld [smem:$0x3FFD];
	_ =	sdelay $0x3  }
0x96: {  	_ =	strace s2  }
0x97: {  	_ =	strace $0x8FFFFFFF  }
0x98: {  	s18 =	sld [smem:$0x3FDB];
	_ =	sdelay $0x1  }
0x99: {  	s19 =	simm.s32 $_scs_section_size  }
0x9a: {  	s4 =	simm.s32 $_size__tile_overlayer_lowered;
	s5 =	simm.s32 $_tile_overlayer_lowered  }
0x9b: {  	s22 =	simm.s32 $0x1BFF;
	s21 =	sshll.u32 s5, $0x1;
	s2 =	sadd.s32 s19, s18  }
0x9c: {  	s6 =	simm.s32 $0x0;
	s20 =	sshll.u32 s4, $0x1;
	s4 =	sadd.s32 s21, s2  }
0x9d: {  	[timem:s6], [sflag:s22] =	dma.local [hbm:s4], s20  }
0x9e: {  	_ =	swait.ge [sflag:s22], s20  }
0x9f: {  	s3 =	ssub.s32 $0x0, s20;
	[sflag:s22] =	ssyncset.done $0x0  }
0xa0: {  	[sflag:s22] =	ssyncadd.s32 s3;
	_ =	sdelay $0x1  }
0xa1: {  	s23 =	simm.s32 $0x1B8B  }
0xa2: {  	_ =	swait.ge [sflag:s23], $0x1  }
0xa3: {  	[sflag:s23] =	ssyncset.done $0x0  }
0xa4: {  	s25 =	simm.s32 $0x1B8E;
	s24 =	sld [smem:$0x3FFE];
	[sflag:s23] =	ssyncadd.s32 $0xFFFFFFFF  }
0xa5: {  	s26 =	simm.s32 $execute0_lowered;
	[smem:$0x3FD2] =	sst s25  }
0xa6: {  	s4 =	sshll.u32 s26, $0x1;
	_ =	strace $0x80000046;
	[dreg:$0x1] =	wrdreg $0xFFFFFFFF  }
0xa7: {  	s28 =	simm.s32 $_size_execute0_lowered;
	s2 =	sadd.s32 s2, s4;
	[dreg:$0x0] =	wrdreg $0x0  }
0xa8: {  	s4 =	sshll.u32 s28, $0x1;
	[dreg:$0x2] =	wrdreg s2  }
0xa9: {  	[dreg:$0x3] =	wrdreg s4  }
0xaa: {  	[dreg:$0x4] =	wrdreg $0xC0  }
0xab: {  	_ =	task [dreg:s6], $0x5FFFF  }
0xac: {  	[dreg:$0x1] =	wrdreg $0xFFFFFFFF  }
0xad: {  	[dreg:$0x0] =	wrdreg $0x60  }
0xae: {  	[dreg:$0x2] =	wrdreg s24  }
0xaf: {  	[dreg:$0x3] =	wrdreg $0xA8000  }
0xb0: {  	[dreg:$0x4] =	wrdreg $0x9  }
0xb1: {  	_ =	task.clear_ibuf [dreg:s6], $0x5FFFF;
	_ =	strace $0x90000046  }
0xb2: {  	s29 =	simm.s32 $0x9;
	_ =	strace $0x80000048  }
0xb3: {  	_ =	swait.ge [sflag:s29], $0x1  }
0xb4: {  	[sflag:s29] =	ssyncadd.s32 $0xFFFFFFFF  }
0xb5: {  	_ =	strace $0x90000048  }
0xb6: {  	_ =	sfence  }
0xb7: {  	s30 =	sld [smem:$0x0];
	_ =	sdelay $0x2  }
0xb8: {  	s31 =	sshll.u32 s1, $0xD;
	s1 =	sshrl.u32 s1, $0x2  }
0xb9: {  	s3 =	sand.u32 $0x4000, s31;
	s1 =	sadd.s32 s1, s30  }
0xba: {  	s0 =	sor.u32 s3, s0;
	s1 =	sshll.u32 s1, $0x11  }
0xbb: {  	s0 =	sor.u32 s1, s0  }
0xbc: {  	s0 =	sadd.s32 $0x8F2B, s0  }
0xbd: {  	[sflag:s0] =	ssyncadd.remote.s32 $0x1  }
0xbe: {  	_ =	sfence.sel $0xFFFF  }
0xbf: {  	[dreg:$0x0] =	wrdreg $0xFFFFFFFF;
	(pc) =	sbr.abs _section_cstart, $3  }
0xc0: {  	[dreg:$0x1] =	wrdreg $0xFFFFFFFF  }
0xc1: {  	_ =	task.clear_ibuf [dreg:s6], $0x2FFFF;
	_ =	strace $0x9FFFFFFF  }
0xc2: {  	(tm) =	ssettm $0x7FFFFFFF  }
0xc3: {  	_ =	shalt  }
tec
execute0_lowered:
.L_overlay_start_1:
0x0: {  	(tag) =	ssettag $0x1  }
0x1: {  	s0 =	rddreg [dreg:$0x0]  }
0x2: {  	s1 =	rddreg [dreg:$0x1];
	s3 =	simm.s32 $0x0;
	s11 =	stileid.u32  }
0x3: {  	s2 =	srdreg.scid;
	s28 =	simm.s32 $0x9400;
	s29 =	simm.s32 $0x80  }
0x4: {  	s30 =	simm.s32 $0x4000;
	s31 =	simm.s32 $0x1;
	[smem:$0x7FF] =	sst s3  }
0x5: {  	s4 =	sadd.s32 $0x9E9000, s0;
	s6 =	smul.u32 $0x4E000, s11;
	s7 =	sadd.s32 $0x11000, s0  }
0x6: {  	s8 =	sadd.s32 $0x7000, s0;
	s2 =	sand.u32 $0x1, s2;
	s16 =	smul.u32 $0x2800, s11  }
0x7: {  	s5 =	sadd.s32 $0x1B000, s0;
	s25 =	sadd.s32 $0x128800, s1;
	s18 =	smul.u32 $0x140000, s11  }
0x8: {  	s0 =	sadd.s32 $0x42200, s0;
	s13 =	sadd.s32 $0x12C800, s1;
	s20 =	smul.u32 $0x13800, s11  }
0x9: {  	s14 =	sadd.s32 $0x130800, s1;
	p0 =	seq.s32 s11, $0xF;
	s15 =	smul.u32 $0x28000, s2  }
0xa: {  	_ =	strace $0x80000047;
	s9 =	ssub.s32 $0x2, s2;
	s17 =	smul.u32 $0x1400000, s2  }
0xb: {  	[dreg:$0x6] =	wrdreg s25;
	s2 =	smul.u32 $0x138800, s2;
	s6 =	sshrl.u32 s6, $0x2  }
0xc: {  	s25 =	simm.s32 $0x8000;
	s10 =	sshrl.u32 s9, $0x1;
	s6 =	sadd.s32 s6, s1  }
0xd: {  	s10 =	ssub.s32 s9, s10;
	s9 =	sadd.s32 $0x124800, s1;
	s16 =	sadd.s32 s16, s15  }
0xe: {  	s15 =	sadd.s32 $0x134800, s1;
	s17 =	sadd.s32 s18, s17;
	s23 =	sadd.s32 $0x4000, s6  }
0xf: {  	s26 =	sadd.s32 s20, s2;
	s24 =	sadd.s32 $0x8000, s6;
	[dreg:$0x3] =	wrdreg s23  }
0x10: {  	s2 =	sshrl.u32 s2, $0x3;
	s12 =	sadd.s32 $0xC000, s6;
	[dreg:$0x4] =	wrdreg s24  }
0x11: {  	s19 =	sshrl.u32 s16, $0x3;
	[dreg:$0x5] =	wrdreg s12;
	s12 =	sadd.s32 $0x10000, s6  }
0x12: {  	s16 =	sadd.s32 s7, s19;
	s21 =	sadd.s32 $0x280, s19;
	s18 =	sadd.s32 s8, s19  }
0x13: {  	s24 =	smax.u32 s10, $0x1;
	s19 =	sadd.s32 s7, s21;
	s7 =	sshrl.u32 s26, $0x3  }
0x14: {  	s20 =	sadd.s32 s8, s21;
	s22 =	sadd.s32 s0, s7;
	s0 =	sadd.s32 s0, s2  }
0x15: {  	v0 =	vimm.f32 $0.0e+00;
	s21 =	sadd.s32 $0xA0000, s17;
	s26 =	simm.s32 $0x2;
	s23 =	sadd.s32 $0x24900, s0  }
.LBB2_1:
0x16: {  	s0 =	simm.s32 $0x0;
	s2 =	simm.s32 $0x200  }
.LBB2_2:
0x17: {  	p1 =	sne.s32 s2, $0xFE00;
	[tilespmem:s0+$0x4070] =	vst v0  }
0x18: {  	[tilespmem:s0+$0x4000] =	vst v0  }
0x19: {  	[tilespmem:s0+$0x4010] =	vst v0  }
.Ltmp0:
0x1a: {  	[tilespmem:s0+$0x4020] =	vst v0;
	(pc) =	sbr.rel @p1 .LBB2_2-.Ltmp0, $4  }
0x1b: {  	[tilespmem:s0+$0x4030] =	vst v0  }
0x1c: {  	[tilespmem:s0+$0x4040] =	vst v0  }
0x1d: {  	[tilespmem:s0+$0x4050] =	vst v0  }
0x1e: {  	[tilespmem:s0+$0x4060] =	vst v0;
	s0 =	sshra.s32 s2, $0x2;
	s2 =	sadd.s32 $0x200, s2  }
0x1f: {  	[tilespmem:s0+$0x4070] =	vst v0  }
0x20: {  	[tilespmem:s0+$0x4000] =	vst v0  }
0x21: {  	[tilespmem:s0+$0x4010] =	vst v0  }
0x22: {  	[tilespmem:s0+$0x4020] =	vst v0  }
0x23: {  	[tilespmem:s0+$0x4030] =	vst v0  }
0x24: {  	[tilespmem:s0+$0x4040] =	vst v0  }
0x25: {  	[tilespmem:s0+$0x4050] =	vst v0  }
0x26: {  	[tilespmem:s0+$0x4060] =	vst v0;
	s0 =	simm.s32 @p0 $0x4000;
	s2 =	simm.s32 @p0 $0x2  }
0x27: {  	[spmem:s9] =	stream.linear.scatter @p0 [tilespmem:s0], [sflag:$0x2], $0x4000, $0x38;
	[tilespmem:$0x1E080] =	vst v63  }
0x28: {  	_ =	swait.ge @p0 [sflag:s2], $0x4000  }
0x29: {  	[sflag:s2] =	ssyncset.done @p0 $0x0  }
0x2a: {  	s7 =	rddreg [dreg:$0x6];
	[sflag:s2] =	ssyncadd.s32 @p0 $0xFFFFC000  }
0x2b: {  	[spmem:s7] =	stream.linear.scatter @p0 [tilespmem:s0], [sflag:$0x2], $0x4000, $0x38;
	[tilespmem:$0x1E080] =	vst v63  }
0x2c: {  	_ =	swait.ge @p0 [sflag:s2], $0x4000  }
0x2d: {  	[sflag:s2] =	ssyncset.done @p0 $0x0  }
0x2e: {  	[sflag:s2] =	ssyncadd.s32 @p0 $0xFFFFC000  }
0x2f: {  	[spmem:s13] =	stream.linear.scatter @p0 [tilespmem:s0], [sflag:$0x2], $0x4000, $0x38;
	[tilespmem:$0x1E080] =	vst v63  }
0x30: {  	_ =	swait.ge @p0 [sflag:s2], $0x4000  }
0x31: {  	[sflag:s2] =	ssyncset.done @p0 $0x0  }
0x32: {  	[sflag:s2] =	ssyncadd.s32 @p0 $0xFFFFC000  }
0x33: {  	[spmem:s14] =	stream.linear.scatter @p0 [tilespmem:s0], [sflag:$0x2], $0x4000, $0x38;
	[tilespmem:$0x1E080] =	vst v63  }
0x34: {  	_ =	swait.ge @p0 [sflag:s2], $0x4000  }
0x35: {  	[sflag:s2] =	ssyncset.done @p0 $0x0  }
0x36: {  	[sflag:s2] =	ssyncadd.s32 @p0 $0xFFFFC000  }
0x37: {  	[spmem:s15] =	stream.linear.scatter @p0 [tilespmem:s0], [sflag:$0x2], $0x4000, $0x38;
	[tilespmem:$0x1E080] =	vst v63  }
0x38: {  	_ =	swait.ge @p0 [sflag:s2], $0x4000  }
0x39: {  	[sflag:s2] =	ssyncset.done @p0 $0x0  }
0x3a: {  	s0 =	simm.s32 @!p0 $0x4000;
	[sflag:s2] =	ssyncadd.s32 @p0 $0xFFFFC000;
	s2 =	simm.s32 @!p0 $0x2  }
0x3b: {  	[spmem:s6] =	stream.linear.scatter @!p0 [tilespmem:s0], [sflag:$0x2], $0x4000, $0x38;
	[tilespmem:$0x1E080] =	vst v63  }
0x3c: {  	_ =	swait.ge @!p0 [sflag:s2], $0x4000  }
0x3d: {  	[sflag:s2] =	ssyncset.done @!p0 $0x0  }
0x3e: {  	s7 =	rddreg [dreg:$0x3];
	[sflag:s2] =	ssyncadd.s32 @!p0 $0xFFFFC000  }
0x3f: {  	[spmem:s7] =	stream.linear.scatter @!p0 [tilespmem:s0], [sflag:$0x2], $0x4000, $0x38;
	[tilespmem:$0x1E080] =	vst v63  }
0x40: {  	_ =	swait.ge @!p0 [sflag:s2], $0x4000  }
0x41: {  	[sflag:s2] =	ssyncset.done @!p0 $0x0  }
0x42: {  	s7 =	rddreg [dreg:$0x4];
	[sflag:s2] =	ssyncadd.s32 @!p0 $0xFFFFC000  }
0x43: {  	[spmem:s7] =	stream.linear.scatter @!p0 [tilespmem:s0], [sflag:$0x2], $0x4000, $0x38;
	[tilespmem:$0x1E080] =	vst v63  }
0x44: {  	_ =	swait.ge @!p0 [sflag:s2], $0x4000  }
0x45: {  	[sflag:s2] =	ssyncset.done @!p0 $0x0  }
0x46: {  	s7 =	rddreg [dreg:$0x5];
	[sflag:s2] =	ssyncadd.s32 @!p0 $0xFFFFC000  }
0x47: {  	[spmem:s7] =	stream.linear.scatter @!p0 [tilespmem:s0], [sflag:$0x2], $0x4000, $0x38;
	[tilespmem:$0x1E080] =	vst v63  }
0x48: {  	_ =	swait.ge @!p0 [sflag:s2], $0x4000  }
0x49: {  	[sflag:s2] =	ssyncset.done @!p0 $0x0  }
0x4a: {  	[sflag:s2] =	ssyncadd.s32 @!p0 $0xFFFFC000  }
0x4b: {  	[spmem:s12] =	stream.linear.scatter @!p0 [tilespmem:s0], [sflag:$0x2], $0x3800, $0x38;
	[tilespmem:$0x1E080] =	vst v63  }
0x4c: {  	_ =	swait.ge @!p0 [sflag:s2], $0x3800  }
0x4d: {  	[sflag:s2] =	ssyncset.done @!p0 $0x0  }
0x4e: {  	[sflag:s2] =	ssyncadd.s32 @!p0 $0xFFFFC800  }
0x4f: {  	s0 =	simm.s32 $0x0;
	[bflag:$0x0] =	sbarrier.arrive $0xFFFF  }
0x50: {  	[tilespmem:s25], [sflag:$0x2] =	stream.linear.gather [hbm4b:s16+s0], $0x1400, $0x38;
	[tilespmem:$0x1E080] =	vst v63  }
0x51: {  	_ =	swait.ge [sflag:s26], $0x1400  }
0x52: {  	[sflag:s26] =	ssyncset.done $0x0  }
0x53: {  	[sflag:s26] =	ssyncadd.s32 $0xFFFFEC00  }
0x54: {  	[tilespmem:s28], [sflag:$0x2] =	stream.linear.gather [hbm4b:s18+s0], $0x1400, $0x38;
	[tilespmem:$0x1E080] =	vst v63  }
0x55: {  	_ =	swait.ge [sflag:s26], $0x1400  }
0x56: {  	[sflag:s26] =	ssyncset.done $0x0  }
0x57: {  	s2 =	simm.s32 $0x0;
	[sflag:s26] =	ssyncadd.s32 $0xFFFFEC00  }
.LBB2_4:
0x58: {  	s7 =	sshll.u32 s2, $0xE  }
0x59: {  	s7 =	sadd.s32 s7, s17  }
0x5a: {  	s7 =	sshrl.u32 s7, $0x3  }
0x5b: {  	s7 =	sadd.s32 s4, s7  }
0x5c: {  	[tilespmem:s0], [sflag:$0x2] =	stream.linear.gather [hbm4b:s7+s0], $0x4000, $0x38;
	[tilespmem:$0x1E080] =	vst v63  }
0x5d: {  	_ =	swait.ge [sflag:s26], $0x4000  }
0x5e: {  	s7 =	sshll.u32 s2, $0x7;
	[sflag:s26] =	ssyncset.done $0x0  }
0x5f: {  	s8 =	sadd.s32 $0x8000, s7;
	[sflag:s26] =	ssyncadd.s32 $0xFFFFC000  }
0x60: {  	[tilespmem:s30], [sflag:$0x1] =	stream.indirect.gather [hbm4b:s5+s29], $0x80, s8, s29, $0xb8;
	[tilespmem:$0x1E080] =	vst v63  }
0x61: {  	_ =	swait.ge [sflag:s31], $0x4000  }
0x62: {  	[sflag:s31] =	ssyncset.done $0x0  }
0x63: {  	s8 =	simm.s32 $0x0;
	[sflag:s31] =	ssyncadd.s32 $0xFFFFC000  }
0x64: {  	v7 =	vld [tilespmem:s8+$0x0]  }
0x65: {  	v12 =	vld [tilespmem:s8+$0x10]  }
0x66: {  	v6 =	vld [tilespmem:s8+$0x20]  }
0x67: {  	v5 =	vld [tilespmem:s8+$0x30]  }
0x68: {  	v4 =	vld [tilespmem:s8+$0x40]  }
0x69: {  	v3 =	vld [tilespmem:s8+$0x50]  }
0x6a: {  	v2 =	vld [tilespmem:s8+$0x60]  }
0x6b: {  	v1 =	vld [tilespmem:s8+$0x70]  }
0x6c: {  	v13 =	vld [tilespmem:s8+$0x4000]  }
0x6d: {  	v14 =	vld [tilespmem:s8+$0x4010]  }
0x6e: {  	v11 =	vld [tilespmem:s8+$0x4020]  }
0x6f: {  	v10 =	vld [tilespmem:s8+$0x4030]  }
0x70: {  	v9 =	vld [tilespmem:s8+$0x4040]  }
0x71: {  	v8 =	vld [tilespmem:s8+$0x4050];
	v13 =	vadd.f32 v7, v13  }
0x72: {  	s10 =	simm.s32 $0x200;
	v12 =	vadd.f32 v12, v14;
	v7 =	vld [tilespmem:s8+$0x4060]  }
.LBB2_5:
0x73: {  	s11 =	sshra.s32 s10, $0x2;
	p1 =	sne.s32 s10, $0xFE00;
	v13 =	vmax.f32 v13, $0.0e+00;
	v6 =	vadd.f32 v6, v11;
	v11 =	vld [tilespmem:s8+$0x4070]  }
0x74: {  	v14 =	vld [tilespmem:s11+$0x0];
	[tilespmem:s8+$0x4000] =	vst v13;
	v12 =	vmax.f32 v12, $0.0e+00;
	v5 =	vadd.f32 v5, v10  }
0x75: {  	v15 =	vld [tilespmem:s11+$0x10];
	[tilespmem:s8+$0x4010] =	vst v12;
	v10 =	vmax.f32 v6, $0.0e+00;
	v4 =	vadd.f32 v4, v9  }
0x76: {  	v6 =	vld [tilespmem:s11+$0x20];
	[tilespmem:s8+$0x4020] =	vst v10;
	v9 =	vmax.f32 v5, $0.0e+00;
	v3 =	vadd.f32 v3, v8  }
0x77: {  	v5 =	vld [tilespmem:s11+$0x30];
	[tilespmem:s8+$0x4030] =	vst v9;
	v8 =	vmax.f32 v4, $0.0e+00;
	v2 =	vadd.f32 v2, v7  }
0x78: {  	v4 =	vld [tilespmem:s11+$0x40];
	[tilespmem:s8+$0x4040] =	vst v8;
	v7 =	vmax.f32 v3, $0.0e+00;
	v1 =	vadd.f32 v1, v11  }
0x79: {  	v3 =	vld [tilespmem:s11+$0x50];
	[tilespmem:s8+$0x4050] =	vst v7;
	v7 =	vmax.f32 v2, $0.0e+00  }
0x7a: {  	v2 =	vld [tilespmem:s11+$0x60];
	[tilespmem:s8+$0x4060] =	vst v7;
	v7 =	vmax.f32 v1, $0.0e+00  }
0x7b: {  	v1 =	vld [tilespmem:s11+$0x70];
	[tilespmem:s8+$0x4070] =	vst v7;
	s8 =	smov.u32 s11  }
0x7c: {  	v7 =	vld [tilespmem:s8+$0x4000]  }
0x7d: {  	v12 =	vld [tilespmem:s8+$0x4010]  }
.Ltmp1:
0x7e: {  	v11 =	vld [tilespmem:s8+$0x4020];
	(pc) =	sbr.rel @p1 .LBB2_5-.Ltmp1, $4  }
0x7f: {  	v10 =	vld [tilespmem:s8+$0x4030]  }
0x80: {  	v9 =	vld [tilespmem:s8+$0x4040]  }
0x81: {  	v13 =	vadd.f32 v14, v7;
	v8 =	vld [tilespmem:s8+$0x4050]  }
0x82: {  	s10 =	sadd.s32 $0x200, s10;
	v12 =	vadd.f32 v15, v12;
	v7 =	vld [tilespmem:s8+$0x4060]  }
0x83: {  	v13 =	vmax.f32 v13, $0.0e+00;
	v6 =	vadd.f32 v6, v11;
	v63 =	vld [tilespmem:s8+$0x4070]  }
0x84: {  	[tilespmem:s8+$0x4000] =	vst v13;
	v12 =	vmax.f32 v12, $0.0e+00;
	v5 =	vadd.f32 v5, v10  }
0x85: {  	[tilespmem:s8+$0x4010] =	vst v12;
	v6 =	vmax.f32 v6, $0.0e+00;
	v4 =	vadd.f32 v4, v9  }
0x86: {  	[tilespmem:s8+$0x4020] =	vst v6;
	v5 =	vmax.f32 v5, $0.0e+00;
	v3 =	vadd.f32 v3, v8  }
0x87: {  	[tilespmem:s8+$0x4030] =	vst v5;
	v4 =	vmax.f32 v4, $0.0e+00;
	v2 =	vadd.f32 v2, v7  }
0x88: {  	[tilespmem:s8+$0x4040] =	vst v4;
	v3 =	vmax.f32 v3, $0.0e+00;
	v1 =	vadd.f32 v1, v63  }
0x89: {  	s2 =	sadd.s32 $0x1, s2;
	[tilespmem:s8+$0x4050] =	vst v3;
	v2 =	vmax.f32 v2, $0.0e+00  }
0x8a: {  	p1 =	sne.s32 s2, $0x28;
	[tilespmem:s8+$0x4060] =	vst v2;
	v1 =	vmax.f32 v1, $0.0e+00  }
.Ltmp2:
0x8b: {  	s7 =	sadd.s32 $0x9400, s7;
	[tilespmem:s8+$0x4070] =	vst v1;
	(pc) =	sbr.rel @p1 .LBB2_4-.Ltmp2, $4  }
0x8c: {  	[spmem:s1] =	stream.indirect.scatter.add.f32 [tilespmem:s30], [sflag:$0x2], $0x80, s7, s29, $0xb8;
	[tilespmem:$0x1E080] =	vst v63  }
0x8d: {  	_ =	swait.ge [sflag:s26], $0x4000  }
0x8e: {  	[sflag:s26] =	ssyncset.done $0x0  }
0x8f: {  	[sflag:s26] =	ssyncadd.s32 $0xFFFFC000  }
0x90: {  	s0 =	simm.s32 $0x0  }
0x91: {  	[tilespmem:s25], [sflag:$0x2] =	stream.linear.gather [hbm4b:s19+s0], $0x1400, $0x38;
	[tilespmem:$0x1E080] =	vst v63  }
0x92: {  	_ =	swait.ge [sflag:s26], $0x1400  }
0x93: {  	[sflag:s26] =	ssyncset.done $0x0  }
0x94: {  	[sflag:s26] =	ssyncadd.s32 $0xFFFFEC00  }
0x95: {  	[tilespmem:s28], [sflag:$0x2] =	stream.linear.gather [hbm4b:s20+s0], $0x1400, $0x38;
	[tilespmem:$0x1E080] =	vst v63  }
0x96: {  	_ =	swait.ge [sflag:s26], $0x1400  }
0x97: {  	[sflag:s26] =	ssyncset.done $0x0  }
0x98: {  	s2 =	simm.s32 $0x0;
	[sflag:s26] =	ssyncadd.s32 $0xFFFFEC00  }
.LBB2_8:
0x99: {  	s7 =	sshll.u32 s2, $0xE  }
0x9a: {  	s7 =	sadd.s32 s7, s21  }
0x9b: {  	s7 =	sshrl.u32 s7, $0x3  }
0x9c: {  	s7 =	sadd.s32 s4, s7  }
0x9d: {  	[tilespmem:s0], [sflag:$0x2] =	stream.linear.gather [hbm4b:s7+s0], $0x4000, $0x38;
	[tilespmem:$0x1E080] =	vst v63  }
0x9e: {  	_ =	swait.ge [sflag:s26], $0x4000  }
0x9f: {  	s7 =	sshll.u32 s2, $0x7;
	[sflag:s26] =	ssyncset.done $0x0  }
0xa0: {  	s8 =	sadd.s32 $0x8000, s7;
	[sflag:s26] =	ssyncadd.s32 $0xFFFFC000  }
0xa1: {  	[tilespmem:s30], [sflag:$0x1] =	stream.indirect.gather [hbm4b:s5+s29], $0x80, s8, s29, $0xb8;
	[tilespmem:$0x1E080] =	vst v63  }
0xa2: {  	_ =	swait.ge [sflag:s31], $0x4000  }
0xa3: {  	[sflag:s31] =	ssyncset.done $0x0  }
0xa4: {  	s8 =	simm.s32 $0x0;
	[sflag:s31] =	ssyncadd.s32 $0xFFFFC000  }
0xa5: {  	v7 =	vld [tilespmem:s8+$0x0]  }
0xa6: {  	v12 =	vld [tilespmem:s8+$0x10]  }
0xa7: {  	v6 =	vld [tilespmem:s8+$0x20]  }
0xa8: {  	v5 =	vld [tilespmem:s8+$0x30]  }
0xa9: {  	v4 =	vld [tilespmem:s8+$0x40]  }
0xaa: {  	v3 =	vld [tilespmem:s8+$0x50]  }
0xab: {  	v2 =	vld [tilespmem:s8+$0x60]  }
0xac: {  	v1 =	vld [tilespmem:s8+$0x70]  }
0xad: {  	v13 =	vld [tilespmem:s8+$0x4000]  }
0xae: {  	v14 =	vld [tilespmem:s8+$0x4010]  }
0xaf: {  	v11 =	vld [tilespmem:s8+$0x4020]  }
0xb0: {  	v10 =	vld [tilespmem:s8+$0x4030]  }
0xb1: {  	v9 =	vld [tilespmem:s8+$0x4040]  }
0xb2: {  	v8 =	vld [tilespmem:s8+$0x4050];
	v13 =	vadd.f32 v7, v13  }
0xb3: {  	s10 =	simm.s32 $0x200;
	v12 =	vadd.f32 v12, v14;
	v7 =	vld [tilespmem:s8+$0x4060]  }
.LBB2_9:
0xb4: {  	s11 =	sshra.s32 s10, $0x2;
	p1 =	sne.s32 s10, $0xFE00;
	v13 =	vmax.f32 v13, $0.0e+00;
	v6 =	vadd.f32 v6, v11;
	v11 =	vld [tilespmem:s8+$0x4070]  }
0xb5: {  	v14 =	vld [tilespmem:s11+$0x0];
	[tilespmem:s8+$0x4000] =	vst v13;
	v12 =	vmax.f32 v12, $0.0e+00;
	v5 =	vadd.f32 v5, v10  }
0xb6: {  	v15 =	vld [tilespmem:s11+$0x10];
	[tilespmem:s8+$0x4010] =	vst v12;
	v10 =	vmax.f32 v6, $0.0e+00;
	v4 =	vadd.f32 v4, v9  }
0xb7: {  	v6 =	vld [tilespmem:s11+$0x20];
	[tilespmem:s8+$0x4020] =	vst v10;
	v9 =	vmax.f32 v5, $0.0e+00;
	v3 =	vadd.f32 v3, v8  }
0xb8: {  	v5 =	vld [tilespmem:s11+$0x30];
	[tilespmem:s8+$0x4030] =	vst v9;
	v8 =	vmax.f32 v4, $0.0e+00;
	v2 =	vadd.f32 v2, v7  }
0xb9: {  	v4 =	vld [tilespmem:s11+$0x40];
	[tilespmem:s8+$0x4040] =	vst v8;
	v7 =	vmax.f32 v3, $0.0e+00;
	v1 =	vadd.f32 v1, v11  }
0xba: {  	v3 =	vld [tilespmem:s11+$0x50];
	[tilespmem:s8+$0x4050] =	vst v7;
	v7 =	vmax.f32 v2, $0.0e+00  }
0xbb: {  	v2 =	vld [tilespmem:s11+$0x60];
	[tilespmem:s8+$0x4060] =	vst v7;
	v7 =	vmax.f32 v1, $0.0e+00  }
0xbc: {  	v1 =	vld [tilespmem:s11+$0x70];
	[tilespmem:s8+$0x4070] =	vst v7;
	s8 =	smov.u32 s11  }
0xbd: {  	v7 =	vld [tilespmem:s8+$0x4000]  }
0xbe: {  	v12 =	vld [tilespmem:s8+$0x4010]  }
.Ltmp3:
0xbf: {  	v11 =	vld [tilespmem:s8+$0x4020];
	(pc) =	sbr.rel @p1 .LBB2_9-.Ltmp3, $4  }
0xc0: {  	v10 =	vld [tilespmem:s8+$0x4030]  }
0xc1: {  	v9 =	vld [tilespmem:s8+$0x4040]  }
0xc2: {  	v13 =	vadd.f32 v14, v7;
	v8 =	vld [tilespmem:s8+$0x4050]  }
0xc3: {  	s10 =	sadd.s32 $0x200, s10;
	v12 =	vadd.f32 v15, v12;
	v7 =	vld [tilespmem:s8+$0x4060]  }
0xc4: {  	v13 =	vmax.f32 v13, $0.0e+00;
	v6 =	vadd.f32 v6, v11;
	v63 =	vld [tilespmem:s8+$0x4070]  }
0xc5: {  	[tilespmem:s8+$0x4000] =	vst v13;
	v12 =	vmax.f32 v12, $0.0e+00;
	v5 =	vadd.f32 v5, v10  }
0xc6: {  	[tilespmem:s8+$0x4010] =	vst v12;
	v6 =	vmax.f32 v6, $0.0e+00;
	v4 =	vadd.f32 v4, v9  }
0xc7: {  	[tilespmem:s8+$0x4020] =	vst v6;
	v5 =	vmax.f32 v5, $0.0e+00;
	v3 =	vadd.f32 v3, v8  }
0xc8: {  	[tilespmem:s8+$0x4030] =	vst v5;
	v4 =	vmax.f32 v4, $0.0e+00;
	v2 =	vadd.f32 v2, v7  }
0xc9: {  	[tilespmem:s8+$0x4040] =	vst v4;
	v3 =	vmax.f32 v3, $0.0e+00;
	v1 =	vadd.f32 v1, v63  }
0xca: {  	s2 =	sadd.s32 $0x1, s2;
	[tilespmem:s8+$0x4050] =	vst v3;
	v2 =	vmax.f32 v2, $0.0e+00  }
0xcb: {  	p1 =	sne.s32 s2, $0x28;
	[tilespmem:s8+$0x4060] =	vst v2;
	v1 =	vmax.f32 v1, $0.0e+00  }
.Ltmp4:
0xcc: {  	s7 =	sadd.s32 $0x9400, s7;
	[tilespmem:s8+$0x4070] =	vst v1;
	(pc) =	sbr.rel @p1 .LBB2_8-.Ltmp4, $4  }
0xcd: {  	[spmem:s1] =	stream.indirect.scatter.add.f32 [tilespmem:s30], [sflag:$0x2], $0x80, s7, s29, $0xb8;
	[tilespmem:$0x1E080] =	vst v63  }
0xce: {  	_ =	swait.ge [sflag:s26], $0x4000  }
0xcf: {  	[sflag:s26] =	ssyncset.done $0x0  }
0xd0: {  	[sflag:s26] =	ssyncadd.s32 $0xFFFFC000  }
0xd1: {  	[bflag:$0x0] =	sbarrier.arrive $0xFFFF;
	s0 =	sshrl.u32 @p0 s9, $0x3;
	s2 =	simm.s32 @p0 $0x1FC2  }
0xd2: {  	[hbm:s23], [sflag:s2] =	dma.local @p0 [spmem:s0], $0x2800  }
0xd3: {  	s0 =	simm.s32 @p0 $0x2  }
0xd4: {  	s3 =	sadd.s32 $0x1, s3;
	s2 =	stileid.u32;
	_ =	swait.ge @p0 [sflag:s0], $0x2800  }
0xd5: {  	p1 =	sne.s32 s3, s24;
	s2 =	sshll.u32 @!p0 s2, $0x6;
	[sflag:s0] =	ssyncset.done @p0 $0x0  }
0xd6: {  	[sflag:s0] =	ssyncadd.s32 @p0 $0xFFFFD800;
	s0 =	sor.u32 @!p0 $0x1C02, s2;
	s2 =	sshrl.u32 @!p0 s6, $0x3  }
0xd7: {  	[hbm:s22], [sflag:s0] =	dma.local @!p0 [spmem:s2], $0x2700  }
.Ltmp5:
0xd8: {  	_ = 	snop;
	(pc) =	sbr.rel @p1 .LBB2_1-.Ltmp5, $4  }
0xd9: {  	s0 =	simm.s32 @!p0 $0x2  }
0xda: {  	_ =	swait.ge @!p0 [sflag:s0], $0x2700  }
0xdb: {  	[sflag:s0] =	ssyncset.done @!p0 $0x0  }
0xdc: {  	[sflag:s0] =	ssyncadd.s32 @!p0 $0xFFFFD900  }
0xdd: {  	_ =	sfence.sel $0x180000  }
0xde: {  	[bflag:$0x0] =	sbarrier.arrive $0xFFFF  }
0xdf: {  	_ =	strace $0x90000047  }
0xe0: {  	s0 =	stileid.u32;
	[bflag:$0x2] =	sbarrier.arrive $0xFFFF  }
0xe1: {  	p0 =	sne.s32 s0, $0x0;
	s0 =	rddreg [dreg:$0x2]  }
0xe2: {  	s0 =	sadd.s32 @!p0 $0x100000, s0  }
0xe3: {  	[sflag:s0] =	ssyncadd.tile.s32 @!p0 $0x1;
	_ =	shalt  }
.Lfunc_end2:
_tile_overlayer_lowered:
.L_overlay_start_2:
0xe4: {  	(tag) =	ssettag $0x2  }
0xe5: {  	s0 =	rddreg [dreg:$0x0];
	s2 =	stileid.u32  }
0xe6: {  	s1 =	rddreg [dreg:$0x1];
	p0 =	sne.s32 s2, $0x0  }
0xe7: {  	s3 =	rddreg [dreg:$0x2];
	[bflag:$0x3] =	sbarrier.arrive $0xFFFF;
	s2 =	simm.s32 @!p0 $0x1C02  }
0xe8: {  	[timem:s3], [sflag:s2] =	dma.local @!p0 [hbm:s0], s1  }
0xe9: {  	s0 =	simm.s32 @!p0 $0x2  }
0xea: {  	_ =	swait.ge @!p0 [sflag:s0], s1  }
0xeb: {  	s1 =	ssub.s32 @!p0 $0x0, s1;
	[sflag:s0] =	ssyncset.done @!p0 $0x0  }
0xec: {  	[sflag:s0] =	ssyncadd.s32 @!p0 s1  }
0xed: {  	[bflag:$0x3] =	sbarrier.arrive $0xFFFF  }
0xee: {  	_ =	shalt  }

// kernel: kernel.17.cloned.1.call-start
scs
__scs_entry_jumppad:
0x0: {  	(pc) =	sbr.rel $0x88, $3  }
0x1: {  	(tag) =	ssettag $0x0;
	lr =	simm.s32 $0x1  }
0x2: {  	[smem:$0x3F8A] =	sst lr;
	_ =	strace $0xD0000000  }
0x3: {  	_ = 	snop  }
0x4: {  	_ = 	snop  }
0x5: {  	_ = 	snop  }
0x6: {  	_ = 	snop  }
0x7: {  	_ = 	snop  }
__scs_overlays_trampoline_lowered:
0x8: {  	[smem:$0x3F99] =	sst s0  }
0x9: {  	[smem:$0x3F9A] =	sst s1  }
0xa: {  	[smem:$0x3F9B] =	sst s2  }
0xb: {  	[smem:$0x3F9C] =	sst s3  }
0xc: {  	[smem:$0x3F9D] =	sst s4  }
0xd: {  	[smem:$0x3F9E] =	sst s5  }
0xe: {  	[smem:$0x3F9F] =	sst s6  }
0xf: {  	[smem:$0x3FA0] =	sst s7  }
0x10: {  	[smem:$0x3FA1] =	sst s8  }
0x11: {  	[smem:$0x3FA2] =	sst s9;
	s0 =	simm.s32 @!p0 $0x0  }
0x12: {  	s1 =	sld [smem:$0x3F88];
	s0 =	simm.s32 @p0 $0x1  }
0x13: {  	[smem:$0x3FA3] =	sst s0;
	s0 =	simm.s32 @!p1 $0x0  }
0x14: {  	s2 =	sld [smem:$0x3F87];
	s0 =	simm.s32 @p1 $0x1  }
0x15: {  	[smem:$0x3FA4] =	sst s0;
	s0 =	simm.s32 @!p2 $0x0  }
0x16: {  	s3 =	sld [smem:$0x3FDB];
	s0 =	simm.s32 @p2 $0x1  }
0x17: {  	s4 =	simm.s32 $0x1BF5;
	[smem:$0x3FA6] =	sst s0  }
0x18: {  	s0 =	sld [smem:$0x3F89];
	_ =	swait.ge [sflag:s4], $0x0  }
0x19: {  	s7 =	sld [smem:$0x3F8A]  }
0x1a: {  	s8 =	sadd.s32 $0xFFFFE003, lr  }
0x1b: {  	s9 =	sadd.s32 $0xFFFFFEF7, lr;
	s5 =	simm.s32 $0xFFFFFFFF;
	p2 =	slt.u32 s8, $0xFFFFF086  }
0x1c: {  	p1 =	slt.u32 s9, $0xF7A;
	s5 =	simm.s32 @!p2 $0x0  }
0x1d: {  	s5 =	simm.s32 @p1 $0x1;
	p0 =	seq.s32 s7, s2  }
0x1e: {  	s7 =	smul.u32 @!p0 $0xF7A, s2;
	p2 =	seq.s32 @!p0 s5, $0x0  }
0x1f: {  	s9 =	smul.u32 $0xF7A, s1;
	s8 =	simm.s32 @!p0 $0x1BF5;
	p2 =	por !p2, p0  }
0x20: {  	[sflag:s8] =	ssyncset.s32 @!p0 $0xFFFFF086;
	s6 =	sadd.s32 @!p0 s3, s7;
	s7 =	simm.s32 @!p0 $0x108  }
0x21: {  	s3 =	sadd.s32 s3, s9;
	s6 =	sadd.s32 @!p0 $0x88, s6;
	s7 =	simm.s32 @p2 $0x1082  }
0x22: {  	[simem:s7], [sflag:s8] =	dma.local @!p0 [hbm:s6], $0xF7A  }
0x23: {  	s9 =	sor.u32 $0xD0000000, s2;
	s6 =	simm.s32 $0x108;
	_ =	swait.ge @!p0 [sflag:s8], $0x0  }
0x24: {  	s3 =	sadd.s32 $0x88, s3;
	s6 =	simm.s32 @!p1 $0x1082;
	[sflag:s4] =	ssyncset.s32 $0xFFFFF086  }
0x25: {  	[simem:s6], [sflag:s4] =	dma.local [hbm:s3], $0xF7A  }
0x26: {  	[smem:$0x3F8A] =	sst s1;
	(tag) =	ssettag s2;
	_ =	strace s9  }
0x27: {  	s1 =	sld [smem:$0x3F9A]  }
0x28: {  	s2 =	sld [smem:$0x3F9B]  }
0x29: {  	s4 =	sld [smem:$0x3F9D]  }
0x2a: {  	p0 =	seq.s32 s5, $0x0;
	s5 =	sld [smem:$0x3F9E]  }
0x2b: {  	s6 =	sld [smem:$0x3F9F]  }
0x2c: {  	s7 =	sld [smem:$0x3FA0]  }
0x2d: {  	s3 =	simm.s32 $0x108;
	s8 =	sld [smem:$0x3FA1]  }
0x2e: {  	s3 =	simm.s32 @!p0 $0x1082;
	s9 =	sld [smem:$0x3FA2]  }
0x2f: {  	lr =	sadd.s32 s0, s3;
	s0 =	sld [smem:$0x3F99]  }
0x30: {  	s3 =	sld [smem:$0x3F9C]  }
0x31: {  	[smem:$0x3FA5] =	sst s10  }
0x32: {  	s10 =	sld [smem:$0x3FA3];
	_ =	sdelay $0x3  }
0x33: {  	p0 =	seq.s32 s10, $0x1;
	s10 =	sld [smem:$0x3FA5];
	_ =	sdelay $0x3  }
0x34: {  	[smem:$0x3FA5] =	sst s10  }
0x35: {  	s10 =	sld [smem:$0x3FA4];
	_ =	sdelay $0x3  }
0x36: {  	p1 =	seq.s32 s10, $0x1;
	s10 =	sld [smem:$0x3FA5];
	_ =	sdelay $0x3  }
0x37: {  	[smem:$0x3FA5] =	sst s10  }
0x38: {  	s10 =	sld [smem:$0x3FA6]  }
0x39: {  	_ = 	snop;
	(pc) =	sbr.ind lr, $3  }
0x3a: {  	_ = 	snop  }
0x3b: {  	_ = 	snop  }
0x3c: {  	p2 =	seq.s32 s10, $0x1;
	s10 =	sld [smem:$0x3FA5]  }
0x3d: {  	_ =	shalt  }
0x3e: {  	_ =	shalt  }
0x3f: {  	_ =	shalt  }
0x40: {  	_ =	shalt  }
0x41: {  	_ =	shalt  }
0x42: {  	_ =	shalt  }
0x43: {  	_ =	shalt  }
0x44: {  	_ =	shalt  }
0x45: {  	_ =	shalt  }
0x46: {  	_ =	shalt  }
0x47: {  	_ =	shalt  }
0x48: {  	_ =	shalt  }
0x49: {  	_ =	shalt  }
0x4a: {  	_ =	shalt  }
0x4b: {  	_ =	shalt  }
0x4c: {  	_ =	shalt  }
0x4d: {  	_ =	shalt  }
0x4e: {  	_ =	shalt  }
0x4f: {  	_ =	shalt  }
0x50: {  	_ =	shalt  }
0x51: {  	_ =	shalt  }
0x52: {  	_ =	shalt  }
0x53: {  	_ =	shalt  }
0x54: {  	_ =	shalt  }
0x55: {  	_ =	shalt  }
0x56: {  	_ =	shalt  }
0x57: {  	_ =	shalt  }
0x58: {  	_ =	shalt  }
0x59: {  	_ =	shalt  }
0x5a: {  	_ =	shalt  }
0x5b: {  	_ =	shalt  }
0x5c: {  	_ =	shalt  }
0x5d: {  	_ =	shalt  }
0x5e: {  	_ =	shalt  }
0x5f: {  	_ =	shalt  }
0x60: {  	_ =	shalt  }
0x61: {  	_ =	shalt  }
0x62: {  	_ =	shalt  }
0x63: {  	_ =	shalt  }
0x64: {  	_ =	shalt  }
0x65: {  	_ =	shalt  }
0x66: {  	_ =	shalt  }
0x67: {  	_ =	shalt  }
0x68: {  	_ =	shalt  }
0x69: {  	_ =	shalt  }
0x6a: {  	_ =	shalt  }
0x6b: {  	_ =	shalt  }
0x6c: {  	_ =	shalt  }
0x6d: {  	_ =	shalt  }
0x6e: {  	_ =	shalt  }
0x6f: {  	_ =	shalt  }
0x70: {  	_ =	shalt  }
0x71: {  	_ =	shalt  }
0x72: {  	_ =	shalt  }
0x73: {  	_ =	shalt  }
0x74: {  	_ =	shalt  }
0x75: {  	_ =	shalt  }
0x76: {  	_ =	shalt  }
0x77: {  	_ =	shalt  }
0x78: {  	_ =	shalt  }
0x79: {  	_ =	shalt  }
0x7a: {  	_ =	shalt  }
0x7b: {  	_ =	shalt  }
0x7c: {  	_ =	shalt  }
0x7d: {  	_ =	shalt  }
0x7e: {  	_ =	shalt  }
0x7f: {  	_ =	shalt  }
0x80: {  	_ =	shalt  }
0x81: {  	_ =	shalt  }
0x82: {  	_ =	shalt  }
0x83: {  	_ =	shalt  }
0x84: {  	_ =	shalt  }
0x85: {  	_ =	shalt  }
0x86: {  	_ =	shalt  }
0x87: {  	_ =	shalt  }
.Lfunc_end0:
.L_simem_size_0:
called_computation.1_lowered:
.L_overlay_start_0:
0x88: {  	s2 =	sld [smem:$0x3FD9]  }
0x89: {  	s3 =	sld [smem:$0x3FFE];
	_ =	sdelay $0x1  }
0x8a: {  	s1 =	srdreg.scid  }
0x8b: {  	s0 =	sand.u32 $0x1, s1  }
0x8c: {  	s16 =	sshll.u32 s0, $0xA;
	s2 =	sadd.s32 s3, s2  }
0x8d: {  	s2 =	sadd.s32 s2, s16  }
0x8e: {  	[smem:$0x3FB1] =	sst s2  }
0x8f: {  	_ = 	snop  }
0x90: {  	(tm) =	ssettm $0x1  }
0x91: {  	s17 =	sld [smem:$0x3FFB];
	_ =	sdelay $0x3  }
0x92: {  	_ =	strace s17  }
0x93: {  	s2 =	sld [smem:$0x3FFC];
	_ =	sdelay $0x3  }
0x94: {  	_ =	strace s2  }
0x95: {  	s2 =	sld [smem:$0x3FFD];
	_ =	sdelay $0x3  }
0x96: {  	_ =	strace s2  }
0x97: {  	_ =	strace $0x8FFFFFFF  }
0x98: {  	s18 =	sld [smem:$0x3FDB];
	_ =	sdelay $0x1  }
0x99: {  	s19 =	simm.s32 $_scs_section_size  }
0x9a: {  	s4 =	simm.s32 $_size__tile_overlayer_lowered;
	s5 =	simm.s32 $_tile_overlayer_lowered  }
0x9b: {  	s22 =	simm.s32 $0x1BFF;
	s21 =	sshll.u32 s5, $0x1;
	s2 =	sadd.s32 s19, s18  }
0x9c: {  	s6 =	simm.s32 $0x0;
	s20 =	sshll.u32 s4, $0x1;
	s4 =	sadd.s32 s21, s2  }
0x9d: {  	[timem:s6], [sflag:s22] =	dma.local [hbm:s4], s20  }
0x9e: {  	_ =	swait.ge [sflag:s22], s20  }
0x9f: {  	s3 =	ssub.s32 $0x0, s20;
	[sflag:s22] =	ssyncset.done $0x0  }
0xa0: {  	[sflag:s22] =	ssyncadd.s32 s3;
	_ =	sdelay $0x1  }
0xa1: {  	s23 =	simm.s32 $0x1B8B  }
0xa2: {  	_ =	swait.ge [sflag:s23], $0x1  }
0xa3: {  	[sflag:s23] =	ssyncset.done $0x0  }
0xa4: {  	s25 =	simm.s32 $0x1B8E;
	s24 =	sld [smem:$0x3FFE];
	[sflag:s23] =	ssyncadd.s32 $0xFFFFFFFF  }
0xa5: {  	s26 =	simm.s32 $execute0_lowered;
	[smem:$0x3FD2] =	sst s25  }
0xa6: {  	s4 =	sshll.u32 s26, $0x1;
	_ =	strace $0x80000049;
	[dreg:$0x1] =	wrdreg $0xFFFFFFFF  }
0xa7: {  	s28 =	simm.s32 $_size_execute0_lowered;
	s2 =	sadd.s32 s2, s4;
	[dreg:$0x0] =	wrdreg $0x0  }
0xa8: {  	s4 =	sshll.u32 s28, $0x1;
	[dreg:$0x2] =	wrdreg s2  }
0xa9: {  	[dreg:$0x3] =	wrdreg s4  }
0xaa: {  	[dreg:$0x4] =	wrdreg $0xC0  }
0xab: {  	_ =	task [dreg:s6], $0x5FFFF  }
0xac: {  	[dreg:$0x1] =	wrdreg $0xFFFFFFFF  }
0xad: {  	[dreg:$0x0] =	wrdreg $0x60  }
0xae: {  	[dreg:$0x2] =	wrdreg s24  }
0xaf: {  	[dreg:$0x3] =	wrdreg $0xA8000  }
0xb0: {  	[dreg:$0x4] =	wrdreg $0x9  }
0xb1: {  	_ =	task.clear_ibuf [dreg:s6], $0x5FFFF;
	_ =	strace $0x90000049  }
0xb2: {  	s29 =	simm.s32 $0x9;
	_ =	strace $0x8000004B  }
0xb3: {  	_ =	swait.ge [sflag:s29], $0x1  }
0xb4: {  	[sflag:s29] =	ssyncadd.s32 $0xFFFFFFFF  }
0xb5: {  	_ =	strace $0x9000004B  }
0xb6: {  	_ =	sfence  }
0xb7: {  	s30 =	sld [smem:$0x0];
	_ =	sdelay $0x2  }
0xb8: {  	s31 =	sshll.u32 s1, $0xD;
	s1 =	sshrl.u32 s1, $0x2  }
0xb9: {  	s3 =	sand.u32 $0x4000, s31;
	s1 =	sadd.s32 s1, s30  }
0xba: {  	s0 =	sor.u32 s3, s0;
	s1 =	sshll.u32 s1, $0x11  }
0xbb: {  	s0 =	sor.u32 s1, s0  }
0xbc: {  	s0 =	sadd.s32 $0x8F2B, s0  }
0xbd: {  	[sflag:s0] =	ssyncadd.remote.s32 $0x1  }
0xbe: {  	_ =	sfence.sel $0xFFFF  }
0xbf: {  	[dreg:$0x0] =	wrdreg $0xFFFFFFFF;
	(pc) =	sbr.abs _section_cstart, $3  }
0xc0: {  	[dreg:$0x1] =	wrdreg $0xFFFFFFFF  }
0xc1: {  	_ =	task.clear_ibuf [dreg:s6], $0x2FFFF;
	_ =	strace $0x9FFFFFFF  }
0xc2: {  	(tm) =	ssettm $0x7FFFFFFF  }
0xc3: {  	_ =	shalt  }
tec
execute0_lowered:
.L_overlay_start_1:
0x0: {  	(tag) =	ssettag $0x1  }
0x1: {  	s0 =	rddreg [dreg:$0x0]  }
0x2: {  	s1 =	rddreg [dreg:$0x1];
	s3 =	simm.s32 $0x0;
	s11 =	stileid.u32  }
0x3: {  	s2 =	srdreg.scid;
	s28 =	simm.s32 $0x9400;
	s29 =	simm.s32 $0x80  }
0x4: {  	s30 =	simm.s32 $0x4000;
	s31 =	simm.s32 $0x1;
	[smem:$0x7FF] =	sst s3  }
0x5: {  	s4 =	sadd.s32 $0xEE9000, s0;
	s6 =	smul.u32 $0x4E000, s11;
	s7 =	sadd.s32 $0x11000, s0  }
0x6: {  	s8 =	sadd.s32 $0x7000, s0;
	s2 =	sand.u32 $0x1, s2;
	s16 =	smul.u32 $0x2800, s11  }
0x7: {  	s5 =	sadd.s32 $0x1B000, s0;
	s25 =	sadd.s32 $0x128800, s1;
	s18 =	smul.u32 $0x140000, s11  }
0x8: {  	s0 =	sadd.s32 $0x42200, s0;
	s13 =	sadd.s32 $0x12C800, s1;
	s20 =	smul.u32 $0x13800, s11  }
0x9: {  	s14 =	sadd.s32 $0x130800, s1;
	p0 =	seq.s32 s11, $0xF;
	s15 =	smul.u32 $0x28000, s2  }
0xa: {  	_ =	strace $0x8000004A;
	s9 =	ssub.s32 $0x2, s2;
	s17 =	smul.u32 $0x1400000, s2  }
0xb: {  	[dreg:$0x6] =	wrdreg s25;
	s2 =	smul.u32 $0x138800, s2;
	s6 =	sshrl.u32 s6, $0x2  }
0xc: {  	s25 =	simm.s32 $0x8000;
	s10 =	sshrl.u32 s9, $0x1;
	s6 =	sadd.s32 s6, s1  }
0xd: {  	s10 =	ssub.s32 s9, s10;
	s9 =	sadd.s32 $0x124800, s1;
	s16 =	sadd.s32 s16, s15  }
0xe: {  	s15 =	sadd.s32 $0x134800, s1;
	s17 =	sadd.s32 s18, s17;
	s23 =	sadd.s32 $0x4000, s6  }
0xf: {  	s26 =	sadd.s32 s20, s2;
	s24 =	sadd.s32 $0x8000, s6;
	[dreg:$0x3] =	wrdreg s23  }
0x10: {  	s2 =	sshrl.u32 s2, $0x3;
	s12 =	sadd.s32 $0xC000, s6;
	[dreg:$0x4] =	wrdreg s24  }
0x11: {  	s19 =	sshrl.u32 s16, $0x3;
	[dreg:$0x5] =	wrdreg s12;
	s12 =	sadd.s32 $0x10000, s6  }
0x12: {  	s16 =	sadd.s32 s7, s19;
	s21 =	sadd.s32 $0x280, s19;
	s18 =	sadd.s32 s8, s19  }
0x13: {  	s24 =	smax.u32 s10, $0x1;
	s19 =	sadd.s32 s7, s21;
	s7 =	sshrl.u32 s26, $0x3  }
0x14: {  	s20 =	sadd.s32 s8, s21;
	s22 =	sadd.s32 s0, s7;
	s0 =	sadd.s32 s0, s2  }
0x15: {  	v0 =	vimm.f32 $0.0e+00;
	s21 =	sadd.s32 $0xA0000, s17;
	s26 =	simm.s32 $0x2;
	s23 =	sadd.s32 $0x24900, s0  }
.LBB2_1:
0x16: {  	s0 =	simm.s32 $0x0;
	s2 =	simm.s32 $0x200  }
.LBB2_2:
0x17: {  	p1 =	sne.s32 s2, $0xFE00;
	[tilespmem:s0+$0x4070] =	vst v0  }
0x18: {  	[tilespmem:s0+$0x4000] =	vst v0  }
0x19: {  	[tilespmem:s0+$0x4010] =	vst v0  }
.Ltmp0:
0x1a: {  	[tilespmem:s0+$0x4020] =	vst v0;
	(pc) =	sbr.rel @p1 .LBB2_2-.Ltmp0, $4  }
0x1b: {  	[tilespmem:s0+$0x4030] =	vst v0  }
0x1c: {  	[tilespmem:s0+$0x4040] =	vst v0  }
0x1d: {  	[tilespmem:s0+$0x4050] =	vst v0  }
0x1e: {  	[tilespmem:s0+$0x4060] =	vst v0;
	s0 =	sshra.s32 s2, $0x2;
	s2 =	sadd.s32 $0x200, s2  }
0x1f: {  	[tilespmem:s0+$0x4070] =	vst v0  }
0x20: {  	[tilespmem:s0+$0x4000] =	vst v0  }
0x21: {  	[tilespmem:s0+$0x4010] =	vst v0  }
0x22: {  	[tilespmem:s0+$0x4020] =	vst v0  }
0x23: {  	[tilespmem:s0+$0x4030] =	vst v0  }
0x24: {  	[tilespmem:s0+$0x4040] =	vst v0  }
0x25: {  	[tilespmem:s0+$0x4050] =	vst v0  }
0x26: {  	[tilespmem:s0+$0x4060] =	vst v0;
	s0 =	simm.s32 @p0 $0x4000;
	s2 =	simm.s32 @p0 $0x2  }
0x27: {  	[spmem:s9] =	stream.linear.scatter @p0 [tilespmem:s0], [sflag:$0x2], $0x4000, $0x38;
	[tilespmem:$0x1E080] =	vst v63  }
0x28: {  	_ =	swait.ge @p0 [sflag:s2], $0x4000  }
0x29: {  	[sflag:s2] =	ssyncset.done @p0 $0x0  }
0x2a: {  	s7 =	rddreg [dreg:$0x6];
	[sflag:s2] =	ssyncadd.s32 @p0 $0xFFFFC000  }
0x2b: {  	[spmem:s7] =	stream.linear.scatter @p0 [tilespmem:s0], [sflag:$0x2], $0x4000, $0x38;
	[tilespmem:$0x1E080] =	vst v63  }
0x2c: {  	_ =	swait.ge @p0 [sflag:s2], $0x4000  }
0x2d: {  	[sflag:s2] =	ssyncset.done @p0 $0x0  }
0x2e: {  	[sflag:s2] =	ssyncadd.s32 @p0 $0xFFFFC000  }
0x2f: {  	[spmem:s13] =	stream.linear.scatter @p0 [tilespmem:s0], [sflag:$0x2], $0x4000, $0x38;
	[tilespmem:$0x1E080] =	vst v63  }
0x30: {  	_ =	swait.ge @p0 [sflag:s2], $0x4000  }
0x31: {  	[sflag:s2] =	ssyncset.done @p0 $0x0  }
0x32: {  	[sflag:s2] =	ssyncadd.s32 @p0 $0xFFFFC000  }
0x33: {  	[spmem:s14] =	stream.linear.scatter @p0 [tilespmem:s0], [sflag:$0x2], $0x4000, $0x38;
	[tilespmem:$0x1E080] =	vst v63  }
0x34: {  	_ =	swait.ge @p0 [sflag:s2], $0x4000  }
0x35: {  	[sflag:s2] =	ssyncset.done @p0 $0x0  }
0x36: {  	[sflag:s2] =	ssyncadd.s32 @p0 $0xFFFFC000  }
0x37: {  	[spmem:s15] =	stream.linear.scatter @p0 [tilespmem:s0], [sflag:$0x2], $0x4000, $0x38;
	[tilespmem:$0x1E080] =	vst v63  }
0x38: {  	_ =	swait.ge @p0 [sflag:s2], $0x4000  }
0x39: {  	[sflag:s2] =	ssyncset.done @p0 $0x0  }
0x3a: {  	s0 =	simm.s32 @!p0 $0x4000;
	[sflag:s2] =	ssyncadd.s32 @p0 $0xFFFFC000;
	s2 =	simm.s32 @!p0 $0x2  }
0x3b: {  	[spmem:s6] =	stream.linear.scatter @!p0 [tilespmem:s0], [sflag:$0x2], $0x4000, $0x38;
	[tilespmem:$0x1E080] =	vst v63  }
0x3c: {  	_ =	swait.ge @!p0 [sflag:s2], $0x4000  }
0x3d: {  	[sflag:s2] =	ssyncset.done @!p0 $0x0  }
0x3e: {  	s7 =	rddreg [dreg:$0x3];
	[sflag:s2] =	ssyncadd.s32 @!p0 $0xFFFFC000  }
0x3f: {  	[spmem:s7] =	stream.linear.scatter @!p0 [tilespmem:s0], [sflag:$0x2], $0x4000, $0x38;
	[tilespmem:$0x1E080] =	vst v63  }
0x40: {  	_ =	swait.ge @!p0 [sflag:s2], $0x4000  }
0x41: {  	[sflag:s2] =	ssyncset.done @!p0 $0x0  }
0x42: {  	s7 =	rddreg [dreg:$0x4];
	[sflag:s2] =	ssyncadd.s32 @!p0 $0xFFFFC000  }
0x43: {  	[spmem:s7] =	stream.linear.scatter @!p0 [tilespmem:s0], [sflag:$0x2], $0x4000, $0x38;
	[tilespmem:$0x1E080] =	vst v63  }
0x44: {  	_ =	swait.ge @!p0 [sflag:s2], $0x4000  }
0x45: {  	[sflag:s2] =	ssyncset.done @!p0 $0x0  }
0x46: {  	s7 =	rddreg [dreg:$0x5];
	[sflag:s2] =	ssyncadd.s32 @!p0 $0xFFFFC000  }
0x47: {  	[spmem:s7] =	stream.linear.scatter @!p0 [tilespmem:s0], [sflag:$0x2], $0x4000, $0x38;
	[tilespmem:$0x1E080] =	vst v63  }
0x48: {  	_ =	swait.ge @!p0 [sflag:s2], $0x4000  }
0x49: {  	[sflag:s2] =	ssyncset.done @!p0 $0x0  }
0x4a: {  	[sflag:s2] =	ssyncadd.s32 @!p0 $0xFFFFC000  }
0x4b: {  	[spmem:s12] =	stream.linear.scatter @!p0 [tilespmem:s0], [sflag:$0x2], $0x3800, $0x38;
	[tilespmem:$0x1E080] =	vst v63  }
0x4c: {  	_ =	swait.ge @!p0 [sflag:s2], $0x3800  }
0x4d: {  	[sflag:s2] =	ssyncset.done @!p0 $0x0  }
0x4e: {  	[sflag:s2] =	ssyncadd.s32 @!p0 $0xFFFFC800  }
0x4f: {  	s0 =	simm.s32 $0x0;
	[bflag:$0x0] =	sbarrier.arrive $0xFFFF  }
0x50: {  	[tilespmem:s25], [sflag:$0x2] =	stream.linear.gather [hbm4b:s16+s0], $0x1400, $0x38;
	[tilespmem:$0x1E080] =	vst v63  }
0x51: {  	_ =	swait.ge [sflag:s26], $0x1400  }
0x52: {  	[sflag:s26] =	ssyncset.done $0x0  }
0x53: {  	[sflag:s26] =	ssyncadd.s32 $0xFFFFEC00  }
0x54: {  	[tilespmem:s28], [sflag:$0x2] =	stream.linear.gather [hbm4b:s18+s0], $0x1400, $0x38;
	[tilespmem:$0x1E080] =	vst v63  }
0x55: {  	_ =	swait.ge [sflag:s26], $0x1400  }
0x56: {  	[sflag:s26] =	ssyncset.done $0x0  }
0x57: {  	s2 =	simm.s32 $0x0;
	[sflag:s26] =	ssyncadd.s32 $0xFFFFEC00  }
.LBB2_4:
0x58: {  	s7 =	sshll.u32 s2, $0xE  }
0x59: {  	s7 =	sadd.s32 s7, s17  }
0x5a: {  	s7 =	sshrl.u32 s7, $0x3  }
0x5b: {  	s7 =	sadd.s32 s4, s7  }
0x5c: {  	[tilespmem:s0], [sflag:$0x2] =	stream.linear.gather [hbm4b:s7+s0], $0x4000, $0x38;
	[tilespmem:$0x1E080] =	vst v63  }
0x5d: {  	_ =	swait.ge [sflag:s26], $0x4000  }
0x5e: {  	s7 =	sshll.u32 s2, $0x7;
	[sflag:s26] =	ssyncset.done $0x0  }
0x5f: {  	s8 =	sadd.s32 $0x8000, s7;
	[sflag:s26] =	ssyncadd.s32 $0xFFFFC000  }
0x60: {  	[tilespmem:s30], [sflag:$0x1] =	stream.indirect.gather [hbm4b:s5+s29], $0x80, s8, s29, $0xb8;
	[tilespmem:$0x1E080] =	vst v63  }
0x61: {  	_ =	swait.ge [sflag:s31], $0x4000  }
0x62: {  	[sflag:s31] =	ssyncset.done $0x0  }
0x63: {  	s8 =	simm.s32 $0x0;
	[sflag:s31] =	ssyncadd.s32 $0xFFFFC000  }
0x64: {  	v7 =	vld [tilespmem:s8+$0x0]  }
0x65: {  	v12 =	vld [tilespmem:s8+$0x10]  }
0x66: {  	v6 =	vld [tilespmem:s8+$0x20]  }
0x67: {  	v5 =	vld [tilespmem:s8+$0x30]  }
0x68: {  	v4 =	vld [tilespmem:s8+$0x40]  }
0x69: {  	v3 =	vld [tilespmem:s8+$0x50]  }
0x6a: {  	v2 =	vld [tilespmem:s8+$0x60]  }
0x6b: {  	v1 =	vld [tilespmem:s8+$0x70]  }
0x6c: {  	v13 =	vld [tilespmem:s8+$0x4000]  }
0x6d: {  	v14 =	vld [tilespmem:s8+$0x4010]  }
0x6e: {  	v11 =	vld [tilespmem:s8+$0x4020]  }
0x6f: {  	v10 =	vld [tilespmem:s8+$0x4030]  }
0x70: {  	v9 =	vld [tilespmem:s8+$0x4040]  }
0x71: {  	v8 =	vld [tilespmem:s8+$0x4050];
	v13 =	vadd.f32 v7, v13  }
0x72: {  	s10 =	simm.s32 $0x200;
	v12 =	vadd.f32 v12, v14;
	v7 =	vld [tilespmem:s8+$0x4060]  }
.LBB2_5:
0x73: {  	s11 =	sshra.s32 s10, $0x2;
	p1 =	sne.s32 s10, $0xFE00;
	v13 =	vmax.f32 v13, $0.0e+00;
	v6 =	vadd.f32 v6, v11;
	v11 =	vld [tilespmem:s8+$0x4070]  }
0x74: {  	v14 =	vld [tilespmem:s11+$0x0];
	[tilespmem:s8+$0x4000] =	vst v13;
	v12 =	vmax.f32 v12, $0.0e+00;
	v5 =	vadd.f32 v5, v10  }
0x75: {  	v15 =	vld [tilespmem:s11+$0x10];
	[tilespmem:s8+$0x4010] =	vst v12;
	v10 =	vmax.f32 v6, $0.0e+00;
	v4 =	vadd.f32 v4, v9  }
0x76: {  	v6 =	vld [tilespmem:s11+$0x20];
	[tilespmem:s8+$0x4020] =	vst v10;
	v9 =	vmax.f32 v5, $0.0e+00;
	v3 =	vadd.f32 v3, v8  }
0x77: {  	v5 =	vld [tilespmem:s11+$0x30];
	[tilespmem:s8+$0x4030] =	vst v9;
	v8 =	vmax.f32 v4, $0.0e+00;
	v2 =	vadd.f32 v2, v7  }
0x78: {  	v4 =	vld [tilespmem:s11+$0x40];
	[tilespmem:s8+$0x4040] =	vst v8;
	v7 =	vmax.f32 v3, $0.0e+00;
	v1 =	vadd.f32 v1, v11  }
0x79: {  	v3 =	vld [tilespmem:s11+$0x50];
	[tilespmem:s8+$0x4050] =	vst v7;
	v7 =	vmax.f32 v2, $0.0e+00  }
0x7a: {  	v2 =	vld [tilespmem:s11+$0x60];
	[tilespmem:s8+$0x4060] =	vst v7;
	v7 =	vmax.f32 v1, $0.0e+00  }
0x7b: {  	v1 =	vld [tilespmem:s11+$0x70];
	[tilespmem:s8+$0x4070] =	vst v7;
	s8 =	smov.u32 s11  }
0x7c: {  	v7 =	vld [tilespmem:s8+$0x4000]  }
0x7d: {  	v12 =	vld [tilespmem:s8+$0x4010]  }
.Ltmp1:
0x7e: {  	v11 =	vld [tilespmem:s8+$0x4020];
	(pc) =	sbr.rel @p1 .LBB2_5-.Ltmp1, $4  }
0x7f: {  	v10 =	vld [tilespmem:s8+$0x4030]  }
0x80: {  	v9 =	vld [tilespmem:s8+$0x4040]  }
0x81: {  	v13 =	vadd.f32 v14, v7;
	v8 =	vld [tilespmem:s8+$0x4050]  }
0x82: {  	s10 =	sadd.s32 $0x200, s10;
	v12 =	vadd.f32 v15, v12;
	v7 =	vld [tilespmem:s8+$0x4060]  }
0x83: {  	v13 =	vmax.f32 v13, $0.0e+00;
	v6 =	vadd.f32 v6, v11;
	v63 =	vld [tilespmem:s8+$0x4070]  }
0x84: {  	[tilespmem:s8+$0x4000] =	vst v13;
	v12 =	vmax.f32 v12, $0.0e+00;
	v5 =	vadd.f32 v5, v10  }
0x85: {  	[tilespmem:s8+$0x4010] =	vst v12;
	v6 =	vmax.f32 v6, $0.0e+00;
	v4 =	vadd.f32 v4, v9  }
0x86: {  	[tilespmem:s8+$0x4020] =	vst v6;
	v5 =	vmax.f32 v5, $0.0e+00;
	v3 =	vadd.f32 v3, v8  }
0x87: {  	[tilespmem:s8+$0x4030] =	vst v5;
	v4 =	vmax.f32 v4, $0.0e+00;
	v2 =	vadd.f32 v2, v7  }
0x88: {  	[tilespmem:s8+$0x4040] =	vst v4;
	v3 =	vmax.f32 v3, $0.0e+00;
	v1 =	vadd.f32 v1, v63  }
0x89: {  	s2 =	sadd.s32 $0x1, s2;
	[tilespmem:s8+$0x4050] =	vst v3;
	v2 =	vmax.f32 v2, $0.0e+00  }
0x8a: {  	p1 =	sne.s32 s2, $0x28;
	[tilespmem:s8+$0x4060] =	vst v2;
	v1 =	vmax.f32 v1, $0.0e+00  }
.Ltmp2:
0x8b: {  	s7 =	sadd.s32 $0x9400, s7;
	[tilespmem:s8+$0x4070] =	vst v1;
	(pc) =	sbr.rel @p1 .LBB2_4-.Ltmp2, $4  }
0x8c: {  	[spmem:s1] =	stream.indirect.scatter.add.f32 [tilespmem:s30], [sflag:$0x2], $0x80, s7, s29, $0xb8;
	[tilespmem:$0x1E080] =	vst v63  }
0x8d: {  	_ =	swait.ge [sflag:s26], $0x4000  }
0x8e: {  	[sflag:s26] =	ssyncset.done $0x0  }
0x8f: {  	[sflag:s26] =	ssyncadd.s32 $0xFFFFC000  }
0x90: {  	s0 =	simm.s32 $0x0  }
0x91: {  	[tilespmem:s25], [sflag:$0x2] =	stream.linear.gather [hbm4b:s19+s0], $0x1400, $0x38;
	[tilespmem:$0x1E080] =	vst v63  }
0x92: {  	_ =	swait.ge [sflag:s26], $0x1400  }
0x93: {  	[sflag:s26] =	ssyncset.done $0x0  }
0x94: {  	[sflag:s26] =	ssyncadd.s32 $0xFFFFEC00  }
0x95: {  	[tilespmem:s28], [sflag:$0x2] =	stream.linear.gather [hbm4b:s20+s0], $0x1400, $0x38;
	[tilespmem:$0x1E080] =	vst v63  }
0x96: {  	_ =	swait.ge [sflag:s26], $0x1400  }
0x97: {  	[sflag:s26] =	ssyncset.done $0x0  }
0x98: {  	s2 =	simm.s32 $0x0;
	[sflag:s26] =	ssyncadd.s32 $0xFFFFEC00  }
.LBB2_8:
0x99: {  	s7 =	sshll.u32 s2, $0xE  }
0x9a: {  	s7 =	sadd.s32 s7, s21  }
0x9b: {  	s7 =	sshrl.u32 s7, $0x3  }
0x9c: {  	s7 =	sadd.s32 s4, s7  }
0x9d: {  	[tilespmem:s0], [sflag:$0x2] =	stream.linear.gather [hbm4b:s7+s0], $0x4000, $0x38;
	[tilespmem:$0x1E080] =	vst v63  }
0x9e: {  	_ =	swait.ge [sflag:s26], $0x4000  }
0x9f: {  	s7 =	sshll.u32 s2, $0x7;
	[sflag:s26] =	ssyncset.done $0x0  }
0xa0: {  	s8 =	sadd.s32 $0x8000, s7;
	[sflag:s26] =	ssyncadd.s32 $0xFFFFC000  }
0xa1: {  	[tilespmem:s30], [sflag:$0x1] =	stream.indirect.gather [hbm4b:s5+s29], $0x80, s8, s29, $0xb8;
	[tilespmem:$0x1E080] =	vst v63  }
0xa2: {  	_ =	swait.ge [sflag:s31], $0x4000  }
0xa3: {  	[sflag:s31] =	ssyncset.done $0x0  }
0xa4: {  	s8 =	simm.s32 $0x0;
	[sflag:s31] =	ssyncadd.s32 $0xFFFFC000  }
0xa5: {  	v7 =	vld [tilespmem:s8+$0x0]  }
0xa6: {  	v12 =	vld [tilespmem:s8+$0x10]  }
0xa7: {  	v6 =	vld [tilespmem:s8+$0x20]  }
0xa8: {  	v5 =	vld [tilespmem:s8+$0x30]  }
0xa9: {  	v4 =	vld [tilespmem:s8+$0x40]  }
0xaa: {  	v3 =	vld [tilespmem:s8+$0x50]  }
0xab: {  	v2 =	vld [tilespmem:s8+$0x60]  }
0xac: {  	v1 =	vld [tilespmem:s8+$0x70]  }
0xad: {  	v13 =	vld [tilespmem:s8+$0x4000]  }
0xae: {  	v14 =	vld [tilespmem:s8+$0x4010]  }
0xaf: {  	v11 =	vld [tilespmem:s8+$0x4020]  }
0xb0: {  	v10 =	vld [tilespmem:s8+$0x4030]  }
0xb1: {  	v9 =	vld [tilespmem:s8+$0x4040]  }
0xb2: {  	v8 =	vld [tilespmem:s8+$0x4050];
	v13 =	vadd.f32 v7, v13  }
0xb3: {  	s10 =	simm.s32 $0x200;
	v12 =	vadd.f32 v12, v14;
	v7 =	vld [tilespmem:s8+$0x4060]  }
.LBB2_9:
0xb4: {  	s11 =	sshra.s32 s10, $0x2;
	p1 =	sne.s32 s10, $0xFE00;
	v13 =	vmax.f32 v13, $0.0e+00;
	v6 =	vadd.f32 v6, v11;
	v11 =	vld [tilespmem:s8+$0x4070]  }
0xb5: {  	v14 =	vld [tilespmem:s11+$0x0];
	[tilespmem:s8+$0x4000] =	vst v13;
	v12 =	vmax.f32 v12, $0.0e+00;
	v5 =	vadd.f32 v5, v10  }
0xb6: {  	v15 =	vld [tilespmem:s11+$0x10];
	[tilespmem:s8+$0x4010] =	vst v12;
	v10 =	vmax.f32 v6, $0.0e+00;
	v4 =	vadd.f32 v4, v9  }
0xb7: {  	v6 =	vld [tilespmem:s11+$0x20];
	[tilespmem:s8+$0x4020] =	vst v10;
	v9 =	vmax.f32 v5, $0.0e+00;
	v3 =	vadd.f32 v3, v8  }
0xb8: {  	v5 =	vld [tilespmem:s11+$0x30];
	[tilespmem:s8+$0x4030] =	vst v9;
	v8 =	vmax.f32 v4, $0.0e+00;
	v2 =	vadd.f32 v2, v7  }
0xb9: {  	v4 =	vld [tilespmem:s11+$0x40];
	[tilespmem:s8+$0x4040] =	vst v8;
	v7 =	vmax.f32 v3, $0.0e+00;
	v1 =	vadd.f32 v1, v11  }
0xba: {  	v3 =	vld [tilespmem:s11+$0x50];
	[tilespmem:s8+$0x4050] =	vst v7;
	v7 =	vmax.f32 v2, $0.0e+00  }
0xbb: {  	v2 =	vld [tilespmem:s11+$0x60];
	[tilespmem:s8+$0x4060] =	vst v7;
	v7 =	vmax.f32 v1, $0.0e+00  }
0xbc: {  	v1 =	vld [tilespmem:s11+$0x70];
	[tilespmem:s8+$0x4070] =	vst v7;
	s8 =	smov.u32 s11  }
0xbd: {  	v7 =	vld [tilespmem:s8+$0x4000]  }
0xbe: {  	v12 =	vld [tilespmem:s8+$0x4010]  }
.Ltmp3:
0xbf: {  	v11 =	vld [tilespmem:s8+$0x4020];
	(pc) =	sbr.rel @p1 .LBB2_9-.Ltmp3, $4  }
0xc0: {  	v10 =	vld [tilespmem:s8+$0x4030]  }
0xc1: {  	v9 =	vld [tilespmem:s8+$0x4040]  }
0xc2: {  	v13 =	vadd.f32 v14, v7;
	v8 =	vld [tilespmem:s8+$0x4050]  }
0xc3: {  	s10 =	sadd.s32 $0x200, s10;
	v12 =	vadd.f32 v15, v12;
	v7 =	vld [tilespmem:s8+$0x4060]  }
0xc4: {  	v13 =	vmax.f32 v13, $0.0e+00;
	v6 =	vadd.f32 v6, v11;
	v63 =	vld [tilespmem:s8+$0x4070]  }
0xc5: {  	[tilespmem:s8+$0x4000] =	vst v13;
	v12 =	vmax.f32 v12, $0.0e+00;
	v5 =	vadd.f32 v5, v10  }
0xc6: {  	[tilespmem:s8+$0x4010] =	vst v12;
	v6 =	vmax.f32 v6, $0.0e+00;
	v4 =	vadd.f32 v4, v9  }
0xc7: {  	[tilespmem:s8+$0x4020] =	vst v6;
	v5 =	vmax.f32 v5, $0.0e+00;
	v3 =	vadd.f32 v3, v8  }
0xc8: {  	[tilespmem:s8+$0x4030] =	vst v5;
	v4 =	vmax.f32 v4, $0.0e+00;
	v2 =	vadd.f32 v2, v7  }
0xc9: {  	[tilespmem:s8+$0x4040] =	vst v4;
	v3 =	vmax.f32 v3, $0.0e+00;
	v1 =	vadd.f32 v1, v63  }
0xca: {  	s2 =	sadd.s32 $0x1, s2;
	[tilespmem:s8+$0x4050] =	vst v3;
	v2 =	vmax.f32 v2, $0.0e+00  }
0xcb: {  	p1 =	sne.s32 s2, $0x28;
	[tilespmem:s8+$0x4060] =	vst v2;
	v1 =	vmax.f32 v1, $0.0e+00  }
.Ltmp4:
0xcc: {  	s7 =	sadd.s32 $0x9400, s7;
	[tilespmem:s8+$0x4070] =	vst v1;
	(pc) =	sbr.rel @p1 .LBB2_8-.Ltmp4, $4  }
0xcd: {  	[spmem:s1] =	stream.indirect.scatter.add.f32 [tilespmem:s30], [sflag:$0x2], $0x80, s7, s29, $0xb8;
	[tilespmem:$0x1E080] =	vst v63  }
0xce: {  	_ =	swait.ge [sflag:s26], $0x4000  }
0xcf: {  	[sflag:s26] =	ssyncset.done $0x0  }
0xd0: {  	[sflag:s26] =	ssyncadd.s32 $0xFFFFC000  }
0xd1: {  	[bflag:$0x0] =	sbarrier.arrive $0xFFFF;
	s0 =	sshrl.u32 @p0 s9, $0x3;
	s2 =	simm.s32 @p0 $0x1FC2  }
0xd2: {  	[hbm:s23], [sflag:s2] =	dma.local @p0 [spmem:s0], $0x2800  }
0xd3: {  	s0 =	simm.s32 @p0 $0x2  }
0xd4: {  	s3 =	sadd.s32 $0x1, s3;
	s2 =	stileid.u32;
	_ =	swait.ge @p0 [sflag:s0], $0x2800  }
0xd5: {  	p1 =	sne.s32 s3, s24;
	s2 =	sshll.u32 @!p0 s2, $0x6;
	[sflag:s0] =	ssyncset.done @p0 $0x0  }
0xd6: {  	[sflag:s0] =	ssyncadd.s32 @p0 $0xFFFFD800;
	s0 =	sor.u32 @!p0 $0x1C02, s2;
	s2 =	sshrl.u32 @!p0 s6, $0x3  }
0xd7: {  	[hbm:s22], [sflag:s0] =	dma.local @!p0 [spmem:s2], $0x2700  }
.Ltmp5:
0xd8: {  	_ = 	snop;
	(pc) =	sbr.rel @p1 .LBB2_1-.Ltmp5, $4  }
0xd9: {  	s0 =	simm.s32 @!p0 $0x2  }
0xda: {  	_ =	swait.ge @!p0 [sflag:s0], $0x2700  }
0xdb: {  	[sflag:s0] =	ssyncset.done @!p0 $0x0  }
0xdc: {  	[sflag:s0] =	ssyncadd.s32 @!p0 $0xFFFFD900  }
0xdd: {  	_ =	sfence.sel $0x180000  }
0xde: {  	[bflag:$0x0] =	sbarrier.arrive $0xFFFF  }
0xdf: {  	_ =	strace $0x9000004A  }
0xe0: {  	s0 =	stileid.u32;
	[bflag:$0x2] =	sbarrier.arrive $0xFFFF  }
0xe1: {  	p0 =	sne.s32 s0, $0x0;
	s0 =	rddreg [dreg:$0x2]  }
0xe2: {  	s0 =	sadd.s32 @!p0 $0x100000, s0  }
0xe3: {  	[sflag:s0] =	ssyncadd.tile.s32 @!p0 $0x1;
	_ =	shalt  }
.Lfunc_end2:
_tile_overlayer_lowered:
.L_overlay_start_2:
0xe4: {  	(tag) =	ssettag $0x2  }
0xe5: {  	s0 =	rddreg [dreg:$0x0];
	s2 =	stileid.u32  }
0xe6: {  	s1 =	rddreg [dreg:$0x1];
	p0 =	sne.s32 s2, $0x0  }
0xe7: {  	s3 =	rddreg [dreg:$0x2];
	[bflag:$0x3] =	sbarrier.arrive $0xFFFF;
	s2 =	simm.s32 @!p0 $0x1C02  }
0xe8: {  	[timem:s3], [sflag:s2] =	dma.local @!p0 [hbm:s0], s1  }
0xe9: {  	s0 =	simm.s32 @!p0 $0x2  }
0xea: {  	_ =	swait.ge @!p0 [sflag:s0], s1  }
0xeb: {  	s1 =	ssub.s32 @!p0 $0x0, s1;
	[sflag:s0] =	ssyncset.done @!p0 $0x0  }
0xec: {  	[sflag:s0] =	ssyncadd.s32 @!p0 s1  }
0xed: {  	[bflag:$0x3] =	sbarrier.arrive $0xFFFF  }
0xee: {  	_ =	shalt  }

// kernel: kernel.20.cloned.1.call-start
scs
__scs_entry_jumppad:
0x0: {  	(pc) =	sbr.rel $0x88, $3  }
0x1: {  	(tag) =	ssettag $0x0;
	lr =	simm.s32 $0x1  }
0x2: {  	[smem:$0x3F8A] =	sst lr;
	_ =	strace $0xD0000000  }
0x3: {  	_ = 	snop  }
0x4: {  	_ = 	snop  }
0x5: {  	_ = 	snop  }
0x6: {  	_ = 	snop  }
0x7: {  	_ = 	snop  }
__scs_overlays_trampoline_lowered:
0x8: {  	[smem:$0x3F99] =	sst s0  }
0x9: {  	[smem:$0x3F9A] =	sst s1  }
0xa: {  	[smem:$0x3F9B] =	sst s2  }
0xb: {  	[smem:$0x3F9C] =	sst s3  }
0xc: {  	[smem:$0x3F9D] =	sst s4  }
0xd: {  	[smem:$0x3F9E] =	sst s5  }
0xe: {  	[smem:$0x3F9F] =	sst s6  }
0xf: {  	[smem:$0x3FA0] =	sst s7  }
0x10: {  	[smem:$0x3FA1] =	sst s8  }
0x11: {  	[smem:$0x3FA2] =	sst s9;
	s0 =	simm.s32 @!p0 $0x0  }
0x12: {  	s1 =	sld [smem:$0x3F88];
	s0 =	simm.s32 @p0 $0x1  }
0x13: {  	[smem:$0x3FA3] =	sst s0;
	s0 =	simm.s32 @!p1 $0x0  }
0x14: {  	s2 =	sld [smem:$0x3F87];
	s0 =	simm.s32 @p1 $0x1  }
0x15: {  	[smem:$0x3FA4] =	sst s0;
	s0 =	simm.s32 @!p2 $0x0  }
0x16: {  	s3 =	sld [smem:$0x3FDB];
	s0 =	simm.s32 @p2 $0x1  }
0x17: {  	s4 =	simm.s32 $0x1BF5;
	[smem:$0x3FA6] =	sst s0  }
0x18: {  	s0 =	sld [smem:$0x3F89];
	_ =	swait.ge [sflag:s4], $0x0  }
0x19: {  	s7 =	sld [smem:$0x3F8A]  }
0x1a: {  	s8 =	sadd.s32 $0xFFFFE003, lr  }
0x1b: {  	s9 =	sadd.s32 $0xFFFFFEF7, lr;
	s5 =	simm.s32 $0xFFFFFFFF;
	p2 =	slt.u32 s8, $0xFFFFF086  }
0x1c: {  	p1 =	slt.u32 s9, $0xF7A;
	s5 =	simm.s32 @!p2 $0x0  }
0x1d: {  	s5 =	simm.s32 @p1 $0x1;
	p0 =	seq.s32 s7, s2  }
0x1e: {  	s7 =	smul.u32 @!p0 $0xF7A, s2;
	p2 =	seq.s32 @!p0 s5, $0x0  }
0x1f: {  	s9 =	smul.u32 $0xF7A, s1;
	s8 =	simm.s32 @!p0 $0x1BF5;
	p2 =	por !p2, p0  }
0x20: {  	[sflag:s8] =	ssyncset.s32 @!p0 $0xFFFFF086;
	s6 =	sadd.s32 @!p0 s3, s7;
	s7 =	simm.s32 @!p0 $0x108  }
0x21: {  	s3 =	sadd.s32 s3, s9;
	s6 =	sadd.s32 @!p0 $0x88, s6;
	s7 =	simm.s32 @p2 $0x1082  }
0x22: {  	[simem:s7], [sflag:s8] =	dma.local @!p0 [hbm:s6], $0xF7A  }
0x23: {  	s9 =	sor.u32 $0xD0000000, s2;
	s6 =	simm.s32 $0x108;
	_ =	swait.ge @!p0 [sflag:s8], $0x0  }
0x24: {  	s3 =	sadd.s32 $0x88, s3;
	s6 =	simm.s32 @!p1 $0x1082;
	[sflag:s4] =	ssyncset.s32 $0xFFFFF086  }
0x25: {  	[simem:s6], [sflag:s4] =	dma.local [hbm:s3], $0xF7A  }
0x26: {  	[smem:$0x3F8A] =	sst s1;
	(tag) =	ssettag s2;
	_ =	strace s9  }
0x27: {  	s1 =	sld [smem:$0x3F9A]  }
0x28: {  	s2 =	sld [smem:$0x3F9B]  }
0x29: {  	s4 =	sld [smem:$0x3F9D]  }
0x2a: {  	p0 =	seq.s32 s5, $0x0;
	s5 =	sld [smem:$0x3F9E]  }
0x2b: {  	s6 =	sld [smem:$0x3F9F]  }
0x2c: {  	s7 =	sld [smem:$0x3FA0]  }
0x2d: {  	s3 =	simm.s32 $0x108;
	s8 =	sld [smem:$0x3FA1]  }
0x2e: {  	s3 =	simm.s32 @!p0 $0x1082;
	s9 =	sld [smem:$0x3FA2]  }
0x2f: {  	lr =	sadd.s32 s0, s3;
	s0 =	sld [smem:$0x3F99]  }
0x30: {  	s3 =	sld [smem:$0x3F9C]  }
0x31: {  	[smem:$0x3FA5] =	sst s10  }
0x32: {  	s10 =	sld [smem:$0x3FA3];
	_ =	sdelay $0x3  }
0x33: {  	p0 =	seq.s32 s10, $0x1;
	s10 =	sld [smem:$0x3FA5];
	_ =	sdelay $0x3  }
0x34: {  	[smem:$0x3FA5] =	sst s10  }
0x35: {  	s10 =	sld [smem:$0x3FA4];
	_ =	sdelay $0x3  }
0x36: {  	p1 =	seq.s32 s10, $0x1;
	s10 =	sld [smem:$0x3FA5];
	_ =	sdelay $0x3  }
0x37: {  	[smem:$0x3FA5] =	sst s10  }
0x38: {  	s10 =	sld [smem:$0x3FA6]  }
0x39: {  	_ = 	snop;
	(pc) =	sbr.ind lr, $3  }
0x3a: {  	_ = 	snop  }
0x3b: {  	_ = 	snop  }
0x3c: {  	p2 =	seq.s32 s10, $0x1;
	s10 =	sld [smem:$0x3FA5]  }
0x3d: {  	_ =	shalt  }
0x3e: {  	_ =	shalt  }
0x3f: {  	_ =	shalt  }
0x40: {  	_ =	shalt  }
0x41: {  	_ =	shalt  }
0x42: {  	_ =	shalt  }
0x43: {  	_ =	shalt  }
0x44: {  	_ =	shalt  }
0x45: {  	_ =	shalt  }
0x46: {  	_ =	shalt  }
0x47: {  	_ =	shalt  }
0x48: {  	_ =	shalt  }
0x49: {  	_ =	shalt  }
0x4a: {  	_ =	shalt  }
0x4b: {  	_ =	shalt  }
0x4c: {  	_ =	shalt  }
0x4d: {  	_ =	shalt  }
0x4e: {  	_ =	shalt  }
0x4f: {  	_ =	shalt  }
0x50: {  	_ =	shalt  }
0x51: {  	_ =	shalt  }
0x52: {  	_ =	shalt  }
0x53: {  	_ =	shalt  }
0x54: {  	_ =	shalt  }
0x55: {  	_ =	shalt  }
0x56: {  	_ =	shalt  }
0x57: {  	_ =	shalt  }
0x58: {  	_ =	shalt  }
0x59: {  	_ =	shalt  }
0x5a: {  	_ =	shalt  }
0x5b: {  	_ =	shalt  }
0x5c: {  	_ =	shalt  }
0x5d: {  	_ =	shalt  }
0x5e: {  	_ =	shalt  }
0x5f: {  	_ =	shalt  }
0x60: {  	_ =	shalt  }
0x61: {  	_ =	shalt  }
0x62: {  	_ =	shalt  }
0x63: {  	_ =	shalt  }
0x64: {  	_ =	shalt  }
0x65: {  	_ =	shalt  }
0x66: {  	_ =	shalt  }
0x67: {  	_ =	shalt  }
0x68: {  	_ =	shalt  }
0x69: {  	_ =	shalt  }
0x6a: {  	_ =	shalt  }
0x6b: {  	_ =	shalt  }
0x6c: {  	_ =	shalt  }
0x6d: {  	_ =	shalt  }
0x6e: {  	_ =	shalt  }
0x6f: {  	_ =	shalt  }
0x70: {  	_ =	shalt  }
0x71: {  	_ =	shalt  }
0x72: {  	_ =	shalt  }
0x73: {  	_ =	shalt  }
0x74: {  	_ =	shalt  }
0x75: {  	_ =	shalt  }
0x76: {  	_ =	shalt  }
0x77: {  	_ =	shalt  }
0x78: {  	_ =	shalt  }
0x79: {  	_ =	shalt  }
0x7a: {  	_ =	shalt  }
0x7b: {  	_ =	shalt  }
0x7c: {  	_ =	shalt  }
0x7d: {  	_ =	shalt  }
0x7e: {  	_ =	shalt  }
0x7f: {  	_ =	shalt  }
0x80: {  	_ =	shalt  }
0x81: {  	_ =	shalt  }
0x82: {  	_ =	shalt  }
0x83: {  	_ =	shalt  }
0x84: {  	_ =	shalt  }
0x85: {  	_ =	shalt  }
0x86: {  	_ =	shalt  }
0x87: {  	_ =	shalt  }
.Lfunc_end0:
.L_simem_size_0:
called_computation.2_lowered:
.L_overlay_start_0:
0x88: {  	s2 =	sld [smem:$0x3FD9]  }
0x89: {  	s3 =	sld [smem:$0x3FFE];
	_ =	sdelay $0x1  }
0x8a: {  	s1 =	srdreg.scid  }
0x8b: {  	s0 =	sand.u32 $0x1, s1  }
0x8c: {  	s16 =	sshll.u32 s0, $0xA;
	s2 =	sadd.s32 s3, s2  }
0x8d: {  	s2 =	sadd.s32 s2, s16  }
0x8e: {  	[smem:$0x3FB1] =	sst s2  }
0x8f: {  	_ = 	snop  }
0x90: {  	(tm) =	ssettm $0x1  }
0x91: {  	s17 =	sld [smem:$0x3FFB];
	_ =	sdelay $0x3  }
0x92: {  	_ =	strace s17  }
0x93: {  	s2 =	sld [smem:$0x3FFC];
	_ =	sdelay $0x3  }
0x94: {  	_ =	strace s2  }
0x95: {  	s2 =	sld [smem:$0x3FFD];
	_ =	sdelay $0x3  }
0x96: {  	_ =	strace s2  }
0x97: {  	_ =	strace $0x8FFFFFFF  }
0x98: {  	s18 =	sld [smem:$0x3FDB];
	_ =	sdelay $0x1  }
0x99: {  	s19 =	simm.s32 $_scs_section_size  }
0x9a: {  	s4 =	simm.s32 $_size__tile_overlayer_lowered;
	s5 =	simm.s32 $_tile_overlayer_lowered  }
0x9b: {  	s22 =	simm.s32 $0x1BFF;
	s21 =	sshll.u32 s5, $0x1;
	s2 =	sadd.s32 s19, s18  }
0x9c: {  	s6 =	simm.s32 $0x0;
	s20 =	sshll.u32 s4, $0x1;
	s4 =	sadd.s32 s21, s2  }
0x9d: {  	[timem:s6], [sflag:s22] =	dma.local [hbm:s4], s20  }
0x9e: {  	_ =	swait.ge [sflag:s22], s20  }
0x9f: {  	s3 =	ssub.s32 $0x0, s20;
	[sflag:s22] =	ssyncset.done $0x0  }
0xa0: {  	[sflag:s22] =	ssyncadd.s32 s3;
	_ =	sdelay $0x1  }
0xa1: {  	s23 =	simm.s32 $0x1B8B  }
0xa2: {  	_ =	swait.ge [sflag:s23], $0x1  }
0xa3: {  	[sflag:s23] =	ssyncset.done $0x0  }
0xa4: {  	s25 =	simm.s32 $0x1B8E;
	s24 =	sld [smem:$0x3FFE];
	[sflag:s23] =	ssyncadd.s32 $0xFFFFFFFF  }
0xa5: {  	s26 =	simm.s32 $execute0_lowered;
	[smem:$0x3FD2] =	sst s25  }
0xa6: {  	s4 =	sshll.u32 s26, $0x1;
	_ =	strace $0x8000004C;
	[dreg:$0x1] =	wrdreg $0xFFFFFFFF  }
0xa7: {  	s28 =	simm.s32 $_size_execute0_lowered;
	s2 =	sadd.s32 s2, s4;
	[dreg:$0x0] =	wrdreg $0x0  }
0xa8: {  	s4 =	sshll.u32 s28, $0x1;
	[dreg:$0x2] =	wrdreg s2  }
0xa9: {  	[dreg:$0x3] =	wrdreg s4  }
0xaa: {  	[dreg:$0x4] =	wrdreg $0xC0  }
0xab: {  	_ =	task [dreg:s6], $0x5FFFF  }
0xac: {  	[dreg:$0x1] =	wrdreg $0xFFFFFFFF  }
0xad: {  	[dreg:$0x0] =	wrdreg $0x60  }
0xae: {  	[dreg:$0x2] =	wrdreg s24  }
0xaf: {  	[dreg:$0x3] =	wrdreg $0xA8000  }
0xb0: {  	[dreg:$0x4] =	wrdreg $0x9  }
0xb1: {  	_ =	task.clear_ibuf [dreg:s6], $0x5FFFF;
	_ =	strace $0x9000004C  }
0xb2: {  	s29 =	simm.s32 $0x9;
	_ =	strace $0x8000004E  }
0xb3: {  	_ =	swait.ge [sflag:s29], $0x1  }
0xb4: {  	[sflag:s29] =	ssyncadd.s32 $0xFFFFFFFF  }
0xb5: {  	_ =	strace $0x9000004E  }
0xb6: {  	_ =	sfence  }
0xb7: {  	s30 =	sld [smem:$0x0];
	_ =	sdelay $0x2  }
0xb8: {  	s31 =	sshll.u32 s1, $0xD;
	s1 =	sshrl.u32 s1, $0x2  }
0xb9: {  	s3 =	sand.u32 $0x4000, s31;
	s1 =	sadd.s32 s1, s30  }
0xba: {  	s0 =	sor.u32 s3, s0;
	s1 =	sshll.u32 s1, $0x11  }
0xbb: {  	s0 =	sor.u32 s1, s0  }
0xbc: {  	s0 =	sadd.s32 $0x8F2B, s0  }
0xbd: {  	[sflag:s0] =	ssyncadd.remote.s32 $0x1  }
0xbe: {  	_ =	sfence.sel $0xFFFF  }
0xbf: {  	[dreg:$0x0] =	wrdreg $0xFFFFFFFF;
	(pc) =	sbr.abs _section_cstart, $3  }
0xc0: {  	[dreg:$0x1] =	wrdreg $0xFFFFFFFF  }
0xc1: {  	_ =	task.clear_ibuf [dreg:s6], $0x2FFFF;
	_ =	strace $0x9FFFFFFF  }
0xc2: {  	(tm) =	ssettm $0x7FFFFFFF  }
0xc3: {  	_ =	shalt  }
tec
execute0_lowered:
.L_overlay_start_1:
0x0: {  	(tag) =	ssettag $0x1  }
0x1: {  	s0 =	rddreg [dreg:$0x0]  }
0x2: {  	s1 =	rddreg [dreg:$0x1];
	s3 =	simm.s32 $0x0;
	s11 =	stileid.u32  }
0x3: {  	s2 =	srdreg.scid;
	s28 =	simm.s32 $0x9400;
	s29 =	simm.s32 $0x80  }
0x4: {  	s30 =	simm.s32 $0x4000;
	s31 =	simm.s32 $0x1;
	[smem:$0x7FF] =	sst s3  }
0x5: {  	s4 =	sadd.s32 $0x13E9000, s0;
	s6 =	smul.u32 $0x4E000, s11;
	s7 =	sadd.s32 $0x11000, s0  }
0x6: {  	s8 =	sadd.s32 $0x7000, s0;
	s2 =	sand.u32 $0x1, s2;
	s16 =	smul.u32 $0x2800, s11  }
0x7: {  	s5 =	sadd.s32 $0x1B000, s0;
	s25 =	sadd.s32 $0x128800, s1;
	s18 =	smul.u32 $0x140000, s11  }
0x8: {  	s0 =	sadd.s32 $0x42200, s0;
	s13 =	sadd.s32 $0x12C800, s1;
	s20 =	smul.u32 $0x13800, s11  }
0x9: {  	s14 =	sadd.s32 $0x130800, s1;
	p0 =	seq.s32 s11, $0xF;
	s15 =	smul.u32 $0x28000, s2  }
0xa: {  	_ =	strace $0x8000004D;
	s9 =	ssub.s32 $0x2, s2;
	s17 =	smul.u32 $0x1400000, s2  }
0xb: {  	[dreg:$0x6] =	wrdreg s25;
	s2 =	smul.u32 $0x138800, s2;
	s6 =	sshrl.u32 s6, $0x2  }
0xc: {  	s25 =	simm.s32 $0x8000;
	s10 =	sshrl.u32 s9, $0x1;
	s6 =	sadd.s32 s6, s1  }
0xd: {  	s10 =	ssub.s32 s9, s10;
	s9 =	sadd.s32 $0x124800, s1;
	s16 =	sadd.s32 s16, s15  }
0xe: {  	s15 =	sadd.s32 $0x134800, s1;
	s17 =	sadd.s32 s18, s17;
	s23 =	sadd.s32 $0x4000, s6  }
0xf: {  	s26 =	sadd.s32 s20, s2;
	s24 =	sadd.s32 $0x8000, s6;
	[dreg:$0x3] =	wrdreg s23  }
0x10: {  	s2 =	sshrl.u32 s2, $0x3;
	s12 =	sadd.s32 $0xC000, s6;
	[dreg:$0x4] =	wrdreg s24  }
0x11: {  	s19 =	sshrl.u32 s16, $0x3;
	[dreg:$0x5] =	wrdreg s12;
	s12 =	sadd.s32 $0x10000, s6  }
0x12: {  	s16 =	sadd.s32 s7, s19;
	s21 =	sadd.s32 $0x280, s19;
	s18 =	sadd.s32 s8, s19  }
0x13: {  	s24 =	smax.u32 s10, $0x1;
	s19 =	sadd.s32 s7, s21;
	s7 =	sshrl.u32 s26, $0x3  }
0x14: {  	s20 =	sadd.s32 s8, s21;
	s22 =	sadd.s32 s0, s7;
	s0 =	sadd.s32 s0, s2  }
0x15: {  	v0 =	vimm.f32 $0.0e+00;
	s21 =	sadd.s32 $0xA0000, s17;
	s26 =	simm.s32 $0x2;
	s23 =	sadd.s32 $0x24900, s0  }
.LBB2_1:
0x16: {  	s0 =	simm.s32 $0x0;
	s2 =	simm.s32 $0x200  }
.LBB2_2:
0x17: {  	p1 =	sne.s32 s2, $0xFE00;
	[tilespmem:s0+$0x4070] =	vst v0  }
0x18: {  	[tilespmem:s0+$0x4000] =	vst v0  }
0x19: {  	[tilespmem:s0+$0x4010] =	vst v0  }
.Ltmp0:
0x1a: {  	[tilespmem:s0+$0x4020] =	vst v0;
	(pc) =	sbr.rel @p1 .LBB2_2-.Ltmp0, $4  }
0x1b: {  	[tilespmem:s0+$0x4030] =	vst v0  }
0x1c: {  	[tilespmem:s0+$0x4040] =	vst v0  }
0x1d: {  	[tilespmem:s0+$0x4050] =	vst v0  }
0x1e: {  	[tilespmem:s0+$0x4060] =	vst v0;
	s0 =	sshra.s32 s2, $0x2;
	s2 =	sadd.s32 $0x200, s2  }
0x1f: {  	[tilespmem:s0+$0x4070] =	vst v0  }
0x20: {  	[tilespmem:s0+$0x4000] =	vst v0  }
0x21: {  	[tilespmem:s0+$0x4010] =	vst v0  }
0x22: {  	[tilespmem:s0+$0x4020] =	vst v0  }
0x23: {  	[tilespmem:s0+$0x4030] =	vst v0  }
0x24: {  	[tilespmem:s0+$0x4040] =	vst v0  }
0x25: {  	[tilespmem:s0+$0x4050] =	vst v0  }
0x26: {  	[tilespmem:s0+$0x4060] =	vst v0;
	s0 =	simm.s32 @p0 $0x4000;
	s2 =	simm.s32 @p0 $0x2  }
0x27: {  	[spmem:s9] =	stream.linear.scatter @p0 [tilespmem:s0], [sflag:$0x2], $0x4000, $0x38;
	[tilespmem:$0x1E080] =	vst v63  }
0x28: {  	_ =	swait.ge @p0 [sflag:s2], $0x4000  }
0x29: {  	[sflag:s2] =	ssyncset.done @p0 $0x0  }
0x2a: {  	s7 =	rddreg [dreg:$0x6];
	[sflag:s2] =	ssyncadd.s32 @p0 $0xFFFFC000  }
0x2b: {  	[spmem:s7] =	stream.linear.scatter @p0 [tilespmem:s0], [sflag:$0x2], $0x4000, $0x38;
	[tilespmem:$0x1E080] =	vst v63  }
0x2c: {  	_ =	swait.ge @p0 [sflag:s2], $0x4000  }
0x2d: {  	[sflag:s2] =	ssyncset.done @p0 $0x0  }
0x2e: {  	[sflag:s2] =	ssyncadd.s32 @p0 $0xFFFFC000  }
0x2f: {  	[spmem:s13] =	stream.linear.scatter @p0 [tilespmem:s0], [sflag:$0x2], $0x4000, $0x38;
	[tilespmem:$0x1E080] =	vst v63  }
0x30: {  	_ =	swait.ge @p0 [sflag:s2], $0x4000  }
0x31: {  	[sflag:s2] =	ssyncset.done @p0 $0x0  }
0x32: {  	[sflag:s2] =	ssyncadd.s32 @p0 $0xFFFFC000  }
0x33: {  	[spmem:s14] =	stream.linear.scatter @p0 [tilespmem:s0], [sflag:$0x2], $0x4000, $0x38;
	[tilespmem:$0x1E080] =	vst v63  }
0x34: {  	_ =	swait.ge @p0 [sflag:s2], $0x4000  }
0x35: {  	[sflag:s2] =	ssyncset.done @p0 $0x0  }
0x36: {  	[sflag:s2] =	ssyncadd.s32 @p0 $0xFFFFC000  }
0x37: {  	[spmem:s15] =	stream.linear.scatter @p0 [tilespmem:s0], [sflag:$0x2], $0x4000, $0x38;
	[tilespmem:$0x1E080] =	vst v63  }
0x38: {  	_ =	swait.ge @p0 [sflag:s2], $0x4000  }
0x39: {  	[sflag:s2] =	ssyncset.done @p0 $0x0  }
0x3a: {  	s0 =	simm.s32 @!p0 $0x4000;
	[sflag:s2] =	ssyncadd.s32 @p0 $0xFFFFC000;
	s2 =	simm.s32 @!p0 $0x2  }
0x3b: {  	[spmem:s6] =	stream.linear.scatter @!p0 [tilespmem:s0], [sflag:$0x2], $0x4000, $0x38;
	[tilespmem:$0x1E080] =	vst v63  }
0x3c: {  	_ =	swait.ge @!p0 [sflag:s2], $0x4000  }
0x3d: {  	[sflag:s2] =	ssyncset.done @!p0 $0x0  }
0x3e: {  	s7 =	rddreg [dreg:$0x3];
	[sflag:s2] =	ssyncadd.s32 @!p0 $0xFFFFC000  }
0x3f: {  	[spmem:s7] =	stream.linear.scatter @!p0 [tilespmem:s0], [sflag:$0x2], $0x4000, $0x38;
	[tilespmem:$0x1E080] =	vst v63  }
0x40: {  	_ =	swait.ge @!p0 [sflag:s2], $0x4000  }
0x41: {  	[sflag:s2] =	ssyncset.done @!p0 $0x0  }
0x42: {  	s7 =	rddreg [dreg:$0x4];
	[sflag:s2] =	ssyncadd.s32 @!p0 $0xFFFFC000  }
0x43: {  	[spmem:s7] =	stream.linear.scatter @!p0 [tilespmem:s0], [sflag:$0x2], $0x4000, $0x38;
	[tilespmem:$0x1E080] =	vst v63  }
0x44: {  	_ =	swait.ge @!p0 [sflag:s2], $0x4000  }
0x45: {  	[sflag:s2] =	ssyncset.done @!p0 $0x0  }
0x46: {  	s7 =	rddreg [dreg:$0x5];
	[sflag:s2] =	ssyncadd.s32 @!p0 $0xFFFFC000  }
0x47: {  	[spmem:s7] =	stream.linear.scatter @!p0 [tilespmem:s0], [sflag:$0x2], $0x4000, $0x38;
	[tilespmem:$0x1E080] =	vst v63  }
0x48: {  	_ =	swait.ge @!p0 [sflag:s2], $0x4000  }
0x49: {  	[sflag:s2] =	ssyncset.done @!p0 $0x0  }
0x4a: {  	[sflag:s2] =	ssyncadd.s32 @!p0 $0xFFFFC000  }
0x4b: {  	[spmem:s12] =	stream.linear.scatter @!p0 [tilespmem:s0], [sflag:$0x2], $0x3800, $0x38;
	[tilespmem:$0x1E080] =	vst v63  }
0x4c: {  	_ =	swait.ge @!p0 [sflag:s2], $0x3800  }
0x4d: {  	[sflag:s2] =	ssyncset.done @!p0 $0x0  }
0x4e: {  	[sflag:s2] =	ssyncadd.s32 @!p0 $0xFFFFC800  }
0x4f: {  	s0 =	simm.s32 $0x0;
	[bflag:$0x0] =	sbarrier.arrive $0xFFFF  }
0x50: {  	[tilespmem:s25], [sflag:$0x2] =	stream.linear.gather [hbm4b:s16+s0], $0x1400, $0x38;
	[tilespmem:$0x1E080] =	vst v63  }
0x51: {  	_ =	swait.ge [sflag:s26], $0x1400  }
0x52: {  	[sflag:s26] =	ssyncset.done $0x0  }
0x53: {  	[sflag:s26] =	ssyncadd.s32 $0xFFFFEC00  }
0x54: {  	[tilespmem:s28], [sflag:$0x2] =	stream.linear.gather [hbm4b:s18+s0], $0x1400, $0x38;
	[tilespmem:$0x1E080] =	vst v63  }
0x55: {  	_ =	swait.ge [sflag:s26], $0x1400  }
0x56: {  	[sflag:s26] =	ssyncset.done $0x0  }
0x57: {  	s2 =	simm.s32 $0x0;
	[sflag:s26] =	ssyncadd.s32 $0xFFFFEC00  }
.LBB2_4:
0x58: {  	s7 =	sshll.u32 s2, $0xE  }
0x59: {  	s7 =	sadd.s32 s7, s17  }
0x5a: {  	s7 =	sshrl.u32 s7, $0x3  }
0x5b: {  	s7 =	sadd.s32 s4, s7  }
0x5c: {  	[tilespmem:s0], [sflag:$0x2] =	stream.linear.gather [hbm4b:s7+s0], $0x4000, $0x38;
	[tilespmem:$0x1E080] =	vst v63  }
0x5d: {  	_ =	swait.ge [sflag:s26], $0x4000  }
0x5e: {  	s7 =	sshll.u32 s2, $0x7;
	[sflag:s26] =	ssyncset.done $0x0  }
0x5f: {  	s8 =	sadd.s32 $0x8000, s7;
	[sflag:s26] =	ssyncadd.s32 $0xFFFFC000  }
0x60: {  	[tilespmem:s30], [sflag:$0x1] =	stream.indirect.gather [hbm4b:s5+s29], $0x80, s8, s29, $0xb8;
	[tilespmem:$0x1E080] =	vst v63  }
0x61: {  	_ =	swait.ge [sflag:s31], $0x4000  }
0x62: {  	[sflag:s31] =	ssyncset.done $0x0  }
0x63: {  	s8 =	simm.s32 $0x0;
	[sflag:s31] =	ssyncadd.s32 $0xFFFFC000  }
0x64: {  	v7 =	vld [tilespmem:s8+$0x0]  }
0x65: {  	v12 =	vld [tilespmem:s8+$0x10]  }
0x66: {  	v6 =	vld [tilespmem:s8+$0x20]  }
0x67: {  	v5 =	vld [tilespmem:s8+$0x30]  }
0x68: {  	v4 =	vld [tilespmem:s8+$0x40]  }
0x69: {  	v3 =	vld [tilespmem:s8+$0x50]  }
0x6a: {  	v2 =	vld [tilespmem:s8+$0x60]  }
0x6b: {  	v1 =	vld [tilespmem:s8+$0x70]  }
0x6c: {  	v13 =	vld [tilespmem:s8+$0x4000]  }
0x6d: {  	v14 =	vld [tilespmem:s8+$0x4010]  }
0x6e: {  	v11 =	vld [tilespmem:s8+$0x4020]  }
0x6f: {  	v10 =	vld [tilespmem:s8+$0x4030]  }
0x70: {  	v9 =	vld [tilespmem:s8+$0x4040]  }
0x71: {  	v8 =	vld [tilespmem:s8+$0x4050];
	v13 =	vadd.f32 v7, v13  }
0x72: {  	s10 =	simm.s32 $0x200;
	v12 =	vadd.f32 v12, v14;
	v7 =	vld [tilespmem:s8+$0x4060]  }
.LBB2_5:
0x73: {  	s11 =	sshra.s32 s10, $0x2;
	p1 =	sne.s32 s10, $0xFE00;
	v13 =	vmax.f32 v13, $0.0e+00;
	v6 =	vadd.f32 v6, v11;
	v11 =	vld [tilespmem:s8+$0x4070]  }
0x74: {  	v14 =	vld [tilespmem:s11+$0x0];
	[tilespmem:s8+$0x4000] =	vst v13;
	v12 =	vmax.f32 v12, $0.0e+00;
	v5 =	vadd.f32 v5, v10  }
0x75: {  	v15 =	vld [tilespmem:s11+$0x10];
	[tilespmem:s8+$0x4010] =	vst v12;
	v10 =	vmax.f32 v6, $0.0e+00;
	v4 =	vadd.f32 v4, v9  }
0x76: {  	v6 =	vld [tilespmem:s11+$0x20];
	[tilespmem:s8+$0x4020] =	vst v10;
	v9 =	vmax.f32 v5, $0.0e+00;
	v3 =	vadd.f32 v3, v8  }
0x77: {  	v5 =	vld [tilespmem:s11+$0x30];
	[tilespmem:s8+$0x4030] =	vst v9;
	v8 =	vmax.f32 v4, $0.0e+00;
	v2 =	vadd.f32 v2, v7  }
0x78: {  	v4 =	vld [tilespmem:s11+$0x40];
	[tilespmem:s8+$0x4040] =	vst v8;
	v7 =	vmax.f32 v3, $0.0e+00;
	v1 =	vadd.f32 v1, v11  }
0x79: {  	v3 =	vld [tilespmem:s11+$0x50];
	[tilespmem:s8+$0x4050] =	vst v7;
	v7 =	vmax.f32 v2, $0.0e+00  }
0x7a: {  	v2 =	vld [tilespmem:s11+$0x60];
	[tilespmem:s8+$0x4060] =	vst v7;
	v7 =	vmax.f32 v1, $0.0e+00  }
0x7b: {  	v1 =	vld [tilespmem:s11+$0x70];
	[tilespmem:s8+$0x4070] =	vst v7;
	s8 =	smov.u32 s11  }
0x7c: {  	v7 =	vld [tilespmem:s8+$0x4000]  }
0x7d: {  	v12 =	vld [tilespmem:s8+$0x4010]  }
.Ltmp1:
0x7e: {  	v11 =	vld [tilespmem:s8+$0x4020];
	(pc) =	sbr.rel @p1 .LBB2_5-.Ltmp1, $4  }
0x7f: {  	v10 =	vld [tilespmem:s8+$0x4030]  }
0x80: {  	v9 =	vld [tilespmem:s8+$0x4040]  }
0x81: {  	v13 =	vadd.f32 v14, v7;
	v8 =	vld [tilespmem:s8+$0x4050]  }
0x82: {  	s10 =	sadd.s32 $0x200, s10;
	v12 =	vadd.f32 v15, v12;
	v7 =	vld [tilespmem:s8+$0x4060]  }
0x83: {  	v13 =	vmax.f32 v13, $0.0e+00;
	v6 =	vadd.f32 v6, v11;
	v63 =	vld [tilespmem:s8+$0x4070]  }
0x84: {  	[tilespmem:s8+$0x4000] =	vst v13;
	v12 =	vmax.f32 v12, $0.0e+00;
	v5 =	vadd.f32 v5, v10  }
0x85: {  	[tilespmem:s8+$0x4010] =	vst v12;
	v6 =	vmax.f32 v6, $0.0e+00;
	v4 =	vadd.f32 v4, v9  }
0x86: {  	[tilespmem:s8+$0x4020] =	vst v6;
	v5 =	vmax.f32 v5, $0.0e+00;
	v3 =	vadd.f32 v3, v8  }
0x87: {  	[tilespmem:s8+$0x4030] =	vst v5;
	v4 =	vmax.f32 v4, $0.0e+00;
	v2 =	vadd.f32 v2, v7  }
0x88: {  	[tilespmem:s8+$0x4040] =	vst v4;
	v3 =	vmax.f32 v3, $0.0e+00;
	v1 =	vadd.f32 v1, v63  }
0x89: {  	s2 =	sadd.s32 $0x1, s2;
	[tilespmem:s8+$0x4050] =	vst v3;
	v2 =	vmax.f32 v2, $0.0e+00  }
0x8a: {  	p1 =	sne.s32 s2, $0x28;
	[tilespmem:s8+$0x4060] =	vst v2;
	v1 =	vmax.f32 v1, $0.0e+00  }
.Ltmp2:
0x8b: {  	s7 =	sadd.s32 $0x9400, s7;
	[tilespmem:s8+$0x4070] =	vst v1;
	(pc) =	sbr.rel @p1 .LBB2_4-.Ltmp2, $4  }
0x8c: {  	[spmem:s1] =	stream.indirect.scatter.add.f32 [tilespmem:s30], [sflag:$0x2], $0x80, s7, s29, $0xb8;
	[tilespmem:$0x1E080] =	vst v63  }
0x8d: {  	_ =	swait.ge [sflag:s26], $0x4000  }
0x8e: {  	[sflag:s26] =	ssyncset.done $0x0  }
0x8f: {  	[sflag:s26] =	ssyncadd.s32 $0xFFFFC000  }
0x90: {  	s0 =	simm.s32 $0x0  }
0x91: {  	[tilespmem:s25], [sflag:$0x2] =	stream.linear.gather [hbm4b:s19+s0], $0x1400, $0x38;
	[tilespmem:$0x1E080] =	vst v63  }
0x92: {  	_ =	swait.ge [sflag:s26], $0x1400  }
0x93: {  	[sflag:s26] =	ssyncset.done $0x0  }
0x94: {  	[sflag:s26] =	ssyncadd.s32 $0xFFFFEC00  }
0x95: {  	[tilespmem:s28], [sflag:$0x2] =	stream.linear.gather [hbm4b:s20+s0], $0x1400, $0x38;
	[tilespmem:$0x1E080] =	vst v63  }
0x96: {  	_ =	swait.ge [sflag:s26], $0x1400  }
0x97: {  	[sflag:s26] =	ssyncset.done $0x0  }
0x98: {  	s2 =	simm.s32 $0x0;
	[sflag:s26] =	ssyncadd.s32 $0xFFFFEC00  }
.LBB2_8:
0x99: {  	s7 =	sshll.u32 s2, $0xE  }
0x9a: {  	s7 =	sadd.s32 s7, s21  }
0x9b: {  	s7 =	sshrl.u32 s7, $0x3  }
0x9c: {  	s7 =	sadd.s32 s4, s7  }
0x9d: {  	[tilespmem:s0], [sflag:$0x2] =	stream.linear.gather [hbm4b:s7+s0], $0x4000, $0x38;
	[tilespmem:$0x1E080] =	vst v63  }
0x9e: {  	_ =	swait.ge [sflag:s26], $0x4000  }
0x9f: {  	s7 =	sshll.u32 s2, $0x7;
	[sflag:s26] =	ssyncset.done $0x0  }
0xa0: {  	s8 =	sadd.s32 $0x8000, s7;
	[sflag:s26] =	ssyncadd.s32 $0xFFFFC000  }
0xa1: {  	[tilespmem:s30], [sflag:$0x1] =	stream.indirect.gather [hbm4b:s5+s29], $0x80, s8, s29, $0xb8;
	[tilespmem:$0x1E080] =	vst v63  }
0xa2: {  	_ =	swait.ge [sflag:s31], $0x4000  }
0xa3: {  	[sflag:s31] =	ssyncset.done $0x0  }
0xa4: {  	s8 =	simm.s32 $0x0;
	[sflag:s31] =	ssyncadd.s32 $0xFFFFC000  }
0xa5: {  	v7 =	vld [tilespmem:s8+$0x0]  }
0xa6: {  	v12 =	vld [tilespmem:s8+$0x10]  }
0xa7: {  	v6 =	vld [tilespmem:s8+$0x20]  }
0xa8: {  	v5 =	vld [tilespmem:s8+$0x30]  }
0xa9: {  	v4 =	vld [tilespmem:s8+$0x40]  }
0xaa: {  	v3 =	vld [tilespmem:s8+$0x50]  }
0xab: {  	v2 =	vld [tilespmem:s8+$0x60]  }
0xac: {  	v1 =	vld [tilespmem:s8+$0x70]  }
0xad: {  	v13 =	vld [tilespmem:s8+$0x4000]  }
0xae: {  	v14 =	vld [tilespmem:s8+$0x4010]  }
0xaf: {  	v11 =	vld [tilespmem:s8+$0x4020]  }
0xb0: {  	v10 =	vld [tilespmem:s8+$0x4030]  }
0xb1: {  	v9 =	vld [tilespmem:s8+$0x4040]  }
0xb2: {  	v8 =	vld [tilespmem:s8+$0x4050];
	v13 =	vadd.f32 v7, v13  }
0xb3: {  	s10 =	simm.s32 $0x200;
	v12 =	vadd.f32 v12, v14;
	v7 =	vld [tilespmem:s8+$0x4060]  }
.LBB2_9:
0xb4: {  	s11 =	sshra.s32 s10, $0x2;
	p1 =	sne.s32 s10, $0xFE00;
	v13 =	vmax.f32 v13, $0.0e+00;
	v6 =	vadd.f32 v6, v11;
	v11 =	vld [tilespmem:s8+$0x4070]  }
0xb5: {  	v14 =	vld [tilespmem:s11+$0x0];
	[tilespmem:s8+$0x4000] =	vst v13;
	v12 =	vmax.f32 v12, $0.0e+00;
	v5 =	vadd.f32 v5, v10  }
0xb6: {  	v15 =	vld [tilespmem:s11+$0x10];
	[tilespmem:s8+$0x4010] =	vst v12;
	v10 =	vmax.f32 v6, $0.0e+00;
	v4 =	vadd.f32 v4, v9  }
0xb7: {  	v6 =	vld [tilespmem:s11+$0x20];
	[tilespmem:s8+$0x4020] =	vst v10;
	v9 =	vmax.f32 v5, $0.0e+00;
	v3 =	vadd.f32 v3, v8  }
0xb8: {  	v5 =	vld [tilespmem:s11+$0x30];
	[tilespmem:s8+$0x4030] =	vst v9;
	v8 =	vmax.f32 v4, $0.0e+00;
	v2 =	vadd.f32 v2, v7  }
0xb9: {  	v4 =	vld [tilespmem:s11+$0x40];
	[tilespmem:s8+$0x4040] =	vst v8;
	v7 =	vmax.f32 v3, $0.0e+00;
	v1 =	vadd.f32 v1, v11  }
0xba: {  	v3 =	vld [tilespmem:s11+$0x50];
	[tilespmem:s8+$0x4050] =	vst v7;
	v7 =	vmax.f32 v2, $0.0e+00  }
0xbb: {  	v2 =	vld [tilespmem:s11+$0x60];
	[tilespmem:s8+$0x4060] =	vst v7;
	v7 =	vmax.f32 v1, $0.0e+00  }
0xbc: {  	v1 =	vld [tilespmem:s11+$0x70];
	[tilespmem:s8+$0x4070] =	vst v7;
	s8 =	smov.u32 s11  }
0xbd: {  	v7 =	vld [tilespmem:s8+$0x4000]  }
0xbe: {  	v12 =	vld [tilespmem:s8+$0x4010]  }
.Ltmp3:
0xbf: {  	v11 =	vld [tilespmem:s8+$0x4020];
	(pc) =	sbr.rel @p1 .LBB2_9-.Ltmp3, $4  }
0xc0: {  	v10 =	vld [tilespmem:s8+$0x4030]  }
0xc1: {  	v9 =	vld [tilespmem:s8+$0x4040]  }
0xc2: {  	v13 =	vadd.f32 v14, v7;
	v8 =	vld [tilespmem:s8+$0x4050]  }
0xc3: {  	s10 =	sadd.s32 $0x200, s10;
	v12 =	vadd.f32 v15, v12;
	v7 =	vld [tilespmem:s8+$0x4060]  }
0xc4: {  	v13 =	vmax.f32 v13, $0.0e+00;
	v6 =	vadd.f32 v6, v11;
	v63 =	vld [tilespmem:s8+$0x4070]  }
0xc5: {  	[tilespmem:s8+$0x4000] =	vst v13;
	v12 =	vmax.f32 v12, $0.0e+00;
	v5 =	vadd.f32 v5, v10  }
0xc6: {  	[tilespmem:s8+$0x4010] =	vst v12;
	v6 =	vmax.f32 v6, $0.0e+00;
	v4 =	vadd.f32 v4, v9  }
0xc7: {  	[tilespmem:s8+$0x4020] =	vst v6;
	v5 =	vmax.f32 v5, $0.0e+00;
	v3 =	vadd.f32 v3, v8  }
0xc8: {  	[tilespmem:s8+$0x4030] =	vst v5;
	v4 =	vmax.f32 v4, $0.0e+00;
	v2 =	vadd.f32 v2, v7  }
0xc9: {  	[tilespmem:s8+$0x4040] =	vst v4;
	v3 =	vmax.f32 v3, $0.0e+00;
	v1 =	vadd.f32 v1, v63  }
0xca: {  	s2 =	sadd.s32 $0x1, s2;
	[tilespmem:s8+$0x4050] =	vst v3;
	v2 =	vmax.f32 v2, $0.0e+00  }
0xcb: {  	p1 =	sne.s32 s2, $0x28;
	[tilespmem:s8+$0x4060] =	vst v2;
	v1 =	vmax.f32 v1, $0.0e+00  }
.Ltmp4:
0xcc: {  	s7 =	sadd.s32 $0x9400, s7;
	[tilespmem:s8+$0x4070] =	vst v1;
	(pc) =	sbr.rel @p1 .LBB2_8-.Ltmp4, $4  }
0xcd: {  	[spmem:s1] =	stream.indirect.scatter.add.f32 [tilespmem:s30], [sflag:$0x2], $0x80, s7, s29, $0xb8;
	[tilespmem:$0x1E080] =	vst v63  }
0xce: {  	_ =	swait.ge [sflag:s26], $0x4000  }
0xcf: {  	[sflag:s26] =	ssyncset.done $0x0  }
0xd0: {  	[sflag:s26] =	ssyncadd.s32 $0xFFFFC000  }
0xd1: {  	[bflag:$0x0] =	sbarrier.arrive $0xFFFF;
	s0 =	sshrl.u32 @p0 s9, $0x3;
	s2 =	simm.s32 @p0 $0x1FC2  }
0xd2: {  	[hbm:s23], [sflag:s2] =	dma.local @p0 [spmem:s0], $0x2800  }
0xd3: {  	s0 =	simm.s32 @p0 $0x2  }
0xd4: {  	s3 =	sadd.s32 $0x1, s3;
	s2 =	stileid.u32;
	_ =	swait.ge @p0 [sflag:s0], $0x2800  }
0xd5: {  	p1 =	sne.s32 s3, s24;
	s2 =	sshll.u32 @!p0 s2, $0x6;
	[sflag:s0] =	ssyncset.done @p0 $0x0  }
0xd6: {  	[sflag:s0] =	ssyncadd.s32 @p0 $0xFFFFD800;
	s0 =	sor.u32 @!p0 $0x1C02, s2;
	s2 =	sshrl.u32 @!p0 s6, $0x3  }
0xd7: {  	[hbm:s22], [sflag:s0] =	dma.local @!p0 [spmem:s2], $0x2700  }
.Ltmp5:
0xd8: {  	_ = 	snop;
	(pc) =	sbr.rel @p1 .LBB2_1-.Ltmp5, $4  }
0xd9: {  	s0 =	simm.s32 @!p0 $0x2  }
0xda: {  	_ =	swait.ge @!p0 [sflag:s0], $0x2700  }
0xdb: {  	[sflag:s0] =	ssyncset.done @!p0 $0x0  }
0xdc: {  	[sflag:s0] =	ssyncadd.s32 @!p0 $0xFFFFD900  }
0xdd: {  	_ =	sfence.sel $0x180000  }
0xde: {  	[bflag:$0x0] =	sbarrier.arrive $0xFFFF  }
0xdf: {  	_ =	strace $0x9000004D  }
0xe0: {  	s0 =	stileid.u32;
	[bflag:$0x2] =	sbarrier.arrive $0xFFFF  }
0xe1: {  	p0 =	sne.s32 s0, $0x0;
	s0 =	rddreg [dreg:$0x2]  }
0xe2: {  	s0 =	sadd.s32 @!p0 $0x100000, s0  }
0xe3: {  	[sflag:s0] =	ssyncadd.tile.s32 @!p0 $0x1;
	_ =	shalt  }
.Lfunc_end2:
_tile_overlayer_lowered:
.L_overlay_start_2:
0xe4: {  	(tag) =	ssettag $0x2  }
0xe5: {  	s0 =	rddreg [dreg:$0x0];
	s2 =	stileid.u32  }
0xe6: {  	s1 =	rddreg [dreg:$0x1];
	p0 =	sne.s32 s2, $0x0  }
0xe7: {  	s3 =	rddreg [dreg:$0x2];
	[bflag:$0x3] =	sbarrier.arrive $0xFFFF;
	s2 =	simm.s32 @!p0 $0x1C02  }
0xe8: {  	[timem:s3], [sflag:s2] =	dma.local @!p0 [hbm:s0], s1  }
0xe9: {  	s0 =	simm.s32 @!p0 $0x2  }
0xea: {  	_ =	swait.ge @!p0 [sflag:s0], s1  }
0xeb: {  	s1 =	ssub.s32 @!p0 $0x0, s1;
	[sflag:s0] =	ssyncset.done @!p0 $0x0  }
0xec: {  	[sflag:s0] =	ssyncadd.s32 @!p0 s1  }
0xed: {  	[bflag:$0x3] =	sbarrier.arrive $0xFFFF  }
0xee: {  	_ =	shalt  }

// kernel: kernel.23.cloned.1.call-start
scs
__scs_entry_jumppad:
0x0: {  	(pc) =	sbr.rel $0x88, $3  }
0x1: {  	(tag) =	ssettag $0x0;
	lr =	simm.s32 $0x1  }
0x2: {  	[smem:$0x3F8A] =	sst lr;
	_ =	strace $0xD0000000  }
0x3: {  	_ = 	snop  }
0x4: {  	_ = 	snop  }
0x5: {  	_ = 	snop  }
0x6: {  	_ = 	snop  }
0x7: {  	_ = 	snop  }
__scs_overlays_trampoline_lowered:
0x8: {  	[smem:$0x3F99] =	sst s0  }
0x9: {  	[smem:$0x3F9A] =	sst s1  }
0xa: {  	[smem:$0x3F9B] =	sst s2  }
0xb: {  	[smem:$0x3F9C] =	sst s3  }
0xc: {  	[smem:$0x3F9D] =	sst s4  }
0xd: {  	[smem:$0x3F9E] =	sst s5  }
0xe: {  	[smem:$0x3F9F] =	sst s6  }
0xf: {  	[smem:$0x3FA0] =	sst s7  }
0x10: {  	[smem:$0x3FA1] =	sst s8  }
0x11: {  	[smem:$0x3FA2] =	sst s9;
	s0 =	simm.s32 @!p0 $0x0  }
0x12: {  	s1 =	sld [smem:$0x3F88];
	s0 =	simm.s32 @p0 $0x1  }
0x13: {  	[smem:$0x3FA3] =	sst s0;
	s0 =	simm.s32 @!p1 $0x0  }
0x14: {  	s2 =	sld [smem:$0x3F87];
	s0 =	simm.s32 @p1 $0x1  }
0x15: {  	[smem:$0x3FA4] =	sst s0;
	s0 =	simm.s32 @!p2 $0x0  }
0x16: {  	s3 =	sld [smem:$0x3FDB];
	s0 =	simm.s32 @p2 $0x1  }
0x17: {  	s4 =	simm.s32 $0x1BF5;
	[smem:$0x3FA6] =	sst s0  }
0x18: {  	s0 =	sld [smem:$0x3F89];
	_ =	swait.ge [sflag:s4], $0x0  }
0x19: {  	s7 =	sld [smem:$0x3F8A]  }
0x1a: {  	s8 =	sadd.s32 $0xFFFFE003, lr  }
0x1b: {  	s9 =	sadd.s32 $0xFFFFFEF7, lr;
	s5 =	simm.s32 $0xFFFFFFFF;
	p2 =	slt.u32 s8, $0xFFFFF086  }
0x1c: {  	p1 =	slt.u32 s9, $0xF7A;
	s5 =	simm.s32 @!p2 $0x0  }
0x1d: {  	s5 =	simm.s32 @p1 $0x1;
	p0 =	seq.s32 s7, s2  }
0x1e: {  	s7 =	smul.u32 @!p0 $0xF7A, s2;
	p2 =	seq.s32 @!p0 s5, $0x0  }
0x1f: {  	s9 =	smul.u32 $0xF7A, s1;
	s8 =	simm.s32 @!p0 $0x1BF5;
	p2 =	por !p2, p0  }
0x20: {  	[sflag:s8] =	ssyncset.s32 @!p0 $0xFFFFF086;
	s6 =	sadd.s32 @!p0 s3, s7;
	s7 =	simm.s32 @!p0 $0x108  }
0x21: {  	s3 =	sadd.s32 s3, s9;
	s6 =	sadd.s32 @!p0 $0x88, s6;
	s7 =	simm.s32 @p2 $0x1082  }
0x22: {  	[simem:s7], [sflag:s8] =	dma.local @!p0 [hbm:s6], $0xF7A  }
0x23: {  	s9 =	sor.u32 $0xD0000000, s2;
	s6 =	simm.s32 $0x108;
	_ =	swait.ge @!p0 [sflag:s8], $0x0  }
0x24: {  	s3 =	sadd.s32 $0x88, s3;
	s6 =	simm.s32 @!p1 $0x1082;
	[sflag:s4] =	ssyncset.s32 $0xFFFFF086  }
0x25: {  	[simem:s6], [sflag:s4] =	dma.local [hbm:s3], $0xF7A  }
0x26: {  	[smem:$0x3F8A] =	sst s1;
	(tag) =	ssettag s2;
	_ =	strace s9  }
0x27: {  	s1 =	sld [smem:$0x3F9A]  }
0x28: {  	s2 =	sld [smem:$0x3F9B]  }
0x29: {  	s4 =	sld [smem:$0x3F9D]  }
0x2a: {  	p0 =	seq.s32 s5, $0x0;
	s5 =	sld [smem:$0x3F9E]  }
0x2b: {  	s6 =	sld [smem:$0x3F9F]  }
0x2c: {  	s7 =	sld [smem:$0x3FA0]  }
0x2d: {  	s3 =	simm.s32 $0x108;
	s8 =	sld [smem:$0x3FA1]  }
0x2e: {  	s3 =	simm.s32 @!p0 $0x1082;
	s9 =	sld [smem:$0x3FA2]  }
0x2f: {  	lr =	sadd.s32 s0, s3;
	s0 =	sld [smem:$0x3F99]  }
0x30: {  	s3 =	sld [smem:$0x3F9C]  }
0x31: {  	[smem:$0x3FA5] =	sst s10  }
0x32: {  	s10 =	sld [smem:$0x3FA3];
	_ =	sdelay $0x3  }
0x33: {  	p0 =	seq.s32 s10, $0x1;
	s10 =	sld [smem:$0x3FA5];
	_ =	sdelay $0x3  }
0x34: {  	[smem:$0x3FA5] =	sst s10  }
0x35: {  	s10 =	sld [smem:$0x3FA4];
	_ =	sdelay $0x3  }
0x36: {  	p1 =	seq.s32 s10, $0x1;
	s10 =	sld [smem:$0x3FA5];
	_ =	sdelay $0x3  }
0x37: {  	[smem:$0x3FA5] =	sst s10  }
0x38: {  	s10 =	sld [smem:$0x3FA6]  }
0x39: {  	_ = 	snop;
	(pc) =	sbr.ind lr, $3  }
0x3a: {  	_ = 	snop  }
0x3b: {  	_ = 	snop  }
0x3c: {  	p2 =	seq.s32 s10, $0x1;
	s10 =	sld [smem:$0x3FA5]  }
0x3d: {  	_ =	shalt  }
0x3e: {  	_ =	shalt  }
0x3f: {  	_ =	shalt  }
0x40: {  	_ =	shalt  }
0x41: {  	_ =	shalt  }
0x42: {  	_ =	shalt  }
0x43: {  	_ =	shalt  }
0x44: {  	_ =	shalt  }
0x45: {  	_ =	shalt  }
0x46: {  	_ =	shalt  }
0x47: {  	_ =	shalt  }
0x48: {  	_ =	shalt  }
0x49: {  	_ =	shalt  }
0x4a: {  	_ =	shalt  }
0x4b: {  	_ =	shalt  }
0x4c: {  	_ =	shalt  }
0x4d: {  	_ =	shalt  }
0x4e: {  	_ =	shalt  }
0x4f: {  	_ =	shalt  }
0x50: {  	_ =	shalt  }
0x51: {  	_ =	shalt  }
0x52: {  	_ =	shalt  }
0x53: {  	_ =	shalt  }
0x54: {  	_ =	shalt  }
0x55: {  	_ =	shalt  }
0x56: {  	_ =	shalt  }
0x57: {  	_ =	shalt  }
0x58: {  	_ =	shalt  }
0x59: {  	_ =	shalt  }
0x5a: {  	_ =	shalt  }
0x5b: {  	_ =	shalt  }
0x5c: {  	_ =	shalt  }
0x5d: {  	_ =	shalt  }
0x5e: {  	_ =	shalt  }
0x5f: {  	_ =	shalt  }
0x60: {  	_ =	shalt  }
0x61: {  	_ =	shalt  }
0x62: {  	_ =	shalt  }
0x63: {  	_ =	shalt  }
0x64: {  	_ =	shalt  }
0x65: {  	_ =	shalt  }
0x66: {  	_ =	shalt  }
0x67: {  	_ =	shalt  }
0x68: {  	_ =	shalt  }
0x69: {  	_ =	shalt  }
0x6a: {  	_ =	shalt  }
0x6b: {  	_ =	shalt  }
0x6c: {  	_ =	shalt  }
0x6d: {  	_ =	shalt  }
0x6e: {  	_ =	shalt  }
0x6f: {  	_ =	shalt  }
0x70: {  	_ =	shalt  }
0x71: {  	_ =	shalt  }
0x72: {  	_ =	shalt  }
0x73: {  	_ =	shalt  }
0x74: {  	_ =	shalt  }
0x75: {  	_ =	shalt  }
0x76: {  	_ =	shalt  }
0x77: {  	_ =	shalt  }
0x78: {  	_ =	shalt  }
0x79: {  	_ =	shalt  }
0x7a: {  	_ =	shalt  }
0x7b: {  	_ =	shalt  }
0x7c: {  	_ =	shalt  }
0x7d: {  	_ =	shalt  }
0x7e: {  	_ =	shalt  }
0x7f: {  	_ =	shalt  }
0x80: {  	_ =	shalt  }
0x81: {  	_ =	shalt  }
0x82: {  	_ =	shalt  }
0x83: {  	_ =	shalt  }
0x84: {  	_ =	shalt  }
0x85: {  	_ =	shalt  }
0x86: {  	_ =	shalt  }
0x87: {  	_ =	shalt  }
.Lfunc_end0:
.L_simem_size_0:
called_computation.3_lowered:
.L_overlay_start_0:
0x88: {  	s2 =	sld [smem:$0x3FD9]  }
0x89: {  	s3 =	sld [smem:$0x3FFE];
	_ =	sdelay $0x1  }
0x8a: {  	s1 =	srdreg.scid  }
0x8b: {  	s0 =	sand.u32 $0x1, s1  }
0x8c: {  	s16 =	sshll.u32 s0, $0xA;
	s2 =	sadd.s32 s3, s2  }
0x8d: {  	s2 =	sadd.s32 s2, s16  }
0x8e: {  	[smem:$0x3FB1] =	sst s2  }
0x8f: {  	_ = 	snop  }
0x90: {  	(tm) =	ssettm $0x1  }
0x91: {  	s17 =	sld [smem:$0x3FFB];
	_ =	sdelay $0x3  }
0x92: {  	_ =	strace s17  }
0x93: {  	s2 =	sld [smem:$0x3FFC];
	_ =	sdelay $0x3  }
0x94: {  	_ =	strace s2  }
0x95: {  	s2 =	sld [smem:$0x3FFD];
	_ =	sdelay $0x3  }
0x96: {  	_ =	strace s2  }
0x97: {  	_ =	strace $0x8FFFFFFF  }
0x98: {  	s18 =	sld [smem:$0x3FDB];
	_ =	sdelay $0x1  }
0x99: {  	s19 =	simm.s32 $_scs_section_size  }
0x9a: {  	s4 =	simm.s32 $_size__tile_overlayer_lowered;
	s5 =	simm.s32 $_tile_overlayer_lowered  }
0x9b: {  	s22 =	simm.s32 $0x1BFF;
	s21 =	sshll.u32 s5, $0x1;
	s2 =	sadd.s32 s19, s18  }
0x9c: {  	s6 =	simm.s32 $0x0;
	s20 =	sshll.u32 s4, $0x1;
	s4 =	sadd.s32 s21, s2  }
0x9d: {  	[timem:s6], [sflag:s22] =	dma.local [hbm:s4], s20  }
0x9e: {  	_ =	swait.ge [sflag:s22], s20  }
0x9f: {  	s3 =	ssub.s32 $0x0, s20;
	[sflag:s22] =	ssyncset.done $0x0  }
0xa0: {  	[sflag:s22] =	ssyncadd.s32 s3;
	_ =	sdelay $0x1  }
0xa1: {  	s23 =	simm.s32 $0x1B8B  }
0xa2: {  	_ =	swait.ge [sflag:s23], $0x1  }
0xa3: {  	[sflag:s23] =	ssyncset.done $0x0  }
0xa4: {  	s25 =	simm.s32 $0x1B8E;
	s24 =	sld [smem:$0x3FFE];
	[sflag:s23] =	ssyncadd.s32 $0xFFFFFFFF  }
0xa5: {  	s26 =	simm.s32 $execute0_lowered;
	[smem:$0x3FD2] =	sst s25  }
0xa6: {  	s4 =	sshll.u32 s26, $0x1;
	_ =	strace $0x8000004F;
	[dreg:$0x1] =	wrdreg $0xFFFFFFFF  }
0xa7: {  	s28 =	simm.s32 $_size_execute0_lowered;
	s2 =	sadd.s32 s2, s4;
	[dreg:$0x0] =	wrdreg $0x0  }
0xa8: {  	s4 =	sshll.u32 s28, $0x1;
	[dreg:$0x2] =	wrdreg s2  }
0xa9: {  	[dreg:$0x3] =	wrdreg s4  }
0xaa: {  	[dreg:$0x4] =	wrdreg $0xC0  }
0xab: {  	_ =	task [dreg:s6], $0x5FFFF  }
0xac: {  	[dreg:$0x1] =	wrdreg $0xFFFFFFFF  }
0xad: {  	[dreg:$0x0] =	wrdreg $0x60  }
0xae: {  	[dreg:$0x2] =	wrdreg s24  }
0xaf: {  	[dreg:$0x3] =	wrdreg $0xA8000  }
0xb0: {  	[dreg:$0x4] =	wrdreg $0x9  }
0xb1: {  	_ =	task.clear_ibuf [dreg:s6], $0x5FFFF;
	_ =	strace $0x9000004F  }
0xb2: {  	s29 =	simm.s32 $0x9;
	_ =	strace $0x80000051  }
0xb3: {  	_ =	swait.ge [sflag:s29], $0x1  }
0xb4: {  	[sflag:s29] =	ssyncadd.s32 $0xFFFFFFFF  }
0xb5: {  	_ =	strace $0x90000051  }
0xb6: {  	_ =	sfence  }
0xb7: {  	s30 =	sld [smem:$0x0];
	_ =	sdelay $0x2  }
0xb8: {  	s31 =	sshll.u32 s1, $0xD;
	s1 =	sshrl.u32 s1, $0x2  }
0xb9: {  	s3 =	sand.u32 $0x4000, s31;
	s1 =	sadd.s32 s1, s30  }
0xba: {  	s0 =	sor.u32 s3, s0;
	s1 =	sshll.u32 s1, $0x11  }
0xbb: {  	s0 =	sor.u32 s1, s0  }
0xbc: {  	s0 =	sadd.s32 $0x8F2B, s0  }
0xbd: {  	[sflag:s0] =	ssyncadd.remote.s32 $0x1  }
0xbe: {  	_ =	sfence.sel $0xFFFF  }
0xbf: {  	[dreg:$0x0] =	wrdreg $0xFFFFFFFF;
	(pc) =	sbr.abs _section_cstart, $3  }
0xc0: {  	[dreg:$0x1] =	wrdreg $0xFFFFFFFF  }
0xc1: {  	_ =	task.clear_ibuf [dreg:s6], $0x2FFFF;
	_ =	strace $0x9FFFFFFF  }
0xc2: {  	(tm) =	ssettm $0x7FFFFFFF  }
0xc3: {  	_ =	shalt  }
tec
execute0_lowered:
.L_overlay_start_1:
0x0: {  	(tag) =	ssettag $0x1  }
0x1: {  	s0 =	rddreg [dreg:$0x0]  }
0x2: {  	s1 =	rddreg [dreg:$0x1];
	s3 =	simm.s32 $0x0;
	s11 =	stileid.u32  }
0x3: {  	s2 =	srdreg.scid;
	s28 =	simm.s32 $0x9400;
	s29 =	simm.s32 $0x80  }
0x4: {  	s30 =	simm.s32 $0x4000;
	s31 =	simm.s32 $0x1;
	[smem:$0x7FF] =	sst s3  }
0x5: {  	s4 =	sadd.s32 $0x18E9000, s0;
	s6 =	smul.u32 $0x4E000, s11;
	s7 =	sadd.s32 $0x11000, s0  }
0x6: {  	s8 =	sadd.s32 $0x7000, s0;
	s2 =	sand.u32 $0x1, s2;
	s16 =	smul.u32 $0x2800, s11  }
0x7: {  	s5 =	sadd.s32 $0x1B000, s0;
	s25 =	sadd.s32 $0x128800, s1;
	s18 =	smul.u32 $0x140000, s11  }
0x8: {  	s0 =	sadd.s32 $0x42200, s0;
	s13 =	sadd.s32 $0x12C800, s1;
	s20 =	smul.u32 $0x13800, s11  }
0x9: {  	s14 =	sadd.s32 $0x130800, s1;
	p0 =	seq.s32 s11, $0xF;
	s15 =	smul.u32 $0x28000, s2  }
0xa: {  	_ =	strace $0x80000050;
	s9 =	ssub.s32 $0x2, s2;
	s17 =	smul.u32 $0x1400000, s2  }
0xb: {  	[dreg:$0x6] =	wrdreg s25;
	s2 =	smul.u32 $0x138800, s2;
	s6 =	sshrl.u32 s6, $0x2  }
0xc: {  	s25 =	simm.s32 $0x8000;
	s10 =	sshrl.u32 s9, $0x1;
	s6 =	sadd.s32 s6, s1  }
0xd: {  	s10 =	ssub.s32 s9, s10;
	s9 =	sadd.s32 $0x124800, s1;
	s16 =	sadd.s32 s16, s15  }
0xe: {  	s15 =	sadd.s32 $0x134800, s1;
	s17 =	sadd.s32 s18, s17;
	s23 =	sadd.s32 $0x4000, s6  }
0xf: {  	s26 =	sadd.s32 s20, s2;
	s24 =	sadd.s32 $0x8000, s6;
	[dreg:$0x3] =	wrdreg s23  }
0x10: {  	s2 =	sshrl.u32 s2, $0x3;
	s12 =	sadd.s32 $0xC000, s6;
	[dreg:$0x4] =	wrdreg s24  }
0x11: {  	s19 =	sshrl.u32 s16, $0x3;
	[dreg:$0x5] =	wrdreg s12;
	s12 =	sadd.s32 $0x10000, s6  }
0x12: {  	s16 =	sadd.s32 s7, s19;
	s21 =	sadd.s32 $0x280, s19;
	s18 =	sadd.s32 s8, s19  }
0x13: {  	s24 =	smax.u32 s10, $0x1;
	s19 =	sadd.s32 s7, s21;
	s7 =	sshrl.u32 s26, $0x3  }
0x14: {  	s20 =	sadd.s32 s8, s21;
	s22 =	sadd.s32 s0, s7;
	s0 =	sadd.s32 s0, s2  }
0x15: {  	v0 =	vimm.f32 $0.0e+00;
	s21 =	sadd.s32 $0xA0000, s17;
	s26 =	simm.s32 $0x2;
	s23 =	sadd.s32 $0x24900, s0  }
.LBB2_1:
0x16: {  	s0 =	simm.s32 $0x0;
	s2 =	simm.s32 $0x200  }
.LBB2_2:
0x17: {  	p1 =	sne.s32 s2, $0xFE00;
	[tilespmem:s0+$0x4070] =	vst v0  }
0x18: {  	[tilespmem:s0+$0x4000] =	vst v0  }
0x19: {  	[tilespmem:s0+$0x4010] =	vst v0  }
.Ltmp0:
0x1a: {  	[tilespmem:s0+$0x4020] =	vst v0;
	(pc) =	sbr.rel @p1 .LBB2_2-.Ltmp0, $4  }
0x1b: {  	[tilespmem:s0+$0x4030] =	vst v0  }
0x1c: {  	[tilespmem:s0+$0x4040] =	vst v0  }
0x1d: {  	[tilespmem:s0+$0x4050] =	vst v0  }
0x1e: {  	[tilespmem:s0+$0x4060] =	vst v0;
	s0 =	sshra.s32 s2, $0x2;
	s2 =	sadd.s32 $0x200, s2  }
0x1f: {  	[tilespmem:s0+$0x4070] =	vst v0  }
0x20: {  	[tilespmem:s0+$0x4000] =	vst v0  }
0x21: {  	[tilespmem:s0+$0x4010] =	vst v0  }
0x22: {  	[tilespmem:s0+$0x4020] =	vst v0  }
0x23: {  	[tilespmem:s0+$0x4030] =	vst v0  }
0x24: {  	[tilespmem:s0+$0x4040] =	vst v0  }
0x25: {  	[tilespmem:s0+$0x4050] =	vst v0  }
0x26: {  	[tilespmem:s0+$0x4060] =	vst v0;
	s0 =	simm.s32 @p0 $0x4000;
	s2 =	simm.s32 @p0 $0x2  }
0x27: {  	[spmem:s9] =	stream.linear.scatter @p0 [tilespmem:s0], [sflag:$0x2], $0x4000, $0x38;
	[tilespmem:$0x1E080] =	vst v63  }
0x28: {  	_ =	swait.ge @p0 [sflag:s2], $0x4000  }
0x29: {  	[sflag:s2] =	ssyncset.done @p0 $0x0  }
0x2a: {  	s7 =	rddreg [dreg:$0x6];
	[sflag:s2] =	ssyncadd.s32 @p0 $0xFFFFC000  }
0x2b: {  	[spmem:s7] =	stream.linear.scatter @p0 [tilespmem:s0], [sflag:$0x2], $0x4000, $0x38;
	[tilespmem:$0x1E080] =	vst v63  }
0x2c: {  	_ =	swait.ge @p0 [sflag:s2], $0x4000  }
0x2d: {  	[sflag:s2] =	ssyncset.done @p0 $0x0  }
0x2e: {  	[sflag:s2] =	ssyncadd.s32 @p0 $0xFFFFC000  }
0x2f: {  	[spmem:s13] =	stream.linear.scatter @p0 [tilespmem:s0], [sflag:$0x2], $0x4000, $0x38;
	[tilespmem:$0x1E080] =	vst v63  }
0x30: {  	_ =	swait.ge @p0 [sflag:s2], $0x4000  }
0x31: {  	[sflag:s2] =	ssyncset.done @p0 $0x0  }
0x32: {  	[sflag:s2] =	ssyncadd.s32 @p0 $0xFFFFC000  }
0x33: {  	[spmem:s14] =	stream.linear.scatter @p0 [tilespmem:s0], [sflag:$0x2], $0x4000, $0x38;
	[tilespmem:$0x1E080] =	vst v63  }
0x34: {  	_ =	swait.ge @p0 [sflag:s2], $0x4000  }
0x35: {  	[sflag:s2] =	ssyncset.done @p0 $0x0  }
0x36: {  	[sflag:s2] =	ssyncadd.s32 @p0 $0xFFFFC000  }
0x37: {  	[spmem:s15] =	stream.linear.scatter @p0 [tilespmem:s0], [sflag:$0x2], $0x4000, $0x38;
	[tilespmem:$0x1E080] =	vst v63  }
0x38: {  	_ =	swait.ge @p0 [sflag:s2], $0x4000  }
0x39: {  	[sflag:s2] =	ssyncset.done @p0 $0x0  }
0x3a: {  	s0 =	simm.s32 @!p0 $0x4000;
	[sflag:s2] =	ssyncadd.s32 @p0 $0xFFFFC000;
	s2 =	simm.s32 @!p0 $0x2  }
0x3b: {  	[spmem:s6] =	stream.linear.scatter @!p0 [tilespmem:s0], [sflag:$0x2], $0x4000, $0x38;
	[tilespmem:$0x1E080] =	vst v63  }
0x3c: {  	_ =	swait.ge @!p0 [sflag:s2], $0x4000  }
0x3d: {  	[sflag:s2] =	ssyncset.done @!p0 $0x0  }
0x3e: {  	s7 =	rddreg [dreg:$0x3];
	[sflag:s2] =	ssyncadd.s32 @!p0 $0xFFFFC000  }
0x3f: {  	[spmem:s7] =	stream.linear.scatter @!p0 [tilespmem:s0], [sflag:$0x2], $0x4000, $0x38;
	[tilespmem:$0x1E080] =	vst v63  }
0x40: {  	_ =	swait.ge @!p0 [sflag:s2], $0x4000  }
0x41: {  	[sflag:s2] =	ssyncset.done @!p0 $0x0  }
0x42: {  	s7 =	rddreg [dreg:$0x4];
	[sflag:s2] =	ssyncadd.s32 @!p0 $0xFFFFC000  }
0x43: {  	[spmem:s7] =	stream.linear.scatter @!p0 [tilespmem:s0], [sflag:$0x2], $0x4000, $0x38;
	[tilespmem:$0x1E080] =	vst v63  }
0x44: {  	_ =	swait.ge @!p0 [sflag:s2], $0x4000  }
0x45: {  	[sflag:s2] =	ssyncset.done @!p0 $0x0  }
0x46: {  	s7 =	rddreg [dreg:$0x5];
	[sflag:s2] =	ssyncadd.s32 @!p0 $0xFFFFC000  }
0x47: {  	[spmem:s7] =	stream.linear.scatter @!p0 [tilespmem:s0], [sflag:$0x2], $0x4000, $0x38;
	[tilespmem:$0x1E080] =	vst v63  }
0x48: {  	_ =	swait.ge @!p0 [sflag:s2], $0x4000  }
0x49: {  	[sflag:s2] =	ssyncset.done @!p0 $0x0  }
0x4a: {  	[sflag:s2] =	ssyncadd.s32 @!p0 $0xFFFFC000  }
0x4b: {  	[spmem:s12] =	stream.linear.scatter @!p0 [tilespmem:s0], [sflag:$0x2], $0x3800, $0x38;
	[tilespmem:$0x1E080] =	vst v63  }
0x4c: {  	_ =	swait.ge @!p0 [sflag:s2], $0x3800  }
0x4d: {  	[sflag:s2] =	ssyncset.done @!p0 $0x0  }
0x4e: {  	[sflag:s2] =	ssyncadd.s32 @!p0 $0xFFFFC800  }
0x4f: {  	s0 =	simm.s32 $0x0;
	[bflag:$0x0] =	sbarrier.arrive $0xFFFF  }
0x50: {  	[tilespmem:s25], [sflag:$0x2] =	stream.linear.gather [hbm4b:s16+s0], $0x1400, $0x38;
	[tilespmem:$0x1E080] =	vst v63  }
0x51: {  	_ =	swait.ge [sflag:s26], $0x1400  }
0x52: {  	[sflag:s26] =	ssyncset.done $0x0  }
0x53: {  	[sflag:s26] =	ssyncadd.s32 $0xFFFFEC00  }
0x54: {  	[tilespmem:s28], [sflag:$0x2] =	stream.linear.gather [hbm4b:s18+s0], $0x1400, $0x38;
	[tilespmem:$0x1E080] =	vst v63  }
0x55: {  	_ =	swait.ge [sflag:s26], $0x1400  }
0x56: {  	[sflag:s26] =	ssyncset.done $0x0  }
0x57: {  	s2 =	simm.s32 $0x0;
	[sflag:s26] =	ssyncadd.s32 $0xFFFFEC00  }
.LBB2_4:
0x58: {  	s7 =	sshll.u32 s2, $0xE  }
0x59: {  	s7 =	sadd.s32 s7, s17  }
0x5a: {  	s7 =	sshrl.u32 s7, $0x3  }
0x5b: {  	s7 =	sadd.s32 s4, s7  }
0x5c: {  	[tilespmem:s0], [sflag:$0x2] =	stream.linear.gather [hbm4b:s7+s0], $0x4000, $0x38;
	[tilespmem:$0x1E080] =	vst v63  }
0x5d: {  	_ =	swait.ge [sflag:s26], $0x4000  }
0x5e: {  	s7 =	sshll.u32 s2, $0x7;
	[sflag:s26] =	ssyncset.done $0x0  }
0x5f: {  	s8 =	sadd.s32 $0x8000, s7;
	[sflag:s26] =	ssyncadd.s32 $0xFFFFC000  }
0x60: {  	[tilespmem:s30], [sflag:$0x1] =	stream.indirect.gather [hbm4b:s5+s29], $0x80, s8, s29, $0xb8;
	[tilespmem:$0x1E080] =	vst v63  }
0x61: {  	_ =	swait.ge [sflag:s31], $0x4000  }
0x62: {  	[sflag:s31] =	ssyncset.done $0x0  }
0x63: {  	s8 =	simm.s32 $0x0;
	[sflag:s31] =	ssyncadd.s32 $0xFFFFC000  }
0x64: {  	v7 =	vld [tilespmem:s8+$0x0]  }
0x65: {  	v12 =	vld [tilespmem:s8+$0x10]  }
0x66: {  	v6 =	vld [tilespmem:s8+$0x20]  }
0x67: {  	v5 =	vld [tilespmem:s8+$0x30]  }
0x68: {  	v4 =	vld [tilespmem:s8+$0x40]  }
0x69: {  	v3 =	vld [tilespmem:s8+$0x50]  }
0x6a: {  	v2 =	vld [tilespmem:s8+$0x60]  }
0x6b: {  	v1 =	vld [tilespmem:s8+$0x70]  }
0x6c: {  	v13 =	vld [tilespmem:s8+$0x4000]  }
0x6d: {  	v14 =	vld [tilespmem:s8+$0x4010]  }
0x6e: {  	v11 =	vld [tilespmem:s8+$0x4020]  }
0x6f: {  	v10 =	vld [tilespmem:s8+$0x4030]  }
0x70: {  	v9 =	vld [tilespmem:s8+$0x4040]  }
0x71: {  	v8 =	vld [tilespmem:s8+$0x4050];
	v13 =	vadd.f32 v7, v13  }
0x72: {  	s10 =	simm.s32 $0x200;
	v12 =	vadd.f32 v12, v14;
	v7 =	vld [tilespmem:s8+$0x4060]  }
.LBB2_5:
0x73: {  	s11 =	sshra.s32 s10, $0x2;
	p1 =	sne.s32 s10, $0xFE00;
	v13 =	vmax.f32 v13, $0.0e+00;
	v6 =	vadd.f32 v6, v11;
	v11 =	vld [tilespmem:s8+$0x4070]  }
0x74: {  	v14 =	vld [tilespmem:s11+$0x0];
	[tilespmem:s8+$0x4000] =	vst v13;
	v12 =	vmax.f32 v12, $0.0e+00;
	v5 =	vadd.f32 v5, v10  }
0x75: {  	v15 =	vld [tilespmem:s11+$0x10];
	[tilespmem:s8+$0x4010] =	vst v12;
	v10 =	vmax.f32 v6, $0.0e+00;
	v4 =	vadd.f32 v4, v9  }
0x76: {  	v6 =	vld [tilespmem:s11+$0x20];
	[tilespmem:s8+$0x4020] =	vst v10;
	v9 =	vmax.f32 v5, $0.0e+00;
	v3 =	vadd.f32 v3, v8  }
0x77: {  	v5 =	vld [tilespmem:s11+$0x30];
	[tilespmem:s8+$0x4030] =	vst v9;
	v8 =	vmax.f32 v4, $0.0e+00;
	v2 =	vadd.f32 v2, v7  }
0x78: {  	v4 =	vld [tilespmem:s11+$0x40];
	[tilespmem:s8+$0x4040] =	vst v8;
	v7 =	vmax.f32 v3, $0.0e+00;
	v1 =	vadd.f32 v1, v11  }
0x79: {  	v3 =	vld [tilespmem:s11+$0x50];
	[tilespmem:s8+$0x4050] =	vst v7;
	v7 =	vmax.f32 v2, $0.0e+00  }
0x7a: {  	v2 =	vld [tilespmem:s11+$0x60];
	[tilespmem:s8+$0x4060] =	vst v7;
	v7 =	vmax.f32 v1, $0.0e+00  }
0x7b: {  	v1 =	vld [tilespmem:s11+$0x70];
	[tilespmem:s8+$0x4070] =	vst v7;
	s8 =	smov.u32 s11  }
0x7c: {  	v7 =	vld [tilespmem:s8+$0x4000]  }
0x7d: {  	v12 =	vld [tilespmem:s8+$0x4010]  }
.Ltmp1:
0x7e: {  	v11 =	vld [tilespmem:s8+$0x4020];
	(pc) =	sbr.rel @p1 .LBB2_5-.Ltmp1, $4  }
0x7f: {  	v10 =	vld [tilespmem:s8+$0x4030]  }
0x80: {  	v9 =	vld [tilespmem:s8+$0x4040]  }
0x81: {  	v13 =	vadd.f32 v14, v7;
	v8 =	vld [tilespmem:s8+$0x4050]  }
0x82: {  	s10 =	sadd.s32 $0x200, s10;
	v12 =	vadd.f32 v15, v12;
	v7 =	vld [tilespmem:s8+$0x4060]  }
0x83: {  	v13 =	vmax.f32 v13, $0.0e+00;
	v6 =	vadd.f32 v6, v11;
	v63 =	vld [tilespmem:s8+$0x4070]  }
0x84: {  	[tilespmem:s8+$0x4000] =	vst v13;
	v12 =	vmax.f32 v12, $0.0e+00;
	v5 =	vadd.f32 v5, v10  }
0x85: {  	[tilespmem:s8+$0x4010] =	vst v12;
	v6 =	vmax.f32 v6, $0.0e+00;
	v4 =	vadd.f32 v4, v9  }
0x86: {  	[tilespmem:s8+$0x4020] =	vst v6;
	v5 =	vmax.f32 v5, $0.0e+00;
	v3 =	vadd.f32 v3, v8  }
0x87: {  	[tilespmem:s8+$0x4030] =	vst v5;
	v4 =	vmax.f32 v4, $0.0e+00;
	v2 =	vadd.f32 v2, v7  }
0x88: {  	[tilespmem:s8+$0x4040] =	vst v4;
	v3 =	vmax.f32 v3, $0.0e+00;
	v1 =	vadd.f32 v1, v63  }
0x89: {  	s2 =	sadd.s32 $0x1, s2;
	[tilespmem:s8+$0x4050] =	vst v3;
	v2 =	vmax.f32 v2, $0.0e+00  }
0x8a: {  	p1 =	sne.s32 s2, $0x28;
	[tilespmem:s8+$0x4060] =	vst v2;
	v1 =	vmax.f32 v1, $0.0e+00  }
.Ltmp2:
0x8b: {  	s7 =	sadd.s32 $0x9400, s7;
	[tilespmem:s8+$0x4070] =	vst v1;
	(pc) =	sbr.rel @p1 .LBB2_4-.Ltmp2, $4  }
0x8c: {  	[spmem:s1] =	stream.indirect.scatter.add.f32 [tilespmem:s30], [sflag:$0x2], $0x80, s7, s29, $0xb8;
	[tilespmem:$0x1E080] =	vst v63  }
0x8d: {  	_ =	swait.ge [sflag:s26], $0x4000  }
0x8e: {  	[sflag:s26] =	ssyncset.done $0x0  }
0x8f: {  	[sflag:s26] =	ssyncadd.s32 $0xFFFFC000  }
0x90: {  	s0 =	simm.s32 $0x0  }
0x91: {  	[tilespmem:s25], [sflag:$0x2] =	stream.linear.gather [hbm4b:s19+s0], $0x1400, $0x38;
	[tilespmem:$0x1E080] =	vst v63  }
0x92: {  	_ =	swait.ge [sflag:s26], $0x1400  }
0x93: {  	[sflag:s26] =	ssyncset.done $0x0  }
0x94: {  	[sflag:s26] =	ssyncadd.s32 $0xFFFFEC00  }
0x95: {  	[tilespmem:s28], [sflag:$0x2] =	stream.linear.gather [hbm4b:s20+s0], $0x1400, $0x38;
	[tilespmem:$0x1E080] =	vst v63  }
0x96: {  	_ =	swait.ge [sflag:s26], $0x1400  }
0x97: {  	[sflag:s26] =	ssyncset.done $0x0  }
0x98: {  	s2 =	simm.s32 $0x0;
	[sflag:s26] =	ssyncadd.s32 $0xFFFFEC00  }
.LBB2_8:
0x99: {  	s7 =	sshll.u32 s2, $0xE  }
0x9a: {  	s7 =	sadd.s32 s7, s21  }
0x9b: {  	s7 =	sshrl.u32 s7, $0x3  }
0x9c: {  	s7 =	sadd.s32 s4, s7  }
0x9d: {  	[tilespmem:s0], [sflag:$0x2] =	stream.linear.gather [hbm4b:s7+s0], $0x4000, $0x38;
	[tilespmem:$0x1E080] =	vst v63  }
0x9e: {  	_ =	swait.ge [sflag:s26], $0x4000  }
0x9f: {  	s7 =	sshll.u32 s2, $0x7;
	[sflag:s26] =	ssyncset.done $0x0  }
0xa0: {  	s8 =	sadd.s32 $0x8000, s7;
	[sflag:s26] =	ssyncadd.s32 $0xFFFFC000  }
0xa1: {  	[tilespmem:s30], [sflag:$0x1] =	stream.indirect.gather [hbm4b:s5+s29], $0x80, s8, s29, $0xb8;
	[tilespmem:$0x1E080] =	vst v63  }
0xa2: {  	_ =	swait.ge [sflag:s31], $0x4000  }
0xa3: {  	[sflag:s31] =	ssyncset.done $0x0  }
0xa4: {  	s8 =	simm.s32 $0x0;
	[sflag:s31] =	ssyncadd.s32 $0xFFFFC000  }
0xa5: {  	v7 =	vld [tilespmem:s8+$0x0]  }
0xa6: {  	v12 =	vld [tilespmem:s8+$0x10]  }
0xa7: {  	v6 =	vld [tilespmem:s8+$0x20]  }
0xa8: {  	v5 =	vld [tilespmem:s8+$0x30]  }
0xa9: {  	v4 =	vld [tilespmem:s8+$0x40]  }
0xaa: {  	v3 =	vld [tilespmem:s8+$0x50]  }
0xab: {  	v2 =	vld [tilespmem:s8+$0x60]  }
0xac: {  	v1 =	vld [tilespmem:s8+$0x70]  }
0xad: {  	v13 =	vld [tilespmem:s8+$0x4000]  }
0xae: {  	v14 =	vld [tilespmem:s8+$0x4010]  }
0xaf: {  	v11 =	vld [tilespmem:s8+$0x4020]  }
0xb0: {  	v10 =	vld [tilespmem:s8+$0x4030]  }
0xb1: {  	v9 =	vld [tilespmem:s8+$0x4040]  }
0xb2: {  	v8 =	vld [tilespmem:s8+$0x4050];
	v13 =	vadd.f32 v7, v13  }
0xb3: {  	s10 =	simm.s32 $0x200;
	v12 =	vadd.f32 v12, v14;
	v7 =	vld [tilespmem:s8+$0x4060]  }
.LBB2_9:
0xb4: {  	s11 =	sshra.s32 s10, $0x2;
	p1 =	sne.s32 s10, $0xFE00;
	v13 =	vmax.f32 v13, $0.0e+00;
	v6 =	vadd.f32 v6, v11;
	v11 =	vld [tilespmem:s8+$0x4070]  }
0xb5: {  	v14 =	vld [tilespmem:s11+$0x0];
	[tilespmem:s8+$0x4000] =	vst v13;
	v12 =	vmax.f32 v12, $0.0e+00;
	v5 =	vadd.f32 v5, v10  }
0xb6: {  	v15 =	vld [tilespmem:s11+$0x10];
	[tilespmem:s8+$0x4010] =	vst v12;
	v10 =	vmax.f32 v6, $0.0e+00;
	v4 =	vadd.f32 v4, v9  }
0xb7: {  	v6 =	vld [tilespmem:s11+$0x20];
	[tilespmem:s8+$0x4020] =	vst v10;
	v9 =	vmax.f32 v5, $0.0e+00;
	v3 =	vadd.f32 v3, v8  }
0xb8: {  	v5 =	vld [tilespmem:s11+$0x30];
	[tilespmem:s8+$0x4030] =	vst v9;
	v8 =	vmax.f32 v4, $0.0e+00;
	v2 =	vadd.f32 v2, v7  }
0xb9: {  	v4 =	vld [tilespmem:s11+$0x40];
	[tilespmem:s8+$0x4040] =	vst v8;
	v7 =	vmax.f32 v3, $0.0e+00;
	v1 =	vadd.f32 v1, v11  }
0xba: {  	v3 =	vld [tilespmem:s11+$0x50];
	[tilespmem:s8+$0x4050] =	vst v7;
	v7 =	vmax.f32 v2, $0.0e+00  }
0xbb: {  	v2 =	vld [tilespmem:s11+$0x60];
	[tilespmem:s8+$0x4060] =	vst v7;
	v7 =	vmax.f32 v1, $0.0e+00  }
0xbc: {  	v1 =	vld [tilespmem:s11+$0x70];
	[tilespmem:s8+$0x4070] =	vst v7;
	s8 =	smov.u32 s11  }
0xbd: {  	v7 =	vld [tilespmem:s8+$0x4000]  }
0xbe: {  	v12 =	vld [tilespmem:s8+$0x4010]  }
.Ltmp3:
0xbf: {  	v11 =	vld [tilespmem:s8+$0x4020];
	(pc) =	sbr.rel @p1 .LBB2_9-.Ltmp3, $4  }
0xc0: {  	v10 =	vld [tilespmem:s8+$0x4030]  }
0xc1: {  	v9 =	vld [tilespmem:s8+$0x4040]  }
0xc2: {  	v13 =	vadd.f32 v14, v7;
	v8 =	vld [tilespmem:s8+$0x4050]  }
0xc3: {  	s10 =	sadd.s32 $0x200, s10;
	v12 =	vadd.f32 v15, v12;
	v7 =	vld [tilespmem:s8+$0x4060]  }
0xc4: {  	v13 =	vmax.f32 v13, $0.0e+00;
	v6 =	vadd.f32 v6, v11;
	v63 =	vld [tilespmem:s8+$0x4070]  }
0xc5: {  	[tilespmem:s8+$0x4000] =	vst v13;
	v12 =	vmax.f32 v12, $0.0e+00;
	v5 =	vadd.f32 v5, v10  }
0xc6: {  	[tilespmem:s8+$0x4010] =	vst v12;
	v6 =	vmax.f32 v6, $0.0e+00;
	v4 =	vadd.f32 v4, v9  }
0xc7: {  	[tilespmem:s8+$0x4020] =	vst v6;
	v5 =	vmax.f32 v5, $0.0e+00;
	v3 =	vadd.f32 v3, v8  }
0xc8: {  	[tilespmem:s8+$0x4030] =	vst v5;
	v4 =	vmax.f32 v4, $0.0e+00;
	v2 =	vadd.f32 v2, v7  }
0xc9: {  	[tilespmem:s8+$0x4040] =	vst v4;
	v3 =	vmax.f32 v3, $0.0e+00;
	v1 =	vadd.f32 v1, v63  }
0xca: {  	s2 =	sadd.s32 $0x1, s2;
	[tilespmem:s8+$0x4050] =	vst v3;
	v2 =	vmax.f32 v2, $0.0e+00  }
0xcb: {  	p1 =	sne.s32 s2, $0x28;
	[tilespmem:s8+$0x4060] =	vst v2;
	v1 =	vmax.f32 v1, $0.0e+00  }
.Ltmp4:
0xcc: {  	s7 =	sadd.s32 $0x9400, s7;
	[tilespmem:s8+$0x4070] =	vst v1;
	(pc) =	sbr.rel @p1 .LBB2_8-.Ltmp4, $4  }
0xcd: {  	[spmem:s1] =	stream.indirect.scatter.add.f32 [tilespmem:s30], [sflag:$0x2], $0x80, s7, s29, $0xb8;
	[tilespmem:$0x1E080] =	vst v63  }
0xce: {  	_ =	swait.ge [sflag:s26], $0x4000  }
0xcf: {  	[sflag:s26] =	ssyncset.done $0x0  }
0xd0: {  	[sflag:s26] =	ssyncadd.s32 $0xFFFFC000  }
0xd1: {  	[bflag:$0x0] =	sbarrier.arrive $0xFFFF;
	s0 =	sshrl.u32 @p0 s9, $0x3;
	s2 =	simm.s32 @p0 $0x1FC2  }
0xd2: {  	[hbm:s23], [sflag:s2] =	dma.local @p0 [spmem:s0], $0x2800  }
0xd3: {  	s0 =	simm.s32 @p0 $0x2  }
0xd4: {  	s3 =	sadd.s32 $0x1, s3;
	s2 =	stileid.u32;
	_ =	swait.ge @p0 [sflag:s0], $0x2800  }
0xd5: {  	p1 =	sne.s32 s3, s24;
	s2 =	sshll.u32 @!p0 s2, $0x6;
	[sflag:s0] =	ssyncset.done @p0 $0x0  }
0xd6: {  	[sflag:s0] =	ssyncadd.s32 @p0 $0xFFFFD800;
	s0 =	sor.u32 @!p0 $0x1C02, s2;
	s2 =	sshrl.u32 @!p0 s6, $0x3  }
0xd7: {  	[hbm:s22], [sflag:s0] =	dma.local @!p0 [spmem:s2], $0x2700  }
.Ltmp5:
0xd8: {  	_ = 	snop;
	(pc) =	sbr.rel @p1 .LBB2_1-.Ltmp5, $4  }
0xd9: {  	s0 =	simm.s32 @!p0 $0x2  }
0xda: {  	_ =	swait.ge @!p0 [sflag:s0], $0x2700  }
0xdb: {  	[sflag:s0] =	ssyncset.done @!p0 $0x0  }
0xdc: {  	[sflag:s0] =	ssyncadd.s32 @!p0 $0xFFFFD900  }
0xdd: {  	_ =	sfence.sel $0x180000  }
0xde: {  	[bflag:$0x0] =	sbarrier.arrive $0xFFFF  }
0xdf: {  	_ =	strace $0x90000050  }
0xe0: {  	s0 =	stileid.u32;
	[bflag:$0x2] =	sbarrier.arrive $0xFFFF  }
0xe1: {  	p0 =	sne.s32 s0, $0x0;
	s0 =	rddreg [dreg:$0x2]  }
0xe2: {  	s0 =	sadd.s32 @!p0 $0x100000, s0  }
0xe3: {  	[sflag:s0] =	ssyncadd.tile.s32 @!p0 $0x1;
	_ =	shalt  }
.Lfunc_end2:
_tile_overlayer_lowered:
.L_overlay_start_2:
0xe4: {  	(tag) =	ssettag $0x2  }
0xe5: {  	s0 =	rddreg [dreg:$0x0];
	s2 =	stileid.u32  }
0xe6: {  	s1 =	rddreg [dreg:$0x1];
	p0 =	sne.s32 s2, $0x0  }
0xe7: {  	s3 =	rddreg [dreg:$0x2];
	[bflag:$0x3] =	sbarrier.arrive $0xFFFF;
	s2 =	simm.s32 @!p0 $0x1C02  }
0xe8: {  	[timem:s3], [sflag:s2] =	dma.local @!p0 [hbm:s0], s1  }
0xe9: {  	s0 =	simm.s32 @!p0 $0x2  }
0xea: {  	_ =	swait.ge @!p0 [sflag:s0], s1  }
0xeb: {  	s1 =	ssub.s32 @!p0 $0x0, s1;
	[sflag:s0] =	ssyncset.done @!p0 $0x0  }
0xec: {  	[sflag:s0] =	ssyncadd.s32 @!p0 s1  }
0xed: {  	[bflag:$0x3] =	sbarrier.arrive $0xFFFF  }
0xee: {  	_ =	shalt  }

</sc_bundles>
